<compile_context>
chip_gen: v7x
topology: tpu7x:2x2x1
jax: 0.10.2.dev20260603
libtpu: 0.0.44.dev20260713+nightly
codegen_flags: <defaults>
</compile_context>

<pallas_src>
import functools

import jax
import jax.numpy as jnp
from jax import lax
from jax.experimental import pallas as pl
from jax.experimental.pallas import tpu as pltpu
from jax.experimental.pallas import tpu_sc as plsc

N = 10000
NP = 10240
E = 320000
EP = 327680
ER = EP // 128
PAD = N
HID = 256
HALF = 128
G = 16
OUT_DIM = 64
EPS = 1e-5

RB = 512
NBLK = NP // RB

F32 = jnp.float32
HIGH = lax.Precision.HIGHEST


_EDGE_CHUNKS = ER // 16
_IDX_BLK = 16


@functools.cache
def _build_sc_edges(half_edges):
    mesh = plsc.VectorSubcoreMesh(core_axis_name="c", subcore_axis_name="s")
    chunks = _EDGE_CHUNKS // 2 if half_edges else _EDGE_CHUNKS

    @functools.partial(
        pl.kernel,
        out_type=(
            jax.ShapeDtypeStruct((NP, HALF), F32),
            jax.ShapeDtypeStruct((NP, HALF), F32),
        ),
        mesh=mesh,
        scratch_types=[
            pltpu.VMEM((_IDX_BLK, 128), jnp.int32),
            pltpu.VMEM((_IDX_BLK, 128), jnp.int32),
            pltpu.VMEM((_IDX_BLK, 128), jnp.int32),
            pltpu.VMEM((_IDX_BLK, 128), jnp.int32),
            pltpu.VMEM((128, HALF), F32),
            pltpu.VMEM((128, HALF), F32),
            pltpu.SemaphoreType.DMA,
            pltpu.SemaphoreType.DMA,
            pltpu.SemaphoreType.DMA,
            pltpu.SemaphoreType.DMA,
            pltpu.VMEM_SHARED((NP, HALF), F32),
        ],
    )
    def body(mp0_hbm, mp1_hbm, src_hbm, dst_hbm, a0_hbm, a1_hbm,
             si0, si1, di0, di1, b0, b1, gs0, gs1, ss0, ss1, acc_sh):
        cid = lax.axis_index("c")
        sid = lax.axis_index("s")
        rows = NP // 16
        if half_edges:
            base_chunk = (cid * 16 + sid) * chunks
        else:
            base_chunk = sid * chunks

        def load_idx(g, si, di):
            off = pl.multiple_of(base_chunk + g * _IDX_BLK, 8)
            pltpu.sync_copy(src_hbm.at[pl.ds(off, _IDX_BLK)], si)
            pltpu.sync_copy(dst_hbm.at[pl.ds(off, _IDX_BLK)], di)

        def pick(par, x0, x1, f):
            @pl.when(par == 0)
            def _():
                f(x0)

            @pl.when(par == 1)
            def _():
                f(x1)

        def run(mp_hbm, a_hbm):
            pltpu.sync_copy(mp_hbm.at[pl.ds(sid * rows, rows)],
                            acc_sh.at[pl.ds(sid * rows, rows)])
            plsc.subcore_barrier()

            load_idx(0, si0, di0)
            pltpu.async_copy(mp_hbm.at[si0.at[0]], b0, gs0)

            def step(j, carry):
                p = lax.rem(j, 2)
                jn = j + 1
                gp = lax.rem(j // _IDX_BLK, 2)
                gpn = lax.rem(jn // _IDX_BLK, 2)
                rown = lax.rem(jn, _IDX_BLK)

                @pl.when(jnp.logical_and(jn < chunks, rown == 0))
                def _():
                    pick(gpn, (si0, di0), (si1, di1),
                         lambda sd: load_idx(jn // _IDX_BLK, sd[0], sd[1]))

                @pl.when(j >= 1)
                def _():
                    pick(p, (b1, ss1), (b0, ss0),
                         lambda bs: pltpu.make_async_copy(
                             bs[0], acc_sh.at[di0.at[0]], bs[1]).wait())

                @pl.when(jn < chunks)
                def _():
                    def start(args):
                        si, bg = args
                        pltpu.async_copy(mp_hbm.at[si.at[rown]], bg[0], bg[1])
                    pick(gpn, si0, si1,
                         lambda si: pick(p, (b1, gs1), (b0, gs0),
                                         lambda bg: start((si, bg))))

                def fin(args):
                    si, di, bg, bs = args
                    pltpu.make_async_copy(mp_hbm.at[si.at[0]], bg, bs[0]).wait()
                    pltpu.async_copy(bg, acc_sh.at[di.at[lax.rem(j, _IDX_BLK)]],
                                     bs[1], add=True)
                pick(gp, (si0, di0), (si1, di1),
                     lambda sd: pick(p, (b0, gs0, ss0), (b1, gs1, ss1),
                                     lambda bb: fin((sd[0], sd[1], bb[0],
                                                     (bb[1], bb[2])))))
                return carry

            lax.fori_loop(0, chunks, step, 0)
            pltpu.make_async_copy(b1, acc_sh.at[di0.at[0]], ss1).wait()
            plsc.subcore_barrier()
            pltpu.sync_copy(acc_sh.at[pl.ds(sid * rows, rows)],
                            a_hbm.at[pl.ds(sid * rows, rows)])

        @pl.when(cid == 0)
        def _():
            run(mp0_hbm, a0_hbm)

        @pl.when(cid == 1)
        def _():
            run(mp1_hbm, a1_hbm)

    return body


def _sc_edges(mp0, mp1, src2, dst2):
    return _build_sc_edges(False)(mp0, mp1, src2, dst2)


def _sc_degree(onesr, src2, dst2):
    return _build_sc_edges(True)(onesr, onesr, src2, dst2)




def _dis_block(dg0, dg1):
    return lax.rsqrt(dg0[:, :1] + dg1[:, :1] - 1.0)


def _k1_body(x_ref, w_ref, dg0_ref, dg1_ref, o0_ref, o1_ref):
    dis = _dis_block(dg0_ref[...], dg1_ref[...])
    m = jnp.dot(x_ref[...], w_ref[...], precision=HIGH,
                preferred_element_type=F32) * dis
    o0_ref[...] = m[:, :HALF]
    o1_ref[...] = m[:, HALF:]


def _k1(xp, W1, dg0, dg1):
    return pl.pallas_call(
        _k1_body,
        grid=(NBLK,),
        in_specs=[
            pl.BlockSpec((RB, 128), lambda i: (i, 0)),
            pl.BlockSpec((128, HID), lambda i: (0, 0)),
            pl.BlockSpec((RB, HALF), lambda i: (i, 0)),
            pl.BlockSpec((RB, HALF), lambda i: (i, 0)),
        ],
        out_specs=[
            pl.BlockSpec((RB, HALF), lambda i: (i, 0)),
            pl.BlockSpec((RB, HALF), lambda i: (i, 0)),
        ],
        out_shape=[
            jax.ShapeDtypeStruct((NP, HALF), F32),
            jax.ShapeDtypeStruct((NP, HALF), F32),
        ],
    )(xp, W1, dg0, dg1)


def _t_block(a0, a1, dis, b):
    return jnp.concatenate([a0, a1], axis=1) * dis + b


def _row_mask(i):
    rid = lax.broadcasted_iota(jnp.int32, (RB, 1), 0) + i * RB
    return rid < N


def _ks_body(a0_ref, a1_ref, dg0_ref, dg1_ref, b_ref, s_ref, q_ref):
    i = pl.program_id(0)
    dis = _dis_block(dg0_ref[...], dg1_ref[...])
    t = _t_block(a0_ref[...], a1_ref[...], dis, b_ref[...])
    t = jnp.where(_row_mask(i), t, 0.0)
    s = jnp.sum(t, axis=0, keepdims=True)
    q = jnp.sum(t * t, axis=0, keepdims=True)

    @pl.when(i == 0)
    def _():
        s_ref[...] = s
        q_ref[...] = q

    @pl.when(i > 0)
    def _():
        s_ref[...] = s_ref[...] + s
        q_ref[...] = q_ref[...] + q


def _ks(a0, a1, dg0, dg1, br):
    return pl.pallas_call(
        _ks_body,
        grid=(NBLK,),
        in_specs=[
            pl.BlockSpec((RB, HALF), lambda i: (i, 0)),
            pl.BlockSpec((RB, HALF), lambda i: (i, 0)),
            pl.BlockSpec((RB, HALF), lambda i: (i, 0)),
            pl.BlockSpec((RB, HALF), lambda i: (i, 0)),
            pl.BlockSpec((1, HID), lambda i: (0, 0)),
        ],
        out_specs=[
            pl.BlockSpec((1, HID), lambda i: (0, 0)),
            pl.BlockSpec((1, HID), lambda i: (0, 0)),
        ],
        out_shape=[
            jax.ShapeDtypeStruct((1, HID), F32),
            jax.ShapeDtypeStruct((1, HID), F32),
        ],
    )(a0, a1, dg0, dg1, br)


def _bn_scale_shift(s_ref, q_ref, g_ref, be_ref):
    mean = s_ref[...] * (1.0 / N)
    var = q_ref[...] * (1.0 / N) - mean * mean
    sc = g_ref[...] * lax.rsqrt(var + EPS)
    return sc, be_ref[...] - mean * sc


def _k2_body(a0_ref, a1_ref, dg0_ref, dg1_ref, b_ref, s_ref, q_ref, g_ref,
             be_ref, w_ref, o0_ref, o1_ref):
    i = pl.program_id(0)
    sc, sh = _bn_scale_shift(s_ref, q_ref, g_ref, be_ref)
    dis = _dis_block(dg0_ref[...], dg1_ref[...])
    t = _t_block(a0_ref[...], a1_ref[...], dis, b_ref[...])
    y = jnp.maximum(t * sc + sh, 0.0)
    y = jnp.where(_row_mask(i), y, 0.0)
    m = jnp.dot(y, w_ref[...], precision=HIGH, preferred_element_type=F32) * dis
    o0_ref[...] = m[:, :HALF]
    o1_ref[...] = m[:, HALF:]


def _k2(a0, a1, dg0, dg1, br, cs, cq, gr, ber, W):
    return pl.pallas_call(
        _k2_body,
        grid=(NBLK,),
        in_specs=[
            pl.BlockSpec((RB, HALF), lambda i: (i, 0)),
            pl.BlockSpec((RB, HALF), lambda i: (i, 0)),
            pl.BlockSpec((RB, HALF), lambda i: (i, 0)),
            pl.BlockSpec((RB, HALF), lambda i: (i, 0)),
            pl.BlockSpec((1, HID), lambda i: (0, 0)),
            pl.BlockSpec((1, HID), lambda i: (0, 0)),
            pl.BlockSpec((1, HID), lambda i: (0, 0)),
            pl.BlockSpec((1, HID), lambda i: (0, 0)),
            pl.BlockSpec((1, HID), lambda i: (0, 0)),
            pl.BlockSpec((HID, HID), lambda i: (0, 0)),
        ],
        out_specs=[
            pl.BlockSpec((RB, HALF), lambda i: (i, 0)),
            pl.BlockSpec((RB, HALF), lambda i: (i, 0)),
        ],
        out_shape=[
            jax.ShapeDtypeStruct((NP, HALF), F32),
            jax.ShapeDtypeStruct((NP, HALF), F32),
        ],
    )(a0, a1, dg0, dg1, br, cs, cq, gr, ber, W)


def _k3_body(a0_ref, a1_ref, dg0_ref, dg1_ref, b_ref, s_ref, q_ref, g_ref,
             be_ref, batch_ref, ps_ref, cnt_ref):
    i = pl.program_id(0)
    sc, sh = _bn_scale_shift(s_ref, q_ref, g_ref, be_ref)
    dis = _dis_block(dg0_ref[...], dg1_ref[...])
    t = _t_block(a0_ref[...], a1_ref[...], dis, b_ref[...])
    y = jnp.maximum(t * sc + sh, 0.0)
    y = jnp.where(_row_mask(i), y, 0.0)
    gid = lax.broadcasted_iota(jnp.int32, (1, G), 1)
    onehot = (batch_ref[...] == gid).astype(F32)
    ps = lax.dot_general(onehot, y, (((0,), (0,)), ((), ())),
                         precision=HIGH, preferred_element_type=F32)
    cn = lax.dot_general(onehot, jnp.ones((RB, 128), F32),
                         (((0,), (0,)), ((), ())),
                         precision=HIGH, preferred_element_type=F32)

    @pl.when(i == 0)
    def _():
        ps_ref[...] = ps
        cnt_ref[...] = cn

    @pl.when(i > 0)
    def _():
        ps_ref[...] = ps_ref[...] + ps
        cnt_ref[...] = cnt_ref[...] + cn


def _k3(a0, a1, dg0, dg1, br, cs, cq, gr, ber, batchp):
    return pl.pallas_call(
        _k3_body,
        grid=(NBLK,),
        in_specs=[
            pl.BlockSpec((RB, HALF), lambda i: (i, 0)),
            pl.BlockSpec((RB, HALF), lambda i: (i, 0)),
            pl.BlockSpec((RB, HALF), lambda i: (i, 0)),
            pl.BlockSpec((RB, HALF), lambda i: (i, 0)),
            pl.BlockSpec((1, HID), lambda i: (0, 0)),
            pl.BlockSpec((1, HID), lambda i: (0, 0)),
            pl.BlockSpec((1, HID), lambda i: (0, 0)),
            pl.BlockSpec((1, HID), lambda i: (0, 0)),
            pl.BlockSpec((1, HID), lambda i: (0, 0)),
            pl.BlockSpec((RB, 1), lambda i: (i, 0)),
        ],
        out_specs=[
            pl.BlockSpec((G, HID), lambda i: (0, 0)),
            pl.BlockSpec((G, 128), lambda i: (0, 0)),
        ],
        out_shape=[
            jax.ShapeDtypeStruct((G, HID), F32),
            jax.ShapeDtypeStruct((G, 128), F32),
        ],
    )(a0, a1, dg0, dg1, br, cs, cq, gr, ber, batchp)


def _k4_body(ps_ref, cnt_ref, w1_ref, b1_ref, w2_ref, b2_ref, w3_ref, b3_ref,
             o_ref):
    pooled = ps_ref[...] / jnp.maximum(cnt_ref[:, :1], 1.0)
    h = jnp.maximum(jnp.dot(pooled, w1_ref[...], precision=HIGH,
                            preferred_element_type=F32) + b1_ref[...], 0.0)
    h = jnp.maximum(jnp.dot(h, w2_ref[...], precision=HIGH,
                            preferred_element_type=F32) + b2_ref[...], 0.0)
    o_ref[...] = jnp.dot(h, w3_ref[...], precision=HIGH,
                         preferred_element_type=F32) + b3_ref[...]


def _k4(ps, cnt, fw1, fb1r, fw2, fb2r, fw3, fb3r):
    return pl.pallas_call(
        _k4_body,
        out_shape=jax.ShapeDtypeStruct((G, OUT_DIM), F32),
    )(ps, cnt, fw1, fb1r, fw2, fb2r, fw3, fb3r)



def kernel(x, edge_index, batch, W1, b1, g1, be1, W2, b2, g2, be2,
           W3, b3, g3, be3, fw1, fb1, fw2, fb2, fw3, fb3):
    src = edge_index[0]
    dst = edge_index[1]
    pad = jnp.full((EP - E,), PAD, jnp.int32)
    src2 = jnp.concatenate([src, pad]).reshape(ER, 128)
    dst2 = jnp.concatenate([dst, pad]).reshape(ER, 128)
    xp = jnp.zeros((NP, 128), F32).at[:N].set(x)
    batchp = jnp.full((NP, 1), G, jnp.int32).at[:N, 0].set(batch)

    onesr = jnp.zeros((NP, HALF), F32).at[:N].set(1.0)
    b1r, g1r, be1r = b1.reshape(1, HID), g1.reshape(1, HID), be1.reshape(1, HID)
    b2r, g2r, be2r = b2.reshape(1, HID), g2.reshape(1, HID), be2.reshape(1, HID)
    b3r, g3r, be3r = b3.reshape(1, HID), g3.reshape(1, HID), be3.reshape(1, HID)
    fb1r, fb2r, fb3r = fb1.reshape(1, HID), fb2.reshape(1, HID), fb3.reshape(1, OUT_DIM)

    dg0, dg1 = _sc_degree(onesr, src2, dst2)

    mp0, mp1 = _k1(xp, W1, dg0, dg1)
    a0, a1 = _sc_edges(mp0, mp1, src2, dst2)

    cs, cq = _ks(a0, a1, dg0, dg1, b1r)
    mp0, mp1 = _k2(a0, a1, dg0, dg1, b1r, cs, cq, g1r, be1r, W2)
    a0, a1 = _sc_edges(mp0, mp1, src2, dst2)

    cs, cq = _ks(a0, a1, dg0, dg1, b2r)
    mp0, mp1 = _k2(a0, a1, dg0, dg1, b2r, cs, cq, g2r, be2r, W3)
    a0, a1 = _sc_edges(mp0, mp1, src2, dst2)

    cs, cq = _ks(a0, a1, dg0, dg1, b3r)
    ps, cnt = _k3(a0, a1, dg0, dg1, b3r, cs, cq, g3r, be3r, batchp)
    return _k4(ps, cnt, fw1, fb1r, fw2, fb2r, fw3, fb3r)

# --- scband reference (transcript-rebuilt; emitter-appended) ---
"""Pipeline reference for scband-gnnpolicy-network3-57672820851058 (READ-ONLY COPY).

The authoritative reference and input builder live on the scoring server;
editing this copy changes nothing except your own understanding.
"""

import jax, jax.numpy as jnp
import numpy as np

N = 10000
E = 320000
IN_DIM = 128
HID = 256
OUT_DIM = 64
G = 16
EPS = 1e-5


def _glorot(key, shape):
    lim = float(np.sqrt(6.0 / (shape[0] + shape[1])))
    return jax.random.uniform(key, shape, dtype=jnp.float32, minval=-lim, maxval=lim)


def setup_inputs(seed: int = 0):
    key = jax.random.key(seed)
    ks = jax.random.split(key, 16)
    x = jax.random.normal(ks[0], (N, IN_DIM), dtype=jnp.float32)
    edge_index = jax.random.randint(ks[1], (2, E), 0, N, dtype=jnp.int32)
    batch = jnp.sort(jax.random.randint(ks[2], (N,), 0, G, dtype=jnp.int32))
    W1 = _glorot(ks[3], (IN_DIM, HID)); b1 = jnp.zeros((HID,), jnp.float32)
    g1 = jnp.ones((HID,), jnp.float32); be1 = jnp.zeros((HID,), jnp.float32)
    W2 = _glorot(ks[4], (HID, HID)); b2 = jnp.zeros((HID,), jnp.float32)
    g2 = jnp.ones((HID,), jnp.float32); be2 = jnp.zeros((HID,), jnp.float32)
    W3 = _glorot(ks[5], (HID, HID)); b3 = jnp.zeros((HID,), jnp.float32)
    g3 = jnp.ones((HID,), jnp.float32); be3 = jnp.zeros((HID,), jnp.float32)
    fw1 = _glorot(ks[6], (HID, HID)); fb1 = jnp.zeros((HID,), jnp.float32)
    fw2 = _glorot(ks[7], (HID, HID)); fb2 = jnp.zeros((HID,), jnp.float32)
    fw3 = _glorot(ks[8], (HID, OUT_DIM)); fb3 = jnp.zeros((OUT_DIM,), jnp.float32)
    return {"x": x, "edge_index": edge_index, "batch": batch,
            "W1": W1, "b1": b1, "g1": g1, "be1": be1,
            "W2": W2, "b2": b2, "g2": g2, "be2": be2,
            "W3": W3, "b3": b3, "g3": g3, "be3": be3,
            "fw1": fw1, "fb1": fb1, "fw2": fw2, "fb2": fb2,
            "fw3": fw3, "fb3": fb3}


def _gcn_conv(x, src, dst, W, b):
    n = x.shape[0]
    h = x @ W
    deg = jax.ops.segment_sum(jnp.ones_like(src, dtype=h.dtype), dst, num_segments=n)
    dis = jnp.where(deg > 0, jax.lax.rsqrt(jnp.maximum(deg, 1e-12)), 0.0)
    norm = dis[src] * dis[dst]
    out = jax.ops.segment_sum(h[src] * norm[:, None], dst, num_segments=n)
    return out + b


def _bn(x, g, b):
    m = jnp.mean(x, axis=0)
    v = jnp.var(x, axis=0)
    return (x - m) * jax.lax.rsqrt(v + EPS) * g + b


def reference(x, edge_index, batch, W1, b1, g1, be1, W2, b2, g2, be2, W3, b3, g3, be3, fw1, fb1, fw2, fb2, fw3, fb3):
    n = x.shape[0]
    loop = jnp.arange(n, dtype=edge_index.dtype)
    src = jnp.concatenate([edge_index[0], loop])
    dst = jnp.concatenate([edge_index[1], loop])
    h = jax.nn.relu(_bn(_gcn_conv(x, src, dst, W1, b1), g1, be1))
    h = jax.nn.relu(_bn(_gcn_conv(h, src, dst, W2, b2), g2, be2))
    h = jax.nn.relu(_bn(_gcn_conv(h, src, dst, W3, b3), g3, be3))
    sums = jax.ops.segment_sum(h, batch, num_segments=G)
    cnts = jax.ops.segment_sum(jnp.ones((n,), h.dtype), batch, num_segments=G)
    pooled = sums / jnp.maximum(cnts, 1.0)[:, None]
    h = jax.nn.relu(pooled @ fw1 + fb1)
    h = jax.nn.relu(h @ fw2 + fb2)
    return h @ fw3 + fb3

if __name__ == "__main__":
    import jax
    _d = setup_inputs()
    print(jax.jit(kernel)(*tuple(_d.values())))

</pallas_src>

<mosaic_0001>
#map = affine_map<(d0, d1) -> (0, 0)>
module attributes {stable_mosaic.version = 14 : i64} {
  func.func @body(%arg0: i32, %arg1: i32, %arg2: memref<10240x128xf32, #tpu.memory_space<hbm>>, %arg3: memref<10240x128xf32, #tpu.memory_space<hbm>>, %arg4: memref<2560x128xi32, #tpu.memory_space<hbm>>, %arg5: memref<2560x128xi32, #tpu.memory_space<hbm>>, %arg6: memref<10240x128xf32, #tpu.memory_space<hbm>>, %arg7: memref<10240x128xf32, #tpu.memory_space<hbm>>, %arg8: memref<16x128xi32, #tpu.memory_space<vmem>>, %arg9: memref<16x128xi32, #tpu.memory_space<vmem>>, %arg10: memref<16x128xi32, #tpu.memory_space<vmem>>, %arg11: memref<16x128xi32, #tpu.memory_space<vmem>>, %arg12: memref<128x128xf32, #tpu.memory_space<vmem>>, %arg13: memref<128x128xf32, #tpu.memory_space<vmem>>, %arg14: memref<!tpu.dma_semaphore, #tpu.memory_space<semaphore_mem>>, %arg15: memref<!tpu.dma_semaphore, #tpu.memory_space<semaphore_mem>>, %arg16: memref<!tpu.dma_semaphore, #tpu.memory_space<semaphore_mem>>, %arg17: memref<!tpu.dma_semaphore, #tpu.memory_space<semaphore_mem>>, %arg18: memref<10240x128xf32, #tpu.memory_space<vmem_shared>>) attributes {dimension_semantics = [#tpu.dimension_semantics<core_parallel>, #tpu.dimension_semantics<subcore_parallel>], iteration_bounds = array<i64: 2, 16>, scalar_prefetch = 0 : i64, scratch_operands = 11 : i64, tpu.core_type = #tpu.core_type<sc_vector_subcore>, window_params = [{transform_indices = #map}, {transform_indices = #map}, {transform_indices = #map}, {transform_indices = #map}, {transform_indices = #map}, {transform_indices = #map}]} {
    %mul3A = arith.constant 160 : i32
    %mul3A_0 = arith.muli %arg1, %mul3A : i32
    %eq3A = arith.constant 0 : i32
    %eq3A_1 = arith.cmpi eq, %arg0, %eq3A : i32
    %convert_element_type3A = arith.extui %eq3A_1 : i1 to i32
    %cond3A = arith.constant 0 : i32
    %cond3A_2 = arith.cmpi ne, %convert_element_type3A, %cond3A : i32
    scf.if %cond3A_2 {
      %mul3A_8 = arith.constant 640 : i32
      %mul3A_9 = arith.muli %arg1, %mul3A_8 : i32
      %mul3A_10 = arith.constant 640 : i32
      %mul3A_11 = arith.muli %arg1, %mul3A_10 : i32
      "tpu.region"() ({
        %run_scoped3A = tpu.sem_alloc : memref<!tpu.dma_semaphore, #tpu.memory_space<semaphore_mem>>
        %dma_start3A_35 = arith.constant 0 : i32
        %dma_start3A_36 = tpu.memref_slice %arg18[%mul3A_11, %dma_start3A_35] : memref<10240x128xf32, #tpu.memory_space<vmem_shared>> -> memref<640x128xf32, #tpu.memory_space<vmem_shared>>
        %dma_start3A_37 = arith.constant 0 : i32
        %dma_start3A_38 = tpu.memref_slice %arg2[%mul3A_9, %dma_start3A_37] : memref<10240x128xf32, #tpu.memory_space<hbm>> -> memref<640x128xf32, #tpu.memory_space<hbm>>
        tpu.enqueue_dma source(%dma_start3A_38 : memref<640x128xf32, #tpu.memory_space<hbm>>) target(%dma_start3A_36 : memref<640x128xf32, #tpu.memory_space<vmem_shared>>) target_semaphore(%run_scoped3A : memref<!tpu.dma_semaphore, #tpu.memory_space<semaphore_mem>>)
        %dma_wait3A_39 = arith.constant 0 : i32
        %dma_wait3A_40 = tpu.memref_slice %arg18[%mul3A_11, %dma_wait3A_39] : memref<10240x128xf32, #tpu.memory_space<vmem_shared>> -> memref<640x128xf32, #tpu.memory_space<vmem_shared>>
        %dma_wait3A_41 = arith.constant 0 : i32
        %dma_wait3A_42 = tpu.memref_slice %arg2[%mul3A_9, %dma_wait3A_41] : memref<10240x128xf32, #tpu.memory_space<hbm>> -> memref<640x128xf32, #tpu.memory_space<hbm>>
        tpu.wait_dma2 semaphore(%run_scoped3A : memref<!tpu.dma_semaphore, #tpu.memory_space<semaphore_mem>>) src(%dma_wait3A_42 : memref<640x128xf32, #tpu.memory_space<hbm>>) dst(%dma_wait3A_40 : memref<640x128xf32, #tpu.memory_space<vmem_shared>>)
        tpu.yield
      }) : () -> ()
      %barrier3A = arith.constant 0 : index
      tpu.barrier barrier_id(%barrier3A)
      %add3A = arith.constant 0 : i32
      %add3A_12 = arith.addi %mul3A_0, %add3A : i32
      %multiple_of3A = tpu.assume_multiple %add3A_12, 8 : i32
      "tpu.region"() ({
        %run_scoped3A = tpu.sem_alloc : memref<!tpu.dma_semaphore, #tpu.memory_space<semaphore_mem>>
        %dma_start3A_35 = arith.constant 0 : i32
        %dma_start3A_36 = tpu.memref_slice %arg4[%multiple_of3A, %dma_start3A_35] : memref<2560x128xi32, #tpu.memory_space<hbm>> -> memref<16x128xi32, #tpu.memory_space<hbm>>
        %dma_start3A_37 = arith.constant 0 : i32
        %dma_start3A_38 = tpu.memref_slice %arg4[%multiple_of3A, %dma_start3A_37] : memref<2560x128xi32, #tpu.memory_space<hbm>> -> memref<16x128xi32, #tpu.memory_space<hbm>>
        tpu.enqueue_dma source(%dma_start3A_38 : memref<16x128xi32, #tpu.memory_space<hbm>>) target(%arg8 : memref<16x128xi32, #tpu.memory_space<vmem>>) target_semaphore(%run_scoped3A : memref<!tpu.dma_semaphore, #tpu.memory_space<semaphore_mem>>)
        %dma_wait3A_39 = arith.constant 0 : i32
        %dma_wait3A_40 = tpu.memref_slice %arg4[%multiple_of3A, %dma_wait3A_39] : memref<2560x128xi32, #tpu.memory_space<hbm>> -> memref<16x128xi32, #tpu.memory_space<hbm>>
        %dma_wait3A_41 = arith.constant 0 : i32
        %dma_wait3A_42 = tpu.memref_slice %arg4[%multiple_of3A, %dma_wait3A_41] : memref<2560x128xi32, #tpu.memory_space<hbm>> -> memref<16x128xi32, #tpu.memory_space<hbm>>
        tpu.wait_dma2 semaphore(%run_scoped3A : memref<!tpu.dma_semaphore, #tpu.memory_space<semaphore_mem>>) src(%dma_wait3A_42 : memref<16x128xi32, #tpu.memory_space<hbm>>) dst(%arg8 : memref<16x128xi32, #tpu.memory_space<vmem>>)
        tpu.yield
      }) : () -> ()
      "tpu.region"() ({
        %run_scoped3A = tpu.sem_alloc : memref<!tpu.dma_semaphore, #tpu.memory_space<semaphore_mem>>
        %dma_start3A_35 = arith.constant 0 : i32
        %dma_start3A_36 = tpu.memref_slice %arg5[%multiple_of3A, %dma_start3A_35] : memref<2560x128xi32, #tpu.memory_space<hbm>> -> memref<16x128xi32, #tpu.memory_space<hbm>>
        %dma_start3A_37 = arith.constant 0 : i32
        %dma_start3A_38 = tpu.memref_slice %arg5[%multiple_of3A, %dma_start3A_37] : memref<2560x128xi32, #tpu.memory_space<hbm>> -> memref<16x128xi32, #tpu.memory_space<hbm>>
        tpu.enqueue_dma source(%dma_start3A_38 : memref<16x128xi32, #tpu.memory_space<hbm>>) target(%arg10 : memref<16x128xi32, #tpu.memory_space<vmem>>) target_semaphore(%run_scoped3A : memref<!tpu.dma_semaphore, #tpu.memory_space<semaphore_mem>>)
        %dma_wait3A_39 = arith.constant 0 : i32
        %dma_wait3A_40 = tpu.memref_slice %arg5[%multiple_of3A, %dma_wait3A_39] : memref<2560x128xi32, #tpu.memory_space<hbm>> -> memref<16x128xi32, #tpu.memory_space<hbm>>
        %dma_wait3A_41 = arith.constant 0 : i32
        %dma_wait3A_42 = tpu.memref_slice %arg5[%multiple_of3A, %dma_wait3A_41] : memref<2560x128xi32, #tpu.memory_space<hbm>> -> memref<16x128xi32, #tpu.memory_space<hbm>>
        tpu.wait_dma2 semaphore(%run_scoped3A : memref<!tpu.dma_semaphore, #tpu.memory_space<semaphore_mem>>) src(%dma_wait3A_42 : memref<16x128xi32, #tpu.memory_space<hbm>>) dst(%arg10 : memref<16x128xi32, #tpu.memory_space<vmem>>)
        tpu.yield
      }) : () -> ()
      %dma_start3A = arith.constant 0 : i32
      %dma_start3A_13 = arith.constant 0 : i32
      %dma_start3A_14 = tpu.memref_slice %arg8[%dma_start3A, %dma_start3A_13] : memref<16x128xi32, #tpu.memory_space<vmem>> -> memref<1x128xi32, #tpu.memory_space<vmem>>
      %dma_start3A_15 = tpu.memref_squeeze %dma_start3A_14 : memref<1x128xi32, #tpu.memory_space<vmem>> -> memref<128xi32, #tpu.memory_space<vmem>>
      %dma_start3A_16 = arith.constant 0 : i32
      %dma_start3A_17 = arith.constant 0 : i32
      %dma_start3A_18 = tpu.memref_slice %arg2[%dma_start3A_16, %dma_start3A_17] : memref<10240x128xf32, #tpu.memory_space<hbm>> -> memref<10240x128xf32, #tpu.memory_space<hbm>>
      tpu.enqueue_indirect_dma source(%dma_start3A_18 : memref<10240x128xf32, #tpu.memory_space<hbm>>) target(%arg12 : memref<128x128xf32, #tpu.memory_space<vmem>>) offsets(%dma_start3A_15 : memref<128xi32, #tpu.memory_space<vmem>>) semaphore(%arg14 : memref<!tpu.dma_semaphore, #tpu.memory_space<semaphore_mem>>)
      %scan3A = arith.constant 0 : i32
      %scan3A_19 = arith.constant 0 : i32
      %scan3A_20 = arith.constant 160 : i32
      %scan3A_21 = arith.addi %scan3A_19, %scan3A_20 : i32
      %scan3A_22 = arith.constant 1 : i32
      scf.for %scan3A_35 = %scan3A_19 to %scan3A_21 step %scan3A_22  : i32 {
        %rem3A = arith.constant 2 : i32
        %rem3A_36 = arith.remsi %scan3A_35, %rem3A : i32
        %add3A_37 = arith.constant 1 : i32
        %add3A_38 = arith.addi %scan3A_35, %add3A_37 : i32
        %jit3A = arith.constant 16 : i32
        %div3A = arith.divsi %scan3A_35, %jit3A : i32
        %sign3A = arith.constant 0 : i32
        %sign3A_39 = arith.cmpi sgt, %scan3A_35, %sign3A : i32
        %sign3A_40 = arith.extui %sign3A_39 : i1 to i32
        %sign3A_41 = arith.constant 0 : i32
        %sign3A_42 = arith.cmpi slt, %scan3A_35, %sign3A_41 : i32
        %sign3A_43 = arith.extui %sign3A_42 : i1 to i32
        %sign3A_44 = arith.subi %sign3A_40, %sign3A_43 : i32
        %sign3A_45 = arith.constant 0 : i32
        %sign3A_46 = arith.cmpi sgt, %jit3A, %sign3A_45 : i32
        %sign3A_47 = arith.extui %sign3A_46 : i1 to i32
        %sign3A_48 = arith.constant 0 : i32
        %sign3A_49 = arith.cmpi slt, %jit3A, %sign3A_48 : i32
        %sign3A_50 = arith.extui %sign3A_49 : i1 to i32
        %sign3A_51 = arith.subi %sign3A_47, %sign3A_50 : i32
        %ne3A = arith.cmpi ne, %sign3A_44, %sign3A_51 : i32
        %rem3A_52 = arith.remsi %scan3A_35, %jit3A : i32
        %ne3A_53 = arith.constant 0 : i32
        %ne3A_54 = arith.cmpi ne, %rem3A_52, %ne3A_53 : i32
        %and3A = arith.andi %ne3A, %ne3A_54 : i1
        %sub3A = arith.constant 1 : i32
        %sub3A_55 = arith.subi %div3A, %sub3A : i32
        %select_n3A = arith.select %and3A, %sub3A_55, %div3A : i32
        %rem3A_56 = arith.constant 2 : i32
        %rem3A_57 = arith.remsi %select_n3A, %rem3A_56 : i32
        %jit3A_58 = arith.constant 16 : i32
        %div3A_59 = arith.divsi %add3A_38, %jit3A_58 : i32
        %sign3A_60 = arith.constant 0 : i32
        %sign3A_61 = arith.cmpi sgt, %add3A_38, %sign3A_60 : i32
        %sign3A_62 = arith.extui %sign3A_61 : i1 to i32
        %sign3A_63 = arith.constant 0 : i32
        %sign3A_64 = arith.cmpi slt, %add3A_38, %sign3A_63 : i32
        %sign3A_65 = arith.extui %sign3A_64 : i1 to i32
        %sign3A_66 = arith.subi %sign3A_62, %sign3A_65 : i32
        %sign3A_67 = arith.constant 0 : i32
        %sign3A_68 = arith.cmpi sgt, %jit3A_58, %sign3A_67 : i32
        %sign3A_69 = arith.extui %sign3A_68 : i1 to i32
        %sign3A_70 = arith.constant 0 : i32
        %sign3A_71 = arith.cmpi slt, %jit3A_58, %sign3A_70 : i32
        %sign3A_72 = arith.extui %sign3A_71 : i1 to i32
        %sign3A_73 = arith.subi %sign3A_69, %sign3A_72 : i32
        %ne3A_74 = arith.cmpi ne, %sign3A_66, %sign3A_73 : i32
        %rem3A_75 = arith.remsi %add3A_38, %jit3A_58 : i32
        %ne3A_76 = arith.constant 0 : i32
        %ne3A_77 = arith.cmpi ne, %rem3A_75, %ne3A_76 : i32
        %and3A_78 = arith.andi %ne3A_74, %ne3A_77 : i1
        %sub3A_79 = arith.constant 1 : i32
        %sub3A_80 = arith.subi %div3A_59, %sub3A_79 : i32
        %select_n3A_81 = arith.select %and3A_78, %sub3A_80, %div3A_59 : i32
        %rem3A_82 = arith.constant 2 : i32
        %rem3A_83 = arith.remsi %select_n3A_81, %rem3A_82 : i32
        %rem3A_84 = arith.constant 16 : i32
        %rem3A_85 = arith.remsi %add3A_38, %rem3A_84 : i32
        %lt3A = arith.constant 160 : i32
        %lt3A_86 = arith.cmpi slt, %add3A_38, %lt3A : i32
        %eq3A_87 = arith.constant 0 : i32
        %eq3A_88 = arith.cmpi eq, %rem3A_85, %eq3A_87 : i32
        %and3A_89 = arith.andi %lt3A_86, %eq3A_88 : i1
        %convert_element_type3A_90 = arith.extui %and3A_89 : i1 to i32
        %cond3A_91 = arith.constant 0 : i32
        %cond3A_92 = arith.cmpi ne, %convert_element_type3A_90, %cond3A_91 : i32
        scf.if %cond3A_92 {
          %eq3A_112 = arith.constant 0 : i32
          %eq3A_113 = arith.cmpi eq, %rem3A_83, %eq3A_112 : i32
          %convert_element_type3A_114 = arith.extui %eq3A_113 : i1 to i32
          %cond3A_115 = arith.constant 0 : i32
          %cond3A_116 = arith.cmpi ne, %convert_element_type3A_114, %cond3A_115 : i32
          scf.if %cond3A_116 {
            %jit3A_122 = arith.constant 16 : i32
            %div3A_123 = arith.divsi %add3A_38, %jit3A_122 : i32
            %sign3A_124 = arith.constant 0 : i32
            %sign3A_125 = arith.cmpi sgt, %add3A_38, %sign3A_124 : i32
            %sign3A_126 = arith.extui %sign3A_125 : i1 to i32
            %sign3A_127 = arith.constant 0 : i32
            %sign3A_128 = arith.cmpi slt, %add3A_38, %sign3A_127 : i32
            %sign3A_129 = arith.extui %sign3A_128 : i1 to i32
            %sign3A_130 = arith.subi %sign3A_126, %sign3A_129 : i32
            %sign3A_131 = arith.constant 0 : i32
            %sign3A_132 = arith.cmpi sgt, %jit3A_122, %sign3A_131 : i32
            %sign3A_133 = arith.extui %sign3A_132 : i1 to i32
            %sign3A_134 = arith.constant 0 : i32
            %sign3A_135 = arith.cmpi slt, %jit3A_122, %sign3A_134 : i32
            %sign3A_136 = arith.extui %sign3A_135 : i1 to i32
            %sign3A_137 = arith.subi %sign3A_133, %sign3A_136 : i32
            %ne3A_138 = arith.cmpi ne, %sign3A_130, %sign3A_137 : i32
            %rem3A_139 = arith.remsi %add3A_38, %jit3A_122 : i32
            %ne3A_140 = arith.constant 0 : i32
            %ne3A_141 = arith.cmpi ne, %rem3A_139, %ne3A_140 : i32
            %and3A_142 = arith.andi %ne3A_138, %ne3A_141 : i1
            %sub3A_143 = arith.constant 1 : i32
            %sub3A_144 = arith.subi %div3A_123, %sub3A_143 : i32
            %select_n3A_145 = arith.select %and3A_142, %sub3A_144, %div3A_123 : i32
            %mul3A_146 = arith.constant 16 : i32
            %mul3A_147 = arith.muli %select_n3A_145, %mul3A_146 : i32
            %add3A_148 = arith.addi %mul3A_0, %mul3A_147 : i32
            %multiple_of3A_149 = tpu.assume_multiple %add3A_148, 8 : i32
            "tpu.region"() ({
              %run_scoped3A = tpu.sem_alloc : memref<!tpu.dma_semaphore, #tpu.memory_space<semaphore_mem>>
              %dma_start3A_150 = arith.constant 0 : i32
              %dma_start3A_151 = tpu.memref_slice %arg4[%multiple_of3A_149, %dma_start3A_150] : memref<2560x128xi32, #tpu.memory_space<hbm>> -> memref<16x128xi32, #tpu.memory_space<hbm>>
              %dma_start3A_152 = arith.constant 0 : i32
              %dma_start3A_153 = tpu.memref_slice %arg4[%multiple_of3A_149, %dma_start3A_152] : memref<2560x128xi32, #tpu.memory_space<hbm>> -> memref<16x128xi32, #tpu.memory_space<hbm>>
              tpu.enqueue_dma source(%dma_start3A_153 : memref<16x128xi32, #tpu.memory_space<hbm>>) target(%arg8 : memref<16x128xi32, #tpu.memory_space<vmem>>) target_semaphore(%run_scoped3A : memref<!tpu.dma_semaphore, #tpu.memory_space<semaphore_mem>>)
              %dma_wait3A_154 = arith.constant 0 : i32
              %dma_wait3A_155 = tpu.memref_slice %arg4[%multiple_of3A_149, %dma_wait3A_154] : memref<2560x128xi32, #tpu.memory_space<hbm>> -> memref<16x128xi32, #tpu.memory_space<hbm>>
              %dma_wait3A_156 = arith.constant 0 : i32
              %dma_wait3A_157 = tpu.memref_slice %arg4[%multiple_of3A_149, %dma_wait3A_156] : memref<2560x128xi32, #tpu.memory_space<hbm>> -> memref<16x128xi32, #tpu.memory_space<hbm>>
              tpu.wait_dma2 semaphore(%run_scoped3A : memref<!tpu.dma_semaphore, #tpu.memory_space<semaphore_mem>>) src(%dma_wait3A_157 : memref<16x128xi32, #tpu.memory_space<hbm>>) dst(%arg8 : memref<16x128xi32, #tpu.memory_space<vmem>>)
              tpu.yield
            }) : () -> ()
            "tpu.region"() ({
              %run_scoped3A = tpu.sem_alloc : memref<!tpu.dma_semaphore, #tpu.memory_space<semaphore_mem>>
              %dma_start3A_150 = arith.constant 0 : i32
              %dma_start3A_151 = tpu.memref_slice %arg5[%multiple_of3A_149, %dma_start3A_150] : memref<2560x128xi32, #tpu.memory_space<hbm>> -> memref<16x128xi32, #tpu.memory_space<hbm>>
              %dma_start3A_152 = arith.constant 0 : i32
              %dma_start3A_153 = tpu.memref_slice %arg5[%multiple_of3A_149, %dma_start3A_152] : memref<2560x128xi32, #tpu.memory_space<hbm>> -> memref<16x128xi32, #tpu.memory_space<hbm>>
              tpu.enqueue_dma source(%dma_start3A_153 : memref<16x128xi32, #tpu.memory_space<hbm>>) target(%arg10 : memref<16x128xi32, #tpu.memory_space<vmem>>) target_semaphore(%run_scoped3A : memref<!tpu.dma_semaphore, #tpu.memory_space<semaphore_mem>>)
              %dma_wait3A_154 = arith.constant 0 : i32
              %dma_wait3A_155 = tpu.memref_slice %arg5[%multiple_of3A_149, %dma_wait3A_154] : memref<2560x128xi32, #tpu.memory_space<hbm>> -> memref<16x128xi32, #tpu.memory_space<hbm>>
              %dma_wait3A_156 = arith.constant 0 : i32
              %dma_wait3A_157 = tpu.memref_slice %arg5[%multiple_of3A_149, %dma_wait3A_156] : memref<2560x128xi32, #tpu.memory_space<hbm>> -> memref<16x128xi32, #tpu.memory_space<hbm>>
              tpu.wait_dma2 semaphore(%run_scoped3A : memref<!tpu.dma_semaphore, #tpu.memory_space<semaphore_mem>>) src(%dma_wait3A_157 : memref<16x128xi32, #tpu.memory_space<hbm>>) dst(%arg10 : memref<16x128xi32, #tpu.memory_space<vmem>>)
              tpu.yield
            }) : () -> ()
          } else {
          }
          %eq3A_117 = arith.constant 1 : i32
          %eq3A_118 = arith.cmpi eq, %rem3A_83, %eq3A_117 : i32
          %convert_element_type3A_119 = arith.extui %eq3A_118 : i1 to i32
          %cond3A_120 = arith.constant 0 : i32
          %cond3A_121 = arith.cmpi ne, %convert_element_type3A_119, %cond3A_120 : i32
          scf.if %cond3A_121 {
            %jit3A_122 = arith.constant 16 : i32
            %div3A_123 = arith.divsi %add3A_38, %jit3A_122 : i32
            %sign3A_124 = arith.constant 0 : i32
            %sign3A_125 = arith.cmpi sgt, %add3A_38, %sign3A_124 : i32
            %sign3A_126 = arith.extui %sign3A_125 : i1 to i32
            %sign3A_127 = arith.constant 0 : i32
            %sign3A_128 = arith.cmpi slt, %add3A_38, %sign3A_127 : i32
            %sign3A_129 = arith.extui %sign3A_128 : i1 to i32
            %sign3A_130 = arith.subi %sign3A_126, %sign3A_129 : i32
            %sign3A_131 = arith.constant 0 : i32
            %sign3A_132 = arith.cmpi sgt, %jit3A_122, %sign3A_131 : i32
            %sign3A_133 = arith.extui %sign3A_132 : i1 to i32
            %sign3A_134 = arith.constant 0 : i32
            %sign3A_135 = arith.cmpi slt, %jit3A_122, %sign3A_134 : i32
            %sign3A_136 = arith.extui %sign3A_135 : i1 to i32
            %sign3A_137 = arith.subi %sign3A_133, %sign3A_136 : i32
            %ne3A_138 = arith.cmpi ne, %sign3A_130, %sign3A_137 : i32
            %rem3A_139 = arith.remsi %add3A_38, %jit3A_122 : i32
            %ne3A_140 = arith.constant 0 : i32
            %ne3A_141 = arith.cmpi ne, %rem3A_139, %ne3A_140 : i32
            %and3A_142 = arith.andi %ne3A_138, %ne3A_141 : i1
            %sub3A_143 = arith.constant 1 : i32
            %sub3A_144 = arith.subi %div3A_123, %sub3A_143 : i32
            %select_n3A_145 = arith.select %and3A_142, %sub3A_144, %div3A_123 : i32
            %mul3A_146 = arith.constant 16 : i32
            %mul3A_147 = arith.muli %select_n3A_145, %mul3A_146 : i32
            %add3A_148 = arith.addi %mul3A_0, %mul3A_147 : i32
            %multiple_of3A_149 = tpu.assume_multiple %add3A_148, 8 : i32
            "tpu.region"() ({
              %run_scoped3A = tpu.sem_alloc : memref<!tpu.dma_semaphore, #tpu.memory_space<semaphore_mem>>
              %dma_start3A_150 = arith.constant 0 : i32
              %dma_start3A_151 = tpu.memref_slice %arg4[%multiple_of3A_149, %dma_start3A_150] : memref<2560x128xi32, #tpu.memory_space<hbm>> -> memref<16x128xi32, #tpu.memory_space<hbm>>
              %dma_start3A_152 = arith.constant 0 : i32
              %dma_start3A_153 = tpu.memref_slice %arg4[%multiple_of3A_149, %dma_start3A_152] : memref<2560x128xi32, #tpu.memory_space<hbm>> -> memref<16x128xi32, #tpu.memory_space<hbm>>
              tpu.enqueue_dma source(%dma_start3A_153 : memref<16x128xi32, #tpu.memory_space<hbm>>) target(%arg9 : memref<16x128xi32, #tpu.memory_space<vmem>>) target_semaphore(%run_scoped3A : memref<!tpu.dma_semaphore, #tpu.memory_space<semaphore_mem>>)
              %dma_wait3A_154 = arith.constant 0 : i32
              %dma_wait3A_155 = tpu.memref_slice %arg4[%multiple_of3A_149, %dma_wait3A_154] : memref<2560x128xi32, #tpu.memory_space<hbm>> -> memref<16x128xi32, #tpu.memory_space<hbm>>
              %dma_wait3A_156 = arith.constant 0 : i32
              %dma_wait3A_157 = tpu.memref_slice %arg4[%multiple_of3A_149, %dma_wait3A_156] : memref<2560x128xi32, #tpu.memory_space<hbm>> -> memref<16x128xi32, #tpu.memory_space<hbm>>
              tpu.wait_dma2 semaphore(%run_scoped3A : memref<!tpu.dma_semaphore, #tpu.memory_space<semaphore_mem>>) src(%dma_wait3A_157 : memref<16x128xi32, #tpu.memory_space<hbm>>) dst(%arg9 : memref<16x128xi32, #tpu.memory_space<vmem>>)
              tpu.yield
            }) : () -> ()
            "tpu.region"() ({
              %run_scoped3A = tpu.sem_alloc : memref<!tpu.dma_semaphore, #tpu.memory_space<semaphore_mem>>
              %dma_start3A_150 = arith.constant 0 : i32
              %dma_start3A_151 = tpu.memref_slice %arg5[%multiple_of3A_149, %dma_start3A_150] : memref<2560x128xi32, #tpu.memory_space<hbm>> -> memref<16x128xi32, #tpu.memory_space<hbm>>
              %dma_start3A_152 = arith.constant 0 : i32
              %dma_start3A_153 = tpu.memref_slice %arg5[%multiple_of3A_149, %dma_start3A_152] : memref<2560x128xi32, #tpu.memory_space<hbm>> -> memref<16x128xi32, #tpu.memory_space<hbm>>
              tpu.enqueue_dma source(%dma_start3A_153 : memref<16x128xi32, #tpu.memory_space<hbm>>) target(%arg11 : memref<16x128xi32, #tpu.memory_space<vmem>>) target_semaphore(%run_scoped3A : memref<!tpu.dma_semaphore, #tpu.memory_space<semaphore_mem>>)
              %dma_wait3A_154 = arith.constant 0 : i32
              %dma_wait3A_155 = tpu.memref_slice %arg5[%multiple_of3A_149, %dma_wait3A_154] : memref<2560x128xi32, #tpu.memory_space<hbm>> -> memref<16x128xi32, #tpu.memory_space<hbm>>
              %dma_wait3A_156 = arith.constant 0 : i32
              %dma_wait3A_157 = tpu.memref_slice %arg5[%multiple_of3A_149, %dma_wait3A_156] : memref<2560x128xi32, #tpu.memory_space<hbm>> -> memref<16x128xi32, #tpu.memory_space<hbm>>
              tpu.wait_dma2 semaphore(%run_scoped3A : memref<!tpu.dma_semaphore, #tpu.memory_space<semaphore_mem>>) src(%dma_wait3A_157 : memref<16x128xi32, #tpu.memory_space<hbm>>) dst(%arg11 : memref<16x128xi32, #tpu.memory_space<vmem>>)
              tpu.yield
            }) : () -> ()
          } else {
          }
        } else {
        }
        %ge3A = arith.constant 1 : i32
        %ge3A_93 = arith.cmpi sge, %scan3A_35, %ge3A : i32
        %convert_element_type3A_94 = arith.extui %ge3A_93 : i1 to i32
        %cond3A_95 = arith.constant 0 : i32
        %cond3A_96 = arith.cmpi ne, %convert_element_type3A_94, %cond3A_95 : i32
        scf.if %cond3A_96 {
          %eq3A_112 = arith.constant 0 : i32
          %eq3A_113 = arith.cmpi eq, %rem3A_36, %eq3A_112 : i32
          %convert_element_type3A_114 = arith.extui %eq3A_113 : i1 to i32
          %cond3A_115 = arith.constant 0 : i32
          %cond3A_116 = arith.cmpi ne, %convert_element_type3A_114, %cond3A_115 : i32
          scf.if %cond3A_116 {
            %dma_wait3A_122 = arith.constant 0 : i32
            %dma_wait3A_123 = arith.constant 0 : i32
            %dma_wait3A_124 = tpu.memref_slice %arg10[%dma_wait3A_122, %dma_wait3A_123] : memref<16x128xi32, #tpu.memory_space<vmem>> -> memref<1x128xi32, #tpu.memory_space<vmem>>
            %dma_wait3A_125 = tpu.memref_squeeze %dma_wait3A_124 : memref<1x128xi32, #tpu.memory_space<vmem>> -> memref<128xi32, #tpu.memory_space<vmem>>
            %dma_wait3A_126 = arith.constant 0 : i32
            %dma_wait3A_127 = arith.constant 0 : i32
            %dma_wait3A_128 = tpu.memref_slice %arg18[%dma_wait3A_126, %dma_wait3A_127] : memref<10240x128xf32, #tpu.memory_space<vmem_shared>> -> memref<10240x128xf32, #tpu.memory_space<vmem_shared>>
            tpu.wait_indirect_dma semaphore(%arg17 : memref<!tpu.dma_semaphore, #tpu.memory_space<semaphore_mem>>) src(%arg13 : memref<128x128xf32, #tpu.memory_space<vmem>>) dst(%dma_wait3A_128 : memref<10240x128xf32, #tpu.memory_space<vmem_shared>>)
          } else {
          }
          %eq3A_117 = arith.constant 1 : i32
          %eq3A_118 = arith.cmpi eq, %rem3A_36, %eq3A_117 : i32
          %convert_element_type3A_119 = arith.extui %eq3A_118 : i1 to i32
          %cond3A_120 = arith.constant 0 : i32
          %cond3A_121 = arith.cmpi ne, %convert_element_type3A_119, %cond3A_120 : i32
          scf.if %cond3A_121 {
            %dma_wait3A_122 = arith.constant 0 : i32
            %dma_wait3A_123 = arith.constant 0 : i32
            %dma_wait3A_124 = tpu.memref_slice %arg10[%dma_wait3A_122, %dma_wait3A_123] : memref<16x128xi32, #tpu.memory_space<vmem>> -> memref<1x128xi32, #tpu.memory_space<vmem>>
            %dma_wait3A_125 = tpu.memref_squeeze %dma_wait3A_124 : memref<1x128xi32, #tpu.memory_space<vmem>> -> memref<128xi32, #tpu.memory_space<vmem>>
            %dma_wait3A_126 = arith.constant 0 : i32
            %dma_wait3A_127 = arith.constant 0 : i32
            %dma_wait3A_128 = tpu.memref_slice %arg18[%dma_wait3A_126, %dma_wait3A_127] : memref<10240x128xf32, #tpu.memory_space<vmem_shared>> -> memref<10240x128xf32, #tpu.memory_space<vmem_shared>>
            tpu.wait_indirect_dma semaphore(%arg16 : memref<!tpu.dma_semaphore, #tpu.memory_space<semaphore_mem>>) src(%arg12 : memref<128x128xf32, #tpu.memory_space<vmem>>) dst(%dma_wait3A_128 : memref<10240x128xf32, #tpu.memory_space<vmem_shared>>)
          } else {
          }
        } else {
        }
        %lt3A_97 = arith.constant 160 : i32
        %lt3A_98 = arith.cmpi slt, %add3A_38, %lt3A_97 : i32
        %convert_element_type3A_99 = arith.extui %lt3A_98 : i1 to i32
        %cond3A_100 = arith.constant 0 : i32
        %cond3A_101 = arith.cmpi ne, %convert_element_type3A_99, %cond3A_100 : i32
        scf.if %cond3A_101 {
          %eq3A_112 = arith.constant 0 : i32
          %eq3A_113 = arith.cmpi eq, %rem3A_83, %eq3A_112 : i32
          %convert_element_type3A_114 = arith.extui %eq3A_113 : i1 to i32
          %cond3A_115 = arith.constant 0 : i32
          %cond3A_116 = arith.cmpi ne, %convert_element_type3A_114, %cond3A_115 : i32
          scf.if %cond3A_116 {
            %eq3A_122 = arith.constant 0 : i32
            %eq3A_123 = arith.cmpi eq, %rem3A_36, %eq3A_122 : i32
            %convert_element_type3A_124 = arith.extui %eq3A_123 : i1 to i32
            %cond3A_125 = arith.constant 0 : i32
            %cond3A_126 = arith.cmpi ne, %convert_element_type3A_124, %cond3A_125 : i32
            scf.if %cond3A_126 {
              %dma_start3A_132 = arith.constant 0 : i32
              %dma_start3A_133 = tpu.memref_slice %arg8[%rem3A_85, %dma_start3A_132] : memref<16x128xi32, #tpu.memory_space<vmem>> -> memref<1x128xi32, #tpu.memory_space<vmem>>
              %dma_start3A_134 = tpu.memref_squeeze %dma_start3A_133 : memref<1x128xi32, #tpu.memory_space<vmem>> -> memref<128xi32, #tpu.memory_space<vmem>>
              %dma_start3A_135 = arith.constant 0 : i32
              %dma_start3A_136 = arith.constant 0 : i32
              %dma_start3A_137 = tpu.memref_slice %arg2[%dma_start3A_135, %dma_start3A_136] : memref<10240x128xf32, #tpu.memory_space<hbm>> -> memref<10240x128xf32, #tpu.memory_space<hbm>>
              tpu.enqueue_indirect_dma source(%dma_start3A_137 : memref<10240x128xf32, #tpu.memory_space<hbm>>) target(%arg13 : memref<128x128xf32, #tpu.memory_space<vmem>>) offsets(%dma_start3A_134 : memref<128xi32, #tpu.memory_space<vmem>>) semaphore(%arg15 : memref<!tpu.dma_semaphore, #tpu.memory_space<semaphore_mem>>)
            } else {
            }
            %eq3A_127 = arith.constant 1 : i32
            %eq3A_128 = arith.cmpi eq, %rem3A_36, %eq3A_127 : i32
            %convert_element_type3A_129 = arith.extui %eq3A_128 : i1 to i32
            %cond3A_130 = arith.constant 0 : i32
            %cond3A_131 = arith.cmpi ne, %convert_element_type3A_129, %cond3A_130 : i32
            scf.if %cond3A_131 {
              %dma_start3A_132 = arith.constant 0 : i32
              %dma_start3A_133 = tpu.memref_slice %arg8[%rem3A_85, %dma_start3A_132] : memref<16x128xi32, #tpu.memory_space<vmem>> -> memref<1x128xi32, #tpu.memory_space<vmem>>
              %dma_start3A_134 = tpu.memref_squeeze %dma_start3A_133 : memref<1x128xi32, #tpu.memory_space<vmem>> -> memref<128xi32, #tpu.memory_space<vmem>>
              %dma_start3A_135 = arith.constant 0 : i32
              %dma_start3A_136 = arith.constant 0 : i32
              %dma_start3A_137 = tpu.memref_slice %arg2[%dma_start3A_135, %dma_start3A_136] : memref<10240x128xf32, #tpu.memory_space<hbm>> -> memref<10240x128xf32, #tpu.memory_space<hbm>>
              tpu.enqueue_indirect_dma source(%dma_start3A_137 : memref<10240x128xf32, #tpu.memory_space<hbm>>) target(%arg12 : memref<128x128xf32, #tpu.memory_space<vmem>>) offsets(%dma_start3A_134 : memref<128xi32, #tpu.memory_space<vmem>>) semaphore(%arg14 : memref<!tpu.dma_semaphore, #tpu.memory_space<semaphore_mem>>)
            } else {
            }
          } else {
          }
          %eq3A_117 = arith.constant 1 : i32
          %eq3A_118 = arith.cmpi eq, %rem3A_83, %eq3A_117 : i32
          %convert_element_type3A_119 = arith.extui %eq3A_118 : i1 to i32
          %cond3A_120 = arith.constant 0 : i32
          %cond3A_121 = arith.cmpi ne, %convert_element_type3A_119, %cond3A_120 : i32
          scf.if %cond3A_121 {
            %eq3A_122 = arith.constant 0 : i32
            %eq3A_123 = arith.cmpi eq, %rem3A_36, %eq3A_122 : i32
            %convert_element_type3A_124 = arith.extui %eq3A_123 : i1 to i32
            %cond3A_125 = arith.constant 0 : i32
            %cond3A_126 = arith.cmpi ne, %convert_element_type3A_124, %cond3A_125 : i32
            scf.if %cond3A_126 {
              %dma_start3A_132 = arith.constant 0 : i32
              %dma_start3A_133 = tpu.memref_slice %arg9[%rem3A_85, %dma_start3A_132] : memref<16x128xi32, #tpu.memory_space<vmem>> -> memref<1x128xi32, #tpu.memory_space<vmem>>
              %dma_start3A_134 = tpu.memref_squeeze %dma_start3A_133 : memref<1x128xi32, #tpu.memory_space<vmem>> -> memref<128xi32, #tpu.memory_space<vmem>>
              %dma_start3A_135 = arith.constant 0 : i32
              %dma_start3A_136 = arith.constant 0 : i32
              %dma_start3A_137 = tpu.memref_slice %arg2[%dma_start3A_135, %dma_start3A_136] : memref<10240x128xf32, #tpu.memory_space<hbm>> -> memref<10240x128xf32, #tpu.memory_space<hbm>>
              tpu.enqueue_indirect_dma source(%dma_start3A_137 : memref<10240x128xf32, #tpu.memory_space<hbm>>) target(%arg13 : memref<128x128xf32, #tpu.memory_space<vmem>>) offsets(%dma_start3A_134 : memref<128xi32, #tpu.memory_space<vmem>>) semaphore(%arg15 : memref<!tpu.dma_semaphore, #tpu.memory_space<semaphore_mem>>)
            } else {
            }
            %eq3A_127 = arith.constant 1 : i32
            %eq3A_128 = arith.cmpi eq, %rem3A_36, %eq3A_127 : i32
            %convert_element_type3A_129 = arith.extui %eq3A_128 : i1 to i32
            %cond3A_130 = arith.constant 0 : i32
            %cond3A_131 = arith.cmpi ne, %convert_element_type3A_129, %cond3A_130 : i32
            scf.if %cond3A_131 {
              %dma_start3A_132 = arith.constant 0 : i32
              %dma_start3A_133 = tpu.memref_slice %arg9[%rem3A_85, %dma_start3A_132] : memref<16x128xi32, #tpu.memory_space<vmem>> -> memref<1x128xi32, #tpu.memory_space<vmem>>
              %dma_start3A_134 = tpu.memref_squeeze %dma_start3A_133 : memref<1x128xi32, #tpu.memory_space<vmem>> -> memref<128xi32, #tpu.memory_space<vmem>>
              %dma_start3A_135 = arith.constant 0 : i32
              %dma_start3A_136 = arith.constant 0 : i32
              %dma_start3A_137 = tpu.memref_slice %arg2[%dma_start3A_135, %dma_start3A_136] : memref<10240x128xf32, #tpu.memory_space<hbm>> -> memref<10240x128xf32, #tpu.memory_space<hbm>>
              tpu.enqueue_indirect_dma source(%dma_start3A_137 : memref<10240x128xf32, #tpu.memory_space<hbm>>) target(%arg12 : memref<128x128xf32, #tpu.memory_space<vmem>>) offsets(%dma_start3A_134 : memref<128xi32, #tpu.memory_space<vmem>>) semaphore(%arg14 : memref<!tpu.dma_semaphore, #tpu.memory_space<semaphore_mem>>)
            } else {
            }
          } else {
          }
        } else {
        }
        %eq3A_102 = arith.constant 0 : i32
        %eq3A_103 = arith.cmpi eq, %rem3A_57, %eq3A_102 : i32
        %convert_element_type3A_104 = arith.extui %eq3A_103 : i1 to i32
        %cond3A_105 = arith.constant 0 : i32
        %cond3A_106 = arith.cmpi ne, %convert_element_type3A_104, %cond3A_105 : i32
        scf.if %cond3A_106 {
          %eq3A_112 = arith.constant 0 : i32
          %eq3A_113 = arith.cmpi eq, %rem3A_36, %eq3A_112 : i32
          %convert_element_type3A_114 = arith.extui %eq3A_113 : i1 to i32
          %cond3A_115 = arith.constant 0 : i32
          %cond3A_116 = arith.cmpi ne, %convert_element_type3A_114, %cond3A_115 : i32
          scf.if %cond3A_116 {
            %dma_wait3A_122 = arith.constant 0 : i32
            %dma_wait3A_123 = arith.constant 0 : i32
            %dma_wait3A_124 = tpu.memref_slice %arg8[%dma_wait3A_122, %dma_wait3A_123] : memref<16x128xi32, #tpu.memory_space<vmem>> -> memref<1x128xi32, #tpu.memory_space<vmem>>
            %dma_wait3A_125 = tpu.memref_squeeze %dma_wait3A_124 : memref<1x128xi32, #tpu.memory_space<vmem>> -> memref<128xi32, #tpu.memory_space<vmem>>
            %dma_wait3A_126 = arith.constant 0 : i32
            %dma_wait3A_127 = arith.constant 0 : i32
            %dma_wait3A_128 = tpu.memref_slice %arg2[%dma_wait3A_126, %dma_wait3A_127] : memref<10240x128xf32, #tpu.memory_space<hbm>> -> memref<10240x128xf32, #tpu.memory_space<hbm>>
            tpu.wait_indirect_dma semaphore(%arg14 : memref<!tpu.dma_semaphore, #tpu.memory_space<semaphore_mem>>) src(%dma_wait3A_128 : memref<10240x128xf32, #tpu.memory_space<hbm>>) dst(%arg12 : memref<128x128xf32, #tpu.memory_space<vmem>>)
            %rem3A_129 = arith.constant 16 : i32
            %rem3A_130 = arith.remsi %scan3A_35, %rem3A_129 : i32
            %dma_start3A_131 = arith.constant 0 : i32
            %dma_start3A_132 = tpu.memref_slice %arg10[%rem3A_130, %dma_start3A_131] : memref<16x128xi32, #tpu.memory_space<vmem>> -> memref<1x128xi32, #tpu.memory_space<vmem>>
            %dma_start3A_133 = tpu.memref_squeeze %dma_start3A_132 : memref<1x128xi32, #tpu.memory_space<vmem>> -> memref<128xi32, #tpu.memory_space<vmem>>
            %dma_start3A_134 = arith.constant 0 : i32
            %dma_start3A_135 = arith.constant 0 : i32
            %dma_start3A_136 = tpu.memref_slice %arg18[%dma_start3A_134, %dma_start3A_135] : memref<10240x128xf32, #tpu.memory_space<vmem_shared>> -> memref<10240x128xf32, #tpu.memory_space<vmem_shared>>
            tpu.enqueue_indirect_dma source(%arg12 : memref<128x128xf32, #tpu.memory_space<vmem>>) target(%dma_start3A_136 : memref<10240x128xf32, #tpu.memory_space<vmem_shared>>) offsets(%dma_start3A_133 : memref<128xi32, #tpu.memory_space<vmem>>) semaphore(%arg16 : memref<!tpu.dma_semaphore, #tpu.memory_space<semaphore_mem>>) {add = true}
          } else {
          }
          %eq3A_117 = arith.constant 1 : i32
          %eq3A_118 = arith.cmpi eq, %rem3A_36, %eq3A_117 : i32
          %convert_element_type3A_119 = arith.extui %eq3A_118 : i1 to i32
          %cond3A_120 = arith.constant 0 : i32
          %cond3A_121 = arith.cmpi ne, %convert_element_type3A_119, %cond3A_120 : i32
          scf.if %cond3A_121 {
            %dma_wait3A_122 = arith.constant 0 : i32
            %dma_wait3A_123 = arith.constant 0 : i32
            %dma_wait3A_124 = tpu.memref_slice %arg8[%dma_wait3A_122, %dma_wait3A_123] : memref<16x128xi32, #tpu.memory_space<vmem>> -> memref<1x128xi32, #tpu.memory_space<vmem>>
            %dma_wait3A_125 = tpu.memref_squeeze %dma_wait3A_124 : memref<1x128xi32, #tpu.memory_space<vmem>> -> memref<128xi32, #tpu.memory_space<vmem>>
            %dma_wait3A_126 = arith.constant 0 : i32
            %dma_wait3A_127 = arith.constant 0 : i32
            %dma_wait3A_128 = tpu.memref_slice %arg2[%dma_wait3A_126, %dma_wait3A_127] : memref<10240x128xf32, #tpu.memory_space<hbm>> -> memref<10240x128xf32, #tpu.memory_space<hbm>>
            tpu.wait_indirect_dma semaphore(%arg15 : memref<!tpu.dma_semaphore, #tpu.memory_space<semaphore_mem>>) src(%dma_wait3A_128 : memref<10240x128xf32, #tpu.memory_space<hbm>>) dst(%arg13 : memref<128x128xf32, #tpu.memory_space<vmem>>)
            %rem3A_129 = arith.constant 16 : i32
            %rem3A_130 = arith.remsi %scan3A_35, %rem3A_129 : i32
            %dma_start3A_131 = arith.constant 0 : i32
            %dma_start3A_132 = tpu.memref_slice %arg10[%rem3A_130, %dma_start3A_131] : memref<16x128xi32, #tpu.memory_space<vmem>> -> memref<1x128xi32, #tpu.memory_space<vmem>>
            %dma_start3A_133 = tpu.memref_squeeze %dma_start3A_132 : memref<1x128xi32, #tpu.memory_space<vmem>> -> memref<128xi32, #tpu.memory_space<vmem>>
            %dma_start3A_134 = arith.constant 0 : i32
            %dma_start3A_135 = arith.constant 0 : i32
            %dma_start3A_136 = tpu.memref_slice %arg18[%dma_start3A_134, %dma_start3A_135] : memref<10240x128xf32, #tpu.memory_space<vmem_shared>> -> memref<10240x128xf32, #tpu.memory_space<vmem_shared>>
            tpu.enqueue_indirect_dma source(%arg13 : memref<128x128xf32, #tpu.memory_space<vmem>>) target(%dma_start3A_136 : memref<10240x128xf32, #tpu.memory_space<vmem_shared>>) offsets(%dma_start3A_133 : memref<128xi32, #tpu.memory_space<vmem>>) semaphore(%arg17 : memref<!tpu.dma_semaphore, #tpu.memory_space<semaphore_mem>>) {add = true}
          } else {
          }
        } else {
        }
        %eq3A_107 = arith.constant 1 : i32
        %eq3A_108 = arith.cmpi eq, %rem3A_57, %eq3A_107 : i32
        %convert_element_type3A_109 = arith.extui %eq3A_108 : i1 to i32
        %cond3A_110 = arith.constant 0 : i32
        %cond3A_111 = arith.cmpi ne, %convert_element_type3A_109, %cond3A_110 : i32
        scf.if %cond3A_111 {
          %eq3A_112 = arith.constant 0 : i32
          %eq3A_113 = arith.cmpi eq, %rem3A_36, %eq3A_112 : i32
          %convert_element_type3A_114 = arith.extui %eq3A_113 : i1 to i32
          %cond3A_115 = arith.constant 0 : i32
          %cond3A_116 = arith.cmpi ne, %convert_element_type3A_114, %cond3A_115 : i32
          scf.if %cond3A_116 {
            %dma_wait3A_122 = arith.constant 0 : i32
            %dma_wait3A_123 = arith.constant 0 : i32
            %dma_wait3A_124 = tpu.memref_slice %arg9[%dma_wait3A_122, %dma_wait3A_123] : memref<16x128xi32, #tpu.memory_space<vmem>> -> memref<1x128xi32, #tpu.memory_space<vmem>>
            %dma_wait3A_125 = tpu.memref_squeeze %dma_wait3A_124 : memref<1x128xi32, #tpu.memory_space<vmem>> -> memref<128xi32, #tpu.memory_space<vmem>>
            %dma_wait3A_126 = arith.constant 0 : i32
            %dma_wait3A_127 = arith.constant 0 : i32
            %dma_wait3A_128 = tpu.memref_slice %arg2[%dma_wait3A_126, %dma_wait3A_127] : memref<10240x128xf32, #tpu.memory_space<hbm>> -> memref<10240x128xf32, #tpu.memory_space<hbm>>
            tpu.wait_indirect_dma semaphore(%arg14 : memref<!tpu.dma_semaphore, #tpu.memory_space<semaphore_mem>>) src(%dma_wait3A_128 : memref<10240x128xf32, #tpu.memory_space<hbm>>) dst(%arg12 : memref<128x128xf32, #tpu.memory_space<vmem>>)
            %rem3A_129 = arith.constant 16 : i32
            %rem3A_130 = arith.remsi %scan3A_35, %rem3A_129 : i32
            %dma_start3A_131 = arith.constant 0 : i32
            %dma_start3A_132 = tpu.memref_slice %arg11[%rem3A_130, %dma_start3A_131] : memref<16x128xi32, #tpu.memory_space<vmem>> -> memref<1x128xi32, #tpu.memory_space<vmem>>
            %dma_start3A_133 = tpu.memref_squeeze %dma_start3A_132 : memref<1x128xi32, #tpu.memory_space<vmem>> -> memref<128xi32, #tpu.memory_space<vmem>>
            %dma_start3A_134 = arith.constant 0 : i32
            %dma_start3A_135 = arith.constant 0 : i32
            %dma_start3A_136 = tpu.memref_slice %arg18[%dma_start3A_134, %dma_start3A_135] : memref<10240x128xf32, #tpu.memory_space<vmem_shared>> -> memref<10240x128xf32, #tpu.memory_space<vmem_shared>>
            tpu.enqueue_indirect_dma source(%arg12 : memref<128x128xf32, #tpu.memory_space<vmem>>) target(%dma_start3A_136 : memref<10240x128xf32, #tpu.memory_space<vmem_shared>>) offsets(%dma_start3A_133 : memref<128xi32, #tpu.memory_space<vmem>>) semaphore(%arg16 : memref<!tpu.dma_semaphore, #tpu.memory_space<semaphore_mem>>) {add = true}
          } else {
          }
          %eq3A_117 = arith.constant 1 : i32
          %eq3A_118 = arith.cmpi eq, %rem3A_36, %eq3A_117 : i32
          %convert_element_type3A_119 = arith.extui %eq3A_118 : i1 to i32
          %cond3A_120 = arith.constant 0 : i32
          %cond3A_121 = arith.cmpi ne, %convert_element_type3A_119, %cond3A_120 : i32
          scf.if %cond3A_121 {
            %dma_wait3A_122 = arith.constant 0 : i32
            %dma_wait3A_123 = arith.constant 0 : i32
            %dma_wait3A_124 = tpu.memref_slice %arg9[%dma_wait3A_122, %dma_wait3A_123] : memref<16x128xi32, #tpu.memory_space<vmem>> -> memref<1x128xi32, #tpu.memory_space<vmem>>
            %dma_wait3A_125 = tpu.memref_squeeze %dma_wait3A_124 : memref<1x128xi32, #tpu.memory_space<vmem>> -> memref<128xi32, #tpu.memory_space<vmem>>
            %dma_wait3A_126 = arith.constant 0 : i32
            %dma_wait3A_127 = arith.constant 0 : i32
            %dma_wait3A_128 = tpu.memref_slice %arg2[%dma_wait3A_126, %dma_wait3A_127] : memref<10240x128xf32, #tpu.memory_space<hbm>> -> memref<10240x128xf32, #tpu.memory_space<hbm>>
            tpu.wait_indirect_dma semaphore(%arg15 : memref<!tpu.dma_semaphore, #tpu.memory_space<semaphore_mem>>) src(%dma_wait3A_128 : memref<10240x128xf32, #tpu.memory_space<hbm>>) dst(%arg13 : memref<128x128xf32, #tpu.memory_space<vmem>>)
            %rem3A_129 = arith.constant 16 : i32
            %rem3A_130 = arith.remsi %scan3A_35, %rem3A_129 : i32
            %dma_start3A_131 = arith.constant 0 : i32
            %dma_start3A_132 = tpu.memref_slice %arg11[%rem3A_130, %dma_start3A_131] : memref<16x128xi32, #tpu.memory_space<vmem>> -> memref<1x128xi32, #tpu.memory_space<vmem>>
            %dma_start3A_133 = tpu.memref_squeeze %dma_start3A_132 : memref<1x128xi32, #tpu.memory_space<vmem>> -> memref<128xi32, #tpu.memory_space<vmem>>
            %dma_start3A_134 = arith.constant 0 : i32
            %dma_start3A_135 = arith.constant 0 : i32
            %dma_start3A_136 = tpu.memref_slice %arg18[%dma_start3A_134, %dma_start3A_135] : memref<10240x128xf32, #tpu.memory_space<vmem_shared>> -> memref<10240x128xf32, #tpu.memory_space<vmem_shared>>
            tpu.enqueue_indirect_dma source(%arg13 : memref<128x128xf32, #tpu.memory_space<vmem>>) target(%dma_start3A_136 : memref<10240x128xf32, #tpu.memory_space<vmem_shared>>) offsets(%dma_start3A_133 : memref<128xi32, #tpu.memory_space<vmem>>) semaphore(%arg17 : memref<!tpu.dma_semaphore, #tpu.memory_space<semaphore_mem>>) {add = true}
          } else {
          }
        } else {
        }
      }
      %scan3A_23 = arith.constant 160 : i32
      %dma_wait3A = arith.constant 0 : i32
      %dma_wait3A_24 = arith.constant 0 : i32
      %dma_wait3A_25 = tpu.memref_slice %arg10[%dma_wait3A, %dma_wait3A_24] : memref<16x128xi32, #tpu.memory_space<vmem>> -> memref<1x128xi32, #tpu.memory_space<vmem>>
      %dma_wait3A_26 = tpu.memref_squeeze %dma_wait3A_25 : memref<1x128xi32, #tpu.memory_space<vmem>> -> memref<128xi32, #tpu.memory_space<vmem>>
      %dma_wait3A_27 = arith.constant 0 : i32
      %dma_wait3A_28 = arith.constant 0 : i32
      %dma_wait3A_29 = tpu.memref_slice %arg18[%dma_wait3A_27, %dma_wait3A_28] : memref<10240x128xf32, #tpu.memory_space<vmem_shared>> -> memref<10240x128xf32, #tpu.memory_space<vmem_shared>>
      tpu.wait_indirect_dma semaphore(%arg17 : memref<!tpu.dma_semaphore, #tpu.memory_space<semaphore_mem>>) src(%arg13 : memref<128x128xf32, #tpu.memory_space<vmem>>) dst(%dma_wait3A_29 : memref<10240x128xf32, #tpu.memory_space<vmem_shared>>)
      %barrier3A_30 = arith.constant 0 : index
      tpu.barrier barrier_id(%barrier3A_30)
      %mul3A_31 = arith.constant 640 : i32
      %mul3A_32 = arith.muli %arg1, %mul3A_31 : i32
      %mul3A_33 = arith.constant 640 : i32
      %mul3A_34 = arith.muli %arg1, %mul3A_33 : i32
      "tpu.region"() ({
        %run_scoped3A = tpu.sem_alloc : memref<!tpu.dma_semaphore, #tpu.memory_space<semaphore_mem>>
        %dma_start3A_35 = arith.constant 0 : i32
        %dma_start3A_36 = tpu.memref_slice %arg6[%mul3A_34, %dma_start3A_35] : memref<10240x128xf32, #tpu.memory_space<hbm>> -> memref<640x128xf32, #tpu.memory_space<hbm>>
        %dma_start3A_37 = arith.constant 0 : i32
        %dma_start3A_38 = tpu.memref_slice %arg18[%mul3A_32, %dma_start3A_37] : memref<10240x128xf32, #tpu.memory_space<vmem_shared>> -> memref<640x128xf32, #tpu.memory_space<vmem_shared>>
        tpu.enqueue_dma source(%dma_start3A_38 : memref<640x128xf32, #tpu.memory_space<vmem_shared>>) target(%dma_start3A_36 : memref<640x128xf32, #tpu.memory_space<hbm>>) target_semaphore(%run_scoped3A : memref<!tpu.dma_semaphore, #tpu.memory_space<semaphore_mem>>)
        %dma_wait3A_39 = arith.constant 0 : i32
        %dma_wait3A_40 = tpu.memref_slice %arg6[%mul3A_34, %dma_wait3A_39] : memref<10240x128xf32, #tpu.memory_space<hbm>> -> memref<640x128xf32, #tpu.memory_space<hbm>>
        %dma_wait3A_41 = arith.constant 0 : i32
        %dma_wait3A_42 = tpu.memref_slice %arg18[%mul3A_32, %dma_wait3A_41] : memref<10240x128xf32, #tpu.memory_space<vmem_shared>> -> memref<640x128xf32, #tpu.memory_space<vmem_shared>>
        tpu.wait_dma2 semaphore(%run_scoped3A : memref<!tpu.dma_semaphore, #tpu.memory_space<semaphore_mem>>) src(%dma_wait3A_42 : memref<640x128xf32, #tpu.memory_space<vmem_shared>>) dst(%dma_wait3A_40 : memref<640x128xf32, #tpu.memory_space<hbm>>)
        tpu.yield
      }) : () -> ()
    } else {
    }
    %eq3A_3 = arith.constant 1 : i32
    %eq3A_4 = arith.cmpi eq, %arg0, %eq3A_3 : i32
    %convert_element_type3A_5 = arith.extui %eq3A_4 : i1 to i32
    %cond3A_6 = arith.constant 0 : i32
    %cond3A_7 = arith.cmpi ne, %convert_element_type3A_5, %cond3A_6 : i32
    scf.if %cond3A_7 {
      %mul3A_8 = arith.constant 640 : i32
      %mul3A_9 = arith.muli %arg1, %mul3A_8 : i32
      %mul3A_10 = arith.constant 640 : i32
      %mul3A_11 = arith.muli %arg1, %mul3A_10 : i32
      "tpu.region"() ({
        %run_scoped3A = tpu.sem_alloc : memref<!tpu.dma_semaphore, #tpu.memory_space<semaphore_mem>>
        %dma_start3A_35 = arith.constant 0 : i32
        %dma_start3A_36 = tpu.memref_slice %arg18[%mul3A_11, %dma_start3A_35] : memref<10240x128xf32, #tpu.memory_space<vmem_shared>> -> memref<640x128xf32, #tpu.memory_space<vmem_shared>>
        %dma_start3A_37 = arith.constant 0 : i32
        %dma_start3A_38 = tpu.memref_slice %arg3[%mul3A_9, %dma_start3A_37] : memref<10240x128xf32, #tpu.memory_space<hbm>> -> memref<640x128xf32, #tpu.memory_space<hbm>>
        tpu.enqueue_dma source(%dma_start3A_38 : memref<640x128xf32, #tpu.memory_space<hbm>>) target(%dma_start3A_36 : memref<640x128xf32, #tpu.memory_space<vmem_shared>>) target_semaphore(%run_scoped3A : memref<!tpu.dma_semaphore, #tpu.memory_space<semaphore_mem>>)
        %dma_wait3A_39 = arith.constant 0 : i32
        %dma_wait3A_40 = tpu.memref_slice %arg18[%mul3A_11, %dma_wait3A_39] : memref<10240x128xf32, #tpu.memory_space<vmem_shared>> -> memref<640x128xf32, #tpu.memory_space<vmem_shared>>
        %dma_wait3A_41 = arith.constant 0 : i32
        %dma_wait3A_42 = tpu.memref_slice %arg3[%mul3A_9, %dma_wait3A_41] : memref<10240x128xf32, #tpu.memory_space<hbm>> -> memref<640x128xf32, #tpu.memory_space<hbm>>
        tpu.wait_dma2 semaphore(%run_scoped3A : memref<!tpu.dma_semaphore, #tpu.memory_space<semaphore_mem>>) src(%dma_wait3A_42 : memref<640x128xf32, #tpu.memory_space<hbm>>) dst(%dma_wait3A_40 : memref<640x128xf32, #tpu.memory_space<vmem_shared>>)
        tpu.yield
      }) : () -> ()
      %barrier3A = arith.constant 0 : index
      tpu.barrier barrier_id(%barrier3A)
      %add3A = arith.constant 0 : i32
      %add3A_12 = arith.addi %mul3A_0, %add3A : i32
      %multiple_of3A = tpu.assume_multiple %add3A_12, 8 : i32
      "tpu.region"() ({
        %run_scoped3A = tpu.sem_alloc : memref<!tpu.dma_semaphore, #tpu.memory_space<semaphore_mem>>
        %dma_start3A_35 = arith.constant 0 : i32
        %dma_start3A_36 = tpu.memref_slice %arg4[%multiple_of3A, %dma_start3A_35] : memref<2560x128xi32, #tpu.memory_space<hbm>> -> memref<16x128xi32, #tpu.memory_space<hbm>>
        %dma_start3A_37 = arith.constant 0 : i32
        %dma_start3A_38 = tpu.memref_slice %arg4[%multiple_of3A, %dma_start3A_37] : memref<2560x128xi32, #tpu.memory_space<hbm>> -> memref<16x128xi32, #tpu.memory_space<hbm>>
        tpu.enqueue_dma source(%dma_start3A_38 : memref<16x128xi32, #tpu.memory_space<hbm>>) target(%arg8 : memref<16x128xi32, #tpu.memory_space<vmem>>) target_semaphore(%run_scoped3A : memref<!tpu.dma_semaphore, #tpu.memory_space<semaphore_mem>>)
        %dma_wait3A_39 = arith.constant 0 : i32
        %dma_wait3A_40 = tpu.memref_slice %arg4[%multiple_of3A, %dma_wait3A_39] : memref<2560x128xi32, #tpu.memory_space<hbm>> -> memref<16x128xi32, #tpu.memory_space<hbm>>
        %dma_wait3A_41 = arith.constant 0 : i32
        %dma_wait3A_42 = tpu.memref_slice %arg4[%multiple_of3A, %dma_wait3A_41] : memref<2560x128xi32, #tpu.memory_space<hbm>> -> memref<16x128xi32, #tpu.memory_space<hbm>>
        tpu.wait_dma2 semaphore(%run_scoped3A : memref<!tpu.dma_semaphore, #tpu.memory_space<semaphore_mem>>) src(%dma_wait3A_42 : memref<16x128xi32, #tpu.memory_space<hbm>>) dst(%arg8 : memref<16x128xi32, #tpu.memory_space<vmem>>)
        tpu.yield
      }) : () -> ()
      "tpu.region"() ({
        %run_scoped3A = tpu.sem_alloc : memref<!tpu.dma_semaphore, #tpu.memory_space<semaphore_mem>>
        %dma_start3A_35 = arith.constant 0 : i32
        %dma_start3A_36 = tpu.memref_slice %arg5[%multiple_of3A, %dma_start3A_35] : memref<2560x128xi32, #tpu.memory_space<hbm>> -> memref<16x128xi32, #tpu.memory_space<hbm>>
        %dma_start3A_37 = arith.constant 0 : i32
        %dma_start3A_38 = tpu.memref_slice %arg5[%multiple_of3A, %dma_start3A_37] : memref<2560x128xi32, #tpu.memory_space<hbm>> -> memref<16x128xi32, #tpu.memory_space<hbm>>
        tpu.enqueue_dma source(%dma_start3A_38 : memref<16x128xi32, #tpu.memory_space<hbm>>) target(%arg10 : memref<16x128xi32, #tpu.memory_space<vmem>>) target_semaphore(%run_scoped3A : memref<!tpu.dma_semaphore, #tpu.memory_space<semaphore_mem>>)
        %dma_wait3A_39 = arith.constant 0 : i32
        %dma_wait3A_40 = tpu.memref_slice %arg5[%multiple_of3A, %dma_wait3A_39] : memref<2560x128xi32, #tpu.memory_space<hbm>> -> memref<16x128xi32, #tpu.memory_space<hbm>>
        %dma_wait3A_41 = arith.constant 0 : i32
        %dma_wait3A_42 = tpu.memref_slice %arg5[%multiple_of3A, %dma_wait3A_41] : memref<2560x128xi32, #tpu.memory_space<hbm>> -> memref<16x128xi32, #tpu.memory_space<hbm>>
        tpu.wait_dma2 semaphore(%run_scoped3A : memref<!tpu.dma_semaphore, #tpu.memory_space<semaphore_mem>>) src(%dma_wait3A_42 : memref<16x128xi32, #tpu.memory_space<hbm>>) dst(%arg10 : memref<16x128xi32, #tpu.memory_space<vmem>>)
        tpu.yield
      }) : () -> ()
      %dma_start3A = arith.constant 0 : i32
      %dma_start3A_13 = arith.constant 0 : i32
      %dma_start3A_14 = tpu.memref_slice %arg8[%dma_start3A, %dma_start3A_13] : memref<16x128xi32, #tpu.memory_space<vmem>> -> memref<1x128xi32, #tpu.memory_space<vmem>>
      %dma_start3A_15 = tpu.memref_squeeze %dma_start3A_14 : memref<1x128xi32, #tpu.memory_space<vmem>> -> memref<128xi32, #tpu.memory_space<vmem>>
      %dma_start3A_16 = arith.constant 0 : i32
      %dma_start3A_17 = arith.constant 0 : i32
      %dma_start3A_18 = tpu.memref_slice %arg3[%dma_start3A_16, %dma_start3A_17] : memref<10240x128xf32, #tpu.memory_space<hbm>> -> memref<10240x128xf32, #tpu.memory_space<hbm>>
      tpu.enqueue_indirect_dma source(%dma_start3A_18 : memref<10240x128xf32, #tpu.memory_space<hbm>>) target(%arg12 : memref<128x128xf32, #tpu.memory_space<vmem>>) offsets(%dma_start3A_15 : memref<128xi32, #tpu.memory_space<vmem>>) semaphore(%arg14 : memref<!tpu.dma_semaphore, #tpu.memory_space<semaphore_mem>>)
      %scan3A = arith.constant 0 : i32
      %scan3A_19 = arith.constant 0 : i32
      %scan3A_20 = arith.constant 160 : i32
      %scan3A_21 = arith.addi %scan3A_19, %scan3A_20 : i32
      %scan3A_22 = arith.constant 1 : i32
      scf.for %scan3A_35 = %scan3A_19 to %scan3A_21 step %scan3A_22  : i32 {
        %rem3A = arith.constant 2 : i32
        %rem3A_36 = arith.remsi %scan3A_35, %rem3A : i32
        %add3A_37 = arith.constant 1 : i32
        %add3A_38 = arith.addi %scan3A_35, %add3A_37 : i32
        %jit3A = arith.constant 16 : i32
        %div3A = arith.divsi %scan3A_35, %jit3A : i32
        %sign3A = arith.constant 0 : i32
        %sign3A_39 = arith.cmpi sgt, %scan3A_35, %sign3A : i32
        %sign3A_40 = arith.extui %sign3A_39 : i1 to i32
        %sign3A_41 = arith.constant 0 : i32
        %sign3A_42 = arith.cmpi slt, %scan3A_35, %sign3A_41 : i32
        %sign3A_43 = arith.extui %sign3A_42 : i1 to i32
        %sign3A_44 = arith.subi %sign3A_40, %sign3A_43 : i32
        %sign3A_45 = arith.constant 0 : i32
        %sign3A_46 = arith.cmpi sgt, %jit3A, %sign3A_45 : i32
        %sign3A_47 = arith.extui %sign3A_46 : i1 to i32
        %sign3A_48 = arith.constant 0 : i32
        %sign3A_49 = arith.cmpi slt, %jit3A, %sign3A_48 : i32
        %sign3A_50 = arith.extui %sign3A_49 : i1 to i32
        %sign3A_51 = arith.subi %sign3A_47, %sign3A_50 : i32
        %ne3A = arith.cmpi ne, %sign3A_44, %sign3A_51 : i32
        %rem3A_52 = arith.remsi %scan3A_35, %jit3A : i32
        %ne3A_53 = arith.constant 0 : i32
        %ne3A_54 = arith.cmpi ne, %rem3A_52, %ne3A_53 : i32
        %and3A = arith.andi %ne3A, %ne3A_54 : i1
        %sub3A = arith.constant 1 : i32
        %sub3A_55 = arith.subi %div3A, %sub3A : i32
        %select_n3A = arith.select %and3A, %sub3A_55, %div3A : i32
        %rem3A_56 = arith.constant 2 : i32
        %rem3A_57 = arith.remsi %select_n3A, %rem3A_56 : i32
        %jit3A_58 = arith.constant 16 : i32
        %div3A_59 = arith.divsi %add3A_38, %jit3A_58 : i32
        %sign3A_60 = arith.constant 0 : i32
        %sign3A_61 = arith.cmpi sgt, %add3A_38, %sign3A_60 : i32
        %sign3A_62 = arith.extui %sign3A_61 : i1 to i32
        %sign3A_63 = arith.constant 0 : i32
        %sign3A_64 = arith.cmpi slt, %add3A_38, %sign3A_63 : i32
        %sign3A_65 = arith.extui %sign3A_64 : i1 to i32
        %sign3A_66 = arith.subi %sign3A_62, %sign3A_65 : i32
        %sign3A_67 = arith.constant 0 : i32
        %sign3A_68 = arith.cmpi sgt, %jit3A_58, %sign3A_67 : i32
        %sign3A_69 = arith.extui %sign3A_68 : i1 to i32
        %sign3A_70 = arith.constant 0 : i32
        %sign3A_71 = arith.cmpi slt, %jit3A_58, %sign3A_70 : i32
        %sign3A_72 = arith.extui %sign3A_71 : i1 to i32
        %sign3A_73 = arith.subi %sign3A_69, %sign3A_72 : i32
        %ne3A_74 = arith.cmpi ne, %sign3A_66, %sign3A_73 : i32
        %rem3A_75 = arith.remsi %add3A_38, %jit3A_58 : i32
        %ne3A_76 = arith.constant 0 : i32
        %ne3A_77 = arith.cmpi ne, %rem3A_75, %ne3A_76 : i32
        %and3A_78 = arith.andi %ne3A_74, %ne3A_77 : i1
        %sub3A_79 = arith.constant 1 : i32
        %sub3A_80 = arith.subi %div3A_59, %sub3A_79 : i32
        %select_n3A_81 = arith.select %and3A_78, %sub3A_80, %div3A_59 : i32
        %rem3A_82 = arith.constant 2 : i32
        %rem3A_83 = arith.remsi %select_n3A_81, %rem3A_82 : i32
        %rem3A_84 = arith.constant 16 : i32
        %rem3A_85 = arith.remsi %add3A_38, %rem3A_84 : i32
        %lt3A = arith.constant 160 : i32
        %lt3A_86 = arith.cmpi slt, %add3A_38, %lt3A : i32
        %eq3A_87 = arith.constant 0 : i32
        %eq3A_88 = arith.cmpi eq, %rem3A_85, %eq3A_87 : i32
        %and3A_89 = arith.andi %lt3A_86, %eq3A_88 : i1
        %convert_element_type3A_90 = arith.extui %and3A_89 : i1 to i32
        %cond3A_91 = arith.constant 0 : i32
        %cond3A_92 = arith.cmpi ne, %convert_element_type3A_90, %cond3A_91 : i32
        scf.if %cond3A_92 {
          %eq3A_112 = arith.constant 0 : i32
          %eq3A_113 = arith.cmpi eq, %rem3A_83, %eq3A_112 : i32
          %convert_element_type3A_114 = arith.extui %eq3A_113 : i1 to i32
          %cond3A_115 = arith.constant 0 : i32
          %cond3A_116 = arith.cmpi ne, %convert_element_type3A_114, %cond3A_115 : i32
          scf.if %cond3A_116 {
            %jit3A_122 = arith.constant 16 : i32
            %div3A_123 = arith.divsi %add3A_38, %jit3A_122 : i32
            %sign3A_124 = arith.constant 0 : i32
            %sign3A_125 = arith.cmpi sgt, %add3A_38, %sign3A_124 : i32
            %sign3A_126 = arith.extui %sign3A_125 : i1 to i32
            %sign3A_127 = arith.constant 0 : i32
            %sign3A_128 = arith.cmpi slt, %add3A_38, %sign3A_127 : i32
            %sign3A_129 = arith.extui %sign3A_128 : i1 to i32
            %sign3A_130 = arith.subi %sign3A_126, %sign3A_129 : i32
            %sign3A_131 = arith.constant 0 : i32
            %sign3A_132 = arith.cmpi sgt, %jit3A_122, %sign3A_131 : i32
            %sign3A_133 = arith.extui %sign3A_132 : i1 to i32
            %sign3A_134 = arith.constant 0 : i32
            %sign3A_135 = arith.cmpi slt, %jit3A_122, %sign3A_134 : i32
            %sign3A_136 = arith.extui %sign3A_135 : i1 to i32
            %sign3A_137 = arith.subi %sign3A_133, %sign3A_136 : i32
            %ne3A_138 = arith.cmpi ne, %sign3A_130, %sign3A_137 : i32
            %rem3A_139 = arith.remsi %add3A_38, %jit3A_122 : i32
            %ne3A_140 = arith.constant 0 : i32
            %ne3A_141 = arith.cmpi ne, %rem3A_139, %ne3A_140 : i32
            %and3A_142 = arith.andi %ne3A_138, %ne3A_141 : i1
            %sub3A_143 = arith.constant 1 : i32
            %sub3A_144 = arith.subi %div3A_123, %sub3A_143 : i32
            %select_n3A_145 = arith.select %and3A_142, %sub3A_144, %div3A_123 : i32
            %mul3A_146 = arith.constant 16 : i32
            %mul3A_147 = arith.muli %select_n3A_145, %mul3A_146 : i32
            %add3A_148 = arith.addi %mul3A_0, %mul3A_147 : i32
            %multiple_of3A_149 = tpu.assume_multiple %add3A_148, 8 : i32
            "tpu.region"() ({
              %run_scoped3A = tpu.sem_alloc : memref<!tpu.dma_semaphore, #tpu.memory_space<semaphore_mem>>
              %dma_start3A_150 = arith.constant 0 : i32
              %dma_start3A_151 = tpu.memref_slice %arg4[%multiple_of3A_149, %dma_start3A_150] : memref<2560x128xi32, #tpu.memory_space<hbm>> -> memref<16x128xi32, #tpu.memory_space<hbm>>
              %dma_start3A_152 = arith.constant 0 : i32
              %dma_start3A_153 = tpu.memref_slice %arg4[%multiple_of3A_149, %dma_start3A_152] : memref<2560x128xi32, #tpu.memory_space<hbm>> -> memref<16x128xi32, #tpu.memory_space<hbm>>
              tpu.enqueue_dma source(%dma_start3A_153 : memref<16x128xi32, #tpu.memory_space<hbm>>) target(%arg8 : memref<16x128xi32, #tpu.memory_space<vmem>>) target_semaphore(%run_scoped3A : memref<!tpu.dma_semaphore, #tpu.memory_space<semaphore_mem>>)
              %dma_wait3A_154 = arith.constant 0 : i32
              %dma_wait3A_155 = tpu.memref_slice %arg4[%multiple_of3A_149, %dma_wait3A_154] : memref<2560x128xi32, #tpu.memory_space<hbm>> -> memref<16x128xi32, #tpu.memory_space<hbm>>
              %dma_wait3A_156 = arith.constant 0 : i32
              %dma_wait3A_157 = tpu.memref_slice %arg4[%multiple_of3A_149, %dma_wait3A_156] : memref<2560x128xi32, #tpu.memory_space<hbm>> -> memref<16x128xi32, #tpu.memory_space<hbm>>
              tpu.wait_dma2 semaphore(%run_scoped3A : memref<!tpu.dma_semaphore, #tpu.memory_space<semaphore_mem>>) src(%dma_wait3A_157 : memref<16x128xi32, #tpu.memory_space<hbm>>) dst(%arg8 : memref<16x128xi32, #tpu.memory_space<vmem>>)
              tpu.yield
            }) : () -> ()
            "tpu.region"() ({
              %run_scoped3A = tpu.sem_alloc : memref<!tpu.dma_semaphore, #tpu.memory_space<semaphore_mem>>
              %dma_start3A_150 = arith.constant 0 : i32
              %dma_start3A_151 = tpu.memref_slice %arg5[%multiple_of3A_149, %dma_start3A_150] : memref<2560x128xi32, #tpu.memory_space<hbm>> -> memref<16x128xi32, #tpu.memory_space<hbm>>
              %dma_start3A_152 = arith.constant 0 : i32
              %dma_start3A_153 = tpu.memref_slice %arg5[%multiple_of3A_149, %dma_start3A_152] : memref<2560x128xi32, #tpu.memory_space<hbm>> -> memref<16x128xi32, #tpu.memory_space<hbm>>
              tpu.enqueue_dma source(%dma_start3A_153 : memref<16x128xi32, #tpu.memory_space<hbm>>) target(%arg10 : memref<16x128xi32, #tpu.memory_space<vmem>>) target_semaphore(%run_scoped3A : memref<!tpu.dma_semaphore, #tpu.memory_space<semaphore_mem>>)
              %dma_wait3A_154 = arith.constant 0 : i32
              %dma_wait3A_155 = tpu.memref_slice %arg5[%multiple_of3A_149, %dma_wait3A_154] : memref<2560x128xi32, #tpu.memory_space<hbm>> -> memref<16x128xi32, #tpu.memory_space<hbm>>
              %dma_wait3A_156 = arith.constant 0 : i32
              %dma_wait3A_157 = tpu.memref_slice %arg5[%multiple_of3A_149, %dma_wait3A_156] : memref<2560x128xi32, #tpu.memory_space<hbm>> -> memref<16x128xi32, #tpu.memory_space<hbm>>
              tpu.wait_dma2 semaphore(%run_scoped3A : memref<!tpu.dma_semaphore, #tpu.memory_space<semaphore_mem>>) src(%dma_wait3A_157 : memref<16x128xi32, #tpu.memory_space<hbm>>) dst(%arg10 : memref<16x128xi32, #tpu.memory_space<vmem>>)
              tpu.yield
            }) : () -> ()
          } else {
          }
          %eq3A_117 = arith.constant 1 : i32
          %eq3A_118 = arith.cmpi eq, %rem3A_83, %eq3A_117 : i32
          %convert_element_type3A_119 = arith.extui %eq3A_118 : i1 to i32
          %cond3A_120 = arith.constant 0 : i32
          %cond3A_121 = arith.cmpi ne, %convert_element_type3A_119, %cond3A_120 : i32
          scf.if %cond3A_121 {
            %jit3A_122 = arith.constant 16 : i32
            %div3A_123 = arith.divsi %add3A_38, %jit3A_122 : i32
            %sign3A_124 = arith.constant 0 : i32
            %sign3A_125 = arith.cmpi sgt, %add3A_38, %sign3A_124 : i32
            %sign3A_126 = arith.extui %sign3A_125 : i1 to i32
            %sign3A_127 = arith.constant 0 : i32
            %sign3A_128 = arith.cmpi slt, %add3A_38, %sign3A_127 : i32
            %sign3A_129 = arith.extui %sign3A_128 : i1 to i32
            %sign3A_130 = arith.subi %sign3A_126, %sign3A_129 : i32
            %sign3A_131 = arith.constant 0 : i32
            %sign3A_132 = arith.cmpi sgt, %jit3A_122, %sign3A_131 : i32
            %sign3A_133 = arith.extui %sign3A_132 : i1 to i32
            %sign3A_134 = arith.constant 0 : i32
            %sign3A_135 = arith.cmpi slt, %jit3A_122, %sign3A_134 : i32
            %sign3A_136 = arith.extui %sign3A_135 : i1 to i32
            %sign3A_137 = arith.subi %sign3A_133, %sign3A_136 : i32
            %ne3A_138 = arith.cmpi ne, %sign3A_130, %sign3A_137 : i32
            %rem3A_139 = arith.remsi %add3A_38, %jit3A_122 : i32
            %ne3A_140 = arith.constant 0 : i32
            %ne3A_141 = arith.cmpi ne, %rem3A_139, %ne3A_140 : i32
            %and3A_142 = arith.andi %ne3A_138, %ne3A_141 : i1
            %sub3A_143 = arith.constant 1 : i32
            %sub3A_144 = arith.subi %div3A_123, %sub3A_143 : i32
            %select_n3A_145 = arith.select %and3A_142, %sub3A_144, %div3A_123 : i32
            %mul3A_146 = arith.constant 16 : i32
            %mul3A_147 = arith.muli %select_n3A_145, %mul3A_146 : i32
            %add3A_148 = arith.addi %mul3A_0, %mul3A_147 : i32
            %multiple_of3A_149 = tpu.assume_multiple %add3A_148, 8 : i32
            "tpu.region"() ({
              %run_scoped3A = tpu.sem_alloc : memref<!tpu.dma_semaphore, #tpu.memory_space<semaphore_mem>>
              %dma_start3A_150 = arith.constant 0 : i32
              %dma_start3A_151 = tpu.memref_slice %arg4[%multiple_of3A_149, %dma_start3A_150] : memref<2560x128xi32, #tpu.memory_space<hbm>> -> memref<16x128xi32, #tpu.memory_space<hbm>>
              %dma_start3A_152 = arith.constant 0 : i32
              %dma_start3A_153 = tpu.memref_slice %arg4[%multiple_of3A_149, %dma_start3A_152] : memref<2560x128xi32, #tpu.memory_space<hbm>> -> memref<16x128xi32, #tpu.memory_space<hbm>>
              tpu.enqueue_dma source(%dma_start3A_153 : memref<16x128xi32, #tpu.memory_space<hbm>>) target(%arg9 : memref<16x128xi32, #tpu.memory_space<vmem>>) target_semaphore(%run_scoped3A : memref<!tpu.dma_semaphore, #tpu.memory_space<semaphore_mem>>)
              %dma_wait3A_154 = arith.constant 0 : i32
              %dma_wait3A_155 = tpu.memref_slice %arg4[%multiple_of3A_149, %dma_wait3A_154] : memref<2560x128xi32, #tpu.memory_space<hbm>> -> memref<16x128xi32, #tpu.memory_space<hbm>>
              %dma_wait3A_156 = arith.constant 0 : i32
              %dma_wait3A_157 = tpu.memref_slice %arg4[%multiple_of3A_149, %dma_wait3A_156] : memref<2560x128xi32, #tpu.memory_space<hbm>> -> memref<16x128xi32, #tpu.memory_space<hbm>>
              tpu.wait_dma2 semaphore(%run_scoped3A : memref<!tpu.dma_semaphore, #tpu.memory_space<semaphore_mem>>) src(%dma_wait3A_157 : memref<16x128xi32, #tpu.memory_space<hbm>>) dst(%arg9 : memref<16x128xi32, #tpu.memory_space<vmem>>)
              tpu.yield
            }) : () -> ()
            "tpu.region"() ({
              %run_scoped3A = tpu.sem_alloc : memref<!tpu.dma_semaphore, #tpu.memory_space<semaphore_mem>>
              %dma_start3A_150 = arith.constant 0 : i32
              %dma_start3A_151 = tpu.memref_slice %arg5[%multiple_of3A_149, %dma_start3A_150] : memref<2560x128xi32, #tpu.memory_space<hbm>> -> memref<16x128xi32, #tpu.memory_space<hbm>>
              %dma_start3A_152 = arith.constant 0 : i32
              %dma_start3A_153 = tpu.memref_slice %arg5[%multiple_of3A_149, %dma_start3A_152] : memref<2560x128xi32, #tpu.memory_space<hbm>> -> memref<16x128xi32, #tpu.memory_space<hbm>>
              tpu.enqueue_dma source(%dma_start3A_153 : memref<16x128xi32, #tpu.memory_space<hbm>>) target(%arg11 : memref<16x128xi32, #tpu.memory_space<vmem>>) target_semaphore(%run_scoped3A : memref<!tpu.dma_semaphore, #tpu.memory_space<semaphore_mem>>)
              %dma_wait3A_154 = arith.constant 0 : i32
              %dma_wait3A_155 = tpu.memref_slice %arg5[%multiple_of3A_149, %dma_wait3A_154] : memref<2560x128xi32, #tpu.memory_space<hbm>> -> memref<16x128xi32, #tpu.memory_space<hbm>>
              %dma_wait3A_156 = arith.constant 0 : i32
              %dma_wait3A_157 = tpu.memref_slice %arg5[%multiple_of3A_149, %dma_wait3A_156] : memref<2560x128xi32, #tpu.memory_space<hbm>> -> memref<16x128xi32, #tpu.memory_space<hbm>>
              tpu.wait_dma2 semaphore(%run_scoped3A : memref<!tpu.dma_semaphore, #tpu.memory_space<semaphore_mem>>) src(%dma_wait3A_157 : memref<16x128xi32, #tpu.memory_space<hbm>>) dst(%arg11 : memref<16x128xi32, #tpu.memory_space<vmem>>)
              tpu.yield
            }) : () -> ()
          } else {
          }
        } else {
        }
        %ge3A = arith.constant 1 : i32
        %ge3A_93 = arith.cmpi sge, %scan3A_35, %ge3A : i32
        %convert_element_type3A_94 = arith.extui %ge3A_93 : i1 to i32
        %cond3A_95 = arith.constant 0 : i32
        %cond3A_96 = arith.cmpi ne, %convert_element_type3A_94, %cond3A_95 : i32
        scf.if %cond3A_96 {
          %eq3A_112 = arith.constant 0 : i32
          %eq3A_113 = arith.cmpi eq, %rem3A_36, %eq3A_112 : i32
          %convert_element_type3A_114 = arith.extui %eq3A_113 : i1 to i32
          %cond3A_115 = arith.constant 0 : i32
          %cond3A_116 = arith.cmpi ne, %convert_element_type3A_114, %cond3A_115 : i32
          scf.if %cond3A_116 {
            %dma_wait3A_122 = arith.constant 0 : i32
            %dma_wait3A_123 = arith.constant 0 : i32
            %dma_wait3A_124 = tpu.memref_slice %arg10[%dma_wait3A_122, %dma_wait3A_123] : memref<16x128xi32, #tpu.memory_space<vmem>> -> memref<1x128xi32, #tpu.memory_space<vmem>>
            %dma_wait3A_125 = tpu.memref_squeeze %dma_wait3A_124 : memref<1x128xi32, #tpu.memory_space<vmem>> -> memref<128xi32, #tpu.memory_space<vmem>>
            %dma_wait3A_126 = arith.constant 0 : i32
            %dma_wait3A_127 = arith.constant 0 : i32
            %dma_wait3A_128 = tpu.memref_slice %arg18[%dma_wait3A_126, %dma_wait3A_127] : memref<10240x128xf32, #tpu.memory_space<vmem_shared>> -> memref<10240x128xf32, #tpu.memory_space<vmem_shared>>
            tpu.wait_indirect_dma semaphore(%arg17 : memref<!tpu.dma_semaphore, #tpu.memory_space<semaphore_mem>>) src(%arg13 : memref<128x128xf32, #tpu.memory_space<vmem>>) dst(%dma_wait3A_128 : memref<10240x128xf32, #tpu.memory_space<vmem_shared>>)
          } else {
          }
          %eq3A_117 = arith.constant 1 : i32
          %eq3A_118 = arith.cmpi eq, %rem3A_36, %eq3A_117 : i32
          %convert_element_type3A_119 = arith.extui %eq3A_118 : i1 to i32
          %cond3A_120 = arith.constant 0 : i32
          %cond3A_121 = arith.cmpi ne, %convert_element_type3A_119, %cond3A_120 : i32
          scf.if %cond3A_121 {
            %dma_wait3A_122 = arith.constant 0 : i32
            %dma_wait3A_123 = arith.constant 0 : i32
            %dma_wait3A_124 = tpu.memref_slice %arg10[%dma_wait3A_122, %dma_wait3A_123] : memref<16x128xi32, #tpu.memory_space<vmem>> -> memref<1x128xi32, #tpu.memory_space<vmem>>
            %dma_wait3A_125 = tpu.memref_squeeze %dma_wait3A_124 : memref<1x128xi32, #tpu.memory_space<vmem>> -> memref<128xi32, #tpu.memory_space<vmem>>
            %dma_wait3A_126 = arith.constant 0 : i32
            %dma_wait3A_127 = arith.constant 0 : i32
            %dma_wait3A_128 = tpu.memref_slice %arg18[%dma_wait3A_126, %dma_wait3A_127] : memref<10240x128xf32, #tpu.memory_space<vmem_shared>> -> memref<10240x128xf32, #tpu.memory_space<vmem_shared>>
            tpu.wait_indirect_dma semaphore(%arg16 : memref<!tpu.dma_semaphore, #tpu.memory_space<semaphore_mem>>) src(%arg12 : memref<128x128xf32, #tpu.memory_space<vmem>>) dst(%dma_wait3A_128 : memref<10240x128xf32, #tpu.memory_space<vmem_shared>>)
          } else {
          }
        } else {
        }
        %lt3A_97 = arith.constant 160 : i32
        %lt3A_98 = arith.cmpi slt, %add3A_38, %lt3A_97 : i32
        %convert_element_type3A_99 = arith.extui %lt3A_98 : i1 to i32
        %cond3A_100 = arith.constant 0 : i32
        %cond3A_101 = arith.cmpi ne, %convert_element_type3A_99, %cond3A_100 : i32
        scf.if %cond3A_101 {
          %eq3A_112 = arith.constant 0 : i32
          %eq3A_113 = arith.cmpi eq, %rem3A_83, %eq3A_112 : i32
          %convert_element_type3A_114 = arith.extui %eq3A_113 : i1 to i32
          %cond3A_115 = arith.constant 0 : i32
          %cond3A_116 = arith.cmpi ne, %convert_element_type3A_114, %cond3A_115 : i32
          scf.if %cond3A_116 {
            %eq3A_122 = arith.constant 0 : i32
            %eq3A_123 = arith.cmpi eq, %rem3A_36, %eq3A_122 : i32
            %convert_element_type3A_124 = arith.extui %eq3A_123 : i1 to i32
            %cond3A_125 = arith.constant 0 : i32
            %cond3A_126 = arith.cmpi ne, %convert_element_type3A_124, %cond3A_125 : i32
            scf.if %cond3A_126 {
              %dma_start3A_132 = arith.constant 0 : i32
              %dma_start3A_133 = tpu.memref_slice %arg8[%rem3A_85, %dma_start3A_132] : memref<16x128xi32, #tpu.memory_space<vmem>> -> memref<1x128xi32, #tpu.memory_space<vmem>>
              %dma_start3A_134 = tpu.memref_squeeze %dma_start3A_133 : memref<1x128xi32, #tpu.memory_space<vmem>> -> memref<128xi32, #tpu.memory_space<vmem>>
              %dma_start3A_135 = arith.constant 0 : i32
              %dma_start3A_136 = arith.constant 0 : i32
              %dma_start3A_137 = tpu.memref_slice %arg3[%dma_start3A_135, %dma_start3A_136] : memref<10240x128xf32, #tpu.memory_space<hbm>> -> memref<10240x128xf32, #tpu.memory_space<hbm>>
              tpu.enqueue_indirect_dma source(%dma_start3A_137 : memref<10240x128xf32, #tpu.memory_space<hbm>>) target(%arg13 : memref<128x128xf32, #tpu.memory_space<vmem>>) offsets(%dma_start3A_134 : memref<128xi32, #tpu.memory_space<vmem>>) semaphore(%arg15 : memref<!tpu.dma_semaphore, #tpu.memory_space<semaphore_mem>>)
            } else {
            }
            %eq3A_127 = arith.constant 1 : i32
            %eq3A_128 = arith.cmpi eq, %rem3A_36, %eq3A_127 : i32
            %convert_element_type3A_129 = arith.extui %eq3A_128 : i1 to i32
            %cond3A_130 = arith.constant 0 : i32
            %cond3A_131 = arith.cmpi ne, %convert_element_type3A_129, %cond3A_130 : i32
            scf.if %cond3A_131 {
              %dma_start3A_132 = arith.constant 0 : i32
              %dma_start3A_133 = tpu.memref_slice %arg8[%rem3A_85, %dma_start3A_132] : memref<16x128xi32, #tpu.memory_space<vmem>> -> memref<1x128xi32, #tpu.memory_space<vmem>>
              %dma_start3A_134 = tpu.memref_squeeze %dma_start3A_133 : memref<1x128xi32, #tpu.memory_space<vmem>> -> memref<128xi32, #tpu.memory_space<vmem>>
              %dma_start3A_135 = arith.constant 0 : i32
              %dma_start3A_136 = arith.constant 0 : i32
              %dma_start3A_137 = tpu.memref_slice %arg3[%dma_start3A_135, %dma_start3A_136] : memref<10240x128xf32, #tpu.memory_space<hbm>> -> memref<10240x128xf32, #tpu.memory_space<hbm>>
              tpu.enqueue_indirect_dma source(%dma_start3A_137 : memref<10240x128xf32, #tpu.memory_space<hbm>>) target(%arg12 : memref<128x128xf32, #tpu.memory_space<vmem>>) offsets(%dma_start3A_134 : memref<128xi32, #tpu.memory_space<vmem>>) semaphore(%arg14 : memref<!tpu.dma_semaphore, #tpu.memory_space<semaphore_mem>>)
            } else {
            }
          } else {
          }
          %eq3A_117 = arith.constant 1 : i32
          %eq3A_118 = arith.cmpi eq, %rem3A_83, %eq3A_117 : i32
          %convert_element_type3A_119 = arith.extui %eq3A_118 : i1 to i32
          %cond3A_120 = arith.constant 0 : i32
          %cond3A_121 = arith.cmpi ne, %convert_element_type3A_119, %cond3A_120 : i32
          scf.if %cond3A_121 {
            %eq3A_122 = arith.constant 0 : i32
            %eq3A_123 = arith.cmpi eq, %rem3A_36, %eq3A_122 : i32
            %convert_element_type3A_124 = arith.extui %eq3A_123 : i1 to i32
            %cond3A_125 = arith.constant 0 : i32
            %cond3A_126 = arith.cmpi ne, %convert_element_type3A_124, %cond3A_125 : i32
            scf.if %cond3A_126 {
              %dma_start3A_132 = arith.constant 0 : i32
              %dma_start3A_133 = tpu.memref_slice %arg9[%rem3A_85, %dma_start3A_132] : memref<16x128xi32, #tpu.memory_space<vmem>> -> memref<1x128xi32, #tpu.memory_space<vmem>>
              %dma_start3A_134 = tpu.memref_squeeze %dma_start3A_133 : memref<1x128xi32, #tpu.memory_space<vmem>> -> memref<128xi32, #tpu.memory_space<vmem>>
              %dma_start3A_135 = arith.constant 0 : i32
              %dma_start3A_136 = arith.constant 0 : i32
              %dma_start3A_137 = tpu.memref_slice %arg3[%dma_start3A_135, %dma_start3A_136] : memref<10240x128xf32, #tpu.memory_space<hbm>> -> memref<10240x128xf32, #tpu.memory_space<hbm>>
              tpu.enqueue_indirect_dma source(%dma_start3A_137 : memref<10240x128xf32, #tpu.memory_space<hbm>>) target(%arg13 : memref<128x128xf32, #tpu.memory_space<vmem>>) offsets(%dma_start3A_134 : memref<128xi32, #tpu.memory_space<vmem>>) semaphore(%arg15 : memref<!tpu.dma_semaphore, #tpu.memory_space<semaphore_mem>>)
            } else {
            }
            %eq3A_127 = arith.constant 1 : i32
            %eq3A_128 = arith.cmpi eq, %rem3A_36, %eq3A_127 : i32
            %convert_element_type3A_129 = arith.extui %eq3A_128 : i1 to i32
            %cond3A_130 = arith.constant 0 : i32
            %cond3A_131 = arith.cmpi ne, %convert_element_type3A_129, %cond3A_130 : i32
            scf.if %cond3A_131 {
              %dma_start3A_132 = arith.constant 0 : i32
              %dma_start3A_133 = tpu.memref_slice %arg9[%rem3A_85, %dma_start3A_132] : memref<16x128xi32, #tpu.memory_space<vmem>> -> memref<1x128xi32, #tpu.memory_space<vmem>>
              %dma_start3A_134 = tpu.memref_squeeze %dma_start3A_133 : memref<1x128xi32, #tpu.memory_space<vmem>> -> memref<128xi32, #tpu.memory_space<vmem>>
              %dma_start3A_135 = arith.constant 0 : i32
              %dma_start3A_136 = arith.constant 0 : i32
              %dma_start3A_137 = tpu.memref_slice %arg3[%dma_start3A_135, %dma_start3A_136] : memref<10240x128xf32, #tpu.memory_space<hbm>> -> memref<10240x128xf32, #tpu.memory_space<hbm>>
              tpu.enqueue_indirect_dma source(%dma_start3A_137 : memref<10240x128xf32, #tpu.memory_space<hbm>>) target(%arg12 : memref<128x128xf32, #tpu.memory_space<vmem>>) offsets(%dma_start3A_134 : memref<128xi32, #tpu.memory_space<vmem>>) semaphore(%arg14 : memref<!tpu.dma_semaphore, #tpu.memory_space<semaphore_mem>>)
            } else {
            }
          } else {
          }
        } else {
        }
        %eq3A_102 = arith.constant 0 : i32
        %eq3A_103 = arith.cmpi eq, %rem3A_57, %eq3A_102 : i32
        %convert_element_type3A_104 = arith.extui %eq3A_103 : i1 to i32
        %cond3A_105 = arith.constant 0 : i32
        %cond3A_106 = arith.cmpi ne, %convert_element_type3A_104, %cond3A_105 : i32
        scf.if %cond3A_106 {
          %eq3A_112 = arith.constant 0 : i32
          %eq3A_113 = arith.cmpi eq, %rem3A_36, %eq3A_112 : i32
          %convert_element_type3A_114 = arith.extui %eq3A_113 : i1 to i32
          %cond3A_115 = arith.constant 0 : i32
          %cond3A_116 = arith.cmpi ne, %convert_element_type3A_114, %cond3A_115 : i32
          scf.if %cond3A_116 {
            %dma_wait3A_122 = arith.constant 0 : i32
            %dma_wait3A_123 = arith.constant 0 : i32
            %dma_wait3A_124 = tpu.memref_slice %arg8[%dma_wait3A_122, %dma_wait3A_123] : memref<16x128xi32, #tpu.memory_space<vmem>> -> memref<1x128xi32, #tpu.memory_space<vmem>>
            %dma_wait3A_125 = tpu.memref_squeeze %dma_wait3A_124 : memref<1x128xi32, #tpu.memory_space<vmem>> -> memref<128xi32, #tpu.memory_space<vmem>>
            %dma_wait3A_126 = arith.constant 0 : i32
            %dma_wait3A_127 = arith.constant 0 : i32
            %dma_wait3A_128 = tpu.memref_slice %arg3[%dma_wait3A_126, %dma_wait3A_127] : memref<10240x128xf32, #tpu.memory_space<hbm>> -> memref<10240x128xf32, #tpu.memory_space<hbm>>
            tpu.wait_indirect_dma semaphore(%arg14 : memref<!tpu.dma_semaphore, #tpu.memory_space<semaphore_mem>>) src(%dma_wait3A_128 : memref<10240x128xf32, #tpu.memory_space<hbm>>) dst(%arg12 : memref<128x128xf32, #tpu.memory_space<vmem>>)
            %rem3A_129 = arith.constant 16 : i32
            %rem3A_130 = arith.remsi %scan3A_35, %rem3A_129 : i32
            %dma_start3A_131 = arith.constant 0 : i32
            %dma_start3A_132 = tpu.memref_slice %arg10[%rem3A_130, %dma_start3A_131] : memref<16x128xi32, #tpu.memory_space<vmem>> -> memref<1x128xi32, #tpu.memory_space<vmem>>
            %dma_start3A_133 = tpu.memref_squeeze %dma_start3A_132 : memref<1x128xi32, #tpu.memory_space<vmem>> -> memref<128xi32, #tpu.memory_space<vmem>>
            %dma_start3A_134 = arith.constant 0 : i32
            %dma_start3A_135 = arith.constant 0 : i32
            %dma_start3A_136 = tpu.memref_slice %arg18[%dma_start3A_134, %dma_start3A_135] : memref<10240x128xf32, #tpu.memory_space<vmem_shared>> -> memref<10240x128xf32, #tpu.memory_space<vmem_shared>>
            tpu.enqueue_indirect_dma source(%arg12 : memref<128x128xf32, #tpu.memory_space<vmem>>) target(%dma_start3A_136 : memref<10240x128xf32, #tpu.memory_space<vmem_shared>>) offsets(%dma_start3A_133 : memref<128xi32, #tpu.memory_space<vmem>>) semaphore(%arg16 : memref<!tpu.dma_semaphore, #tpu.memory_space<semaphore_mem>>) {add = true}
          } else {
          }
          %eq3A_117 = arith.constant 1 : i32
          %eq3A_118 = arith.cmpi eq, %rem3A_36, %eq3A_117 : i32
          %convert_element_type3A_119 = arith.extui %eq3A_118 : i1 to i32
          %cond3A_120 = arith.constant 0 : i32
          %cond3A_121 = arith.cmpi ne, %convert_element_type3A_119, %cond3A_120 : i32
          scf.if %cond3A_121 {
            %dma_wait3A_122 = arith.constant 0 : i32
            %dma_wait3A_123 = arith.constant 0 : i32
            %dma_wait3A_124 = tpu.memref_slice %arg8[%dma_wait3A_122, %dma_wait3A_123] : memref<16x128xi32, #tpu.memory_space<vmem>> -> memref<1x128xi32, #tpu.memory_space<vmem>>
            %dma_wait3A_125 = tpu.memref_squeeze %dma_wait3A_124 : memref<1x128xi32, #tpu.memory_space<vmem>> -> memref<128xi32, #tpu.memory_space<vmem>>
            %dma_wait3A_126 = arith.constant 0 : i32
            %dma_wait3A_127 = arith.constant 0 : i32
            %dma_wait3A_128 = tpu.memref_slice %arg3[%dma_wait3A_126, %dma_wait3A_127] : memref<10240x128xf32, #tpu.memory_space<hbm>> -> memref<10240x128xf32, #tpu.memory_space<hbm>>
            tpu.wait_indirect_dma semaphore(%arg15 : memref<!tpu.dma_semaphore, #tpu.memory_space<semaphore_mem>>) src(%dma_wait3A_128 : memref<10240x128xf32, #tpu.memory_space<hbm>>) dst(%arg13 : memref<128x128xf32, #tpu.memory_space<vmem>>)
            %rem3A_129 = arith.constant 16 : i32
            %rem3A_130 = arith.remsi %scan3A_35, %rem3A_129 : i32
            %dma_start3A_131 = arith.constant 0 : i32
            %dma_start3A_132 = tpu.memref_slice %arg10[%rem3A_130, %dma_start3A_131] : memref<16x128xi32, #tpu.memory_space<vmem>> -> memref<1x128xi32, #tpu.memory_space<vmem>>
            %dma_start3A_133 = tpu.memref_squeeze %dma_start3A_132 : memref<1x128xi32, #tpu.memory_space<vmem>> -> memref<128xi32, #tpu.memory_space<vmem>>
            %dma_start3A_134 = arith.constant 0 : i32
            %dma_start3A_135 = arith.constant 0 : i32
            %dma_start3A_136 = tpu.memref_slice %arg18[%dma_start3A_134, %dma_start3A_135] : memref<10240x128xf32, #tpu.memory_space<vmem_shared>> -> memref<10240x128xf32, #tpu.memory_space<vmem_shared>>
            tpu.enqueue_indirect_dma source(%arg13 : memref<128x128xf32, #tpu.memory_space<vmem>>) target(%dma_start3A_136 : memref<10240x128xf32, #tpu.memory_space<vmem_shared>>) offsets(%dma_start3A_133 : memref<128xi32, #tpu.memory_space<vmem>>) semaphore(%arg17 : memref<!tpu.dma_semaphore, #tpu.memory_space<semaphore_mem>>) {add = true}
          } else {
          }
        } else {
        }
        %eq3A_107 = arith.constant 1 : i32
        %eq3A_108 = arith.cmpi eq, %rem3A_57, %eq3A_107 : i32
        %convert_element_type3A_109 = arith.extui %eq3A_108 : i1 to i32
        %cond3A_110 = arith.constant 0 : i32
        %cond3A_111 = arith.cmpi ne, %convert_element_type3A_109, %cond3A_110 : i32
        scf.if %cond3A_111 {
          %eq3A_112 = arith.constant 0 : i32
          %eq3A_113 = arith.cmpi eq, %rem3A_36, %eq3A_112 : i32
          %convert_element_type3A_114 = arith.extui %eq3A_113 : i1 to i32
          %cond3A_115 = arith.constant 0 : i32
          %cond3A_116 = arith.cmpi ne, %convert_element_type3A_114, %cond3A_115 : i32
          scf.if %cond3A_116 {
            %dma_wait3A_122 = arith.constant 0 : i32
            %dma_wait3A_123 = arith.constant 0 : i32
            %dma_wait3A_124 = tpu.memref_slice %arg9[%dma_wait3A_122, %dma_wait3A_123] : memref<16x128xi32, #tpu.memory_space<vmem>> -> memref<1x128xi32, #tpu.memory_space<vmem>>
            %dma_wait3A_125 = tpu.memref_squeeze %dma_wait3A_124 : memref<1x128xi32, #tpu.memory_space<vmem>> -> memref<128xi32, #tpu.memory_space<vmem>>
            %dma_wait3A_126 = arith.constant 0 : i32
            %dma_wait3A_127 = arith.constant 0 : i32
            %dma_wait3A_128 = tpu.memref_slice %arg3[%dma_wait3A_126, %dma_wait3A_127] : memref<10240x128xf32, #tpu.memory_space<hbm>> -> memref<10240x128xf32, #tpu.memory_space<hbm>>
            tpu.wait_indirect_dma semaphore(%arg14 : memref<!tpu.dma_semaphore, #tpu.memory_space<semaphore_mem>>) src(%dma_wait3A_128 : memref<10240x128xf32, #tpu.memory_space<hbm>>) dst(%arg12 : memref<128x128xf32, #tpu.memory_space<vmem>>)
            %rem3A_129 = arith.constant 16 : i32
            %rem3A_130 = arith.remsi %scan3A_35, %rem3A_129 : i32
            %dma_start3A_131 = arith.constant 0 : i32
            %dma_start3A_132 = tpu.memref_slice %arg11[%rem3A_130, %dma_start3A_131] : memref<16x128xi32, #tpu.memory_space<vmem>> -> memref<1x128xi32, #tpu.memory_space<vmem>>
            %dma_start3A_133 = tpu.memref_squeeze %dma_start3A_132 : memref<1x128xi32, #tpu.memory_space<vmem>> -> memref<128xi32, #tpu.memory_space<vmem>>
            %dma_start3A_134 = arith.constant 0 : i32
            %dma_start3A_135 = arith.constant 0 : i32
            %dma_start3A_136 = tpu.memref_slice %arg18[%dma_start3A_134, %dma_start3A_135] : memref<10240x128xf32, #tpu.memory_space<vmem_shared>> -> memref<10240x128xf32, #tpu.memory_space<vmem_shared>>
            tpu.enqueue_indirect_dma source(%arg12 : memref<128x128xf32, #tpu.memory_space<vmem>>) target(%dma_start3A_136 : memref<10240x128xf32, #tpu.memory_space<vmem_shared>>) offsets(%dma_start3A_133 : memref<128xi32, #tpu.memory_space<vmem>>) semaphore(%arg16 : memref<!tpu.dma_semaphore, #tpu.memory_space<semaphore_mem>>) {add = true}
          } else {
          }
          %eq3A_117 = arith.constant 1 : i32
          %eq3A_118 = arith.cmpi eq, %rem3A_36, %eq3A_117 : i32
          %convert_element_type3A_119 = arith.extui %eq3A_118 : i1 to i32
          %cond3A_120 = arith.constant 0 : i32
          %cond3A_121 = arith.cmpi ne, %convert_element_type3A_119, %cond3A_120 : i32
          scf.if %cond3A_121 {
            %dma_wait3A_122 = arith.constant 0 : i32
            %dma_wait3A_123 = arith.constant 0 : i32
            %dma_wait3A_124 = tpu.memref_slice %arg9[%dma_wait3A_122, %dma_wait3A_123] : memref<16x128xi32, #tpu.memory_space<vmem>> -> memref<1x128xi32, #tpu.memory_space<vmem>>
            %dma_wait3A_125 = tpu.memref_squeeze %dma_wait3A_124 : memref<1x128xi32, #tpu.memory_space<vmem>> -> memref<128xi32, #tpu.memory_space<vmem>>
            %dma_wait3A_126 = arith.constant 0 : i32
            %dma_wait3A_127 = arith.constant 0 : i32
            %dma_wait3A_128 = tpu.memref_slice %arg3[%dma_wait3A_126, %dma_wait3A_127] : memref<10240x128xf32, #tpu.memory_space<hbm>> -> memref<10240x128xf32, #tpu.memory_space<hbm>>
            tpu.wait_indirect_dma semaphore(%arg15 : memref<!tpu.dma_semaphore, #tpu.memory_space<semaphore_mem>>) src(%dma_wait3A_128 : memref<10240x128xf32, #tpu.memory_space<hbm>>) dst(%arg13 : memref<128x128xf32, #tpu.memory_space<vmem>>)
            %rem3A_129 = arith.constant 16 : i32
            %rem3A_130 = arith.remsi %scan3A_35, %rem3A_129 : i32
            %dma_start3A_131 = arith.constant 0 : i32
            %dma_start3A_132 = tpu.memref_slice %arg11[%rem3A_130, %dma_start3A_131] : memref<16x128xi32, #tpu.memory_space<vmem>> -> memref<1x128xi32, #tpu.memory_space<vmem>>
            %dma_start3A_133 = tpu.memref_squeeze %dma_start3A_132 : memref<1x128xi32, #tpu.memory_space<vmem>> -> memref<128xi32, #tpu.memory_space<vmem>>
            %dma_start3A_134 = arith.constant 0 : i32
            %dma_start3A_135 = arith.constant 0 : i32
            %dma_start3A_136 = tpu.memref_slice %arg18[%dma_start3A_134, %dma_start3A_135] : memref<10240x128xf32, #tpu.memory_space<vmem_shared>> -> memref<10240x128xf32, #tpu.memory_space<vmem_shared>>
            tpu.enqueue_indirect_dma source(%arg13 : memref<128x128xf32, #tpu.memory_space<vmem>>) target(%dma_start3A_136 : memref<10240x128xf32, #tpu.memory_space<vmem_shared>>) offsets(%dma_start3A_133 : memref<128xi32, #tpu.memory_space<vmem>>) semaphore(%arg17 : memref<!tpu.dma_semaphore, #tpu.memory_space<semaphore_mem>>) {add = true}
          } else {
          }
        } else {
        }
      }
      %scan3A_23 = arith.constant 160 : i32
      %dma_wait3A = arith.constant 0 : i32
      %dma_wait3A_24 = arith.constant 0 : i32
      %dma_wait3A_25 = tpu.memref_slice %arg10[%dma_wait3A, %dma_wait3A_24] : memref<16x128xi32, #tpu.memory_space<vmem>> -> memref<1x128xi32, #tpu.memory_space<vmem>>
      %dma_wait3A_26 = tpu.memref_squeeze %dma_wait3A_25 : memref<1x128xi32, #tpu.memory_space<vmem>> -> memref<128xi32, #tpu.memory_space<vmem>>
      %dma_wait3A_27 = arith.constant 0 : i32
      %dma_wait3A_28 = arith.constant 0 : i32
      %dma_wait3A_29 = tpu.memref_slice %arg18[%dma_wait3A_27, %dma_wait3A_28] : memref<10240x128xf32, #tpu.memory_space<vmem_shared>> -> memref<10240x128xf32, #tpu.memory_space<vmem_shared>>
      tpu.wait_indirect_dma semaphore(%arg17 : memref<!tpu.dma_semaphore, #tpu.memory_space<semaphore_mem>>) src(%arg13 : memref<128x128xf32, #tpu.memory_space<vmem>>) dst(%dma_wait3A_29 : memref<10240x128xf32, #tpu.memory_space<vmem_shared>>)
      %barrier3A_30 = arith.constant 0 : index
      tpu.barrier barrier_id(%barrier3A_30)
      %mul3A_31 = arith.constant 640 : i32
      %mul3A_32 = arith.muli %arg1, %mul3A_31 : i32
      %mul3A_33 = arith.constant 640 : i32
      %mul3A_34 = arith.muli %arg1, %mul3A_33 : i32
      "tpu.region"() ({
        %run_scoped3A = tpu.sem_alloc : memref<!tpu.dma_semaphore, #tpu.memory_space<semaphore_mem>>
        %dma_start3A_35 = arith.constant 0 : i32
        %dma_start3A_36 = tpu.memref_slice %arg7[%mul3A_34, %dma_start3A_35] : memref<10240x128xf32, #tpu.memory_space<hbm>> -> memref<640x128xf32, #tpu.memory_space<hbm>>
        %dma_start3A_37 = arith.constant 0 : i32
        %dma_start3A_38 = tpu.memref_slice %arg18[%mul3A_32, %dma_start3A_37] : memref<10240x128xf32, #tpu.memory_space<vmem_shared>> -> memref<640x128xf32, #tpu.memory_space<vmem_shared>>
        tpu.enqueue_dma source(%dma_start3A_38 : memref<640x128xf32, #tpu.memory_space<vmem_shared>>) target(%dma_start3A_36 : memref<640x128xf32, #tpu.memory_space<hbm>>) target_semaphore(%run_scoped3A : memref<!tpu.dma_semaphore, #tpu.memory_space<semaphore_mem>>)
        %dma_wait3A_39 = arith.constant 0 : i32
        %dma_wait3A_40 = tpu.memref_slice %arg7[%mul3A_34, %dma_wait3A_39] : memref<10240x128xf32, #tpu.memory_space<hbm>> -> memref<640x128xf32, #tpu.memory_space<hbm>>
        %dma_wait3A_41 = arith.constant 0 : i32
        %dma_wait3A_42 = tpu.memref_slice %arg18[%mul3A_32, %dma_wait3A_41] : memref<10240x128xf32, #tpu.memory_space<vmem_shared>> -> memref<640x128xf32, #tpu.memory_space<vmem_shared>>
        tpu.wait_dma2 semaphore(%run_scoped3A : memref<!tpu.dma_semaphore, #tpu.memory_space<semaphore_mem>>) src(%dma_wait3A_42 : memref<640x128xf32, #tpu.memory_space<vmem_shared>>) dst(%dma_wait3A_40 : memref<640x128xf32, #tpu.memory_space<hbm>>)
        tpu.yield
      }) : () -> ()
    } else {
    }
    return
  }
}

#map = affine_map<(d0, d1) -> (0, 0)>
module attributes {stable_mosaic.version = 14 : i64} {
  func.func @body(%arg0: i32, %arg1: i32, %arg2: memref<10240x128xf32, #tpu.memory_space<hbm>>, %arg3: memref<10240x128xf32, #tpu.memory_space<hbm>>, %arg4: memref<2560x128xi32, #tpu.memory_space<hbm>>, %arg5: memref<2560x128xi32, #tpu.memory_space<hbm>>, %arg6: memref<10240x128xf32, #tpu.memory_space<hbm>>, %arg7: memref<10240x128xf32, #tpu.memory_space<hbm>>, %arg8: memref<16x128xi32, #tpu.memory_space<vmem>>, %arg9: memref<16x128xi32, #tpu.memory_space<vmem>>, %arg10: memref<16x128xi32, #tpu.memory_space<vmem>>, %arg11: memref<16x128xi32, #tpu.memory_space<vmem>>, %arg12: memref<128x128xf32, #tpu.memory_space<vmem>>, %arg13: memref<128x128xf32, #tpu.memory_space<vmem>>, %arg14: memref<!tpu.dma_semaphore, #tpu.memory_space<semaphore_mem>>, %arg15: memref<!tpu.dma_semaphore, #tpu.memory_space<semaphore_mem>>, %arg16: memref<!tpu.dma_semaphore, #tpu.memory_space<semaphore_mem>>, %arg17: memref<!tpu.dma_semaphore, #tpu.memory_space<semaphore_mem>>, %arg18: memref<10240x128xf32, #tpu.memory_space<vmem_shared>>) attributes {dimension_semantics = [#tpu.dimension_semantics<core_parallel>, #tpu.dimension_semantics<subcore_parallel>], iteration_bounds = array<i64: 2, 16>, scalar_prefetch = 0 : i64, scratch_operands = 11 : i64, tpu.core_type = #tpu.core_type<sc_vector_subcore>, window_params = [{transform_indices = #map}, {transform_indices = #map}, {transform_indices = #map}, {transform_indices = #map}, {transform_indices = #map}, {transform_indices = #map}]} {
    %mul3A = arith.constant 16 : i32
    %mul3A_0 = arith.muli %arg0, %mul3A : i32
    %add3A = arith.addi %mul3A_0, %arg1 : i32
    %mul3A_1 = arith.constant 80 : i32
    %mul3A_2 = arith.muli %add3A, %mul3A_1 : i32
    %eq3A = arith.constant 0 : i32
    %eq3A_3 = arith.cmpi eq, %arg0, %eq3A : i32
    %convert_element_type3A = arith.extui %eq3A_3 : i1 to i32
    %cond3A = arith.constant 0 : i32
    %cond3A_4 = arith.cmpi ne, %convert_element_type3A, %cond3A : i32
    scf.if %cond3A_4 {
      %mul3A_10 = arith.constant 640 : i32
      %mul3A_11 = arith.muli %arg1, %mul3A_10 : i32
      %mul3A_12 = arith.constant 640 : i32
      %mul3A_13 = arith.muli %arg1, %mul3A_12 : i32
      "tpu.region"() ({
        %run_scoped3A = tpu.sem_alloc : memref<!tpu.dma_semaphore, #tpu.memory_space<semaphore_mem>>
        %dma_start3A_38 = arith.constant 0 : i32
        %dma_start3A_39 = tpu.memref_slice %arg18[%mul3A_13, %dma_start3A_38] : memref<10240x128xf32, #tpu.memory_space<vmem_shared>> -> memref<640x128xf32, #tpu.memory_space<vmem_shared>>
        %dma_start3A_40 = arith.constant 0 : i32
        %dma_start3A_41 = tpu.memref_slice %arg2[%mul3A_11, %dma_start3A_40] : memref<10240x128xf32, #tpu.memory_space<hbm>> -> memref<640x128xf32, #tpu.memory_space<hbm>>
        tpu.enqueue_dma source(%dma_start3A_41 : memref<640x128xf32, #tpu.memory_space<hbm>>) target(%dma_start3A_39 : memref<640x128xf32, #tpu.memory_space<vmem_shared>>) target_semaphore(%run_scoped3A : memref<!tpu.dma_semaphore, #tpu.memory_space<semaphore_mem>>)
        %dma_wait3A_42 = arith.constant 0 : i32
        %dma_wait3A_43 = tpu.memref_slice %arg18[%mul3A_13, %dma_wait3A_42] : memref<10240x128xf32, #tpu.memory_space<vmem_shared>> -> memref<640x128xf32, #tpu.memory_space<vmem_shared>>
        %dma_wait3A_44 = arith.constant 0 : i32
        %dma_wait3A_45 = tpu.memref_slice %arg2[%mul3A_11, %dma_wait3A_44] : memref<10240x128xf32, #tpu.memory_space<hbm>> -> memref<640x128xf32, #tpu.memory_space<hbm>>
        tpu.wait_dma2 semaphore(%run_scoped3A : memref<!tpu.dma_semaphore, #tpu.memory_space<semaphore_mem>>) src(%dma_wait3A_45 : memref<640x128xf32, #tpu.memory_space<hbm>>) dst(%dma_wait3A_43 : memref<640x128xf32, #tpu.memory_space<vmem_shared>>)
        tpu.yield
      }) : () -> ()
      %barrier3A = arith.constant 0 : index
      tpu.barrier barrier_id(%barrier3A)
      %add3A_14 = arith.constant 0 : i32
      %add3A_15 = arith.addi %mul3A_2, %add3A_14 : i32
      %multiple_of3A = tpu.assume_multiple %add3A_15, 8 : i32
      "tpu.region"() ({
        %run_scoped3A = tpu.sem_alloc : memref<!tpu.dma_semaphore, #tpu.memory_space<semaphore_mem>>
        %dma_start3A_38 = arith.constant 0 : i32
        %dma_start3A_39 = tpu.memref_slice %arg4[%multiple_of3A, %dma_start3A_38] : memref<2560x128xi32, #tpu.memory_space<hbm>> -> memref<16x128xi32, #tpu.memory_space<hbm>>
        %dma_start3A_40 = arith.constant 0 : i32
        %dma_start3A_41 = tpu.memref_slice %arg4[%multiple_of3A, %dma_start3A_40] : memref<2560x128xi32, #tpu.memory_space<hbm>> -> memref<16x128xi32, #tpu.memory_space<hbm>>
        tpu.enqueue_dma source(%dma_start3A_41 : memref<16x128xi32, #tpu.memory_space<hbm>>) target(%arg8 : memref<16x128xi32, #tpu.memory_space<vmem>>) target_semaphore(%run_scoped3A : memref<!tpu.dma_semaphore, #tpu.memory_space<semaphore_mem>>)
        %dma_wait3A_42 = arith.constant 0 : i32
        %dma_wait3A_43 = tpu.memref_slice %arg4[%multiple_of3A, %dma_wait3A_42] : memref<2560x128xi32, #tpu.memory_space<hbm>> -> memref<16x128xi32, #tpu.memory_space<hbm>>
        %dma_wait3A_44 = arith.constant 0 : i32
        %dma_wait3A_45 = tpu.memref_slice %arg4[%multiple_of3A, %dma_wait3A_44] : memref<2560x128xi32, #tpu.memory_space<hbm>> -> memref<16x128xi32, #tpu.memory_space<hbm>>
        tpu.wait_dma2 semaphore(%run_scoped3A : memref<!tpu.dma_semaphore, #tpu.memory_space<semaphore_mem>>) src(%dma_wait3A_45 : memref<16x128xi32, #tpu.memory_space<hbm>>) dst(%arg8 : memref<16x128xi32, #tpu.memory_space<vmem>>)
        tpu.yield
      }) : () -> ()
      "tpu.region"() ({
        %run_scoped3A = tpu.sem_alloc : memref<!tpu.dma_semaphore, #tpu.memory_space<semaphore_mem>>
        %dma_start3A_38 = arith.constant 0 : i32
        %dma_start3A_39 = tpu.memref_slice %arg5[%multiple_of3A, %dma_start3A_38] : memref<2560x128xi32, #tpu.memory_space<hbm>> -> memref<16x128xi32, #tpu.memory_space<hbm>>
        %dma_start3A_40 = arith.constant 0 : i32
        %dma_start3A_41 = tpu.memref_slice %arg5[%multiple_of3A, %dma_start3A_40] : memref<2560x128xi32, #tpu.memory_space<hbm>> -> memref<16x128xi32, #tpu.memory_space<hbm>>
        tpu.enqueue_dma source(%dma_start3A_41 : memref<16x128xi32, #tpu.memory_space<hbm>>) target(%arg10 : memref<16x128xi32, #tpu.memory_space<vmem>>) target_semaphore(%run_scoped3A : memref<!tpu.dma_semaphore, #tpu.memory_space<semaphore_mem>>)
        %dma_wait3A_42 = arith.constant 0 : i32
        %dma_wait3A_43 = tpu.memref_slice %arg5[%multiple_of3A, %dma_wait3A_42] : memref<2560x128xi32, #tpu.memory_space<hbm>> -> memref<16x128xi32, #tpu.memory_space<hbm>>
        %dma_wait3A_44 = arith.constant 0 : i32
        %dma_wait3A_45 = tpu.memref_slice %arg5[%multiple_of3A, %dma_wait3A_44] : memref<2560x128xi32, #tpu.memory_space<hbm>> -> memref<16x128xi32, #tpu.memory_space<hbm>>
        tpu.wait_dma2 semaphore(%run_scoped3A : memref<!tpu.dma_semaphore, #tpu.memory_space<semaphore_mem>>) src(%dma_wait3A_45 : memref<16x128xi32, #tpu.memory_space<hbm>>) dst(%arg10 : memref<16x128xi32, #tpu.memory_space<vmem>>)
        tpu.yield
      }) : () -> ()
      %dma_start3A = arith.constant 0 : i32
      %dma_start3A_16 = arith.constant 0 : i32
      %dma_start3A_17 = tpu.memref_slice %arg8[%dma_start3A, %dma_start3A_16] : memref<16x128xi32, #tpu.memory_space<vmem>> -> memref<1x128xi32, #tpu.memory_space<vmem>>
      %dma_start3A_18 = tpu.memref_squeeze %dma_start3A_17 : memref<1x128xi32, #tpu.memory_space<vmem>> -> memref<128xi32, #tpu.memory_space<vmem>>
      %dma_start3A_19 = arith.constant 0 : i32
      %dma_start3A_20 = arith.constant 0 : i32
      %dma_start3A_21 = tpu.memref_slice %arg2[%dma_start3A_19, %dma_start3A_20] : memref<10240x128xf32, #tpu.memory_space<hbm>> -> memref<10240x128xf32, #tpu.memory_space<hbm>>
      tpu.enqueue_indirect_dma source(%dma_start3A_21 : memref<10240x128xf32, #tpu.memory_space<hbm>>) target(%arg12 : memref<128x128xf32, #tpu.memory_space<vmem>>) offsets(%dma_start3A_18 : memref<128xi32, #tpu.memory_space<vmem>>) semaphore(%arg14 : memref<!tpu.dma_semaphore, #tpu.memory_space<semaphore_mem>>)
      %scan3A = arith.constant 0 : i32
      %scan3A_22 = arith.constant 0 : i32
      %scan3A_23 = arith.constant 80 : i32
      %scan3A_24 = arith.addi %scan3A_22, %scan3A_23 : i32
      %scan3A_25 = arith.constant 1 : i32
      scf.for %scan3A_38 = %scan3A_22 to %scan3A_24 step %scan3A_25  : i32 {
        %rem3A = arith.constant 2 : i32
        %rem3A_39 = arith.remsi %scan3A_38, %rem3A : i32
        %add3A_40 = arith.constant 1 : i32
        %add3A_41 = arith.addi %scan3A_38, %add3A_40 : i32
        %jit3A = arith.constant 16 : i32
        %div3A = arith.divsi %scan3A_38, %jit3A : i32
        %sign3A = arith.constant 0 : i32
        %sign3A_42 = arith.cmpi sgt, %scan3A_38, %sign3A : i32
        %sign3A_43 = arith.extui %sign3A_42 : i1 to i32
        %sign3A_44 = arith.constant 0 : i32
        %sign3A_45 = arith.cmpi slt, %scan3A_38, %sign3A_44 : i32
        %sign3A_46 = arith.extui %sign3A_45 : i1 to i32
        %sign3A_47 = arith.subi %sign3A_43, %sign3A_46 : i32
        %sign3A_48 = arith.constant 0 : i32
        %sign3A_49 = arith.cmpi sgt, %jit3A, %sign3A_48 : i32
        %sign3A_50 = arith.extui %sign3A_49 : i1 to i32
        %sign3A_51 = arith.constant 0 : i32
        %sign3A_52 = arith.cmpi slt, %jit3A, %sign3A_51 : i32
        %sign3A_53 = arith.extui %sign3A_52 : i1 to i32
        %sign3A_54 = arith.subi %sign3A_50, %sign3A_53 : i32
        %ne3A = arith.cmpi ne, %sign3A_47, %sign3A_54 : i32
        %rem3A_55 = arith.remsi %scan3A_38, %jit3A : i32
        %ne3A_56 = arith.constant 0 : i32
        %ne3A_57 = arith.cmpi ne, %rem3A_55, %ne3A_56 : i32
        %and3A = arith.andi %ne3A, %ne3A_57 : i1
        %sub3A = arith.constant 1 : i32
        %sub3A_58 = arith.subi %div3A, %sub3A : i32
        %select_n3A = arith.select %and3A, %sub3A_58, %div3A : i32
        %rem3A_59 = arith.constant 2 : i32
        %rem3A_60 = arith.remsi %select_n3A, %rem3A_59 : i32
        %jit3A_61 = arith.constant 16 : i32
        %div3A_62 = arith.divsi %add3A_41, %jit3A_61 : i32
        %sign3A_63 = arith.constant 0 : i32
        %sign3A_64 = arith.cmpi sgt, %add3A_41, %sign3A_63 : i32
        %sign3A_65 = arith.extui %sign3A_64 : i1 to i32
        %sign3A_66 = arith.constant 0 : i32
        %sign3A_67 = arith.cmpi slt, %add3A_41, %sign3A_66 : i32
        %sign3A_68 = arith.extui %sign3A_67 : i1 to i32
        %sign3A_69 = arith.subi %sign3A_65, %sign3A_68 : i32
        %sign3A_70 = arith.constant 0 : i32
        %sign3A_71 = arith.cmpi sgt, %jit3A_61, %sign3A_70 : i32
        %sign3A_72 = arith.extui %sign3A_71 : i1 to i32
        %sign3A_73 = arith.constant 0 : i32
        %sign3A_74 = arith.cmpi slt, %jit3A_61, %sign3A_73 : i32
        %sign3A_75 = arith.extui %sign3A_74 : i1 to i32
        %sign3A_76 = arith.subi %sign3A_72, %sign3A_75 : i32
        %ne3A_77 = arith.cmpi ne, %sign3A_69, %sign3A_76 : i32
        %rem3A_78 = arith.remsi %add3A_41, %jit3A_61 : i32
        %ne3A_79 = arith.constant 0 : i32
        %ne3A_80 = arith.cmpi ne, %rem3A_78, %ne3A_79 : i32
        %and3A_81 = arith.andi %ne3A_77, %ne3A_80 : i1
        %sub3A_82 = arith.constant 1 : i32
        %sub3A_83 = arith.subi %div3A_62, %sub3A_82 : i32
        %select_n3A_84 = arith.select %and3A_81, %sub3A_83, %div3A_62 : i32
        %rem3A_85 = arith.constant 2 : i32
        %rem3A_86 = arith.remsi %select_n3A_84, %rem3A_85 : i32
        %rem3A_87 = arith.constant 16 : i32
        %rem3A_88 = arith.remsi %add3A_41, %rem3A_87 : i32
        %lt3A = arith.constant 80 : i32
        %lt3A_89 = arith.cmpi slt, %add3A_41, %lt3A : i32
        %eq3A_90 = arith.constant 0 : i32
        %eq3A_91 = arith.cmpi eq, %rem3A_88, %eq3A_90 : i32
        %and3A_92 = arith.andi %lt3A_89, %eq3A_91 : i1
        %convert_element_type3A_93 = arith.extui %and3A_92 : i1 to i32
        %cond3A_94 = arith.constant 0 : i32
        %cond3A_95 = arith.cmpi ne, %convert_element_type3A_93, %cond3A_94 : i32
        scf.if %cond3A_95 {
          %eq3A_115 = arith.constant 0 : i32
          %eq3A_116 = arith.cmpi eq, %rem3A_86, %eq3A_115 : i32
          %convert_element_type3A_117 = arith.extui %eq3A_116 : i1 to i32
          %cond3A_118 = arith.constant 0 : i32
          %cond3A_119 = arith.cmpi ne, %convert_element_type3A_117, %cond3A_118 : i32
          scf.if %cond3A_119 {
            %jit3A_125 = arith.constant 16 : i32
            %div3A_126 = arith.divsi %add3A_41, %jit3A_125 : i32
            %sign3A_127 = arith.constant 0 : i32
            %sign3A_128 = arith.cmpi sgt, %add3A_41, %sign3A_127 : i32
            %sign3A_129 = arith.extui %sign3A_128 : i1 to i32
            %sign3A_130 = arith.constant 0 : i32
            %sign3A_131 = arith.cmpi slt, %add3A_41, %sign3A_130 : i32
            %sign3A_132 = arith.extui %sign3A_131 : i1 to i32
            %sign3A_133 = arith.subi %sign3A_129, %sign3A_132 : i32
            %sign3A_134 = arith.constant 0 : i32
            %sign3A_135 = arith.cmpi sgt, %jit3A_125, %sign3A_134 : i32
            %sign3A_136 = arith.extui %sign3A_135 : i1 to i32
            %sign3A_137 = arith.constant 0 : i32
            %sign3A_138 = arith.cmpi slt, %jit3A_125, %sign3A_137 : i32
            %sign3A_139 = arith.extui %sign3A_138 : i1 to i32
            %sign3A_140 = arith.subi %sign3A_136, %sign3A_139 : i32
            %ne3A_141 = arith.cmpi ne, %sign3A_133, %sign3A_140 : i32
            %rem3A_142 = arith.remsi %add3A_41, %jit3A_125 : i32
            %ne3A_143 = arith.constant 0 : i32
            %ne3A_144 = arith.cmpi ne, %rem3A_142, %ne3A_143 : i32
            %and3A_145 = arith.andi %ne3A_141, %ne3A_144 : i1
            %sub3A_146 = arith.constant 1 : i32
            %sub3A_147 = arith.subi %div3A_126, %sub3A_146 : i32
            %select_n3A_148 = arith.select %and3A_145, %sub3A_147, %div3A_126 : i32
            %mul3A_149 = arith.constant 16 : i32
            %mul3A_150 = arith.muli %select_n3A_148, %mul3A_149 : i32
            %add3A_151 = arith.addi %mul3A_2, %mul3A_150 : i32
            %multiple_of3A_152 = tpu.assume_multiple %add3A_151, 8 : i32
            "tpu.region"() ({
              %run_scoped3A = tpu.sem_alloc : memref<!tpu.dma_semaphore, #tpu.memory_space<semaphore_mem>>
              %dma_start3A_153 = arith.constant 0 : i32
              %dma_start3A_154 = tpu.memref_slice %arg4[%multiple_of3A_152, %dma_start3A_153] : memref<2560x128xi32, #tpu.memory_space<hbm>> -> memref<16x128xi32, #tpu.memory_space<hbm>>
              %dma_start3A_155 = arith.constant 0 : i32
              %dma_start3A_156 = tpu.memref_slice %arg4[%multiple_of3A_152, %dma_start3A_155] : memref<2560x128xi32, #tpu.memory_space<hbm>> -> memref<16x128xi32, #tpu.memory_space<hbm>>
              tpu.enqueue_dma source(%dma_start3A_156 : memref<16x128xi32, #tpu.memory_space<hbm>>) target(%arg8 : memref<16x128xi32, #tpu.memory_space<vmem>>) target_semaphore(%run_scoped3A : memref<!tpu.dma_semaphore, #tpu.memory_space<semaphore_mem>>)
              %dma_wait3A_157 = arith.constant 0 : i32
              %dma_wait3A_158 = tpu.memref_slice %arg4[%multiple_of3A_152, %dma_wait3A_157] : memref<2560x128xi32, #tpu.memory_space<hbm>> -> memref<16x128xi32, #tpu.memory_space<hbm>>
              %dma_wait3A_159 = arith.constant 0 : i32
              %dma_wait3A_160 = tpu.memref_slice %arg4[%multiple_of3A_152, %dma_wait3A_159] : memref<2560x128xi32, #tpu.memory_space<hbm>> -> memref<16x128xi32, #tpu.memory_space<hbm>>
              tpu.wait_dma2 semaphore(%run_scoped3A : memref<!tpu.dma_semaphore, #tpu.memory_space<semaphore_mem>>) src(%dma_wait3A_160 : memref<16x128xi32, #tpu.memory_space<hbm>>) dst(%arg8 : memref<16x128xi32, #tpu.memory_space<vmem>>)
              tpu.yield
            }) : () -> ()
            "tpu.region"() ({
              %run_scoped3A = tpu.sem_alloc : memref<!tpu.dma_semaphore, #tpu.memory_space<semaphore_mem>>
              %dma_start3A_153 = arith.constant 0 : i32
              %dma_start3A_154 = tpu.memref_slice %arg5[%multiple_of3A_152, %dma_start3A_153] : memref<2560x128xi32, #tpu.memory_space<hbm>> -> memref<16x128xi32, #tpu.memory_space<hbm>>
              %dma_start3A_155 = arith.constant 0 : i32
              %dma_start3A_156 = tpu.memref_slice %arg5[%multiple_of3A_152, %dma_start3A_155] : memref<2560x128xi32, #tpu.memory_space<hbm>> -> memref<16x128xi32, #tpu.memory_space<hbm>>
              tpu.enqueue_dma source(%dma_start3A_156 : memref<16x128xi32, #tpu.memory_space<hbm>>) target(%arg10 : memref<16x128xi32, #tpu.memory_space<vmem>>) target_semaphore(%run_scoped3A : memref<!tpu.dma_semaphore, #tpu.memory_space<semaphore_mem>>)
              %dma_wait3A_157 = arith.constant 0 : i32
              %dma_wait3A_158 = tpu.memref_slice %arg5[%multiple_of3A_152, %dma_wait3A_157] : memref<2560x128xi32, #tpu.memory_space<hbm>> -> memref<16x128xi32, #tpu.memory_space<hbm>>
              %dma_wait3A_159 = arith.constant 0 : i32
              %dma_wait3A_160 = tpu.memref_slice %arg5[%multiple_of3A_152, %dma_wait3A_159] : memref<2560x128xi32, #tpu.memory_space<hbm>> -> memref<16x128xi32, #tpu.memory_space<hbm>>
              tpu.wait_dma2 semaphore(%run_scoped3A : memref<!tpu.dma_semaphore, #tpu.memory_space<semaphore_mem>>) src(%dma_wait3A_160 : memref<16x128xi32, #tpu.memory_space<hbm>>) dst(%arg10 : memref<16x128xi32, #tpu.memory_space<vmem>>)
              tpu.yield
            }) : () -> ()
          } else {
          }
          %eq3A_120 = arith.constant 1 : i32
          %eq3A_121 = arith.cmpi eq, %rem3A_86, %eq3A_120 : i32
          %convert_element_type3A_122 = arith.extui %eq3A_121 : i1 to i32
          %cond3A_123 = arith.constant 0 : i32
          %cond3A_124 = arith.cmpi ne, %convert_element_type3A_122, %cond3A_123 : i32
          scf.if %cond3A_124 {
            %jit3A_125 = arith.constant 16 : i32
            %div3A_126 = arith.divsi %add3A_41, %jit3A_125 : i32
            %sign3A_127 = arith.constant 0 : i32
            %sign3A_128 = arith.cmpi sgt, %add3A_41, %sign3A_127 : i32
            %sign3A_129 = arith.extui %sign3A_128 : i1 to i32
            %sign3A_130 = arith.constant 0 : i32
            %sign3A_131 = arith.cmpi slt, %add3A_41, %sign3A_130 : i32
            %sign3A_132 = arith.extui %sign3A_131 : i1 to i32
            %sign3A_133 = arith.subi %sign3A_129, %sign3A_132 : i32
            %sign3A_134 = arith.constant 0 : i32
            %sign3A_135 = arith.cmpi sgt, %jit3A_125, %sign3A_134 : i32
            %sign3A_136 = arith.extui %sign3A_135 : i1 to i32
            %sign3A_137 = arith.constant 0 : i32
            %sign3A_138 = arith.cmpi slt, %jit3A_125, %sign3A_137 : i32
            %sign3A_139 = arith.extui %sign3A_138 : i1 to i32
            %sign3A_140 = arith.subi %sign3A_136, %sign3A_139 : i32
            %ne3A_141 = arith.cmpi ne, %sign3A_133, %sign3A_140 : i32
            %rem3A_142 = arith.remsi %add3A_41, %jit3A_125 : i32
            %ne3A_143 = arith.constant 0 : i32
            %ne3A_144 = arith.cmpi ne, %rem3A_142, %ne3A_143 : i32
            %and3A_145 = arith.andi %ne3A_141, %ne3A_144 : i1
            %sub3A_146 = arith.constant 1 : i32
            %sub3A_147 = arith.subi %div3A_126, %sub3A_146 : i32
            %select_n3A_148 = arith.select %and3A_145, %sub3A_147, %div3A_126 : i32
            %mul3A_149 = arith.constant 16 : i32
            %mul3A_150 = arith.muli %select_n3A_148, %mul3A_149 : i32
            %add3A_151 = arith.addi %mul3A_2, %mul3A_150 : i32
            %multiple_of3A_152 = tpu.assume_multiple %add3A_151, 8 : i32
            "tpu.region"() ({
              %run_scoped3A = tpu.sem_alloc : memref<!tpu.dma_semaphore, #tpu.memory_space<semaphore_mem>>
              %dma_start3A_153 = arith.constant 0 : i32
              %dma_start3A_154 = tpu.memref_slice %arg4[%multiple_of3A_152, %dma_start3A_153] : memref<2560x128xi32, #tpu.memory_space<hbm>> -> memref<16x128xi32, #tpu.memory_space<hbm>>
              %dma_start3A_155 = arith.constant 0 : i32
              %dma_start3A_156 = tpu.memref_slice %arg4[%multiple_of3A_152, %dma_start3A_155] : memref<2560x128xi32, #tpu.memory_space<hbm>> -> memref<16x128xi32, #tpu.memory_space<hbm>>
              tpu.enqueue_dma source(%dma_start3A_156 : memref<16x128xi32, #tpu.memory_space<hbm>>) target(%arg9 : memref<16x128xi32, #tpu.memory_space<vmem>>) target_semaphore(%run_scoped3A : memref<!tpu.dma_semaphore, #tpu.memory_space<semaphore_mem>>)
              %dma_wait3A_157 = arith.constant 0 : i32
              %dma_wait3A_158 = tpu.memref_slice %arg4[%multiple_of3A_152, %dma_wait3A_157] : memref<2560x128xi32, #tpu.memory_space<hbm>> -> memref<16x128xi32, #tpu.memory_space<hbm>>
              %dma_wait3A_159 = arith.constant 0 : i32
              %dma_wait3A_160 = tpu.memref_slice %arg4[%multiple_of3A_152, %dma_wait3A_159] : memref<2560x128xi32, #tpu.memory_space<hbm>> -> memref<16x128xi32, #tpu.memory_space<hbm>>
              tpu.wait_dma2 semaphore(%run_scoped3A : memref<!tpu.dma_semaphore, #tpu.memory_space<semaphore_mem>>) src(%dma_wait3A_160 : memref<16x128xi32, #tpu.memory_space<hbm>>) dst(%arg9 : memref<16x128xi32, #tpu.memory_space<vmem>>)
              tpu.yield
            }) : () -> ()
            "tpu.region"() ({
              %run_scoped3A = tpu.sem_alloc : memref<!tpu.dma_semaphore, #tpu.memory_space<semaphore_mem>>
              %dma_start3A_153 = arith.constant 0 : i32
              %dma_start3A_154 = tpu.memref_slice %arg5[%multiple_of3A_152, %dma_start3A_153] : memref<2560x128xi32, #tpu.memory_space<hbm>> -> memref<16x128xi32, #tpu.memory_space<hbm>>
              %dma_start3A_155 = arith.constant 0 : i32
              %dma_start3A_156 = tpu.memref_slice %arg5[%multiple_of3A_152, %dma_start3A_155] : memref<2560x128xi32, #tpu.memory_space<hbm>> -> memref<16x128xi32, #tpu.memory_space<hbm>>
              tpu.enqueue_dma source(%dma_start3A_156 : memref<16x128xi32, #tpu.memory_space<hbm>>) target(%arg11 : memref<16x128xi32, #tpu.memory_space<vmem>>) target_semaphore(%run_scoped3A : memref<!tpu.dma_semaphore, #tpu.memory_space<semaphore_mem>>)
              %dma_wait3A_157 = arith.constant 0 : i32
              %dma_wait3A_158 = tpu.memref_slice %arg5[%multiple_of3A_152, %dma_wait3A_157] : memref<2560x128xi32, #tpu.memory_space<hbm>> -> memref<16x128xi32, #tpu.memory_space<hbm>>
              %dma_wait3A_159 = arith.constant 0 : i32
              %dma_wait3A_160 = tpu.memref_slice %arg5[%multiple_of3A_152, %dma_wait3A_159] : memref<2560x128xi32, #tpu.memory_space<hbm>> -> memref<16x128xi32, #tpu.memory_space<hbm>>
              tpu.wait_dma2 semaphore(%run_scoped3A : memref<!tpu.dma_semaphore, #tpu.memory_space<semaphore_mem>>) src(%dma_wait3A_160 : memref<16x128xi32, #tpu.memory_space<hbm>>) dst(%arg11 : memref<16x128xi32, #tpu.memory_space<vmem>>)
              tpu.yield
            }) : () -> ()
          } else {
          }
        } else {
        }
        %ge3A = arith.constant 1 : i32
        %ge3A_96 = arith.cmpi sge, %scan3A_38, %ge3A : i32
        %convert_element_type3A_97 = arith.extui %ge3A_96 : i1 to i32
        %cond3A_98 = arith.constant 0 : i32
        %cond3A_99 = arith.cmpi ne, %convert_element_type3A_97, %cond3A_98 : i32
        scf.if %cond3A_99 {
          %eq3A_115 = arith.constant 0 : i32
          %eq3A_116 = arith.cmpi eq, %rem3A_39, %eq3A_115 : i32
          %convert_element_type3A_117 = arith.extui %eq3A_116 : i1 to i32
          %cond3A_118 = arith.constant 0 : i32
          %cond3A_119 = arith.cmpi ne, %convert_element_type3A_117, %cond3A_118 : i32
          scf.if %cond3A_119 {
            %dma_wait3A_125 = arith.constant 0 : i32
            %dma_wait3A_126 = arith.constant 0 : i32
            %dma_wait3A_127 = tpu.memref_slice %arg10[%dma_wait3A_125, %dma_wait3A_126] : memref<16x128xi32, #tpu.memory_space<vmem>> -> memref<1x128xi32, #tpu.memory_space<vmem>>
            %dma_wait3A_128 = tpu.memref_squeeze %dma_wait3A_127 : memref<1x128xi32, #tpu.memory_space<vmem>> -> memref<128xi32, #tpu.memory_space<vmem>>
            %dma_wait3A_129 = arith.constant 0 : i32
            %dma_wait3A_130 = arith.constant 0 : i32
            %dma_wait3A_131 = tpu.memref_slice %arg18[%dma_wait3A_129, %dma_wait3A_130] : memref<10240x128xf32, #tpu.memory_space<vmem_shared>> -> memref<10240x128xf32, #tpu.memory_space<vmem_shared>>
            tpu.wait_indirect_dma semaphore(%arg17 : memref<!tpu.dma_semaphore, #tpu.memory_space<semaphore_mem>>) src(%arg13 : memref<128x128xf32, #tpu.memory_space<vmem>>) dst(%dma_wait3A_131 : memref<10240x128xf32, #tpu.memory_space<vmem_shared>>)
          } else {
          }
          %eq3A_120 = arith.constant 1 : i32
          %eq3A_121 = arith.cmpi eq, %rem3A_39, %eq3A_120 : i32
          %convert_element_type3A_122 = arith.extui %eq3A_121 : i1 to i32
          %cond3A_123 = arith.constant 0 : i32
          %cond3A_124 = arith.cmpi ne, %convert_element_type3A_122, %cond3A_123 : i32
          scf.if %cond3A_124 {
            %dma_wait3A_125 = arith.constant 0 : i32
            %dma_wait3A_126 = arith.constant 0 : i32
            %dma_wait3A_127 = tpu.memref_slice %arg10[%dma_wait3A_125, %dma_wait3A_126] : memref<16x128xi32, #tpu.memory_space<vmem>> -> memref<1x128xi32, #tpu.memory_space<vmem>>
            %dma_wait3A_128 = tpu.memref_squeeze %dma_wait3A_127 : memref<1x128xi32, #tpu.memory_space<vmem>> -> memref<128xi32, #tpu.memory_space<vmem>>
            %dma_wait3A_129 = arith.constant 0 : i32
            %dma_wait3A_130 = arith.constant 0 : i32
            %dma_wait3A_131 = tpu.memref_slice %arg18[%dma_wait3A_129, %dma_wait3A_130] : memref<10240x128xf32, #tpu.memory_space<vmem_shared>> -> memref<10240x128xf32, #tpu.memory_space<vmem_shared>>
            tpu.wait_indirect_dma semaphore(%arg16 : memref<!tpu.dma_semaphore, #tpu.memory_space<semaphore_mem>>) src(%arg12 : memref<128x128xf32, #tpu.memory_space<vmem>>) dst(%dma_wait3A_131 : memref<10240x128xf32, #tpu.memory_space<vmem_shared>>)
          } else {
          }
        } else {
        }
        %lt3A_100 = arith.constant 80 : i32
        %lt3A_101 = arith.cmpi slt, %add3A_41, %lt3A_100 : i32
        %convert_element_type3A_102 = arith.extui %lt3A_101 : i1 to i32
        %cond3A_103 = arith.constant 0 : i32
        %cond3A_104 = arith.cmpi ne, %convert_element_type3A_102, %cond3A_103 : i32
        scf.if %cond3A_104 {
          %eq3A_115 = arith.constant 0 : i32
          %eq3A_116 = arith.cmpi eq, %rem3A_86, %eq3A_115 : i32
          %convert_element_type3A_117 = arith.extui %eq3A_116 : i1 to i32
          %cond3A_118 = arith.constant 0 : i32
          %cond3A_119 = arith.cmpi ne, %convert_element_type3A_117, %cond3A_118 : i32
          scf.if %cond3A_119 {
            %eq3A_125 = arith.constant 0 : i32
            %eq3A_126 = arith.cmpi eq, %rem3A_39, %eq3A_125 : i32
            %convert_element_type3A_127 = arith.extui %eq3A_126 : i1 to i32
            %cond3A_128 = arith.constant 0 : i32
            %cond3A_129 = arith.cmpi ne, %convert_element_type3A_127, %cond3A_128 : i32
            scf.if %cond3A_129 {
              %dma_start3A_135 = arith.constant 0 : i32
              %dma_start3A_136 = tpu.memref_slice %arg8[%rem3A_88, %dma_start3A_135] : memref<16x128xi32, #tpu.memory_space<vmem>> -> memref<1x128xi32, #tpu.memory_space<vmem>>
              %dma_start3A_137 = tpu.memref_squeeze %dma_start3A_136 : memref<1x128xi32, #tpu.memory_space<vmem>> -> memref<128xi32, #tpu.memory_space<vmem>>
              %dma_start3A_138 = arith.constant 0 : i32
              %dma_start3A_139 = arith.constant 0 : i32
              %dma_start3A_140 = tpu.memref_slice %arg2[%dma_start3A_138, %dma_start3A_139] : memref<10240x128xf32, #tpu.memory_space<hbm>> -> memref<10240x128xf32, #tpu.memory_space<hbm>>
              tpu.enqueue_indirect_dma source(%dma_start3A_140 : memref<10240x128xf32, #tpu.memory_space<hbm>>) target(%arg13 : memref<128x128xf32, #tpu.memory_space<vmem>>) offsets(%dma_start3A_137 : memref<128xi32, #tpu.memory_space<vmem>>) semaphore(%arg15 : memref<!tpu.dma_semaphore, #tpu.memory_space<semaphore_mem>>)
            } else {
            }
            %eq3A_130 = arith.constant 1 : i32
            %eq3A_131 = arith.cmpi eq, %rem3A_39, %eq3A_130 : i32
            %convert_element_type3A_132 = arith.extui %eq3A_131 : i1 to i32
            %cond3A_133 = arith.constant 0 : i32
            %cond3A_134 = arith.cmpi ne, %convert_element_type3A_132, %cond3A_133 : i32
            scf.if %cond3A_134 {
              %dma_start3A_135 = arith.constant 0 : i32
              %dma_start3A_136 = tpu.memref_slice %arg8[%rem3A_88, %dma_start3A_135] : memref<16x128xi32, #tpu.memory_space<vmem>> -> memref<1x128xi32, #tpu.memory_space<vmem>>
              %dma_start3A_137 = tpu.memref_squeeze %dma_start3A_136 : memref<1x128xi32, #tpu.memory_space<vmem>> -> memref<128xi32, #tpu.memory_space<vmem>>
              %dma_start3A_138 = arith.constant 0 : i32
              %dma_start3A_139 = arith.constant 0 : i32
              %dma_start3A_140 = tpu.memref_slice %arg2[%dma_start3A_138, %dma_start3A_139] : memref<10240x128xf32, #tpu.memory_space<hbm>> -> memref<10240x128xf32, #tpu.memory_space<hbm>>
              tpu.enqueue_indirect_dma source(%dma_start3A_140 : memref<10240x128xf32, #tpu.memory_space<hbm>>) target(%arg12 : memref<128x128xf32, #tpu.memory_space<vmem>>) offsets(%dma_start3A_137 : memref<128xi32, #tpu.memory_space<vmem>>) semaphore(%arg14 : memref<!tpu.dma_semaphore, #tpu.memory_space<semaphore_mem>>)
            } else {
            }
          } else {
          }
          %eq3A_120 = arith.constant 1 : i32
          %eq3A_121 = arith.cmpi eq, %rem3A_86, %eq3A_120 : i32
          %convert_element_type3A_122 = arith.extui %eq3A_121 : i1 to i32
          %cond3A_123 = arith.constant 0 : i32
          %cond3A_124 = arith.cmpi ne, %convert_element_type3A_122, %cond3A_123 : i32
          scf.if %cond3A_124 {
            %eq3A_125 = arith.constant 0 : i32
            %eq3A_126 = arith.cmpi eq, %rem3A_39, %eq3A_125 : i32
            %convert_element_type3A_127 = arith.extui %eq3A_126 : i1 to i32
            %cond3A_128 = arith.constant 0 : i32
            %cond3A_129 = arith.cmpi ne, %convert_element_type3A_127, %cond3A_128 : i32
            scf.if %cond3A_129 {
              %dma_start3A_135 = arith.constant 0 : i32
              %dma_start3A_136 = tpu.memref_slice %arg9[%rem3A_88, %dma_start3A_135] : memref<16x128xi32, #tpu.memory_space<vmem>> -> memref<1x128xi32, #tpu.memory_space<vmem>>
              %dma_start3A_137 = tpu.memref_squeeze %dma_start3A_136 : memref<1x128xi32, #tpu.memory_space<vmem>> -> memref<128xi32, #tpu.memory_space<vmem>>
              %dma_start3A_138 = arith.constant 0 : i32
              %dma_start3A_139 = arith.constant 0 : i32
              %dma_start3A_140 = tpu.memref_slice %arg2[%dma_start3A_138, %dma_start3A_139] : memref<10240x128xf32, #tpu.memory_space<hbm>> -> memref<10240x128xf32, #tpu.memory_space<hbm>>
              tpu.enqueue_indirect_dma source(%dma_start3A_140 : memref<10240x128xf32, #tpu.memory_space<hbm>>) target(%arg13 : memref<128x128xf32, #tpu.memory_space<vmem>>) offsets(%dma_start3A_137 : memref<128xi32, #tpu.memory_space<vmem>>) semaphore(%arg15 : memref<!tpu.dma_semaphore, #tpu.memory_space<semaphore_mem>>)
            } else {
            }
            %eq3A_130 = arith.constant 1 : i32
            %eq3A_131 = arith.cmpi eq, %rem3A_39, %eq3A_130 : i32
            %convert_element_type3A_132 = arith.extui %eq3A_131 : i1 to i32
            %cond3A_133 = arith.constant 0 : i32
            %cond3A_134 = arith.cmpi ne, %convert_element_type3A_132, %cond3A_133 : i32
            scf.if %cond3A_134 {
              %dma_start3A_135 = arith.constant 0 : i32
              %dma_start3A_136 = tpu.memref_slice %arg9[%rem3A_88, %dma_start3A_135] : memref<16x128xi32, #tpu.memory_space<vmem>> -> memref<1x128xi32, #tpu.memory_space<vmem>>
              %dma_start3A_137 = tpu.memref_squeeze %dma_start3A_136 : memref<1x128xi32, #tpu.memory_space<vmem>> -> memref<128xi32, #tpu.memory_space<vmem>>
              %dma_start3A_138 = arith.constant 0 : i32
              %dma_start3A_139 = arith.constant 0 : i32
              %dma_start3A_140 = tpu.memref_slice %arg2[%dma_start3A_138, %dma_start3A_139] : memref<10240x128xf32, #tpu.memory_space<hbm>> -> memref<10240x128xf32, #tpu.memory_space<hbm>>
              tpu.enqueue_indirect_dma source(%dma_start3A_140 : memref<10240x128xf32, #tpu.memory_space<hbm>>) target(%arg12 : memref<128x128xf32, #tpu.memory_space<vmem>>) offsets(%dma_start3A_137 : memref<128xi32, #tpu.memory_space<vmem>>) semaphore(%arg14 : memref<!tpu.dma_semaphore, #tpu.memory_space<semaphore_mem>>)
            } else {
            }
          } else {
          }
        } else {
        }
        %eq3A_105 = arith.constant 0 : i32
        %eq3A_106 = arith.cmpi eq, %rem3A_60, %eq3A_105 : i32
        %convert_element_type3A_107 = arith.extui %eq3A_106 : i1 to i32
        %cond3A_108 = arith.constant 0 : i32
        %cond3A_109 = arith.cmpi ne, %convert_element_type3A_107, %cond3A_108 : i32
        scf.if %cond3A_109 {
          %eq3A_115 = arith.constant 0 : i32
          %eq3A_116 = arith.cmpi eq, %rem3A_39, %eq3A_115 : i32
          %convert_element_type3A_117 = arith.extui %eq3A_116 : i1 to i32
          %cond3A_118 = arith.constant 0 : i32
          %cond3A_119 = arith.cmpi ne, %convert_element_type3A_117, %cond3A_118 : i32
          scf.if %cond3A_119 {
            %dma_wait3A_125 = arith.constant 0 : i32
            %dma_wait3A_126 = arith.constant 0 : i32
            %dma_wait3A_127 = tpu.memref_slice %arg8[%dma_wait3A_125, %dma_wait3A_126] : memref<16x128xi32, #tpu.memory_space<vmem>> -> memref<1x128xi32, #tpu.memory_space<vmem>>
            %dma_wait3A_128 = tpu.memref_squeeze %dma_wait3A_127 : memref<1x128xi32, #tpu.memory_space<vmem>> -> memref<128xi32, #tpu.memory_space<vmem>>
            %dma_wait3A_129 = arith.constant 0 : i32
            %dma_wait3A_130 = arith.constant 0 : i32
            %dma_wait3A_131 = tpu.memref_slice %arg2[%dma_wait3A_129, %dma_wait3A_130] : memref<10240x128xf32, #tpu.memory_space<hbm>> -> memref<10240x128xf32, #tpu.memory_space<hbm>>
            tpu.wait_indirect_dma semaphore(%arg14 : memref<!tpu.dma_semaphore, #tpu.memory_space<semaphore_mem>>) src(%dma_wait3A_131 : memref<10240x128xf32, #tpu.memory_space<hbm>>) dst(%arg12 : memref<128x128xf32, #tpu.memory_space<vmem>>)
            %rem3A_132 = arith.constant 16 : i32
            %rem3A_133 = arith.remsi %scan3A_38, %rem3A_132 : i32
            %dma_start3A_134 = arith.constant 0 : i32
            %dma_start3A_135 = tpu.memref_slice %arg10[%rem3A_133, %dma_start3A_134] : memref<16x128xi32, #tpu.memory_space<vmem>> -> memref<1x128xi32, #tpu.memory_space<vmem>>
            %dma_start3A_136 = tpu.memref_squeeze %dma_start3A_135 : memref<1x128xi32, #tpu.memory_space<vmem>> -> memref<128xi32, #tpu.memory_space<vmem>>
            %dma_start3A_137 = arith.constant 0 : i32
            %dma_start3A_138 = arith.constant 0 : i32
            %dma_start3A_139 = tpu.memref_slice %arg18[%dma_start3A_137, %dma_start3A_138] : memref<10240x128xf32, #tpu.memory_space<vmem_shared>> -> memref<10240x128xf32, #tpu.memory_space<vmem_shared>>
            tpu.enqueue_indirect_dma source(%arg12 : memref<128x128xf32, #tpu.memory_space<vmem>>) target(%dma_start3A_139 : memref<10240x128xf32, #tpu.memory_space<vmem_shared>>) offsets(%dma_start3A_136 : memref<128xi32, #tpu.memory_space<vmem>>) semaphore(%arg16 : memref<!tpu.dma_semaphore, #tpu.memory_space<semaphore_mem>>) {add = true}
          } else {
          }
          %eq3A_120 = arith.constant 1 : i32
          %eq3A_121 = arith.cmpi eq, %rem3A_39, %eq3A_120 : i32
          %convert_element_type3A_122 = arith.extui %eq3A_121 : i1 to i32
          %cond3A_123 = arith.constant 0 : i32
          %cond3A_124 = arith.cmpi ne, %convert_element_type3A_122, %cond3A_123 : i32
          scf.if %cond3A_124 {
            %dma_wait3A_125 = arith.constant 0 : i32
            %dma_wait3A_126 = arith.constant 0 : i32
            %dma_wait3A_127 = tpu.memref_slice %arg8[%dma_wait3A_125, %dma_wait3A_126] : memref<16x128xi32, #tpu.memory_space<vmem>> -> memref<1x128xi32, #tpu.memory_space<vmem>>
            %dma_wait3A_128 = tpu.memref_squeeze %dma_wait3A_127 : memref<1x128xi32, #tpu.memory_space<vmem>> -> memref<128xi32, #tpu.memory_space<vmem>>
            %dma_wait3A_129 = arith.constant 0 : i32
            %dma_wait3A_130 = arith.constant 0 : i32
            %dma_wait3A_131 = tpu.memref_slice %arg2[%dma_wait3A_129, %dma_wait3A_130] : memref<10240x128xf32, #tpu.memory_space<hbm>> -> memref<10240x128xf32, #tpu.memory_space<hbm>>
            tpu.wait_indirect_dma semaphore(%arg15 : memref<!tpu.dma_semaphore, #tpu.memory_space<semaphore_mem>>) src(%dma_wait3A_131 : memref<10240x128xf32, #tpu.memory_space<hbm>>) dst(%arg13 : memref<128x128xf32, #tpu.memory_space<vmem>>)
            %rem3A_132 = arith.constant 16 : i32
            %rem3A_133 = arith.remsi %scan3A_38, %rem3A_132 : i32
            %dma_start3A_134 = arith.constant 0 : i32
            %dma_start3A_135 = tpu.memref_slice %arg10[%rem3A_133, %dma_start3A_134] : memref<16x128xi32, #tpu.memory_space<vmem>> -> memref<1x128xi32, #tpu.memory_space<vmem>>
            %dma_start3A_136 = tpu.memref_squeeze %dma_start3A_135 : memref<1x128xi32, #tpu.memory_space<vmem>> -> memref<128xi32, #tpu.memory_space<vmem>>
            %dma_start3A_137 = arith.constant 0 : i32
            %dma_start3A_138 = arith.constant 0 : i32
            %dma_start3A_139 = tpu.memref_slice %arg18[%dma_start3A_137, %dma_start3A_138] : memref<10240x128xf32, #tpu.memory_space<vmem_shared>> -> memref<10240x128xf32, #tpu.memory_space<vmem_shared>>
            tpu.enqueue_indirect_dma source(%arg13 : memref<128x128xf32, #tpu.memory_space<vmem>>) target(%dma_start3A_139 : memref<10240x128xf32, #tpu.memory_space<vmem_shared>>) offsets(%dma_start3A_136 : memref<128xi32, #tpu.memory_space<vmem>>) semaphore(%arg17 : memref<!tpu.dma_semaphore, #tpu.memory_space<semaphore_mem>>) {add = true}
          } else {
          }
        } else {
        }
        %eq3A_110 = arith.constant 1 : i32
        %eq3A_111 = arith.cmpi eq, %rem3A_60, %eq3A_110 : i32
        %convert_element_type3A_112 = arith.extui %eq3A_111 : i1 to i32
        %cond3A_113 = arith.constant 0 : i32
        %cond3A_114 = arith.cmpi ne, %convert_element_type3A_112, %cond3A_113 : i32
        scf.if %cond3A_114 {
          %eq3A_115 = arith.constant 0 : i32
          %eq3A_116 = arith.cmpi eq, %rem3A_39, %eq3A_115 : i32
          %convert_element_type3A_117 = arith.extui %eq3A_116 : i1 to i32
          %cond3A_118 = arith.constant 0 : i32
          %cond3A_119 = arith.cmpi ne, %convert_element_type3A_117, %cond3A_118 : i32
          scf.if %cond3A_119 {
            %dma_wait3A_125 = arith.constant 0 : i32
            %dma_wait3A_126 = arith.constant 0 : i32
            %dma_wait3A_127 = tpu.memref_slice %arg9[%dma_wait3A_125, %dma_wait3A_126] : memref<16x128xi32, #tpu.memory_space<vmem>> -> memref<1x128xi32, #tpu.memory_space<vmem>>
            %dma_wait3A_128 = tpu.memref_squeeze %dma_wait3A_127 : memref<1x128xi32, #tpu.memory_space<vmem>> -> memref<128xi32, #tpu.memory_space<vmem>>
            %dma_wait3A_129 = arith.constant 0 : i32
            %dma_wait3A_130 = arith.constant 0 : i32
            %dma_wait3A_131 = tpu.memref_slice %arg2[%dma_wait3A_129, %dma_wait3A_130] : memref<10240x128xf32, #tpu.memory_space<hbm>> -> memref<10240x128xf32, #tpu.memory_space<hbm>>
            tpu.wait_indirect_dma semaphore(%arg14 : memref<!tpu.dma_semaphore, #tpu.memory_space<semaphore_mem>>) src(%dma_wait3A_131 : memref<10240x128xf32, #tpu.memory_space<hbm>>) dst(%arg12 : memref<128x128xf32, #tpu.memory_space<vmem>>)
            %rem3A_132 = arith.constant 16 : i32
            %rem3A_133 = arith.remsi %scan3A_38, %rem3A_132 : i32
            %dma_start3A_134 = arith.constant 0 : i32
            %dma_start3A_135 = tpu.memref_slice %arg11[%rem3A_133, %dma_start3A_134] : memref<16x128xi32, #tpu.memory_space<vmem>> -> memref<1x128xi32, #tpu.memory_space<vmem>>
            %dma_start3A_136 = tpu.memref_squeeze %dma_start3A_135 : memref<1x128xi32, #tpu.memory_space<vmem>> -> memref<128xi32, #tpu.memory_space<vmem>>
            %dma_start3A_137 = arith.constant 0 : i32
            %dma_start3A_138 = arith.constant 0 : i32
            %dma_start3A_139 = tpu.memref_slice %arg18[%dma_start3A_137, %dma_start3A_138] : memref<10240x128xf32, #tpu.memory_space<vmem_shared>> -> memref<10240x128xf32, #tpu.memory_space<vmem_shared>>
            tpu.enqueue_indirect_dma source(%arg12 : memref<128x128xf32, #tpu.memory_space<vmem>>) target(%dma_start3A_139 : memref<10240x128xf32, #tpu.memory_space<vmem_shared>>) offsets(%dma_start3A_136 : memref<128xi32, #tpu.memory_space<vmem>>) semaphore(%arg16 : memref<!tpu.dma_semaphore, #tpu.memory_space<semaphore_mem>>) {add = true}
          } else {
          }
          %eq3A_120 = arith.constant 1 : i32
          %eq3A_121 = arith.cmpi eq, %rem3A_39, %eq3A_120 : i32
          %convert_element_type3A_122 = arith.extui %eq3A_121 : i1 to i32
          %cond3A_123 = arith.constant 0 : i32
          %cond3A_124 = arith.cmpi ne, %convert_element_type3A_122, %cond3A_123 : i32
          scf.if %cond3A_124 {
            %dma_wait3A_125 = arith.constant 0 : i32
            %dma_wait3A_126 = arith.constant 0 : i32
            %dma_wait3A_127 = tpu.memref_slice %arg9[%dma_wait3A_125, %dma_wait3A_126] : memref<16x128xi32, #tpu.memory_space<vmem>> -> memref<1x128xi32, #tpu.memory_space<vmem>>
            %dma_wait3A_128 = tpu.memref_squeeze %dma_wait3A_127 : memref<1x128xi32, #tpu.memory_space<vmem>> -> memref<128xi32, #tpu.memory_space<vmem>>
            %dma_wait3A_129 = arith.constant 0 : i32
            %dma_wait3A_130 = arith.constant 0 : i32
            %dma_wait3A_131 = tpu.memref_slice %arg2[%dma_wait3A_129, %dma_wait3A_130] : memref<10240x128xf32, #tpu.memory_space<hbm>> -> memref<10240x128xf32, #tpu.memory_space<hbm>>
            tpu.wait_indirect_dma semaphore(%arg15 : memref<!tpu.dma_semaphore, #tpu.memory_space<semaphore_mem>>) src(%dma_wait3A_131 : memref<10240x128xf32, #tpu.memory_space<hbm>>) dst(%arg13 : memref<128x128xf32, #tpu.memory_space<vmem>>)
            %rem3A_132 = arith.constant 16 : i32
            %rem3A_133 = arith.remsi %scan3A_38, %rem3A_132 : i32
            %dma_start3A_134 = arith.constant 0 : i32
            %dma_start3A_135 = tpu.memref_slice %arg11[%rem3A_133, %dma_start3A_134] : memref<16x128xi32, #tpu.memory_space<vmem>> -> memref<1x128xi32, #tpu.memory_space<vmem>>
            %dma_start3A_136 = tpu.memref_squeeze %dma_start3A_135 : memref<1x128xi32, #tpu.memory_space<vmem>> -> memref<128xi32, #tpu.memory_space<vmem>>
            %dma_start3A_137 = arith.constant 0 : i32
            %dma_start3A_138 = arith.constant 0 : i32
            %dma_start3A_139 = tpu.memref_slice %arg18[%dma_start3A_137, %dma_start3A_138] : memref<10240x128xf32, #tpu.memory_space<vmem_shared>> -> memref<10240x128xf32, #tpu.memory_space<vmem_shared>>
            tpu.enqueue_indirect_dma source(%arg13 : memref<128x128xf32, #tpu.memory_space<vmem>>) target(%dma_start3A_139 : memref<10240x128xf32, #tpu.memory_space<vmem_shared>>) offsets(%dma_start3A_136 : memref<128xi32, #tpu.memory_space<vmem>>) semaphore(%arg17 : memref<!tpu.dma_semaphore, #tpu.memory_space<semaphore_mem>>) {add = true}
          } else {
          }
        } else {
        }
      }
      %scan3A_26 = arith.constant 80 : i32
      %dma_wait3A = arith.constant 0 : i32
      %dma_wait3A_27 = arith.constant 0 : i32
      %dma_wait3A_28 = tpu.memref_slice %arg10[%dma_wait3A, %dma_wait3A_27] : memref<16x128xi32, #tpu.memory_space<vmem>> -> memref<1x128xi32, #tpu.memory_space<vmem>>
      %dma_wait3A_29 = tpu.memref_squeeze %dma_wait3A_28 : memref<1x128xi32, #tpu.memory_space<vmem>> -> memref<128xi32, #tpu.memory_space<vmem>>
      %dma_wait3A_30 = arith.constant 0 : i32
      %dma_wait3A_31 = arith.constant 0 : i32
      %dma_wait3A_32 = tpu.memref_slice %arg18[%dma_wait3A_30, %dma_wait3A_31] : memref<10240x128xf32, #tpu.memory_space<vmem_shared>> -> memref<10240x128xf32, #tpu.memory_space<vmem_shared>>
      tpu.wait_indirect_dma semaphore(%arg17 : memref<!tpu.dma_semaphore, #tpu.memory_space<semaphore_mem>>) src(%arg13 : memref<128x128xf32, #tpu.memory_space<vmem>>) dst(%dma_wait3A_32 : memref<10240x128xf32, #tpu.memory_space<vmem_shared>>)
      %barrier3A_33 = arith.constant 0 : index
      tpu.barrier barrier_id(%barrier3A_33)
      %mul3A_34 = arith.constant 640 : i32
      %mul3A_35 = arith.muli %arg1, %mul3A_34 : i32
      %mul3A_36 = arith.constant 640 : i32
      %mul3A_37 = arith.muli %arg1, %mul3A_36 : i32
      "tpu.region"() ({
        %run_scoped3A = tpu.sem_alloc : memref<!tpu.dma_semaphore, #tpu.memory_space<semaphore_mem>>
        %dma_start3A_38 = arith.constant 0 : i32
        %dma_start3A_39 = tpu.memref_slice %arg6[%mul3A_37, %dma_start3A_38] : memref<10240x128xf32, #tpu.memory_space<hbm>> -> memref<640x128xf32, #tpu.memory_space<hbm>>
        %dma_start3A_40 = arith.constant 0 : i32
        %dma_start3A_41 = tpu.memref_slice %arg18[%mul3A_35, %dma_start3A_40] : memref<10240x128xf32, #tpu.memory_space<vmem_shared>> -> memref<640x128xf32, #tpu.memory_space<vmem_shared>>
        tpu.enqueue_dma source(%dma_start3A_41 : memref<640x128xf32, #tpu.memory_space<vmem_shared>>) target(%dma_start3A_39 : memref<640x128xf32, #tpu.memory_space<hbm>>) target_semaphore(%run_scoped3A : memref<!tpu.dma_semaphore, #tpu.memory_space<semaphore_mem>>)
        %dma_wait3A_42 = arith.constant 0 : i32
        %dma_wait3A_43 = tpu.memref_slice %arg6[%mul3A_37, %dma_wait3A_42] : memref<10240x128xf32, #tpu.memory_space<hbm>> -> memref<640x128xf32, #tpu.memory_space<hbm>>
        %dma_wait3A_44 = arith.constant 0 : i32
        %dma_wait3A_45 = tpu.memref_slice %arg18[%mul3A_35, %dma_wait3A_44] : memref<10240x128xf32, #tpu.memory_space<vmem_shared>> -> memref<640x128xf32, #tpu.memory_space<vmem_shared>>
        tpu.wait_dma2 semaphore(%run_scoped3A : memref<!tpu.dma_semaphore, #tpu.memory_space<semaphore_mem>>) src(%dma_wait3A_45 : memref<640x128xf32, #tpu.memory_space<vmem_shared>>) dst(%dma_wait3A_43 : memref<640x128xf32, #tpu.memory_space<hbm>>)
        tpu.yield
      }) : () -> ()
    } else {
    }
    %eq3A_5 = arith.constant 1 : i32
    %eq3A_6 = arith.cmpi eq, %arg0, %eq3A_5 : i32
    %convert_element_type3A_7 = arith.extui %eq3A_6 : i1 to i32
    %cond3A_8 = arith.constant 0 : i32
    %cond3A_9 = arith.cmpi ne, %convert_element_type3A_7, %cond3A_8 : i32
    scf.if %cond3A_9 {
      %mul3A_10 = arith.constant 640 : i32
      %mul3A_11 = arith.muli %arg1, %mul3A_10 : i32
      %mul3A_12 = arith.constant 640 : i32
      %mul3A_13 = arith.muli %arg1, %mul3A_12 : i32
      "tpu.region"() ({
        %run_scoped3A = tpu.sem_alloc : memref<!tpu.dma_semaphore, #tpu.memory_space<semaphore_mem>>
        %dma_start3A_38 = arith.constant 0 : i32
        %dma_start3A_39 = tpu.memref_slice %arg18[%mul3A_13, %dma_start3A_38] : memref<10240x128xf32, #tpu.memory_space<vmem_shared>> -> memref<640x128xf32, #tpu.memory_space<vmem_shared>>
        %dma_start3A_40 = arith.constant 0 : i32
        %dma_start3A_41 = tpu.memref_slice %arg3[%mul3A_11, %dma_start3A_40] : memref<10240x128xf32, #tpu.memory_space<hbm>> -> memref<640x128xf32, #tpu.memory_space<hbm>>
        tpu.enqueue_dma source(%dma_start3A_41 : memref<640x128xf32, #tpu.memory_space<hbm>>) target(%dma_start3A_39 : memref<640x128xf32, #tpu.memory_space<vmem_shared>>) target_semaphore(%run_scoped3A : memref<!tpu.dma_semaphore, #tpu.memory_space<semaphore_mem>>)
        %dma_wait3A_42 = arith.constant 0 : i32
        %dma_wait3A_43 = tpu.memref_slice %arg18[%mul3A_13, %dma_wait3A_42] : memref<10240x128xf32, #tpu.memory_space<vmem_shared>> -> memref<640x128xf32, #tpu.memory_space<vmem_shared>>
        %dma_wait3A_44 = arith.constant 0 : i32
        %dma_wait3A_45 = tpu.memref_slice %arg3[%mul3A_11, %dma_wait3A_44] : memref<10240x128xf32, #tpu.memory_space<hbm>> -> memref<640x128xf32, #tpu.memory_space<hbm>>
        tpu.wait_dma2 semaphore(%run_scoped3A : memref<!tpu.dma_semaphore, #tpu.memory_space<semaphore_mem>>) src(%dma_wait3A_45 : memref<640x128xf32, #tpu.memory_space<hbm>>) dst(%dma_wait3A_43 : memref<640x128xf32, #tpu.memory_space<vmem_shared>>)
        tpu.yield
      }) : () -> ()
      %barrier3A = arith.constant 0 : index
      tpu.barrier barrier_id(%barrier3A)
      %add3A_14 = arith.constant 0 : i32
      %add3A_15 = arith.addi %mul3A_2, %add3A_14 : i32
      %multiple_of3A = tpu.assume_multiple %add3A_15, 8 : i32
      "tpu.region"() ({
        %run_scoped3A = tpu.sem_alloc : memref<!tpu.dma_semaphore, #tpu.memory_space<semaphore_mem>>
        %dma_start3A_38 = arith.constant 0 : i32
        %dma_start3A_39 = tpu.memref_slice %arg4[%multiple_of3A, %dma_start3A_38] : memref<2560x128xi32, #tpu.memory_space<hbm>> -> memref<16x128xi32, #tpu.memory_space<hbm>>
        %dma_start3A_40 = arith.constant 0 : i32
        %dma_start3A_41 = tpu.memref_slice %arg4[%multiple_of3A, %dma_start3A_40] : memref<2560x128xi32, #tpu.memory_space<hbm>> -> memref<16x128xi32, #tpu.memory_space<hbm>>
        tpu.enqueue_dma source(%dma_start3A_41 : memref<16x128xi32, #tpu.memory_space<hbm>>) target(%arg8 : memref<16x128xi32, #tpu.memory_space<vmem>>) target_semaphore(%run_scoped3A : memref<!tpu.dma_semaphore, #tpu.memory_space<semaphore_mem>>)
        %dma_wait3A_42 = arith.constant 0 : i32
        %dma_wait3A_43 = tpu.memref_slice %arg4[%multiple_of3A, %dma_wait3A_42] : memref<2560x128xi32, #tpu.memory_space<hbm>> -> memref<16x128xi32, #tpu.memory_space<hbm>>
        %dma_wait3A_44 = arith.constant 0 : i32
        %dma_wait3A_45 = tpu.memref_slice %arg4[%multiple_of3A, %dma_wait3A_44] : memref<2560x128xi32, #tpu.memory_space<hbm>> -> memref<16x128xi32, #tpu.memory_space<hbm>>
        tpu.wait_dma2 semaphore(%run_scoped3A : memref<!tpu.dma_semaphore, #tpu.memory_space<semaphore_mem>>) src(%dma_wait3A_45 : memref<16x128xi32, #tpu.memory_space<hbm>>) dst(%arg8 : memref<16x128xi32, #tpu.memory_space<vmem>>)
        tpu.yield
      }) : () -> ()
      "tpu.region"() ({
        %run_scoped3A = tpu.sem_alloc : memref<!tpu.dma_semaphore, #tpu.memory_space<semaphore_mem>>
        %dma_start3A_38 = arith.constant 0 : i32
        %dma_start3A_39 = tpu.memref_slice %arg5[%multiple_of3A, %dma_start3A_38] : memref<2560x128xi32, #tpu.memory_space<hbm>> -> memref<16x128xi32, #tpu.memory_space<hbm>>
        %dma_start3A_40 = arith.constant 0 : i32
        %dma_start3A_41 = tpu.memref_slice %arg5[%multiple_of3A, %dma_start3A_40] : memref<2560x128xi32, #tpu.memory_space<hbm>> -> memref<16x128xi32, #tpu.memory_space<hbm>>
        tpu.enqueue_dma source(%dma_start3A_41 : memref<16x128xi32, #tpu.memory_space<hbm>>) target(%arg10 : memref<16x128xi32, #tpu.memory_space<vmem>>) target_semaphore(%run_scoped3A : memref<!tpu.dma_semaphore, #tpu.memory_space<semaphore_mem>>)
        %dma_wait3A_42 = arith.constant 0 : i32
        %dma_wait3A_43 = tpu.memref_slice %arg5[%multiple_of3A, %dma_wait3A_42] : memref<2560x128xi32, #tpu.memory_space<hbm>> -> memref<16x128xi32, #tpu.memory_space<hbm>>
        %dma_wait3A_44 = arith.constant 0 : i32
        %dma_wait3A_45 = tpu.memref_slice %arg5[%multiple_of3A, %dma_wait3A_44] : memref<2560x128xi32, #tpu.memory_space<hbm>> -> memref<16x128xi32, #tpu.memory_space<hbm>>
        tpu.wait_dma2 semaphore(%run_scoped3A : memref<!tpu.dma_semaphore, #tpu.memory_space<semaphore_mem>>) src(%dma_wait3A_45 : memref<16x128xi32, #tpu.memory_space<hbm>>) dst(%arg10 : memref<16x128xi32, #tpu.memory_space<vmem>>)
        tpu.yield
      }) : () -> ()
      %dma_start3A = arith.constant 0 : i32
      %dma_start3A_16 = arith.constant 0 : i32
      %dma_start3A_17 = tpu.memref_slice %arg8[%dma_start3A, %dma_start3A_16] : memref<16x128xi32, #tpu.memory_space<vmem>> -> memref<1x128xi32, #tpu.memory_space<vmem>>
      %dma_start3A_18 = tpu.memref_squeeze %dma_start3A_17 : memref<1x128xi32, #tpu.memory_space<vmem>> -> memref<128xi32, #tpu.memory_space<vmem>>
      %dma_start3A_19 = arith.constant 0 : i32
      %dma_start3A_20 = arith.constant 0 : i32
      %dma_start3A_21 = tpu.memref_slice %arg3[%dma_start3A_19, %dma_start3A_20] : memref<10240x128xf32, #tpu.memory_space<hbm>> -> memref<10240x128xf32, #tpu.memory_space<hbm>>
      tpu.enqueue_indirect_dma source(%dma_start3A_21 : memref<10240x128xf32, #tpu.memory_space<hbm>>) target(%arg12 : memref<128x128xf32, #tpu.memory_space<vmem>>) offsets(%dma_start3A_18 : memref<128xi32, #tpu.memory_space<vmem>>) semaphore(%arg14 : memref<!tpu.dma_semaphore, #tpu.memory_space<semaphore_mem>>)
      %scan3A = arith.constant 0 : i32
      %scan3A_22 = arith.constant 0 : i32
      %scan3A_23 = arith.constant 80 : i32
      %scan3A_24 = arith.addi %scan3A_22, %scan3A_23 : i32
      %scan3A_25 = arith.constant 1 : i32
      scf.for %scan3A_38 = %scan3A_22 to %scan3A_24 step %scan3A_25  : i32 {
        %rem3A = arith.constant 2 : i32
        %rem3A_39 = arith.remsi %scan3A_38, %rem3A : i32
        %add3A_40 = arith.constant 1 : i32
        %add3A_41 = arith.addi %scan3A_38, %add3A_40 : i32
        %jit3A = arith.constant 16 : i32
        %div3A = arith.divsi %scan3A_38, %jit3A : i32
        %sign3A = arith.constant 0 : i32
        %sign3A_42 = arith.cmpi sgt, %scan3A_38, %sign3A : i32
        %sign3A_43 = arith.extui %sign3A_42 : i1 to i32
        %sign3A_44 = arith.constant 0 : i32
        %sign3A_45 = arith.cmpi slt, %scan3A_38, %sign3A_44 : i32
        %sign3A_46 = arith.extui %sign3A_45 : i1 to i32
        %sign3A_47 = arith.subi %sign3A_43, %sign3A_46 : i32
        %sign3A_48 = arith.constant 0 : i32
        %sign3A_49 = arith.cmpi sgt, %jit3A, %sign3A_48 : i32
        %sign3A_50 = arith.extui %sign3A_49 : i1 to i32
        %sign3A_51 = arith.constant 0 : i32
        %sign3A_52 = arith.cmpi slt, %jit3A, %sign3A_51 : i32
        %sign3A_53 = arith.extui %sign3A_52 : i1 to i32
        %sign3A_54 = arith.subi %sign3A_50, %sign3A_53 : i32
        %ne3A = arith.cmpi ne, %sign3A_47, %sign3A_54 : i32
        %rem3A_55 = arith.remsi %scan3A_38, %jit3A : i32
        %ne3A_56 = arith.constant 0 : i32
        %ne3A_57 = arith.cmpi ne, %rem3A_55, %ne3A_56 : i32
        %and3A = arith.andi %ne3A, %ne3A_57 : i1
        %sub3A = arith.constant 1 : i32
        %sub3A_58 = arith.subi %div3A, %sub3A : i32
        %select_n3A = arith.select %and3A, %sub3A_58, %div3A : i32
        %rem3A_59 = arith.constant 2 : i32
        %rem3A_60 = arith.remsi %select_n3A, %rem3A_59 : i32
        %jit3A_61 = arith.constant 16 : i32
        %div3A_62 = arith.divsi %add3A_41, %jit3A_61 : i32
        %sign3A_63 = arith.constant 0 : i32
        %sign3A_64 = arith.cmpi sgt, %add3A_41, %sign3A_63 : i32
        %sign3A_65 = arith.extui %sign3A_64 : i1 to i32
        %sign3A_66 = arith.constant 0 : i32
        %sign3A_67 = arith.cmpi slt, %add3A_41, %sign3A_66 : i32
        %sign3A_68 = arith.extui %sign3A_67 : i1 to i32
        %sign3A_69 = arith.subi %sign3A_65, %sign3A_68 : i32
        %sign3A_70 = arith.constant 0 : i32
        %sign3A_71 = arith.cmpi sgt, %jit3A_61, %sign3A_70 : i32
        %sign3A_72 = arith.extui %sign3A_71 : i1 to i32
        %sign3A_73 = arith.constant 0 : i32
        %sign3A_74 = arith.cmpi slt, %jit3A_61, %sign3A_73 : i32
        %sign3A_75 = arith.extui %sign3A_74 : i1 to i32
        %sign3A_76 = arith.subi %sign3A_72, %sign3A_75 : i32
        %ne3A_77 = arith.cmpi ne, %sign3A_69, %sign3A_76 : i32
        %rem3A_78 = arith.remsi %add3A_41, %jit3A_61 : i32
        %ne3A_79 = arith.constant 0 : i32
        %ne3A_80 = arith.cmpi ne, %rem3A_78, %ne3A_79 : i32
        %and3A_81 = arith.andi %ne3A_77, %ne3A_80 : i1
        %sub3A_82 = arith.constant 1 : i32
        %sub3A_83 = arith.subi %div3A_62, %sub3A_82 : i32
        %select_n3A_84 = arith.select %and3A_81, %sub3A_83, %div3A_62 : i32
        %rem3A_85 = arith.constant 2 : i32
        %rem3A_86 = arith.remsi %select_n3A_84, %rem3A_85 : i32
        %rem3A_87 = arith.constant 16 : i32
        %rem3A_88 = arith.remsi %add3A_41, %rem3A_87 : i32
        %lt3A = arith.constant 80 : i32
        %lt3A_89 = arith.cmpi slt, %add3A_41, %lt3A : i32
        %eq3A_90 = arith.constant 0 : i32
        %eq3A_91 = arith.cmpi eq, %rem3A_88, %eq3A_90 : i32
        %and3A_92 = arith.andi %lt3A_89, %eq3A_91 : i1
        %convert_element_type3A_93 = arith.extui %and3A_92 : i1 to i32
        %cond3A_94 = arith.constant 0 : i32
        %cond3A_95 = arith.cmpi ne, %convert_element_type3A_93, %cond3A_94 : i32
        scf.if %cond3A_95 {
          %eq3A_115 = arith.constant 0 : i32
          %eq3A_116 = arith.cmpi eq, %rem3A_86, %eq3A_115 : i32
          %convert_element_type3A_117 = arith.extui %eq3A_116 : i1 to i32
          %cond3A_118 = arith.constant 0 : i32
          %cond3A_119 = arith.cmpi ne, %convert_element_type3A_117, %cond3A_118 : i32
          scf.if %cond3A_119 {
            %jit3A_125 = arith.constant 16 : i32
            %div3A_126 = arith.divsi %add3A_41, %jit3A_125 : i32
            %sign3A_127 = arith.constant 0 : i32
            %sign3A_128 = arith.cmpi sgt, %add3A_41, %sign3A_127 : i32
            %sign3A_129 = arith.extui %sign3A_128 : i1 to i32
            %sign3A_130 = arith.constant 0 : i32
            %sign3A_131 = arith.cmpi slt, %add3A_41, %sign3A_130 : i32
            %sign3A_132 = arith.extui %sign3A_131 : i1 to i32
            %sign3A_133 = arith.subi %sign3A_129, %sign3A_132 : i32
            %sign3A_134 = arith.constant 0 : i32
            %sign3A_135 = arith.cmpi sgt, %jit3A_125, %sign3A_134 : i32
            %sign3A_136 = arith.extui %sign3A_135 : i1 to i32
            %sign3A_137 = arith.constant 0 : i32
            %sign3A_138 = arith.cmpi slt, %jit3A_125, %sign3A_137 : i32
            %sign3A_139 = arith.extui %sign3A_138 : i1 to i32
            %sign3A_140 = arith.subi %sign3A_136, %sign3A_139 : i32
            %ne3A_141 = arith.cmpi ne, %sign3A_133, %sign3A_140 : i32
            %rem3A_142 = arith.remsi %add3A_41, %jit3A_125 : i32
            %ne3A_143 = arith.constant 0 : i32
            %ne3A_144 = arith.cmpi ne, %rem3A_142, %ne3A_143 : i32
            %and3A_145 = arith.andi %ne3A_141, %ne3A_144 : i1
            %sub3A_146 = arith.constant 1 : i32
            %sub3A_147 = arith.subi %div3A_126, %sub3A_146 : i32
            %select_n3A_148 = arith.select %and3A_145, %sub3A_147, %div3A_126 : i32
            %mul3A_149 = arith.constant 16 : i32
            %mul3A_150 = arith.muli %select_n3A_148, %mul3A_149 : i32
            %add3A_151 = arith.addi %mul3A_2, %mul3A_150 : i32
            %multiple_of3A_152 = tpu.assume_multiple %add3A_151, 8 : i32
            "tpu.region"() ({
              %run_scoped3A = tpu.sem_alloc : memref<!tpu.dma_semaphore, #tpu.memory_space<semaphore_mem>>
              %dma_start3A_153 = arith.constant 0 : i32
              %dma_start3A_154 = tpu.memref_slice %arg4[%multiple_of3A_152, %dma_start3A_153] : memref<2560x128xi32, #tpu.memory_space<hbm>> -> memref<16x128xi32, #tpu.memory_space<hbm>>
              %dma_start3A_155 = arith.constant 0 : i32
              %dma_start3A_156 = tpu.memref_slice %arg4[%multiple_of3A_152, %dma_start3A_155] : memref<2560x128xi32, #tpu.memory_space<hbm>> -> memref<16x128xi32, #tpu.memory_space<hbm>>
              tpu.enqueue_dma source(%dma_start3A_156 : memref<16x128xi32, #tpu.memory_space<hbm>>) target(%arg8 : memref<16x128xi32, #tpu.memory_space<vmem>>) target_semaphore(%run_scoped3A : memref<!tpu.dma_semaphore, #tpu.memory_space<semaphore_mem>>)
              %dma_wait3A_157 = arith.constant 0 : i32
              %dma_wait3A_158 = tpu.memref_slice %arg4[%multiple_of3A_152, %dma_wait3A_157] : memref<2560x128xi32, #tpu.memory_space<hbm>> -> memref<16x128xi32, #tpu.memory_space<hbm>>
              %dma_wait3A_159 = arith.constant 0 : i32
              %dma_wait3A_160 = tpu.memref_slice %arg4[%multiple_of3A_152, %dma_wait3A_159] : memref<2560x128xi32, #tpu.memory_space<hbm>> -> memref<16x128xi32, #tpu.memory_space<hbm>>
              tpu.wait_dma2 semaphore(%run_scoped3A : memref<!tpu.dma_semaphore, #tpu.memory_space<semaphore_mem>>) src(%dma_wait3A_160 : memref<16x128xi32, #tpu.memory_space<hbm>>) dst(%arg8 : memref<16x128xi32, #tpu.memory_space<vmem>>)
              tpu.yield
            }) : () -> ()
            "tpu.region"() ({
              %run_scoped3A = tpu.sem_alloc : memref<!tpu.dma_semaphore, #tpu.memory_space<semaphore_mem>>
              %dma_start3A_153 = arith.constant 0 : i32
              %dma_start3A_154 = tpu.memref_slice %arg5[%multiple_of3A_152, %dma_start3A_153] : memref<2560x128xi32, #tpu.memory_space<hbm>> -> memref<16x128xi32, #tpu.memory_space<hbm>>
              %dma_start3A_155 = arith.constant 0 : i32
              %dma_start3A_156 = tpu.memref_slice %arg5[%multiple_of3A_152, %dma_start3A_155] : memref<2560x128xi32, #tpu.memory_space<hbm>> -> memref<16x128xi32, #tpu.memory_space<hbm>>
              tpu.enqueue_dma source(%dma_start3A_156 : memref<16x128xi32, #tpu.memory_space<hbm>>) target(%arg10 : memref<16x128xi32, #tpu.memory_space<vmem>>) target_semaphore(%run_scoped3A : memref<!tpu.dma_semaphore, #tpu.memory_space<semaphore_mem>>)
              %dma_wait3A_157 = arith.constant 0 : i32
              %dma_wait3A_158 = tpu.memref_slice %arg5[%multiple_of3A_152, %dma_wait3A_157] : memref<2560x128xi32, #tpu.memory_space<hbm>> -> memref<16x128xi32, #tpu.memory_space<hbm>>
              %dma_wait3A_159 = arith.constant 0 : i32
              %dma_wait3A_160 = tpu.memref_slice %arg5[%multiple_of3A_152, %dma_wait3A_159] : memref<2560x128xi32, #tpu.memory_space<hbm>> -> memref<16x128xi32, #tpu.memory_space<hbm>>
              tpu.wait_dma2 semaphore(%run_scoped3A : memref<!tpu.dma_semaphore, #tpu.memory_space<semaphore_mem>>) src(%dma_wait3A_160 : memref<16x128xi32, #tpu.memory_space<hbm>>) dst(%arg10 : memref<16x128xi32, #tpu.memory_space<vmem>>)
              tpu.yield
            }) : () -> ()
          } else {
          }
          %eq3A_120 = arith.constant 1 : i32
          %eq3A_121 = arith.cmpi eq, %rem3A_86, %eq3A_120 : i32
          %convert_element_type3A_122 = arith.extui %eq3A_121 : i1 to i32
          %cond3A_123 = arith.constant 0 : i32
          %cond3A_124 = arith.cmpi ne, %convert_element_type3A_122, %cond3A_123 : i32
          scf.if %cond3A_124 {
            %jit3A_125 = arith.constant 16 : i32
            %div3A_126 = arith.divsi %add3A_41, %jit3A_125 : i32
            %sign3A_127 = arith.constant 0 : i32
            %sign3A_128 = arith.cmpi sgt, %add3A_41, %sign3A_127 : i32
            %sign3A_129 = arith.extui %sign3A_128 : i1 to i32
            %sign3A_130 = arith.constant 0 : i32
            %sign3A_131 = arith.cmpi slt, %add3A_41, %sign3A_130 : i32
            %sign3A_132 = arith.extui %sign3A_131 : i1 to i32
            %sign3A_133 = arith.subi %sign3A_129, %sign3A_132 : i32
            %sign3A_134 = arith.constant 0 : i32
            %sign3A_135 = arith.cmpi sgt, %jit3A_125, %sign3A_134 : i32
            %sign3A_136 = arith.extui %sign3A_135 : i1 to i32
            %sign3A_137 = arith.constant 0 : i32
            %sign3A_138 = arith.cmpi slt, %jit3A_125, %sign3A_137 : i32
            %sign3A_139 = arith.extui %sign3A_138 : i1 to i32
            %sign3A_140 = arith.subi %sign3A_136, %sign3A_139 : i32
            %ne3A_141 = arith.cmpi ne, %sign3A_133, %sign3A_140 : i32
            %rem3A_142 = arith.remsi %add3A_41, %jit3A_125 : i32
            %ne3A_143 = arith.constant 0 : i32
            %ne3A_144 = arith.cmpi ne, %rem3A_142, %ne3A_143 : i32
            %and3A_145 = arith.andi %ne3A_141, %ne3A_144 : i1
            %sub3A_146 = arith.constant 1 : i32
            %sub3A_147 = arith.subi %div3A_126, %sub3A_146 : i32
            %select_n3A_148 = arith.select %and3A_145, %sub3A_147, %div3A_126 : i32
            %mul3A_149 = arith.constant 16 : i32
            %mul3A_150 = arith.muli %select_n3A_148, %mul3A_149 : i32
            %add3A_151 = arith.addi %mul3A_2, %mul3A_150 : i32
            %multiple_of3A_152 = tpu.assume_multiple %add3A_151, 8 : i32
            "tpu.region"() ({
              %run_scoped3A = tpu.sem_alloc : memref<!tpu.dma_semaphore, #tpu.memory_space<semaphore_mem>>
              %dma_start3A_153 = arith.constant 0 : i32
              %dma_start3A_154 = tpu.memref_slice %arg4[%multiple_of3A_152, %dma_start3A_153] : memref<2560x128xi32, #tpu.memory_space<hbm>> -> memref<16x128xi32, #tpu.memory_space<hbm>>
              %dma_start3A_155 = arith.constant 0 : i32
              %dma_start3A_156 = tpu.memref_slice %arg4[%multiple_of3A_152, %dma_start3A_155] : memref<2560x128xi32, #tpu.memory_space<hbm>> -> memref<16x128xi32, #tpu.memory_space<hbm>>
              tpu.enqueue_dma source(%dma_start3A_156 : memref<16x128xi32, #tpu.memory_space<hbm>>) target(%arg9 : memref<16x128xi32, #tpu.memory_space<vmem>>) target_semaphore(%run_scoped3A : memref<!tpu.dma_semaphore, #tpu.memory_space<semaphore_mem>>)
              %dma_wait3A_157 = arith.constant 0 : i32
              %dma_wait3A_158 = tpu.memref_slice %arg4[%multiple_of3A_152, %dma_wait3A_157] : memref<2560x128xi32, #tpu.memory_space<hbm>> -> memref<16x128xi32, #tpu.memory_space<hbm>>
              %dma_wait3A_159 = arith.constant 0 : i32
              %dma_wait3A_160 = tpu.memref_slice %arg4[%multiple_of3A_152, %dma_wait3A_159] : memref<2560x128xi32, #tpu.memory_space<hbm>> -> memref<16x128xi32, #tpu.memory_space<hbm>>
              tpu.wait_dma2 semaphore(%run_scoped3A : memref<!tpu.dma_semaphore, #tpu.memory_space<semaphore_mem>>) src(%dma_wait3A_160 : memref<16x128xi32, #tpu.memory_space<hbm>>) dst(%arg9 : memref<16x128xi32, #tpu.memory_space<vmem>>)
              tpu.yield
            }) : () -> ()
            "tpu.region"() ({
              %run_scoped3A = tpu.sem_alloc : memref<!tpu.dma_semaphore, #tpu.memory_space<semaphore_mem>>
              %dma_start3A_153 = arith.constant 0 : i32
              %dma_start3A_154 = tpu.memref_slice %arg5[%multiple_of3A_152, %dma_start3A_153] : memref<2560x128xi32, #tpu.memory_space<hbm>> -> memref<16x128xi32, #tpu.memory_space<hbm>>
              %dma_start3A_155 = arith.constant 0 : i32
              %dma_start3A_156 = tpu.memref_slice %arg5[%multiple_of3A_152, %dma_start3A_155] : memref<2560x128xi32, #tpu.memory_space<hbm>> -> memref<16x128xi32, #tpu.memory_space<hbm>>
              tpu.enqueue_dma source(%dma_start3A_156 : memref<16x128xi32, #tpu.memory_space<hbm>>) target(%arg11 : memref<16x128xi32, #tpu.memory_space<vmem>>) target_semaphore(%run_scoped3A : memref<!tpu.dma_semaphore, #tpu.memory_space<semaphore_mem>>)
              %dma_wait3A_157 = arith.constant 0 : i32
              %dma_wait3A_158 = tpu.memref_slice %arg5[%multiple_of3A_152, %dma_wait3A_157] : memref<2560x128xi32, #tpu.memory_space<hbm>> -> memref<16x128xi32, #tpu.memory_space<hbm>>
              %dma_wait3A_159 = arith.constant 0 : i32
              %dma_wait3A_160 = tpu.memref_slice %arg5[%multiple_of3A_152, %dma_wait3A_159] : memref<2560x128xi32, #tpu.memory_space<hbm>> -> memref<16x128xi32, #tpu.memory_space<hbm>>
              tpu.wait_dma2 semaphore(%run_scoped3A : memref<!tpu.dma_semaphore, #tpu.memory_space<semaphore_mem>>) src(%dma_wait3A_160 : memref<16x128xi32, #tpu.memory_space<hbm>>) dst(%arg11 : memref<16x128xi32, #tpu.memory_space<vmem>>)
              tpu.yield
            }) : () -> ()
          } else {
          }
        } else {
        }
        %ge3A = arith.constant 1 : i32
        %ge3A_96 = arith.cmpi sge, %scan3A_38, %ge3A : i32
        %convert_element_type3A_97 = arith.extui %ge3A_96 : i1 to i32
        %cond3A_98 = arith.constant 0 : i32
        %cond3A_99 = arith.cmpi ne, %convert_element_type3A_97, %cond3A_98 : i32
        scf.if %cond3A_99 {
          %eq3A_115 = arith.constant 0 : i32
          %eq3A_116 = arith.cmpi eq, %rem3A_39, %eq3A_115 : i32
          %convert_element_type3A_117 = arith.extui %eq3A_116 : i1 to i32
          %cond3A_118 = arith.constant 0 : i32
          %cond3A_119 = arith.cmpi ne, %convert_element_type3A_117, %cond3A_118 : i32
          scf.if %cond3A_119 {
            %dma_wait3A_125 = arith.constant 0 : i32
            %dma_wait3A_126 = arith.constant 0 : i32
            %dma_wait3A_127 = tpu.memref_slice %arg10[%dma_wait3A_125, %dma_wait3A_126] : memref<16x128xi32, #tpu.memory_space<vmem>> -> memref<1x128xi32, #tpu.memory_space<vmem>>
            %dma_wait3A_128 = tpu.memref_squeeze %dma_wait3A_127 : memref<1x128xi32, #tpu.memory_space<vmem>> -> memref<128xi32, #tpu.memory_space<vmem>>
            %dma_wait3A_129 = arith.constant 0 : i32
            %dma_wait3A_130 = arith.constant 0 : i32
            %dma_wait3A_131 = tpu.memref_slice %arg18[%dma_wait3A_129, %dma_wait3A_130] : memref<10240x128xf32, #tpu.memory_space<vmem_shared>> -> memref<10240x128xf32, #tpu.memory_space<vmem_shared>>
            tpu.wait_indirect_dma semaphore(%arg17 : memref<!tpu.dma_semaphore, #tpu.memory_space<semaphore_mem>>) src(%arg13 : memref<128x128xf32, #tpu.memory_space<vmem>>) dst(%dma_wait3A_131 : memref<10240x128xf32, #tpu.memory_space<vmem_shared>>)
          } else {
          }
          %eq3A_120 = arith.constant 1 : i32
          %eq3A_121 = arith.cmpi eq, %rem3A_39, %eq3A_120 : i32
          %convert_element_type3A_122 = arith.extui %eq3A_121 : i1 to i32
          %cond3A_123 = arith.constant 0 : i32
          %cond3A_124 = arith.cmpi ne, %convert_element_type3A_122, %cond3A_123 : i32
          scf.if %cond3A_124 {
            %dma_wait3A_125 = arith.constant 0 : i32
            %dma_wait3A_126 = arith.constant 0 : i32
            %dma_wait3A_127 = tpu.memref_slice %arg10[%dma_wait3A_125, %dma_wait3A_126] : memref<16x128xi32, #tpu.memory_space<vmem>> -> memref<1x128xi32, #tpu.memory_space<vmem>>
            %dma_wait3A_128 = tpu.memref_squeeze %dma_wait3A_127 : memref<1x128xi32, #tpu.memory_space<vmem>> -> memref<128xi32, #tpu.memory_space<vmem>>
            %dma_wait3A_129 = arith.constant 0 : i32
            %dma_wait3A_130 = arith.constant 0 : i32
            %dma_wait3A_131 = tpu.memref_slice %arg18[%dma_wait3A_129, %dma_wait3A_130] : memref<10240x128xf32, #tpu.memory_space<vmem_shared>> -> memref<10240x128xf32, #tpu.memory_space<vmem_shared>>
            tpu.wait_indirect_dma semaphore(%arg16 : memref<!tpu.dma_semaphore, #tpu.memory_space<semaphore_mem>>) src(%arg12 : memref<128x128xf32, #tpu.memory_space<vmem>>) dst(%dma_wait3A_131 : memref<10240x128xf32, #tpu.memory_space<vmem_shared>>)
          } else {
          }
        } else {
        }
        %lt3A_100 = arith.constant 80 : i32
        %lt3A_101 = arith.cmpi slt, %add3A_41, %lt3A_100 : i32
        %convert_element_type3A_102 = arith.extui %lt3A_101 : i1 to i32
        %cond3A_103 = arith.constant 0 : i32
        %cond3A_104 = arith.cmpi ne, %convert_element_type3A_102, %cond3A_103 : i32
        scf.if %cond3A_104 {
          %eq3A_115 = arith.constant 0 : i32
          %eq3A_116 = arith.cmpi eq, %rem3A_86, %eq3A_115 : i32
          %convert_element_type3A_117 = arith.extui %eq3A_116 : i1 to i32
          %cond3A_118 = arith.constant 0 : i32
          %cond3A_119 = arith.cmpi ne, %convert_element_type3A_117, %cond3A_118 : i32
          scf.if %cond3A_119 {
            %eq3A_125 = arith.constant 0 : i32
            %eq3A_126 = arith.cmpi eq, %rem3A_39, %eq3A_125 : i32
            %convert_element_type3A_127 = arith.extui %eq3A_126 : i1 to i32
            %cond3A_128 = arith.constant 0 : i32
            %cond3A_129 = arith.cmpi ne, %convert_element_type3A_127, %cond3A_128 : i32
            scf.if %cond3A_129 {
              %dma_start3A_135 = arith.constant 0 : i32
              %dma_start3A_136 = tpu.memref_slice %arg8[%rem3A_88, %dma_start3A_135] : memref<16x128xi32, #tpu.memory_space<vmem>> -> memref<1x128xi32, #tpu.memory_space<vmem>>
              %dma_start3A_137 = tpu.memref_squeeze %dma_start3A_136 : memref<1x128xi32, #tpu.memory_space<vmem>> -> memref<128xi32, #tpu.memory_space<vmem>>
              %dma_start3A_138 = arith.constant 0 : i32
              %dma_start3A_139 = arith.constant 0 : i32
              %dma_start3A_140 = tpu.memref_slice %arg3[%dma_start3A_138, %dma_start3A_139] : memref<10240x128xf32, #tpu.memory_space<hbm>> -> memref<10240x128xf32, #tpu.memory_space<hbm>>
              tpu.enqueue_indirect_dma source(%dma_start3A_140 : memref<10240x128xf32, #tpu.memory_space<hbm>>) target(%arg13 : memref<128x128xf32, #tpu.memory_space<vmem>>) offsets(%dma_start3A_137 : memref<128xi32, #tpu.memory_space<vmem>>) semaphore(%arg15 : memref<!tpu.dma_semaphore, #tpu.memory_space<semaphore_mem>>)
            } else {
            }
            %eq3A_130 = arith.constant 1 : i32
            %eq3A_131 = arith.cmpi eq, %rem3A_39, %eq3A_130 : i32
            %convert_element_type3A_132 = arith.extui %eq3A_131 : i1 to i32
            %cond3A_133 = arith.constant 0 : i32
            %cond3A_134 = arith.cmpi ne, %convert_element_type3A_132, %cond3A_133 : i32
            scf.if %cond3A_134 {
              %dma_start3A_135 = arith.constant 0 : i32
              %dma_start3A_136 = tpu.memref_slice %arg8[%rem3A_88, %dma_start3A_135] : memref<16x128xi32, #tpu.memory_space<vmem>> -> memref<1x128xi32, #tpu.memory_space<vmem>>
              %dma_start3A_137 = tpu.memref_squeeze %dma_start3A_136 : memref<1x128xi32, #tpu.memory_space<vmem>> -> memref<128xi32, #tpu.memory_space<vmem>>
              %dma_start3A_138 = arith.constant 0 : i32
              %dma_start3A_139 = arith.constant 0 : i32
              %dma_start3A_140 = tpu.memref_slice %arg3[%dma_start3A_138, %dma_start3A_139] : memref<10240x128xf32, #tpu.memory_space<hbm>> -> memref<10240x128xf32, #tpu.memory_space<hbm>>
              tpu.enqueue_indirect_dma source(%dma_start3A_140 : memref<10240x128xf32, #tpu.memory_space<hbm>>) target(%arg12 : memref<128x128xf32, #tpu.memory_space<vmem>>) offsets(%dma_start3A_137 : memref<128xi32, #tpu.memory_space<vmem>>) semaphore(%arg14 : memref<!tpu.dma_semaphore, #tpu.memory_space<semaphore_mem>>)
            } else {
            }
          } else {
          }
          %eq3A_120 = arith.constant 1 : i32
          %eq3A_121 = arith.cmpi eq, %rem3A_86, %eq3A_120 : i32
          %convert_element_type3A_122 = arith.extui %eq3A_121 : i1 to i32
          %cond3A_123 = arith.constant 0 : i32
          %cond3A_124 = arith.cmpi ne, %convert_element_type3A_122, %cond3A_123 : i32
          scf.if %cond3A_124 {
            %eq3A_125 = arith.constant 0 : i32
            %eq3A_126 = arith.cmpi eq, %rem3A_39, %eq3A_125 : i32
            %convert_element_type3A_127 = arith.extui %eq3A_126 : i1 to i32
            %cond3A_128 = arith.constant 0 : i32
            %cond3A_129 = arith.cmpi ne, %convert_element_type3A_127, %cond3A_128 : i32
            scf.if %cond3A_129 {
              %dma_start3A_135 = arith.constant 0 : i32
              %dma_start3A_136 = tpu.memref_slice %arg9[%rem3A_88, %dma_start3A_135] : memref<16x128xi32, #tpu.memory_space<vmem>> -> memref<1x128xi32, #tpu.memory_space<vmem>>
              %dma_start3A_137 = tpu.memref_squeeze %dma_start3A_136 : memref<1x128xi32, #tpu.memory_space<vmem>> -> memref<128xi32, #tpu.memory_space<vmem>>
              %dma_start3A_138 = arith.constant 0 : i32
              %dma_start3A_139 = arith.constant 0 : i32
              %dma_start3A_140 = tpu.memref_slice %arg3[%dma_start3A_138, %dma_start3A_139] : memref<10240x128xf32, #tpu.memory_space<hbm>> -> memref<10240x128xf32, #tpu.memory_space<hbm>>
              tpu.enqueue_indirect_dma source(%dma_start3A_140 : memref<10240x128xf32, #tpu.memory_space<hbm>>) target(%arg13 : memref<128x128xf32, #tpu.memory_space<vmem>>) offsets(%dma_start3A_137 : memref<128xi32, #tpu.memory_space<vmem>>) semaphore(%arg15 : memref<!tpu.dma_semaphore, #tpu.memory_space<semaphore_mem>>)
            } else {
            }
            %eq3A_130 = arith.constant 1 : i32
            %eq3A_131 = arith.cmpi eq, %rem3A_39, %eq3A_130 : i32
            %convert_element_type3A_132 = arith.extui %eq3A_131 : i1 to i32
            %cond3A_133 = arith.constant 0 : i32
            %cond3A_134 = arith.cmpi ne, %convert_element_type3A_132, %cond3A_133 : i32
            scf.if %cond3A_134 {
              %dma_start3A_135 = arith.constant 0 : i32
              %dma_start3A_136 = tpu.memref_slice %arg9[%rem3A_88, %dma_start3A_135] : memref<16x128xi32, #tpu.memory_space<vmem>> -> memref<1x128xi32, #tpu.memory_space<vmem>>
              %dma_start3A_137 = tpu.memref_squeeze %dma_start3A_136 : memref<1x128xi32, #tpu.memory_space<vmem>> -> memref<128xi32, #tpu.memory_space<vmem>>
              %dma_start3A_138 = arith.constant 0 : i32
              %dma_start3A_139 = arith.constant 0 : i32
              %dma_start3A_140 = tpu.memref_slice %arg3[%dma_start3A_138, %dma_start3A_139] : memref<10240x128xf32, #tpu.memory_space<hbm>> -> memref<10240x128xf32, #tpu.memory_space<hbm>>
              tpu.enqueue_indirect_dma source(%dma_start3A_140 : memref<10240x128xf32, #tpu.memory_space<hbm>>) target(%arg12 : memref<128x128xf32, #tpu.memory_space<vmem>>) offsets(%dma_start3A_137 : memref<128xi32, #tpu.memory_space<vmem>>) semaphore(%arg14 : memref<!tpu.dma_semaphore, #tpu.memory_space<semaphore_mem>>)
            } else {
            }
          } else {
          }
        } else {
        }
        %eq3A_105 = arith.constant 0 : i32
        %eq3A_106 = arith.cmpi eq, %rem3A_60, %eq3A_105 : i32
        %convert_element_type3A_107 = arith.extui %eq3A_106 : i1 to i32
        %cond3A_108 = arith.constant 0 : i32
        %cond3A_109 = arith.cmpi ne, %convert_element_type3A_107, %cond3A_108 : i32
        scf.if %cond3A_109 {
          %eq3A_115 = arith.constant 0 : i32
          %eq3A_116 = arith.cmpi eq, %rem3A_39, %eq3A_115 : i32
          %convert_element_type3A_117 = arith.extui %eq3A_116 : i1 to i32
          %cond3A_118 = arith.constant 0 : i32
          %cond3A_119 = arith.cmpi ne, %convert_element_type3A_117, %cond3A_118 : i32
          scf.if %cond3A_119 {
            %dma_wait3A_125 = arith.constant 0 : i32
            %dma_wait3A_126 = arith.constant 0 : i32
            %dma_wait3A_127 = tpu.memref_slice %arg8[%dma_wait3A_125, %dma_wait3A_126] : memref<16x128xi32, #tpu.memory_space<vmem>> -> memref<1x128xi32, #tpu.memory_space<vmem>>
            %dma_wait3A_128 = tpu.memref_squeeze %dma_wait3A_127 : memref<1x128xi32, #tpu.memory_space<vmem>> -> memref<128xi32, #tpu.memory_space<vmem>>
            %dma_wait3A_129 = arith.constant 0 : i32
            %dma_wait3A_130 = arith.constant 0 : i32
            %dma_wait3A_131 = tpu.memref_slice %arg3[%dma_wait3A_129, %dma_wait3A_130] : memref<10240x128xf32, #tpu.memory_space<hbm>> -> memref<10240x128xf32, #tpu.memory_space<hbm>>
            tpu.wait_indirect_dma semaphore(%arg14 : memref<!tpu.dma_semaphore, #tpu.memory_space<semaphore_mem>>) src(%dma_wait3A_131 : memref<10240x128xf32, #tpu.memory_space<hbm>>) dst(%arg12 : memref<128x128xf32, #tpu.memory_space<vmem>>)
            %rem3A_132 = arith.constant 16 : i32
            %rem3A_133 = arith.remsi %scan3A_38, %rem3A_132 : i32
            %dma_start3A_134 = arith.constant 0 : i32
            %dma_start3A_135 = tpu.memref_slice %arg10[%rem3A_133, %dma_start3A_134] : memref<16x128xi32, #tpu.memory_space<vmem>> -> memref<1x128xi32, #tpu.memory_space<vmem>>
            %dma_start3A_136 = tpu.memref_squeeze %dma_start3A_135 : memref<1x128xi32, #tpu.memory_space<vmem>> -> memref<128xi32, #tpu.memory_space<vmem>>
            %dma_start3A_137 = arith.constant 0 : i32
            %dma_start3A_138 = arith.constant 0 : i32
            %dma_start3A_139 = tpu.memref_slice %arg18[%dma_start3A_137, %dma_start3A_138] : memref<10240x128xf32, #tpu.memory_space<vmem_shared>> -> memref<10240x128xf32, #tpu.memory_space<vmem_shared>>
            tpu.enqueue_indirect_dma source(%arg12 : memref<128x128xf32, #tpu.memory_space<vmem>>) target(%dma_start3A_139 : memref<10240x128xf32, #tpu.memory_space<vmem_shared>>) offsets(%dma_start3A_136 : memref<128xi32, #tpu.memory_space<vmem>>) semaphore(%arg16 : memref<!tpu.dma_semaphore, #tpu.memory_space<semaphore_mem>>) {add = true}
          } else {
          }
          %eq3A_120 = arith.constant 1 : i32
          %eq3A_121 = arith.cmpi eq, %rem3A_39, %eq3A_120 : i32
          %convert_element_type3A_122 = arith.extui %eq3A_121 : i1 to i32
          %cond3A_123 = arith.constant 0 : i32
          %cond3A_124 = arith.cmpi ne, %convert_element_type3A_122, %cond3A_123 : i32
          scf.if %cond3A_124 {
            %dma_wait3A_125 = arith.constant 0 : i32
            %dma_wait3A_126 = arith.constant 0 : i32
            %dma_wait3A_127 = tpu.memref_slice %arg8[%dma_wait3A_125, %dma_wait3A_126] : memref<16x128xi32, #tpu.memory_space<vmem>> -> memref<1x128xi32, #tpu.memory_space<vmem>>
            %dma_wait3A_128 = tpu.memref_squeeze %dma_wait3A_127 : memref<1x128xi32, #tpu.memory_space<vmem>> -> memref<128xi32, #tpu.memory_space<vmem>>
            %dma_wait3A_129 = arith.constant 0 : i32
            %dma_wait3A_130 = arith.constant 0 : i32
            %dma_wait3A_131 = tpu.memref_slice %arg3[%dma_wait3A_129, %dma_wait3A_130] : memref<10240x128xf32, #tpu.memory_space<hbm>> -> memref<10240x128xf32, #tpu.memory_space<hbm>>
            tpu.wait_indirect_dma semaphore(%arg15 : memref<!tpu.dma_semaphore, #tpu.memory_space<semaphore_mem>>) src(%dma_wait3A_131 : memref<10240x128xf32, #tpu.memory_space<hbm>>) dst(%arg13 : memref<128x128xf32, #tpu.memory_space<vmem>>)
            %rem3A_132 = arith.constant 16 : i32
            %rem3A_133 = arith.remsi %scan3A_38, %rem3A_132 : i32
            %dma_start3A_134 = arith.constant 0 : i32
            %dma_start3A_135 = tpu.memref_slice %arg10[%rem3A_133, %dma_start3A_134] : memref<16x128xi32, #tpu.memory_space<vmem>> -> memref<1x128xi32, #tpu.memory_space<vmem>>
            %dma_start3A_136 = tpu.memref_squeeze %dma_start3A_135 : memref<1x128xi32, #tpu.memory_space<vmem>> -> memref<128xi32, #tpu.memory_space<vmem>>
            %dma_start3A_137 = arith.constant 0 : i32
            %dma_start3A_138 = arith.constant 0 : i32
            %dma_start3A_139 = tpu.memref_slice %arg18[%dma_start3A_137, %dma_start3A_138] : memref<10240x128xf32, #tpu.memory_space<vmem_shared>> -> memref<10240x128xf32, #tpu.memory_space<vmem_shared>>
            tpu.enqueue_indirect_dma source(%arg13 : memref<128x128xf32, #tpu.memory_space<vmem>>) target(%dma_start3A_139 : memref<10240x128xf32, #tpu.memory_space<vmem_shared>>) offsets(%dma_start3A_136 : memref<128xi32, #tpu.memory_space<vmem>>) semaphore(%arg17 : memref<!tpu.dma_semaphore, #tpu.memory_space<semaphore_mem>>) {add = true}
          } else {
          }
        } else {
        }
        %eq3A_110 = arith.constant 1 : i32
        %eq3A_111 = arith.cmpi eq, %rem3A_60, %eq3A_110 : i32
        %convert_element_type3A_112 = arith.extui %eq3A_111 : i1 to i32
        %cond3A_113 = arith.constant 0 : i32
        %cond3A_114 = arith.cmpi ne, %convert_element_type3A_112, %cond3A_113 : i32
        scf.if %cond3A_114 {
          %eq3A_115 = arith.constant 0 : i32
          %eq3A_116 = arith.cmpi eq, %rem3A_39, %eq3A_115 : i32
          %convert_element_type3A_117 = arith.extui %eq3A_116 : i1 to i32
          %cond3A_118 = arith.constant 0 : i32
          %cond3A_119 = arith.cmpi ne, %convert_element_type3A_117, %cond3A_118 : i32
          scf.if %cond3A_119 {
            %dma_wait3A_125 = arith.constant 0 : i32
            %dma_wait3A_126 = arith.constant 0 : i32
            %dma_wait3A_127 = tpu.memref_slice %arg9[%dma_wait3A_125, %dma_wait3A_126] : memref<16x128xi32, #tpu.memory_space<vmem>> -> memref<1x128xi32, #tpu.memory_space<vmem>>
            %dma_wait3A_128 = tpu.memref_squeeze %dma_wait3A_127 : memref<1x128xi32, #tpu.memory_space<vmem>> -> memref<128xi32, #tpu.memory_space<vmem>>
            %dma_wait3A_129 = arith.constant 0 : i32
            %dma_wait3A_130 = arith.constant 0 : i32
            %dma_wait3A_131 = tpu.memref_slice %arg3[%dma_wait3A_129, %dma_wait3A_130] : memref<10240x128xf32, #tpu.memory_space<hbm>> -> memref<10240x128xf32, #tpu.memory_space<hbm>>
            tpu.wait_indirect_dma semaphore(%arg14 : memref<!tpu.dma_semaphore, #tpu.memory_space<semaphore_mem>>) src(%dma_wait3A_131 : memref<10240x128xf32, #tpu.memory_space<hbm>>) dst(%arg12 : memref<128x128xf32, #tpu.memory_space<vmem>>)
            %rem3A_132 = arith.constant 16 : i32
            %rem3A_133 = arith.remsi %scan3A_38, %rem3A_132 : i32
            %dma_start3A_134 = arith.constant 0 : i32
            %dma_start3A_135 = tpu.memref_slice %arg11[%rem3A_133, %dma_start3A_134] : memref<16x128xi32, #tpu.memory_space<vmem>> -> memref<1x128xi32, #tpu.memory_space<vmem>>
            %dma_start3A_136 = tpu.memref_squeeze %dma_start3A_135 : memref<1x128xi32, #tpu.memory_space<vmem>> -> memref<128xi32, #tpu.memory_space<vmem>>
            %dma_start3A_137 = arith.constant 0 : i32
            %dma_start3A_138 = arith.constant 0 : i32
            %dma_start3A_139 = tpu.memref_slice %arg18[%dma_start3A_137, %dma_start3A_138] : memref<10240x128xf32, #tpu.memory_space<vmem_shared>> -> memref<10240x128xf32, #tpu.memory_space<vmem_shared>>
            tpu.enqueue_indirect_dma source(%arg12 : memref<128x128xf32, #tpu.memory_space<vmem>>) target(%dma_start3A_139 : memref<10240x128xf32, #tpu.memory_space<vmem_shared>>) offsets(%dma_start3A_136 : memref<128xi32, #tpu.memory_space<vmem>>) semaphore(%arg16 : memref<!tpu.dma_semaphore, #tpu.memory_space<semaphore_mem>>) {add = true}
          } else {
          }
          %eq3A_120 = arith.constant 1 : i32
          %eq3A_121 = arith.cmpi eq, %rem3A_39, %eq3A_120 : i32
          %convert_element_type3A_122 = arith.extui %eq3A_121 : i1 to i32
          %cond3A_123 = arith.constant 0 : i32
          %cond3A_124 = arith.cmpi ne, %convert_element_type3A_122, %cond3A_123 : i32
          scf.if %cond3A_124 {
            %dma_wait3A_125 = arith.constant 0 : i32
            %dma_wait3A_126 = arith.constant 0 : i32
            %dma_wait3A_127 = tpu.memref_slice %arg9[%dma_wait3A_125, %dma_wait3A_126] : memref<16x128xi32, #tpu.memory_space<vmem>> -> memref<1x128xi32, #tpu.memory_space<vmem>>
            %dma_wait3A_128 = tpu.memref_squeeze %dma_wait3A_127 : memref<1x128xi32, #tpu.memory_space<vmem>> -> memref<128xi32, #tpu.memory_space<vmem>>
            %dma_wait3A_129 = arith.constant 0 : i32
            %dma_wait3A_130 = arith.constant 0 : i32
            %dma_wait3A_131 = tpu.memref_slice %arg3[%dma_wait3A_129, %dma_wait3A_130] : memref<10240x128xf32, #tpu.memory_space<hbm>> -> memref<10240x128xf32, #tpu.memory_space<hbm>>
            tpu.wait_indirect_dma semaphore(%arg15 : memref<!tpu.dma_semaphore, #tpu.memory_space<semaphore_mem>>) src(%dma_wait3A_131 : memref<10240x128xf32, #tpu.memory_space<hbm>>) dst(%arg13 : memref<128x128xf32, #tpu.memory_space<vmem>>)
            %rem3A_132 = arith.constant 16 : i32
            %rem3A_133 = arith.remsi %scan3A_38, %rem3A_132 : i32
            %dma_start3A_134 = arith.constant 0 : i32
            %dma_start3A_135 = tpu.memref_slice %arg11[%rem3A_133, %dma_start3A_134] : memref<16x128xi32, #tpu.memory_space<vmem>> -> memref<1x128xi32, #tpu.memory_space<vmem>>
            %dma_start3A_136 = tpu.memref_squeeze %dma_start3A_135 : memref<1x128xi32, #tpu.memory_space<vmem>> -> memref<128xi32, #tpu.memory_space<vmem>>
            %dma_start3A_137 = arith.constant 0 : i32
            %dma_start3A_138 = arith.constant 0 : i32
            %dma_start3A_139 = tpu.memref_slice %arg18[%dma_start3A_137, %dma_start3A_138] : memref<10240x128xf32, #tpu.memory_space<vmem_shared>> -> memref<10240x128xf32, #tpu.memory_space<vmem_shared>>
            tpu.enqueue_indirect_dma source(%arg13 : memref<128x128xf32, #tpu.memory_space<vmem>>) target(%dma_start3A_139 : memref<10240x128xf32, #tpu.memory_space<vmem_shared>>) offsets(%dma_start3A_136 : memref<128xi32, #tpu.memory_space<vmem>>) semaphore(%arg17 : memref<!tpu.dma_semaphore, #tpu.memory_space<semaphore_mem>>) {add = true}
          } else {
          }
        } else {
        }
      }
      %scan3A_26 = arith.constant 80 : i32
      %dma_wait3A = arith.constant 0 : i32
      %dma_wait3A_27 = arith.constant 0 : i32
      %dma_wait3A_28 = tpu.memref_slice %arg10[%dma_wait3A, %dma_wait3A_27] : memref<16x128xi32, #tpu.memory_space<vmem>> -> memref<1x128xi32, #tpu.memory_space<vmem>>
      %dma_wait3A_29 = tpu.memref_squeeze %dma_wait3A_28 : memref<1x128xi32, #tpu.memory_space<vmem>> -> memref<128xi32, #tpu.memory_space<vmem>>
      %dma_wait3A_30 = arith.constant 0 : i32
      %dma_wait3A_31 = arith.constant 0 : i32
      %dma_wait3A_32 = tpu.memref_slice %arg18[%dma_wait3A_30, %dma_wait3A_31] : memref<10240x128xf32, #tpu.memory_space<vmem_shared>> -> memref<10240x128xf32, #tpu.memory_space<vmem_shared>>
      tpu.wait_indirect_dma semaphore(%arg17 : memref<!tpu.dma_semaphore, #tpu.memory_space<semaphore_mem>>) src(%arg13 : memref<128x128xf32, #tpu.memory_space<vmem>>) dst(%dma_wait3A_32 : memref<10240x128xf32, #tpu.memory_space<vmem_shared>>)
      %barrier3A_33 = arith.constant 0 : index
      tpu.barrier barrier_id(%barrier3A_33)
      %mul3A_34 = arith.constant 640 : i32
      %mul3A_35 = arith.muli %arg1, %mul3A_34 : i32
      %mul3A_36 = arith.constant 640 : i32
      %mul3A_37 = arith.muli %arg1, %mul3A_36 : i32
      "tpu.region"() ({
        %run_scoped3A = tpu.sem_alloc : memref<!tpu.dma_semaphore, #tpu.memory_space<semaphore_mem>>
        %dma_start3A_38 = arith.constant 0 : i32
        %dma_start3A_39 = tpu.memref_slice %arg7[%mul3A_37, %dma_start3A_38] : memref<10240x128xf32, #tpu.memory_space<hbm>> -> memref<640x128xf32, #tpu.memory_space<hbm>>
        %dma_start3A_40 = arith.constant 0 : i32
        %dma_start3A_41 = tpu.memref_slice %arg18[%mul3A_35, %dma_start3A_40] : memref<10240x128xf32, #tpu.memory_space<vmem_shared>> -> memref<640x128xf32, #tpu.memory_space<vmem_shared>>
        tpu.enqueue_dma source(%dma_start3A_41 : memref<640x128xf32, #tpu.memory_space<vmem_shared>>) target(%dma_start3A_39 : memref<640x128xf32, #tpu.memory_space<hbm>>) target_semaphore(%run_scoped3A : memref<!tpu.dma_semaphore, #tpu.memory_space<semaphore_mem>>)
        %dma_wait3A_42 = arith.constant 0 : i32
        %dma_wait3A_43 = tpu.memref_slice %arg7[%mul3A_37, %dma_wait3A_42] : memref<10240x128xf32, #tpu.memory_space<hbm>> -> memref<640x128xf32, #tpu.memory_space<hbm>>
        %dma_wait3A_44 = arith.constant 0 : i32
        %dma_wait3A_45 = tpu.memref_slice %arg18[%mul3A_35, %dma_wait3A_44] : memref<10240x128xf32, #tpu.memory_space<vmem_shared>> -> memref<640x128xf32, #tpu.memory_space<vmem_shared>>
        tpu.wait_dma2 semaphore(%run_scoped3A : memref<!tpu.dma_semaphore, #tpu.memory_space<semaphore_mem>>) src(%dma_wait3A_45 : memref<640x128xf32, #tpu.memory_space<vmem_shared>>) dst(%dma_wait3A_43 : memref<640x128xf32, #tpu.memory_space<hbm>>)
        tpu.yield
      }) : () -> ()
    } else {
    }
    return
  }
}

#map = affine_map<(d0, d1) -> (0, 0)>
module attributes {stable_mosaic.version = 14 : i64} {
  func.func @body(%arg0: i32, %arg1: i32, %arg2: memref<10240x128xf32, #tpu.memory_space<hbm>>, %arg3: memref<10240x128xf32, #tpu.memory_space<hbm>>, %arg4: memref<2560x128xi32, #tpu.memory_space<hbm>>, %arg5: memref<2560x128xi32, #tpu.memory_space<hbm>>, %arg6: memref<10240x128xf32, #tpu.memory_space<hbm>>, %arg7: memref<10240x128xf32, #tpu.memory_space<hbm>>, %arg8: memref<16x128xi32, #tpu.memory_space<vmem>>, %arg9: memref<16x128xi32, #tpu.memory_space<vmem>>, %arg10: memref<16x128xi32, #tpu.memory_space<vmem>>, %arg11: memref<16x128xi32, #tpu.memory_space<vmem>>, %arg12: memref<128x128xf32, #tpu.memory_space<vmem>>, %arg13: memref<128x128xf32, #tpu.memory_space<vmem>>, %arg14: memref<!tpu.dma_semaphore, #tpu.memory_space<semaphore_mem>>, %arg15: memref<!tpu.dma_semaphore, #tpu.memory_space<semaphore_mem>>, %arg16: memref<!tpu.dma_semaphore, #tpu.memory_space<semaphore_mem>>, %arg17: memref<!tpu.dma_semaphore, #tpu.memory_space<semaphore_mem>>, %arg18: memref<10240x128xf32, #tpu.memory_space<vmem_shared>>) attributes {dimension_semantics = [#tpu.dimension_semantics<core_parallel>, #tpu.dimension_semantics<subcore_parallel>], iteration_bounds = array<i64: 2, 16>, scalar_prefetch = 0 : i64, scratch_operands = 11 : i64, tpu.core_type = #tpu.core_type<sc_vector_subcore>, window_params = [{transform_indices = #map}, {transform_indices = #map}, {transform_indices = #map}, {transform_indices = #map}, {transform_indices = #map}, {transform_indices = #map}]} {
    %mul3A = arith.constant 160 : i32
    %mul3A_0 = arith.muli %arg1, %mul3A : i32
    %eq3A = arith.constant 0 : i32
    %eq3A_1 = arith.cmpi eq, %arg0, %eq3A : i32
    %convert_element_type3A = arith.extui %eq3A_1 : i1 to i32
    %cond3A = arith.constant 0 : i32
    %cond3A_2 = arith.cmpi ne, %convert_element_type3A, %cond3A : i32
    scf.if %cond3A_2 {
      %mul3A_8 = arith.constant 640 : i32
      %mul3A_9 = arith.muli %arg1, %mul3A_8 : i32
      %mul3A_10 = arith.constant 640 : i32
      %mul3A_11 = arith.muli %arg1, %mul3A_10 : i32
      "tpu.region"() ({
        %run_scoped3A = tpu.sem_alloc : memref<!tpu.dma_semaphore, #tpu.memory_space<semaphore_mem>>
        %dma_start3A_35 = arith.constant 0 : i32
        %dma_start3A_36 = tpu.memref_slice %arg18[%mul3A_11, %dma_start3A_35] : memref<10240x128xf32, #tpu.memory_space<vmem_shared>> -> memref<640x128xf32, #tpu.memory_space<vmem_shared>>
        %dma_start3A_37 = arith.constant 0 : i32
        %dma_start3A_38 = tpu.memref_slice %arg2[%mul3A_9, %dma_start3A_37] : memref<10240x128xf32, #tpu.memory_space<hbm>> -> memref<640x128xf32, #tpu.memory_space<hbm>>
        tpu.enqueue_dma source(%dma_start3A_38 : memref<640x128xf32, #tpu.memory_space<hbm>>) target(%dma_start3A_36 : memref<640x128xf32, #tpu.memory_space<vmem_shared>>) target_semaphore(%run_scoped3A : memref<!tpu.dma_semaphore, #tpu.memory_space<semaphore_mem>>)
        %dma_wait3A_39 = arith.constant 0 : i32
        %dma_wait3A_40 = tpu.memref_slice %arg18[%mul3A_11, %dma_wait3A_39] : memref<10240x128xf32, #tpu.memory_space<vmem_shared>> -> memref<640x128xf32, #tpu.memory_space<vmem_shared>>
        %dma_wait3A_41 = arith.constant 0 : i32
        %dma_wait3A_42 = tpu.memref_slice %arg2[%mul3A_9, %dma_wait3A_41] : memref<10240x128xf32, #tpu.memory_space<hbm>> -> memref<640x128xf32, #tpu.memory_space<hbm>>
        tpu.wait_dma2 semaphore(%run_scoped3A : memref<!tpu.dma_semaphore, #tpu.memory_space<semaphore_mem>>) src(%dma_wait3A_42 : memref<640x128xf32, #tpu.memory_space<hbm>>) dst(%dma_wait3A_40 : memref<640x128xf32, #tpu.memory_space<vmem_shared>>)
        tpu.yield
      }) : () -> ()
      %barrier3A = arith.constant 0 : index
      tpu.barrier barrier_id(%barrier3A)
      %add3A = arith.constant 0 : i32
      %add3A_12 = arith.addi %mul3A_0, %add3A : i32
      %multiple_of3A = tpu.assume_multiple %add3A_12, 8 : i32
      "tpu.region"() ({
        %run_scoped3A = tpu.sem_alloc : memref<!tpu.dma_semaphore, #tpu.memory_space<semaphore_mem>>
        %dma_start3A_35 = arith.constant 0 : i32
        %dma_start3A_36 = tpu.memref_slice %arg4[%multiple_of3A, %dma_start3A_35] : memref<2560x128xi32, #tpu.memory_space<hbm>> -> memref<16x128xi32, #tpu.memory_space<hbm>>
        %dma_start3A_37 = arith.constant 0 : i32
        %dma_start3A_38 = tpu.memref_slice %arg4[%multiple_of3A, %dma_start3A_37] : memref<2560x128xi32, #tpu.memory_space<hbm>> -> memref<16x128xi32, #tpu.memory_space<hbm>>
        tpu.enqueue_dma source(%dma_start3A_38 : memref<16x128xi32, #tpu.memory_space<hbm>>) target(%arg8 : memref<16x128xi32, #tpu.memory_space<vmem>>) target_semaphore(%run_scoped3A : memref<!tpu.dma_semaphore, #tpu.memory_space<semaphore_mem>>)
        %dma_wait3A_39 = arith.constant 0 : i32
        %dma_wait3A_40 = tpu.memref_slice %arg4[%multiple_of3A, %dma_wait3A_39] : memref<2560x128xi32, #tpu.memory_space<hbm>> -> memref<16x128xi32, #tpu.memory_space<hbm>>
        %dma_wait3A_41 = arith.constant 0 : i32
        %dma_wait3A_42 = tpu.memref_slice %arg4[%multiple_of3A, %dma_wait3A_41] : memref<2560x128xi32, #tpu.memory_space<hbm>> -> memref<16x128xi32, #tpu.memory_space<hbm>>
        tpu.wait_dma2 semaphore(%run_scoped3A : memref<!tpu.dma_semaphore, #tpu.memory_space<semaphore_mem>>) src(%dma_wait3A_42 : memref<16x128xi32, #tpu.memory_space<hbm>>) dst(%arg8 : memref<16x128xi32, #tpu.memory_space<vmem>>)
        tpu.yield
      }) : () -> ()
      "tpu.region"() ({
        %run_scoped3A = tpu.sem_alloc : memref<!tpu.dma_semaphore, #tpu.memory_space<semaphore_mem>>
        %dma_start3A_35 = arith.constant 0 : i32
        %dma_start3A_36 = tpu.memref_slice %arg5[%multiple_of3A, %dma_start3A_35] : memref<2560x128xi32, #tpu.memory_space<hbm>> -> memref<16x128xi32, #tpu.memory_space<hbm>>
        %dma_start3A_37 = arith.constant 0 : i32
        %dma_start3A_38 = tpu.memref_slice %arg5[%multiple_of3A, %dma_start3A_37] : memref<2560x128xi32, #tpu.memory_space<hbm>> -> memref<16x128xi32, #tpu.memory_space<hbm>>
        tpu.enqueue_dma source(%dma_start3A_38 : memref<16x128xi32, #tpu.memory_space<hbm>>) target(%arg10 : memref<16x128xi32, #tpu.memory_space<vmem>>) target_semaphore(%run_scoped3A : memref<!tpu.dma_semaphore, #tpu.memory_space<semaphore_mem>>)
        %dma_wait3A_39 = arith.constant 0 : i32
        %dma_wait3A_40 = tpu.memref_slice %arg5[%multiple_of3A, %dma_wait3A_39] : memref<2560x128xi32, #tpu.memory_space<hbm>> -> memref<16x128xi32, #tpu.memory_space<hbm>>
        %dma_wait3A_41 = arith.constant 0 : i32
        %dma_wait3A_42 = tpu.memref_slice %arg5[%multiple_of3A, %dma_wait3A_41] : memref<2560x128xi32, #tpu.memory_space<hbm>> -> memref<16x128xi32, #tpu.memory_space<hbm>>
        tpu.wait_dma2 semaphore(%run_scoped3A : memref<!tpu.dma_semaphore, #tpu.memory_space<semaphore_mem>>) src(%dma_wait3A_42 : memref<16x128xi32, #tpu.memory_space<hbm>>) dst(%arg10 : memref<16x128xi32, #tpu.memory_space<vmem>>)
        tpu.yield
      }) : () -> ()
      %dma_start3A = arith.constant 0 : i32
      %dma_start3A_13 = arith.constant 0 : i32
      %dma_start3A_14 = tpu.memref_slice %arg8[%dma_start3A, %dma_start3A_13] : memref<16x128xi32, #tpu.memory_space<vmem>> -> memref<1x128xi32, #tpu.memory_space<vmem>>
      %dma_start3A_15 = tpu.memref_squeeze %dma_start3A_14 : memref<1x128xi32, #tpu.memory_space<vmem>> -> memref<128xi32, #tpu.memory_space<vmem>>
      %dma_start3A_16 = arith.constant 0 : i32
      %dma_start3A_17 = arith.constant 0 : i32
      %dma_start3A_18 = tpu.memref_slice %arg2[%dma_start3A_16, %dma_start3A_17] : memref<10240x128xf32, #tpu.memory_space<hbm>> -> memref<10240x128xf32, #tpu.memory_space<hbm>>
      tpu.enqueue_indirect_dma source(%dma_start3A_18 : memref<10240x128xf32, #tpu.memory_space<hbm>>) target(%arg12 : memref<128x128xf32, #tpu.memory_space<vmem>>) offsets(%dma_start3A_15 : memref<128xi32, #tpu.memory_space<vmem>>) semaphore(%arg14 : memref<!tpu.dma_semaphore, #tpu.memory_space<semaphore_mem>>)
      %scan3A = arith.constant 0 : i32
      %scan3A_19 = arith.constant 0 : i32
      %scan3A_20 = arith.constant 160 : i32
      %scan3A_21 = arith.addi %scan3A_19, %scan3A_20 : i32
      %scan3A_22 = arith.constant 1 : i32
      scf.for %scan3A_35 = %scan3A_19 to %scan3A_21 step %scan3A_22  : i32 {
        %rem3A = arith.constant 2 : i32
        %rem3A_36 = arith.remsi %scan3A_35, %rem3A : i32
        %add3A_37 = arith.constant 1 : i32
        %add3A_38 = arith.addi %scan3A_35, %add3A_37 : i32
        %jit3A = arith.constant 16 : i32
        %div3A = arith.divsi %scan3A_35, %jit3A : i32
        %sign3A = arith.constant 0 : i32
        %sign3A_39 = arith.cmpi sgt, %scan3A_35, %sign3A : i32
        %sign3A_40 = arith.extui %sign3A_39 : i1 to i32
        %sign3A_41 = arith.constant 0 : i32
        %sign3A_42 = arith.cmpi slt, %scan3A_35, %sign3A_41 : i32
        %sign3A_43 = arith.extui %sign3A_42 : i1 to i32
        %sign3A_44 = arith.subi %sign3A_40, %sign3A_43 : i32
        %sign3A_45 = arith.constant 0 : i32
        %sign3A_46 = arith.cmpi sgt, %jit3A, %sign3A_45 : i32
        %sign3A_47 = arith.extui %sign3A_46 : i1 to i32
        %sign3A_48 = arith.constant 0 : i32
        %sign3A_49 = arith.cmpi slt, %jit3A, %sign3A_48 : i32
        %sign3A_50 = arith.extui %sign3A_49 : i1 to i32
        %sign3A_51 = arith.subi %sign3A_47, %sign3A_50 : i32
        %ne3A = arith.cmpi ne, %sign3A_44, %sign3A_51 : i32
        %rem3A_52 = arith.remsi %scan3A_35, %jit3A : i32
        %ne3A_53 = arith.constant 0 : i32
        %ne3A_54 = arith.cmpi ne, %rem3A_52, %ne3A_53 : i32
        %and3A = arith.andi %ne3A, %ne3A_54 : i1
        %sub3A = arith.constant 1 : i32
        %sub3A_55 = arith.subi %div3A, %sub3A : i32
        %select_n3A = arith.select %and3A, %sub3A_55, %div3A : i32
        %rem3A_56 = arith.constant 2 : i32
        %rem3A_57 = arith.remsi %select_n3A, %rem3A_56 : i32
        %jit3A_58 = arith.constant 16 : i32
        %div3A_59 = arith.divsi %add3A_38, %jit3A_58 : i32
        %sign3A_60 = arith.constant 0 : i32
        %sign3A_61 = arith.cmpi sgt, %add3A_38, %sign3A_60 : i32
        %sign3A_62 = arith.extui %sign3A_61 : i1 to i32
        %sign3A_63 = arith.constant 0 : i32
        %sign3A_64 = arith.cmpi slt, %add3A_38, %sign3A_63 : i32
        %sign3A_65 = arith.extui %sign3A_64 : i1 to i32
        %sign3A_66 = arith.subi %sign3A_62, %sign3A_65 : i32
        %sign3A_67 = arith.constant 0 : i32
        %sign3A_68 = arith.cmpi sgt, %jit3A_58, %sign3A_67 : i32
        %sign3A_69 = arith.extui %sign3A_68 : i1 to i32
        %sign3A_70 = arith.constant 0 : i32
        %sign3A_71 = arith.cmpi slt, %jit3A_58, %sign3A_70 : i32
        %sign3A_72 = arith.extui %sign3A_71 : i1 to i32
        %sign3A_73 = arith.subi %sign3A_69, %sign3A_72 : i32
        %ne3A_74 = arith.cmpi ne, %sign3A_66, %sign3A_73 : i32
        %rem3A_75 = arith.remsi %add3A_38, %jit3A_58 : i32
        %ne3A_76 = arith.constant 0 : i32
        %ne3A_77 = arith.cmpi ne, %rem3A_75, %ne3A_76 : i32
        %and3A_78 = arith.andi %ne3A_74, %ne3A_77 : i1
        %sub3A_79 = arith.constant 1 : i32
        %sub3A_80 = arith.subi %div3A_59, %sub3A_79 : i32
        %select_n3A_81 = arith.select %and3A_78, %sub3A_80, %div3A_59 : i32
        %rem3A_82 = arith.constant 2 : i32
        %rem3A_83 = arith.remsi %select_n3A_81, %rem3A_82 : i32
        %rem3A_84 = arith.constant 16 : i32
        %rem3A_85 = arith.remsi %add3A_38, %rem3A_84 : i32
        %lt3A = arith.constant 160 : i32
        %lt3A_86 = arith.cmpi slt, %add3A_38, %lt3A : i32
        %eq3A_87 = arith.constant 0 : i32
        %eq3A_88 = arith.cmpi eq, %rem3A_85, %eq3A_87 : i32
        %and3A_89 = arith.andi %lt3A_86, %eq3A_88 : i1
        %convert_element_type3A_90 = arith.extui %and3A_89 : i1 to i32
        %cond3A_91 = arith.constant 0 : i32
        %cond3A_92 = arith.cmpi ne, %convert_element_type3A_90, %cond3A_91 : i32
        scf.if %cond3A_92 {
          %eq3A_112 = arith.constant 0 : i32
          %eq3A_113 = arith.cmpi eq, %rem3A_83, %eq3A_112 : i32
          %convert_element_type3A_114 = arith.extui %eq3A_113 : i1 to i32
          %cond3A_115 = arith.constant 0 : i32
          %cond3A_116 = arith.cmpi ne, %convert_element_type3A_114, %cond3A_115 : i32
          scf.if %cond3A_116 {
            %jit3A_122 = arith.constant 16 : i32
            %div3A_123 = arith.divsi %add3A_38, %jit3A_122 : i32
            %sign3A_124 = arith.constant 0 : i32
            %sign3A_125 = arith.cmpi sgt, %add3A_38, %sign3A_124 : i32
            %sign3A_126 = arith.extui %sign3A_125 : i1 to i32
            %sign3A_127 = arith.constant 0 : i32
            %sign3A_128 = arith.cmpi slt, %add3A_38, %sign3A_127 : i32
            %sign3A_129 = arith.extui %sign3A_128 : i1 to i32
            %sign3A_130 = arith.subi %sign3A_126, %sign3A_129 : i32
            %sign3A_131 = arith.constant 0 : i32
            %sign3A_132 = arith.cmpi sgt, %jit3A_122, %sign3A_131 : i32
            %sign3A_133 = arith.extui %sign3A_132 : i1 to i32
            %sign3A_134 = arith.constant 0 : i32
            %sign3A_135 = arith.cmpi slt, %jit3A_122, %sign3A_134 : i32
            %sign3A_136 = arith.extui %sign3A_135 : i1 to i32
            %sign3A_137 = arith.subi %sign3A_133, %sign3A_136 : i32
            %ne3A_138 = arith.cmpi ne, %sign3A_130, %sign3A_137 : i32
            %rem3A_139 = arith.remsi %add3A_38, %jit3A_122 : i32
            %ne3A_140 = arith.constant 0 : i32
            %ne3A_141 = arith.cmpi ne, %rem3A_139, %ne3A_140 : i32
            %and3A_142 = arith.andi %ne3A_138, %ne3A_141 : i1
            %sub3A_143 = arith.constant 1 : i32
            %sub3A_144 = arith.subi %div3A_123, %sub3A_143 : i32
            %select_n3A_145 = arith.select %and3A_142, %sub3A_144, %div3A_123 : i32
            %mul3A_146 = arith.constant 16 : i32
            %mul3A_147 = arith.muli %select_n3A_145, %mul3A_146 : i32
            %add3A_148 = arith.addi %mul3A_0, %mul3A_147 : i32
            %multiple_of3A_149 = tpu.assume_multiple %add3A_148, 8 : i32
            "tpu.region"() ({
              %run_scoped3A = tpu.sem_alloc : memref<!tpu.dma_semaphore, #tpu.memory_space<semaphore_mem>>
              %dma_start3A_150 = arith.constant 0 : i32
              %dma_start3A_151 = tpu.memref_slice %arg4[%multiple_of3A_149, %dma_start3A_150] : memref<2560x128xi32, #tpu.memory_space<hbm>> -> memref<16x128xi32, #tpu.memory_space<hbm>>
              %dma_start3A_152 = arith.constant 0 : i32
              %dma_start3A_153 = tpu.memref_slice %arg4[%multiple_of3A_149, %dma_start3A_152] : memref<2560x128xi32, #tpu.memory_space<hbm>> -> memref<16x128xi32, #tpu.memory_space<hbm>>
              tpu.enqueue_dma source(%dma_start3A_153 : memref<16x128xi32, #tpu.memory_space<hbm>>) target(%arg8 : memref<16x128xi32, #tpu.memory_space<vmem>>) target_semaphore(%run_scoped3A : memref<!tpu.dma_semaphore, #tpu.memory_space<semaphore_mem>>)
              %dma_wait3A_154 = arith.constant 0 : i32
              %dma_wait3A_155 = tpu.memref_slice %arg4[%multiple_of3A_149, %dma_wait3A_154] : memref<2560x128xi32, #tpu.memory_space<hbm>> -> memref<16x128xi32, #tpu.memory_space<hbm>>
              %dma_wait3A_156 = arith.constant 0 : i32
              %dma_wait3A_157 = tpu.memref_slice %arg4[%multiple_of3A_149, %dma_wait3A_156] : memref<2560x128xi32, #tpu.memory_space<hbm>> -> memref<16x128xi32, #tpu.memory_space<hbm>>
              tpu.wait_dma2 semaphore(%run_scoped3A : memref<!tpu.dma_semaphore, #tpu.memory_space<semaphore_mem>>) src(%dma_wait3A_157 : memref<16x128xi32, #tpu.memory_space<hbm>>) dst(%arg8 : memref<16x128xi32, #tpu.memory_space<vmem>>)
              tpu.yield
            }) : () -> ()
            "tpu.region"() ({
              %run_scoped3A = tpu.sem_alloc : memref<!tpu.dma_semaphore, #tpu.memory_space<semaphore_mem>>
              %dma_start3A_150 = arith.constant 0 : i32
              %dma_start3A_151 = tpu.memref_slice %arg5[%multiple_of3A_149, %dma_start3A_150] : memref<2560x128xi32, #tpu.memory_space<hbm>> -> memref<16x128xi32, #tpu.memory_space<hbm>>
              %dma_start3A_152 = arith.constant 0 : i32
              %dma_start3A_153 = tpu.memref_slice %arg5[%multiple_of3A_149, %dma_start3A_152] : memref<2560x128xi32, #tpu.memory_space<hbm>> -> memref<16x128xi32, #tpu.memory_space<hbm>>
              tpu.enqueue_dma source(%dma_start3A_153 : memref<16x128xi32, #tpu.memory_space<hbm>>) target(%arg10 : memref<16x128xi32, #tpu.memory_space<vmem>>) target_semaphore(%run_scoped3A : memref<!tpu.dma_semaphore, #tpu.memory_space<semaphore_mem>>)
              %dma_wait3A_154 = arith.constant 0 : i32
              %dma_wait3A_155 = tpu.memref_slice %arg5[%multiple_of3A_149, %dma_wait3A_154] : memref<2560x128xi32, #tpu.memory_space<hbm>> -> memref<16x128xi32, #tpu.memory_space<hbm>>
              %dma_wait3A_156 = arith.constant 0 : i32
              %dma_wait3A_157 = tpu.memref_slice %arg5[%multiple_of3A_149, %dma_wait3A_156] : memref<2560x128xi32, #tpu.memory_space<hbm>> -> memref<16x128xi32, #tpu.memory_space<hbm>>
              tpu.wait_dma2 semaphore(%run_scoped3A : memref<!tpu.dma_semaphore, #tpu.memory_space<semaphore_mem>>) src(%dma_wait3A_157 : memref<16x128xi32, #tpu.memory_space<hbm>>) dst(%arg10 : memref<16x128xi32, #tpu.memory_space<vmem>>)
              tpu.yield
            }) : () -> ()
          } else {
          }
          %eq3A_117 = arith.constant 1 : i32
          %eq3A_118 = arith.cmpi eq, %rem3A_83, %eq3A_117 : i32
          %convert_element_type3A_119 = arith.extui %eq3A_118 : i1 to i32
          %cond3A_120 = arith.constant 0 : i32
          %cond3A_121 = arith.cmpi ne, %convert_element_type3A_119, %cond3A_120 : i32
          scf.if %cond3A_121 {
            %jit3A_122 = arith.constant 16 : i32
            %div3A_123 = arith.divsi %add3A_38, %jit3A_122 : i32
            %sign3A_124 = arith.constant 0 : i32
            %sign3A_125 = arith.cmpi sgt, %add3A_38, %sign3A_124 : i32
            %sign3A_126 = arith.extui %sign3A_125 : i1 to i32
            %sign3A_127 = arith.constant 0 : i32
            %sign3A_128 = arith.cmpi slt, %add3A_38, %sign3A_127 : i32
            %sign3A_129 = arith.extui %sign3A_128 : i1 to i32
            %sign3A_130 = arith.subi %sign3A_126, %sign3A_129 : i32
            %sign3A_131 = arith.constant 0 : i32
            %sign3A_132 = arith.cmpi sgt, %jit3A_122, %sign3A_131 : i32
            %sign3A_133 = arith.extui %sign3A_132 : i1 to i32
            %sign3A_134 = arith.constant 0 : i32
            %sign3A_135 = arith.cmpi slt, %jit3A_122, %sign3A_134 : i32
            %sign3A_136 = arith.extui %sign3A_135 : i1 to i32
            %sign3A_137 = arith.subi %sign3A_133, %sign3A_136 : i32
            %ne3A_138 = arith.cmpi ne, %sign3A_130, %sign3A_137 : i32
            %rem3A_139 = arith.remsi %add3A_38, %jit3A_122 : i32
            %ne3A_140 = arith.constant 0 : i32
            %ne3A_141 = arith.cmpi ne, %rem3A_139, %ne3A_140 : i32
            %and3A_142 = arith.andi %ne3A_138, %ne3A_141 : i1
            %sub3A_143 = arith.constant 1 : i32
            %sub3A_144 = arith.subi %div3A_123, %sub3A_143 : i32
            %select_n3A_145 = arith.select %and3A_142, %sub3A_144, %div3A_123 : i32
            %mul3A_146 = arith.constant 16 : i32
            %mul3A_147 = arith.muli %select_n3A_145, %mul3A_146 : i32
            %add3A_148 = arith.addi %mul3A_0, %mul3A_147 : i32
            %multiple_of3A_149 = tpu.assume_multiple %add3A_148, 8 : i32
            "tpu.region"() ({
              %run_scoped3A = tpu.sem_alloc : memref<!tpu.dma_semaphore, #tpu.memory_space<semaphore_mem>>
              %dma_start3A_150 = arith.constant 0 : i32
              %dma_start3A_151 = tpu.memref_slice %arg4[%multiple_of3A_149, %dma_start3A_150] : memref<2560x128xi32, #tpu.memory_space<hbm>> -> memref<16x128xi32, #tpu.memory_space<hbm>>
              %dma_start3A_152 = arith.constant 0 : i32
              %dma_start3A_153 = tpu.memref_slice %arg4[%multiple_of3A_149, %dma_start3A_152] : memref<2560x128xi32, #tpu.memory_space<hbm>> -> memref<16x128xi32, #tpu.memory_space<hbm>>
              tpu.enqueue_dma source(%dma_start3A_153 : memref<16x128xi32, #tpu.memory_space<hbm>>) target(%arg9 : memref<16x128xi32, #tpu.memory_space<vmem>>) target_semaphore(%run_scoped3A : memref<!tpu.dma_semaphore, #tpu.memory_space<semaphore_mem>>)
              %dma_wait3A_154 = arith.constant 0 : i32
              %dma_wait3A_155 = tpu.memref_slice %arg4[%multiple_of3A_149, %dma_wait3A_154] : memref<2560x128xi32, #tpu.memory_space<hbm>> -> memref<16x128xi32, #tpu.memory_space<hbm>>
              %dma_wait3A_156 = arith.constant 0 : i32
              %dma_wait3A_157 = tpu.memref_slice %arg4[%multiple_of3A_149, %dma_wait3A_156] : memref<2560x128xi32, #tpu.memory_space<hbm>> -> memref<16x128xi32, #tpu.memory_space<hbm>>
              tpu.wait_dma2 semaphore(%run_scoped3A : memref<!tpu.dma_semaphore, #tpu.memory_space<semaphore_mem>>) src(%dma_wait3A_157 : memref<16x128xi32, #tpu.memory_space<hbm>>) dst(%arg9 : memref<16x128xi32, #tpu.memory_space<vmem>>)
              tpu.yield
            }) : () -> ()
            "tpu.region"() ({
              %run_scoped3A = tpu.sem_alloc : memref<!tpu.dma_semaphore, #tpu.memory_space<semaphore_mem>>
              %dma_start3A_150 = arith.constant 0 : i32
              %dma_start3A_151 = tpu.memref_slice %arg5[%multiple_of3A_149, %dma_start3A_150] : memref<2560x128xi32, #tpu.memory_space<hbm>> -> memref<16x128xi32, #tpu.memory_space<hbm>>
              %dma_start3A_152 = arith.constant 0 : i32
              %dma_start3A_153 = tpu.memref_slice %arg5[%multiple_of3A_149, %dma_start3A_152] : memref<2560x128xi32, #tpu.memory_space<hbm>> -> memref<16x128xi32, #tpu.memory_space<hbm>>
              tpu.enqueue_dma source(%dma_start3A_153 : memref<16x128xi32, #tpu.memory_space<hbm>>) target(%arg11 : memref<16x128xi32, #tpu.memory_space<vmem>>) target_semaphore(%run_scoped3A : memref<!tpu.dma_semaphore, #tpu.memory_space<semaphore_mem>>)
              %dma_wait3A_154 = arith.constant 0 : i32
              %dma_wait3A_155 = tpu.memref_slice %arg5[%multiple_of3A_149, %dma_wait3A_154] : memref<2560x128xi32, #tpu.memory_space<hbm>> -> memref<16x128xi32, #tpu.memory_space<hbm>>
              %dma_wait3A_156 = arith.constant 0 : i32
              %dma_wait3A_157 = tpu.memref_slice %arg5[%multiple_of3A_149, %dma_wait3A_156] : memref<2560x128xi32, #tpu.memory_space<hbm>> -> memref<16x128xi32, #tpu.memory_space<hbm>>
              tpu.wait_dma2 semaphore(%run_scoped3A : memref<!tpu.dma_semaphore, #tpu.memory_space<semaphore_mem>>) src(%dma_wait3A_157 : memref<16x128xi32, #tpu.memory_space<hbm>>) dst(%arg11 : memref<16x128xi32, #tpu.memory_space<vmem>>)
              tpu.yield
            }) : () -> ()
          } else {
          }
        } else {
        }
        %ge3A = arith.constant 1 : i32
        %ge3A_93 = arith.cmpi sge, %scan3A_35, %ge3A : i32
        %convert_element_type3A_94 = arith.extui %ge3A_93 : i1 to i32
        %cond3A_95 = arith.constant 0 : i32
        %cond3A_96 = arith.cmpi ne, %convert_element_type3A_94, %cond3A_95 : i32
        scf.if %cond3A_96 {
          %eq3A_112 = arith.constant 0 : i32
          %eq3A_113 = arith.cmpi eq, %rem3A_36, %eq3A_112 : i32
          %convert_element_type3A_114 = arith.extui %eq3A_113 : i1 to i32
          %cond3A_115 = arith.constant 0 : i32
          %cond3A_116 = arith.cmpi ne, %convert_element_type3A_114, %cond3A_115 : i32
          scf.if %cond3A_116 {
            %dma_wait3A_122 = arith.constant 0 : i32
            %dma_wait3A_123 = arith.constant 0 : i32
            %dma_wait3A_124 = tpu.memref_slice %arg10[%dma_wait3A_122, %dma_wait3A_123] : memref<16x128xi32, #tpu.memory_space<vmem>> -> memref<1x128xi32, #tpu.memory_space<vmem>>
            %dma_wait3A_125 = tpu.memref_squeeze %dma_wait3A_124 : memref<1x128xi32, #tpu.memory_space<vmem>> -> memref<128xi32, #tpu.memory_space<vmem>>
            %dma_wait3A_126 = arith.constant 0 : i32
            %dma_wait3A_127 = arith.constant 0 : i32
            %dma_wait3A_128 = tpu.memref_slice %arg18[%dma_wait3A_126, %dma_wait3A_127] : memref<10240x128xf32, #tpu.memory_space<vmem_shared>> -> memref<10240x128xf32, #tpu.memory_space<vmem_shared>>
            tpu.wait_indirect_dma semaphore(%arg17 : memref<!tpu.dma_semaphore, #tpu.memory_space<semaphore_mem>>) src(%arg13 : memref<128x128xf32, #tpu.memory_space<vmem>>) dst(%dma_wait3A_128 : memref<10240x128xf32, #tpu.memory_space<vmem_shared>>)
          } else {
          }
          %eq3A_117 = arith.constant 1 : i32
          %eq3A_118 = arith.cmpi eq, %rem3A_36, %eq3A_117 : i32
          %convert_element_type3A_119 = arith.extui %eq3A_118 : i1 to i32
          %cond3A_120 = arith.constant 0 : i32
          %cond3A_121 = arith.cmpi ne, %convert_element_type3A_119, %cond3A_120 : i32
          scf.if %cond3A_121 {
            %dma_wait3A_122 = arith.constant 0 : i32
            %dma_wait3A_123 = arith.constant 0 : i32
            %dma_wait3A_124 = tpu.memref_slice %arg10[%dma_wait3A_122, %dma_wait3A_123] : memref<16x128xi32, #tpu.memory_space<vmem>> -> memref<1x128xi32, #tpu.memory_space<vmem>>
            %dma_wait3A_125 = tpu.memref_squeeze %dma_wait3A_124 : memref<1x128xi32, #tpu.memory_space<vmem>> -> memref<128xi32, #tpu.memory_space<vmem>>
            %dma_wait3A_126 = arith.constant 0 : i32
            %dma_wait3A_127 = arith.constant 0 : i32
            %dma_wait3A_128 = tpu.memref_slice %arg18[%dma_wait3A_126, %dma_wait3A_127] : memref<10240x128xf32, #tpu.memory_space<vmem_shared>> -> memref<10240x128xf32, #tpu.memory_space<vmem_shared>>
            tpu.wait_indirect_dma semaphore(%arg16 : memref<!tpu.dma_semaphore, #tpu.memory_space<semaphore_mem>>) src(%arg12 : memref<128x128xf32, #tpu.memory_space<vmem>>) dst(%dma_wait3A_128 : memref<10240x128xf32, #tpu.memory_space<vmem_shared>>)
          } else {
          }
        } else {
        }
        %lt3A_97 = arith.constant 160 : i32
        %lt3A_98 = arith.cmpi slt, %add3A_38, %lt3A_97 : i32
        %convert_element_type3A_99 = arith.extui %lt3A_98 : i1 to i32
        %cond3A_100 = arith.constant 0 : i32
        %cond3A_101 = arith.cmpi ne, %convert_element_type3A_99, %cond3A_100 : i32
        scf.if %cond3A_101 {
          %eq3A_112 = arith.constant 0 : i32
          %eq3A_113 = arith.cmpi eq, %rem3A_83, %eq3A_112 : i32
          %convert_element_type3A_114 = arith.extui %eq3A_113 : i1 to i32
          %cond3A_115 = arith.constant 0 : i32
          %cond3A_116 = arith.cmpi ne, %convert_element_type3A_114, %cond3A_115 : i32
          scf.if %cond3A_116 {
            %eq3A_122 = arith.constant 0 : i32
            %eq3A_123 = arith.cmpi eq, %rem3A_36, %eq3A_122 : i32
            %convert_element_type3A_124 = arith.extui %eq3A_123 : i1 to i32
            %cond3A_125 = arith.constant 0 : i32
            %cond3A_126 = arith.cmpi ne, %convert_element_type3A_124, %cond3A_125 : i32
            scf.if %cond3A_126 {
              %dma_start3A_132 = arith.constant 0 : i32
              %dma_start3A_133 = tpu.memref_slice %arg8[%rem3A_85, %dma_start3A_132] : memref<16x128xi32, #tpu.memory_space<vmem>> -> memref<1x128xi32, #tpu.memory_space<vmem>>
              %dma_start3A_134 = tpu.memref_squeeze %dma_start3A_133 : memref<1x128xi32, #tpu.memory_space<vmem>> -> memref<128xi32, #tpu.memory_space<vmem>>
              %dma_start3A_135 = arith.constant 0 : i32
              %dma_start3A_136 = arith.constant 0 : i32
              %dma_start3A_137 = tpu.memref_slice %arg2[%dma_start3A_135, %dma_start3A_136] : memref<10240x128xf32, #tpu.memory_space<hbm>> -> memref<10240x128xf32, #tpu.memory_space<hbm>>
              tpu.enqueue_indirect_dma source(%dma_start3A_137 : memref<10240x128xf32, #tpu.memory_space<hbm>>) target(%arg13 : memref<128x128xf32, #tpu.memory_space<vmem>>) offsets(%dma_start3A_134 : memref<128xi32, #tpu.memory_space<vmem>>) semaphore(%arg15 : memref<!tpu.dma_semaphore, #tpu.memory_space<semaphore_mem>>)
            } else {
            }
            %eq3A_127 = arith.constant 1 : i32
            %eq3A_128 = arith.cmpi eq, %rem3A_36, %eq3A_127 : i32
            %convert_element_type3A_129 = arith.extui %eq3A_128 : i1 to i32
            %cond3A_130 = arith.constant 0 : i32
            %cond3A_131 = arith.cmpi ne, %convert_element_type3A_129, %cond3A_130 : i32
            scf.if %cond3A_131 {
              %dma_start3A_132 = arith.constant 0 : i32
              %dma_start3A_133 = tpu.memref_slice %arg8[%rem3A_85, %dma_start3A_132] : memref<16x128xi32, #tpu.memory_space<vmem>> -> memref<1x128xi32, #tpu.memory_space<vmem>>
              %dma_start3A_134 = tpu.memref_squeeze %dma_start3A_133 : memref<1x128xi32, #tpu.memory_space<vmem>> -> memref<128xi32, #tpu.memory_space<vmem>>
              %dma_start3A_135 = arith.constant 0 : i32
              %dma_start3A_136 = arith.constant 0 : i32
              %dma_start3A_137 = tpu.memref_slice %arg2[%dma_start3A_135, %dma_start3A_136] : memref<10240x128xf32, #tpu.memory_space<hbm>> -> memref<10240x128xf32, #tpu.memory_space<hbm>>
              tpu.enqueue_indirect_dma source(%dma_start3A_137 : memref<10240x128xf32, #tpu.memory_space<hbm>>) target(%arg12 : memref<128x128xf32, #tpu.memory_space<vmem>>) offsets(%dma_start3A_134 : memref<128xi32, #tpu.memory_space<vmem>>) semaphore(%arg14 : memref<!tpu.dma_semaphore, #tpu.memory_space<semaphore_mem>>)
            } else {
            }
          } else {
          }
          %eq3A_117 = arith.constant 1 : i32
          %eq3A_118 = arith.cmpi eq, %rem3A_83, %eq3A_117 : i32
          %convert_element_type3A_119 = arith.extui %eq3A_118 : i1 to i32
          %cond3A_120 = arith.constant 0 : i32
          %cond3A_121 = arith.cmpi ne, %convert_element_type3A_119, %cond3A_120 : i32
          scf.if %cond3A_121 {
            %eq3A_122 = arith.constant 0 : i32
            %eq3A_123 = arith.cmpi eq, %rem3A_36, %eq3A_122 : i32
            %convert_element_type3A_124 = arith.extui %eq3A_123 : i1 to i32
            %cond3A_125 = arith.constant 0 : i32
            %cond3A_126 = arith.cmpi ne, %convert_element_type3A_124, %cond3A_125 : i32
            scf.if %cond3A_126 {
              %dma_start3A_132 = arith.constant 0 : i32
              %dma_start3A_133 = tpu.memref_slice %arg9[%rem3A_85, %dma_start3A_132] : memref<16x128xi32, #tpu.memory_space<vmem>> -> memref<1x128xi32, #tpu.memory_space<vmem>>
              %dma_start3A_134 = tpu.memref_squeeze %dma_start3A_133 : memref<1x128xi32, #tpu.memory_space<vmem>> -> memref<128xi32, #tpu.memory_space<vmem>>
              %dma_start3A_135 = arith.constant 0 : i32
              %dma_start3A_136 = arith.constant 0 : i32
              %dma_start3A_137 = tpu.memref_slice %arg2[%dma_start3A_135, %dma_start3A_136] : memref<10240x128xf32, #tpu.memory_space<hbm>> -> memref<10240x128xf32, #tpu.memory_space<hbm>>
              tpu.enqueue_indirect_dma source(%dma_start3A_137 : memref<10240x128xf32, #tpu.memory_space<hbm>>) target(%arg13 : memref<128x128xf32, #tpu.memory_space<vmem>>) offsets(%dma_start3A_134 : memref<128xi32, #tpu.memory_space<vmem>>) semaphore(%arg15 : memref<!tpu.dma_semaphore, #tpu.memory_space<semaphore_mem>>)
            } else {
            }
            %eq3A_127 = arith.constant 1 : i32
            %eq3A_128 = arith.cmpi eq, %rem3A_36, %eq3A_127 : i32
            %convert_element_type3A_129 = arith.extui %eq3A_128 : i1 to i32
            %cond3A_130 = arith.constant 0 : i32
            %cond3A_131 = arith.cmpi ne, %convert_element_type3A_129, %cond3A_130 : i32
            scf.if %cond3A_131 {
              %dma_start3A_132 = arith.constant 0 : i32
              %dma_start3A_133 = tpu.memref_slice %arg9[%rem3A_85, %dma_start3A_132] : memref<16x128xi32, #tpu.memory_space<vmem>> -> memref<1x128xi32, #tpu.memory_space<vmem>>
              %dma_start3A_134 = tpu.memref_squeeze %dma_start3A_133 : memref<1x128xi32, #tpu.memory_space<vmem>> -> memref<128xi32, #tpu.memory_space<vmem>>
              %dma_start3A_135 = arith.constant 0 : i32
              %dma_start3A_136 = arith.constant 0 : i32
              %dma_start3A_137 = tpu.memref_slice %arg2[%dma_start3A_135, %dma_start3A_136] : memref<10240x128xf32, #tpu.memory_space<hbm>> -> memref<10240x128xf32, #tpu.memory_space<hbm>>
              tpu.enqueue_indirect_dma source(%dma_start3A_137 : memref<10240x128xf32, #tpu.memory_space<hbm>>) target(%arg12 : memref<128x128xf32, #tpu.memory_space<vmem>>) offsets(%dma_start3A_134 : memref<128xi32, #tpu.memory_space<vmem>>) semaphore(%arg14 : memref<!tpu.dma_semaphore, #tpu.memory_space<semaphore_mem>>)
            } else {
            }
          } else {
          }
        } else {
        }
        %eq3A_102 = arith.constant 0 : i32
        %eq3A_103 = arith.cmpi eq, %rem3A_57, %eq3A_102 : i32
        %convert_element_type3A_104 = arith.extui %eq3A_103 : i1 to i32
        %cond3A_105 = arith.constant 0 : i32
        %cond3A_106 = arith.cmpi ne, %convert_element_type3A_104, %cond3A_105 : i32
        scf.if %cond3A_106 {
          %eq3A_112 = arith.constant 0 : i32
          %eq3A_113 = arith.cmpi eq, %rem3A_36, %eq3A_112 : i32
          %convert_element_type3A_114 = arith.extui %eq3A_113 : i1 to i32
          %cond3A_115 = arith.constant 0 : i32
          %cond3A_116 = arith.cmpi ne, %convert_element_type3A_114, %cond3A_115 : i32
          scf.if %cond3A_116 {
            %dma_wait3A_122 = arith.constant 0 : i32
            %dma_wait3A_123 = arith.constant 0 : i32
            %dma_wait3A_124 = tpu.memref_slice %arg8[%dma_wait3A_122, %dma_wait3A_123] : memref<16x128xi32, #tpu.memory_space<vmem>> -> memref<1x128xi32, #tpu.memory_space<vmem>>
            %dma_wait3A_125 = tpu.memref_squeeze %dma_wait3A_124 : memref<1x128xi32, #tpu.memory_space<vmem>> -> memref<128xi32, #tpu.memory_space<vmem>>
            %dma_wait3A_126 = arith.constant 0 : i32
            %dma_wait3A_127 = arith.constant 0 : i32
            %dma_wait3A_128 = tpu.memref_slice %arg2[%dma_wait3A_126, %dma_wait3A_127] : memref<10240x128xf32, #tpu.memory_space<hbm>> -> memref<10240x128xf32, #tpu.memory_space<hbm>>
            tpu.wait_indirect_dma semaphore(%arg14 : memref<!tpu.dma_semaphore, #tpu.memory_space<semaphore_mem>>) src(%dma_wait3A_128 : memref<10240x128xf32, #tpu.memory_space<hbm>>) dst(%arg12 : memref<128x128xf32, #tpu.memory_space<vmem>>)
            %rem3A_129 = arith.constant 16 : i32
            %rem3A_130 = arith.remsi %scan3A_35, %rem3A_129 : i32
            %dma_start3A_131 = arith.constant 0 : i32
            %dma_start3A_132 = tpu.memref_slice %arg10[%rem3A_130, %dma_start3A_131] : memref<16x128xi32, #tpu.memory_space<vmem>> -> memref<1x128xi32, #tpu.memory_space<vmem>>
            %dma_start3A_133 = tpu.memref_squeeze %dma_start3A_132 : memref<1x128xi32, #tpu.memory_space<vmem>> -> memref<128xi32, #tpu.memory_space<vmem>>
            %dma_start3A_134 = arith.constant 0 : i32
            %dma_start3A_135 = arith.constant 0 : i32
            %dma_start3A_136 = tpu.memref_slice %arg18[%dma_start3A_134, %dma_start3A_135] : memref<10240x128xf32, #tpu.memory_space<vmem_shared>> -> memref<10240x128xf32, #tpu.memory_space<vmem_shared>>
            tpu.enqueue_indirect_dma source(%arg12 : memref<128x128xf32, #tpu.memory_space<vmem>>) target(%dma_start3A_136 : memref<10240x128xf32, #tpu.memory_space<vmem_shared>>) offsets(%dma_start3A_133 : memref<128xi32, #tpu.memory_space<vmem>>) semaphore(%arg16 : memref<!tpu.dma_semaphore, #tpu.memory_space<semaphore_mem>>) {add = true}
          } else {
          }
          %eq3A_117 = arith.constant 1 : i32
          %eq3A_118 = arith.cmpi eq, %rem3A_36, %eq3A_117 : i32
          %convert_element_type3A_119 = arith.extui %eq3A_118 : i1 to i32
          %cond3A_120 = arith.constant 0 : i32
          %cond3A_121 = arith.cmpi ne, %convert_element_type3A_119, %cond3A_120 : i32
          scf.if %cond3A_121 {
            %dma_wait3A_122 = arith.constant 0 : i32
            %dma_wait3A_123 = arith.constant 0 : i32
            %dma_wait3A_124 = tpu.memref_slice %arg8[%dma_wait3A_122, %dma_wait3A_123] : memref<16x128xi32, #tpu.memory_space<vmem>> -> memref<1x128xi32, #tpu.memory_space<vmem>>
            %dma_wait3A_125 = tpu.memref_squeeze %dma_wait3A_124 : memref<1x128xi32, #tpu.memory_space<vmem>> -> memref<128xi32, #tpu.memory_space<vmem>>
            %dma_wait3A_126 = arith.constant 0 : i32
            %dma_wait3A_127 = arith.constant 0 : i32
            %dma_wait3A_128 = tpu.memref_slice %arg2[%dma_wait3A_126, %dma_wait3A_127] : memref<10240x128xf32, #tpu.memory_space<hbm>> -> memref<10240x128xf32, #tpu.memory_space<hbm>>
            tpu.wait_indirect_dma semaphore(%arg15 : memref<!tpu.dma_semaphore, #tpu.memory_space<semaphore_mem>>) src(%dma_wait3A_128 : memref<10240x128xf32, #tpu.memory_space<hbm>>) dst(%arg13 : memref<128x128xf32, #tpu.memory_space<vmem>>)
            %rem3A_129 = arith.constant 16 : i32
            %rem3A_130 = arith.remsi %scan3A_35, %rem3A_129 : i32
            %dma_start3A_131 = arith.constant 0 : i32
            %dma_start3A_132 = tpu.memref_slice %arg10[%rem3A_130, %dma_start3A_131] : memref<16x128xi32, #tpu.memory_space<vmem>> -> memref<1x128xi32, #tpu.memory_space<vmem>>
            %dma_start3A_133 = tpu.memref_squeeze %dma_start3A_132 : memref<1x128xi32, #tpu.memory_space<vmem>> -> memref<128xi32, #tpu.memory_space<vmem>>
            %dma_start3A_134 = arith.constant 0 : i32
            %dma_start3A_135 = arith.constant 0 : i32
            %dma_start3A_136 = tpu.memref_slice %arg18[%dma_start3A_134, %dma_start3A_135] : memref<10240x128xf32, #tpu.memory_space<vmem_shared>> -> memref<10240x128xf32, #tpu.memory_space<vmem_shared>>
            tpu.enqueue_indirect_dma source(%arg13 : memref<128x128xf32, #tpu.memory_space<vmem>>) target(%dma_start3A_136 : memref<10240x128xf32, #tpu.memory_space<vmem_shared>>) offsets(%dma_start3A_133 : memref<128xi32, #tpu.memory_space<vmem>>) semaphore(%arg17 : memref<!tpu.dma_semaphore, #tpu.memory_space<semaphore_mem>>) {add = true}
          } else {
          }
        } else {
        }
        %eq3A_107 = arith.constant 1 : i32
        %eq3A_108 = arith.cmpi eq, %rem3A_57, %eq3A_107 : i32
        %convert_element_type3A_109 = arith.extui %eq3A_108 : i1 to i32
        %cond3A_110 = arith.constant 0 : i32
        %cond3A_111 = arith.cmpi ne, %convert_element_type3A_109, %cond3A_110 : i32
        scf.if %cond3A_111 {
          %eq3A_112 = arith.constant 0 : i32
          %eq3A_113 = arith.cmpi eq, %rem3A_36, %eq3A_112 : i32
          %convert_element_type3A_114 = arith.extui %eq3A_113 : i1 to i32
          %cond3A_115 = arith.constant 0 : i32
          %cond3A_116 = arith.cmpi ne, %convert_element_type3A_114, %cond3A_115 : i32
          scf.if %cond3A_116 {
            %dma_wait3A_122 = arith.constant 0 : i32
            %dma_wait3A_123 = arith.constant 0 : i32
            %dma_wait3A_124 = tpu.memref_slice %arg9[%dma_wait3A_122, %dma_wait3A_123] : memref<16x128xi32, #tpu.memory_space<vmem>> -> memref<1x128xi32, #tpu.memory_space<vmem>>
            %dma_wait3A_125 = tpu.memref_squeeze %dma_wait3A_124 : memref<1x128xi32, #tpu.memory_space<vmem>> -> memref<128xi32, #tpu.memory_space<vmem>>
            %dma_wait3A_126 = arith.constant 0 : i32
            %dma_wait3A_127 = arith.constant 0 : i32
            %dma_wait3A_128 = tpu.memref_slice %arg2[%dma_wait3A_126, %dma_wait3A_127] : memref<10240x128xf32, #tpu.memory_space<hbm>> -> memref<10240x128xf32, #tpu.memory_space<hbm>>
            tpu.wait_indirect_dma semaphore(%arg14 : memref<!tpu.dma_semaphore, #tpu.memory_space<semaphore_mem>>) src(%dma_wait3A_128 : memref<10240x128xf32, #tpu.memory_space<hbm>>) dst(%arg12 : memref<128x128xf32, #tpu.memory_space<vmem>>)
            %rem3A_129 = arith.constant 16 : i32
            %rem3A_130 = arith.remsi %scan3A_35, %rem3A_129 : i32
            %dma_start3A_131 = arith.constant 0 : i32
            %dma_start3A_132 = tpu.memref_slice %arg11[%rem3A_130, %dma_start3A_131] : memref<16x128xi32, #tpu.memory_space<vmem>> -> memref<1x128xi32, #tpu.memory_space<vmem>>
            %dma_start3A_133 = tpu.memref_squeeze %dma_start3A_132 : memref<1x128xi32, #tpu.memory_space<vmem>> -> memref<128xi32, #tpu.memory_space<vmem>>
            %dma_start3A_134 = arith.constant 0 : i32
            %dma_start3A_135 = arith.constant 0 : i32
            %dma_start3A_136 = tpu.memref_slice %arg18[%dma_start3A_134, %dma_start3A_135] : memref<10240x128xf32, #tpu.memory_space<vmem_shared>> -> memref<10240x128xf32, #tpu.memory_space<vmem_shared>>
            tpu.enqueue_indirect_dma source(%arg12 : memref<128x128xf32, #tpu.memory_space<vmem>>) target(%dma_start3A_136 : memref<10240x128xf32, #tpu.memory_space<vmem_shared>>) offsets(%dma_start3A_133 : memref<128xi32, #tpu.memory_space<vmem>>) semaphore(%arg16 : memref<!tpu.dma_semaphore, #tpu.memory_space<semaphore_mem>>) {add = true}
          } else {
          }
          %eq3A_117 = arith.constant 1 : i32
          %eq3A_118 = arith.cmpi eq, %rem3A_36, %eq3A_117 : i32
          %convert_element_type3A_119 = arith.extui %eq3A_118 : i1 to i32
          %cond3A_120 = arith.constant 0 : i32
          %cond3A_121 = arith.cmpi ne, %convert_element_type3A_119, %cond3A_120 : i32
          scf.if %cond3A_121 {
            %dma_wait3A_122 = arith.constant 0 : i32
            %dma_wait3A_123 = arith.constant 0 : i32
            %dma_wait3A_124 = tpu.memref_slice %arg9[%dma_wait3A_122, %dma_wait3A_123] : memref<16x128xi32, #tpu.memory_space<vmem>> -> memref<1x128xi32, #tpu.memory_space<vmem>>
            %dma_wait3A_125 = tpu.memref_squeeze %dma_wait3A_124 : memref<1x128xi32, #tpu.memory_space<vmem>> -> memref<128xi32, #tpu.memory_space<vmem>>
            %dma_wait3A_126 = arith.constant 0 : i32
            %dma_wait3A_127 = arith.constant 0 : i32
            %dma_wait3A_128 = tpu.memref_slice %arg2[%dma_wait3A_126, %dma_wait3A_127] : memref<10240x128xf32, #tpu.memory_space<hbm>> -> memref<10240x128xf32, #tpu.memory_space<hbm>>
            tpu.wait_indirect_dma semaphore(%arg15 : memref<!tpu.dma_semaphore, #tpu.memory_space<semaphore_mem>>) src(%dma_wait3A_128 : memref<10240x128xf32, #tpu.memory_space<hbm>>) dst(%arg13 : memref<128x128xf32, #tpu.memory_space<vmem>>)
            %rem3A_129 = arith.constant 16 : i32
            %rem3A_130 = arith.remsi %scan3A_35, %rem3A_129 : i32
            %dma_start3A_131 = arith.constant 0 : i32
            %dma_start3A_132 = tpu.memref_slice %arg11[%rem3A_130, %dma_start3A_131] : memref<16x128xi32, #tpu.memory_space<vmem>> -> memref<1x128xi32, #tpu.memory_space<vmem>>
            %dma_start3A_133 = tpu.memref_squeeze %dma_start3A_132 : memref<1x128xi32, #tpu.memory_space<vmem>> -> memref<128xi32, #tpu.memory_space<vmem>>
            %dma_start3A_134 = arith.constant 0 : i32
            %dma_start3A_135 = arith.constant 0 : i32
            %dma_start3A_136 = tpu.memref_slice %arg18[%dma_start3A_134, %dma_start3A_135] : memref<10240x128xf32, #tpu.memory_space<vmem_shared>> -> memref<10240x128xf32, #tpu.memory_space<vmem_shared>>
            tpu.enqueue_indirect_dma source(%arg13 : memref<128x128xf32, #tpu.memory_space<vmem>>) target(%dma_start3A_136 : memref<10240x128xf32, #tpu.memory_space<vmem_shared>>) offsets(%dma_start3A_133 : memref<128xi32, #tpu.memory_space<vmem>>) semaphore(%arg17 : memref<!tpu.dma_semaphore, #tpu.memory_space<semaphore_mem>>) {add = true}
          } else {
          }
        } else {
        }
      }
      %scan3A_23 = arith.constant 160 : i32
      %dma_wait3A = arith.constant 0 : i32
      %dma_wait3A_24 = arith.constant 0 : i32
      %dma_wait3A_25 = tpu.memref_slice %arg10[%dma_wait3A, %dma_wait3A_24] : memref<16x128xi32, #tpu.memory_space<vmem>> -> memref<1x128xi32, #tpu.memory_space<vmem>>
      %dma_wait3A_26 = tpu.memref_squeeze %dma_wait3A_25 : memref<1x128xi32, #tpu.memory_space<vmem>> -> memref<128xi32, #tpu.memory_space<vmem>>
      %dma_wait3A_27 = arith.constant 0 : i32
      %dma_wait3A_28 = arith.constant 0 : i32
      %dma_wait3A_29 = tpu.memref_slice %arg18[%dma_wait3A_27, %dma_wait3A_28] : memref<10240x128xf32, #tpu.memory_space<vmem_shared>> -> memref<10240x128xf32, #tpu.memory_space<vmem_shared>>
      tpu.wait_indirect_dma semaphore(%arg17 : memref<!tpu.dma_semaphore, #tpu.memory_space<semaphore_mem>>) src(%arg13 : memref<128x128xf32, #tpu.memory_space<vmem>>) dst(%dma_wait3A_29 : memref<10240x128xf32, #tpu.memory_space<vmem_shared>>)
      %barrier3A_30 = arith.constant 0 : index
      tpu.barrier barrier_id(%barrier3A_30)
      %mul3A_31 = arith.constant 640 : i32
      %mul3A_32 = arith.muli %arg1, %mul3A_31 : i32
      %mul3A_33 = arith.constant 640 : i32
      %mul3A_34 = arith.muli %arg1, %mul3A_33 : i32
      "tpu.region"() ({
        %run_scoped3A = tpu.sem_alloc : memref<!tpu.dma_semaphore, #tpu.memory_space<semaphore_mem>>
        %dma_start3A_35 = arith.constant 0 : i32
        %dma_start3A_36 = tpu.memref_slice %arg6[%mul3A_34, %dma_start3A_35] : memref<10240x128xf32, #tpu.memory_space<hbm>> -> memref<640x128xf32, #tpu.memory_space<hbm>>
        %dma_start3A_37 = arith.constant 0 : i32
        %dma_start3A_38 = tpu.memref_slice %arg18[%mul3A_32, %dma_start3A_37] : memref<10240x128xf32, #tpu.memory_space<vmem_shared>> -> memref<640x128xf32, #tpu.memory_space<vmem_shared>>
        tpu.enqueue_dma source(%dma_start3A_38 : memref<640x128xf32, #tpu.memory_space<vmem_shared>>) target(%dma_start3A_36 : memref<640x128xf32, #tpu.memory_space<hbm>>) target_semaphore(%run_scoped3A : memref<!tpu.dma_semaphore, #tpu.memory_space<semaphore_mem>>)
        %dma_wait3A_39 = arith.constant 0 : i32
        %dma_wait3A_40 = tpu.memref_slice %arg6[%mul3A_34, %dma_wait3A_39] : memref<10240x128xf32, #tpu.memory_space<hbm>> -> memref<640x128xf32, #tpu.memory_space<hbm>>
        %dma_wait3A_41 = arith.constant 0 : i32
        %dma_wait3A_42 = tpu.memref_slice %arg18[%mul3A_32, %dma_wait3A_41] : memref<10240x128xf32, #tpu.memory_space<vmem_shared>> -> memref<640x128xf32, #tpu.memory_space<vmem_shared>>
        tpu.wait_dma2 semaphore(%run_scoped3A : memref<!tpu.dma_semaphore, #tpu.memory_space<semaphore_mem>>) src(%dma_wait3A_42 : memref<640x128xf32, #tpu.memory_space<vmem_shared>>) dst(%dma_wait3A_40 : memref<640x128xf32, #tpu.memory_space<hbm>>)
        tpu.yield
      }) : () -> ()
    } else {
    }
    %eq3A_3 = arith.constant 1 : i32
    %eq3A_4 = arith.cmpi eq, %arg0, %eq3A_3 : i32
    %convert_element_type3A_5 = arith.extui %eq3A_4 : i1 to i32
    %cond3A_6 = arith.constant 0 : i32
    %cond3A_7 = arith.cmpi ne, %convert_element_type3A_5, %cond3A_6 : i32
    scf.if %cond3A_7 {
      %mul3A_8 = arith.constant 640 : i32
      %mul3A_9 = arith.muli %arg1, %mul3A_8 : i32
      %mul3A_10 = arith.constant 640 : i32
      %mul3A_11 = arith.muli %arg1, %mul3A_10 : i32
      "tpu.region"() ({
        %run_scoped3A = tpu.sem_alloc : memref<!tpu.dma_semaphore, #tpu.memory_space<semaphore_mem>>
        %dma_start3A_35 = arith.constant 0 : i32
        %dma_start3A_36 = tpu.memref_slice %arg18[%mul3A_11, %dma_start3A_35] : memref<10240x128xf32, #tpu.memory_space<vmem_shared>> -> memref<640x128xf32, #tpu.memory_space<vmem_shared>>
        %dma_start3A_37 = arith.constant 0 : i32
        %dma_start3A_38 = tpu.memref_slice %arg3[%mul3A_9, %dma_start3A_37] : memref<10240x128xf32, #tpu.memory_space<hbm>> -> memref<640x128xf32, #tpu.memory_space<hbm>>
        tpu.enqueue_dma source(%dma_start3A_38 : memref<640x128xf32, #tpu.memory_space<hbm>>) target(%dma_start3A_36 : memref<640x128xf32, #tpu.memory_space<vmem_shared>>) target_semaphore(%run_scoped3A : memref<!tpu.dma_semaphore, #tpu.memory_space<semaphore_mem>>)
        %dma_wait3A_39 = arith.constant 0 : i32
        %dma_wait3A_40 = tpu.memref_slice %arg18[%mul3A_11, %dma_wait3A_39] : memref<10240x128xf32, #tpu.memory_space<vmem_shared>> -> memref<640x128xf32, #tpu.memory_space<vmem_shared>>
        %dma_wait3A_41 = arith.constant 0 : i32
        %dma_wait3A_42 = tpu.memref_slice %arg3[%mul3A_9, %dma_wait3A_41] : memref<10240x128xf32, #tpu.memory_space<hbm>> -> memref<640x128xf32, #tpu.memory_space<hbm>>
        tpu.wait_dma2 semaphore(%run_scoped3A : memref<!tpu.dma_semaphore, #tpu.memory_space<semaphore_mem>>) src(%dma_wait3A_42 : memref<640x128xf32, #tpu.memory_space<hbm>>) dst(%dma_wait3A_40 : memref<640x128xf32, #tpu.memory_space<vmem_shared>>)
        tpu.yield
      }) : () -> ()
      %barrier3A = arith.constant 0 : index
      tpu.barrier barrier_id(%barrier3A)
      %add3A = arith.constant 0 : i32
      %add3A_12 = arith.addi %mul3A_0, %add3A : i32
      %multiple_of3A = tpu.assume_multiple %add3A_12, 8 : i32
      "tpu.region"() ({
        %run_scoped3A = tpu.sem_alloc : memref<!tpu.dma_semaphore, #tpu.memory_space<semaphore_mem>>
        %dma_start3A_35 = arith.constant 0 : i32
        %dma_start3A_36 = tpu.memref_slice %arg4[%multiple_of3A, %dma_start3A_35] : memref<2560x128xi32, #tpu.memory_space<hbm>> -> memref<16x128xi32, #tpu.memory_space<hbm>>
        %dma_start3A_37 = arith.constant 0 : i32
        %dma_start3A_38 = tpu.memref_slice %arg4[%multiple_of3A, %dma_start3A_37] : memref<2560x128xi32, #tpu.memory_space<hbm>> -> memref<16x128xi32, #tpu.memory_space<hbm>>
        tpu.enqueue_dma source(%dma_start3A_38 : memref<16x128xi32, #tpu.memory_space<hbm>>) target(%arg8 : memref<16x128xi32, #tpu.memory_space<vmem>>) target_semaphore(%run_scoped3A : memref<!tpu.dma_semaphore, #tpu.memory_space<semaphore_mem>>)
        %dma_wait3A_39 = arith.constant 0 : i32
        %dma_wait3A_40 = tpu.memref_slice %arg4[%multiple_of3A, %dma_wait3A_39] : memref<2560x128xi32, #tpu.memory_space<hbm>> -> memref<16x128xi32, #tpu.memory_space<hbm>>
        %dma_wait3A_41 = arith.constant 0 : i32
        %dma_wait3A_42 = tpu.memref_slice %arg4[%multiple_of3A, %dma_wait3A_41] : memref<2560x128xi32, #tpu.memory_space<hbm>> -> memref<16x128xi32, #tpu.memory_space<hbm>>
        tpu.wait_dma2 semaphore(%run_scoped3A : memref<!tpu.dma_semaphore, #tpu.memory_space<semaphore_mem>>) src(%dma_wait3A_42 : memref<16x128xi32, #tpu.memory_space<hbm>>) dst(%arg8 : memref<16x128xi32, #tpu.memory_space<vmem>>)
        tpu.yield
      }) : () -> ()
      "tpu.region"() ({
        %run_scoped3A = tpu.sem_alloc : memref<!tpu.dma_semaphore, #tpu.memory_space<semaphore_mem>>
        %dma_start3A_35 = arith.constant 0 : i32
        %dma_start3A_36 = tpu.memref_slice %arg5[%multiple_of3A, %dma_start3A_35] : memref<2560x128xi32, #tpu.memory_space<hbm>> -> memref<16x128xi32, #tpu.memory_space<hbm>>
        %dma_start3A_37 = arith.constant 0 : i32
        %dma_start3A_38 = tpu.memref_slice %arg5[%multiple_of3A, %dma_start3A_37] : memref<2560x128xi32, #tpu.memory_space<hbm>> -> memref<16x128xi32, #tpu.memory_space<hbm>>
        tpu.enqueue_dma source(%dma_start3A_38 : memref<16x128xi32, #tpu.memory_space<hbm>>) target(%arg10 : memref<16x128xi32, #tpu.memory_space<vmem>>) target_semaphore(%run_scoped3A : memref<!tpu.dma_semaphore, #tpu.memory_space<semaphore_mem>>)
        %dma_wait3A_39 = arith.constant 0 : i32
        %dma_wait3A_40 = tpu.memref_slice %arg5[%multiple_of3A, %dma_wait3A_39] : memref<2560x128xi32, #tpu.memory_space<hbm>> -> memref<16x128xi32, #tpu.memory_space<hbm>>
        %dma_wait3A_41 = arith.constant 0 : i32
        %dma_wait3A_42 = tpu.memref_slice %arg5[%multiple_of3A, %dma_wait3A_41] : memref<2560x128xi32, #tpu.memory_space<hbm>> -> memref<16x128xi32, #tpu.memory_space<hbm>>
        tpu.wait_dma2 semaphore(%run_scoped3A : memref<!tpu.dma_semaphore, #tpu.memory_space<semaphore_mem>>) src(%dma_wait3A_42 : memref<16x128xi32, #tpu.memory_space<hbm>>) dst(%arg10 : memref<16x128xi32, #tpu.memory_space<vmem>>)
        tpu.yield
      }) : () -> ()
      %dma_start3A = arith.constant 0 : i32
      %dma_start3A_13 = arith.constant 0 : i32
      %dma_start3A_14 = tpu.memref_slice %arg8[%dma_start3A, %dma_start3A_13] : memref<16x128xi32, #tpu.memory_space<vmem>> -> memref<1x128xi32, #tpu.memory_space<vmem>>
      %dma_start3A_15 = tpu.memref_squeeze %dma_start3A_14 : memref<1x128xi32, #tpu.memory_space<vmem>> -> memref<128xi32, #tpu.memory_space<vmem>>
      %dma_start3A_16 = arith.constant 0 : i32
      %dma_start3A_17 = arith.constant 0 : i32
      %dma_start3A_18 = tpu.memref_slice %arg3[%dma_start3A_16, %dma_start3A_17] : memref<10240x128xf32, #tpu.memory_space<hbm>> -> memref<10240x128xf32, #tpu.memory_space<hbm>>
      tpu.enqueue_indirect_dma source(%dma_start3A_18 : memref<10240x128xf32, #tpu.memory_space<hbm>>) target(%arg12 : memref<128x128xf32, #tpu.memory_space<vmem>>) offsets(%dma_start3A_15 : memref<128xi32, #tpu.memory_space<vmem>>) semaphore(%arg14 : memref<!tpu.dma_semaphore, #tpu.memory_space<semaphore_mem>>)
      %scan3A = arith.constant 0 : i32
      %scan3A_19 = arith.constant 0 : i32
      %scan3A_20 = arith.constant 160 : i32
      %scan3A_21 = arith.addi %scan3A_19, %scan3A_20 : i32
      %scan3A_22 = arith.constant 1 : i32
      scf.for %scan3A_35 = %scan3A_19 to %scan3A_21 step %scan3A_22  : i32 {
        %rem3A = arith.constant 2 : i32
        %rem3A_36 = arith.remsi %scan3A_35, %rem3A : i32
        %add3A_37 = arith.constant 1 : i32
        %add3A_38 = arith.addi %scan3A_35, %add3A_37 : i32
        %jit3A = arith.constant 16 : i32
        %div3A = arith.divsi %scan3A_35, %jit3A : i32
        %sign3A = arith.constant 0 : i32
        %sign3A_39 = arith.cmpi sgt, %scan3A_35, %sign3A : i32
        %sign3A_40 = arith.extui %sign3A_39 : i1 to i32
        %sign3A_41 = arith.constant 0 : i32
        %sign3A_42 = arith.cmpi slt, %scan3A_35, %sign3A_41 : i32
        %sign3A_43 = arith.extui %sign3A_42 : i1 to i32
        %sign3A_44 = arith.subi %sign3A_40, %sign3A_43 : i32
        %sign3A_45 = arith.constant 0 : i32
        %sign3A_46 = arith.cmpi sgt, %jit3A, %sign3A_45 : i32
        %sign3A_47 = arith.extui %sign3A_46 : i1 to i32
        %sign3A_48 = arith.constant 0 : i32
        %sign3A_49 = arith.cmpi slt, %jit3A, %sign3A_48 : i32
        %sign3A_50 = arith.extui %sign3A_49 : i1 to i32
        %sign3A_51 = arith.subi %sign3A_47, %sign3A_50 : i32
        %ne3A = arith.cmpi ne, %sign3A_44, %sign3A_51 : i32
        %rem3A_52 = arith.remsi %scan3A_35, %jit3A : i32
        %ne3A_53 = arith.constant 0 : i32
        %ne3A_54 = arith.cmpi ne, %rem3A_52, %ne3A_53 : i32
        %and3A = arith.andi %ne3A, %ne3A_54 : i1
        %sub3A = arith.constant 1 : i32
        %sub3A_55 = arith.subi %div3A, %sub3A : i32
        %select_n3A = arith.select %and3A, %sub3A_55, %div3A : i32
        %rem3A_56 = arith.constant 2 : i32
        %rem3A_57 = arith.remsi %select_n3A, %rem3A_56 : i32
        %jit3A_58 = arith.constant 16 : i32
        %div3A_59 = arith.divsi %add3A_38, %jit3A_58 : i32
        %sign3A_60 = arith.constant 0 : i32
        %sign3A_61 = arith.cmpi sgt, %add3A_38, %sign3A_60 : i32
        %sign3A_62 = arith.extui %sign3A_61 : i1 to i32
        %sign3A_63 = arith.constant 0 : i32
        %sign3A_64 = arith.cmpi slt, %add3A_38, %sign3A_63 : i32
        %sign3A_65 = arith.extui %sign3A_64 : i1 to i32
        %sign3A_66 = arith.subi %sign3A_62, %sign3A_65 : i32
        %sign3A_67 = arith.constant 0 : i32
        %sign3A_68 = arith.cmpi sgt, %jit3A_58, %sign3A_67 : i32
        %sign3A_69 = arith.extui %sign3A_68 : i1 to i32
        %sign3A_70 = arith.constant 0 : i32
        %sign3A_71 = arith.cmpi slt, %jit3A_58, %sign3A_70 : i32
        %sign3A_72 = arith.extui %sign3A_71 : i1 to i32
        %sign3A_73 = arith.subi %sign3A_69, %sign3A_72 : i32
        %ne3A_74 = arith.cmpi ne, %sign3A_66, %sign3A_73 : i32
        %rem3A_75 = arith.remsi %add3A_38, %jit3A_58 : i32
        %ne3A_76 = arith.constant 0 : i32
        %ne3A_77 = arith.cmpi ne, %rem3A_75, %ne3A_76 : i32
        %and3A_78 = arith.andi %ne3A_74, %ne3A_77 : i1
        %sub3A_79 = arith.constant 1 : i32
        %sub3A_80 = arith.subi %div3A_59, %sub3A_79 : i32
        %select_n3A_81 = arith.select %and3A_78, %sub3A_80, %div3A_59 : i32
        %rem3A_82 = arith.constant 2 : i32
        %rem3A_83 = arith.remsi %select_n3A_81, %rem3A_82 : i32
        %rem3A_84 = arith.constant 16 : i32
        %rem3A_85 = arith.remsi %add3A_38, %rem3A_84 : i32
        %lt3A = arith.constant 160 : i32
        %lt3A_86 = arith.cmpi slt, %add3A_38, %lt3A : i32
        %eq3A_87 = arith.constant 0 : i32
        %eq3A_88 = arith.cmpi eq, %rem3A_85, %eq3A_87 : i32
        %and3A_89 = arith.andi %lt3A_86, %eq3A_88 : i1
        %convert_element_type3A_90 = arith.extui %and3A_89 : i1 to i32
        %cond3A_91 = arith.constant 0 : i32
        %cond3A_92 = arith.cmpi ne, %convert_element_type3A_90, %cond3A_91 : i32
        scf.if %cond3A_92 {
          %eq3A_112 = arith.constant 0 : i32
          %eq3A_113 = arith.cmpi eq, %rem3A_83, %eq3A_112 : i32
          %convert_element_type3A_114 = arith.extui %eq3A_113 : i1 to i32
          %cond3A_115 = arith.constant 0 : i32
          %cond3A_116 = arith.cmpi ne, %convert_element_type3A_114, %cond3A_115 : i32
          scf.if %cond3A_116 {
            %jit3A_122 = arith.constant 16 : i32
            %div3A_123 = arith.divsi %add3A_38, %jit3A_122 : i32
            %sign3A_124 = arith.constant 0 : i32
            %sign3A_125 = arith.cmpi sgt, %add3A_38, %sign3A_124 : i32
            %sign3A_126 = arith.extui %sign3A_125 : i1 to i32
            %sign3A_127 = arith.constant 0 : i32
            %sign3A_128 = arith.cmpi slt, %add3A_38, %sign3A_127 : i32
            %sign3A_129 = arith.extui %sign3A_128 : i1 to i32
            %sign3A_130 = arith.subi %sign3A_126, %sign3A_129 : i32
            %sign3A_131 = arith.constant 0 : i32
            %sign3A_132 = arith.cmpi sgt, %jit3A_122, %sign3A_131 : i32
            %sign3A_133 = arith.extui %sign3A_132 : i1 to i32
            %sign3A_134 = arith.constant 0 : i32
            %sign3A_135 = arith.cmpi slt, %jit3A_122, %sign3A_134 : i32
            %sign3A_136 = arith.extui %sign3A_135 : i1 to i32
            %sign3A_137 = arith.subi %sign3A_133, %sign3A_136 : i32
            %ne3A_138 = arith.cmpi ne, %sign3A_130, %sign3A_137 : i32
            %rem3A_139 = arith.remsi %add3A_38, %jit3A_122 : i32
            %ne3A_140 = arith.constant 0 : i32
            %ne3A_141 = arith.cmpi ne, %rem3A_139, %ne3A_140 : i32
            %and3A_142 = arith.andi %ne3A_138, %ne3A_141 : i1
            %sub3A_143 = arith.constant 1 : i32
            %sub3A_144 = arith.subi %div3A_123, %sub3A_143 : i32
            %select_n3A_145 = arith.select %and3A_142, %sub3A_144, %div3A_123 : i32
            %mul3A_146 = arith.constant 16 : i32
            %mul3A_147 = arith.muli %select_n3A_145, %mul3A_146 : i32
            %add3A_148 = arith.addi %mul3A_0, %mul3A_147 : i32
            %multiple_of3A_149 = tpu.assume_multiple %add3A_148, 8 : i32
            "tpu.region"() ({
              %run_scoped3A = tpu.sem_alloc : memref<!tpu.dma_semaphore, #tpu.memory_space<semaphore_mem>>
              %dma_start3A_150 = arith.constant 0 : i32
              %dma_start3A_151 = tpu.memref_slice %arg4[%multiple_of3A_149, %dma_start3A_150] : memref<2560x128xi32, #tpu.memory_space<hbm>> -> memref<16x128xi32, #tpu.memory_space<hbm>>
              %dma_start3A_152 = arith.constant 0 : i32
              %dma_start3A_153 = tpu.memref_slice %arg4[%multiple_of3A_149, %dma_start3A_152] : memref<2560x128xi32, #tpu.memory_space<hbm>> -> memref<16x128xi32, #tpu.memory_space<hbm>>
              tpu.enqueue_dma source(%dma_start3A_153 : memref<16x128xi32, #tpu.memory_space<hbm>>) target(%arg8 : memref<16x128xi32, #tpu.memory_space<vmem>>) target_semaphore(%run_scoped3A : memref<!tpu.dma_semaphore, #tpu.memory_space<semaphore_mem>>)
              %dma_wait3A_154 = arith.constant 0 : i32
              %dma_wait3A_155 = tpu.memref_slice %arg4[%multiple_of3A_149, %dma_wait3A_154] : memref<2560x128xi32, #tpu.memory_space<hbm>> -> memref<16x128xi32, #tpu.memory_space<hbm>>
              %dma_wait3A_156 = arith.constant 0 : i32
              %dma_wait3A_157 = tpu.memref_slice %arg4[%multiple_of3A_149, %dma_wait3A_156] : memref<2560x128xi32, #tpu.memory_space<hbm>> -> memref<16x128xi32, #tpu.memory_space<hbm>>
              tpu.wait_dma2 semaphore(%run_scoped3A : memref<!tpu.dma_semaphore, #tpu.memory_space<semaphore_mem>>) src(%dma_wait3A_157 : memref<16x128xi32, #tpu.memory_space<hbm>>) dst(%arg8 : memref<16x128xi32, #tpu.memory_space<vmem>>)
              tpu.yield
            }) : () -> ()
            "tpu.region"() ({
              %run_scoped3A = tpu.sem_alloc : memref<!tpu.dma_semaphore, #tpu.memory_space<semaphore_mem>>
              %dma_start3A_150 = arith.constant 0 : i32
              %dma_start3A_151 = tpu.memref_slice %arg5[%multiple_of3A_149, %dma_start3A_150] : memref<2560x128xi32, #tpu.memory_space<hbm>> -> memref<16x128xi32, #tpu.memory_space<hbm>>
              %dma_start3A_152 = arith.constant 0 : i32
              %dma_start3A_153 = tpu.memref_slice %arg5[%multiple_of3A_149, %dma_start3A_152] : memref<2560x128xi32, #tpu.memory_space<hbm>> -> memref<16x128xi32, #tpu.memory_space<hbm>>
              tpu.enqueue_dma source(%dma_start3A_153 : memref<16x128xi32, #tpu.memory_space<hbm>>) target(%arg10 : memref<16x128xi32, #tpu.memory_space<vmem>>) target_semaphore(%run_scoped3A : memref<!tpu.dma_semaphore, #tpu.memory_space<semaphore_mem>>)
              %dma_wait3A_154 = arith.constant 0 : i32
              %dma_wait3A_155 = tpu.memref_slice %arg5[%multiple_of3A_149, %dma_wait3A_154] : memref<2560x128xi32, #tpu.memory_space<hbm>> -> memref<16x128xi32, #tpu.memory_space<hbm>>
              %dma_wait3A_156 = arith.constant 0 : i32
              %dma_wait3A_157 = tpu.memref_slice %arg5[%multiple_of3A_149, %dma_wait3A_156] : memref<2560x128xi32, #tpu.memory_space<hbm>> -> memref<16x128xi32, #tpu.memory_space<hbm>>
              tpu.wait_dma2 semaphore(%run_scoped3A : memref<!tpu.dma_semaphore, #tpu.memory_space<semaphore_mem>>) src(%dma_wait3A_157 : memref<16x128xi32, #tpu.memory_space<hbm>>) dst(%arg10 : memref<16x128xi32, #tpu.memory_space<vmem>>)
              tpu.yield
            }) : () -> ()
          } else {
          }
          %eq3A_117 = arith.constant 1 : i32
          %eq3A_118 = arith.cmpi eq, %rem3A_83, %eq3A_117 : i32
          %convert_element_type3A_119 = arith.extui %eq3A_118 : i1 to i32
          %cond3A_120 = arith.constant 0 : i32
          %cond3A_121 = arith.cmpi ne, %convert_element_type3A_119, %cond3A_120 : i32
          scf.if %cond3A_121 {
            %jit3A_122 = arith.constant 16 : i32
            %div3A_123 = arith.divsi %add3A_38, %jit3A_122 : i32
            %sign3A_124 = arith.constant 0 : i32
            %sign3A_125 = arith.cmpi sgt, %add3A_38, %sign3A_124 : i32
            %sign3A_126 = arith.extui %sign3A_125 : i1 to i32
            %sign3A_127 = arith.constant 0 : i32
            %sign3A_128 = arith.cmpi slt, %add3A_38, %sign3A_127 : i32
            %sign3A_129 = arith.extui %sign3A_128 : i1 to i32
            %sign3A_130 = arith.subi %sign3A_126, %sign3A_129 : i32
            %sign3A_131 = arith.constant 0 : i32
            %sign3A_132 = arith.cmpi sgt, %jit3A_122, %sign3A_131 : i32
            %sign3A_133 = arith.extui %sign3A_132 : i1 to i32
            %sign3A_134 = arith.constant 0 : i32
            %sign3A_135 = arith.cmpi slt, %jit3A_122, %sign3A_134 : i32
            %sign3A_136 = arith.extui %sign3A_135 : i1 to i32
            %sign3A_137 = arith.subi %sign3A_133, %sign3A_136 : i32
            %ne3A_138 = arith.cmpi ne, %sign3A_130, %sign3A_137 : i32
            %rem3A_139 = arith.remsi %add3A_38, %jit3A_122 : i32
            %ne3A_140 = arith.constant 0 : i32
            %ne3A_141 = arith.cmpi ne, %rem3A_139, %ne3A_140 : i32
            %and3A_142 = arith.andi %ne3A_138, %ne3A_141 : i1
            %sub3A_143 = arith.constant 1 : i32
            %sub3A_144 = arith.subi %div3A_123, %sub3A_143 : i32
            %select_n3A_145 = arith.select %and3A_142, %sub3A_144, %div3A_123 : i32
            %mul3A_146 = arith.constant 16 : i32
            %mul3A_147 = arith.muli %select_n3A_145, %mul3A_146 : i32
            %add3A_148 = arith.addi %mul3A_0, %mul3A_147 : i32
            %multiple_of3A_149 = tpu.assume_multiple %add3A_148, 8 : i32
            "tpu.region"() ({
              %run_scoped3A = tpu.sem_alloc : memref<!tpu.dma_semaphore, #tpu.memory_space<semaphore_mem>>
              %dma_start3A_150 = arith.constant 0 : i32
              %dma_start3A_151 = tpu.memref_slice %arg4[%multiple_of3A_149, %dma_start3A_150] : memref<2560x128xi32, #tpu.memory_space<hbm>> -> memref<16x128xi32, #tpu.memory_space<hbm>>
              %dma_start3A_152 = arith.constant 0 : i32
              %dma_start3A_153 = tpu.memref_slice %arg4[%multiple_of3A_149, %dma_start3A_152] : memref<2560x128xi32, #tpu.memory_space<hbm>> -> memref<16x128xi32, #tpu.memory_space<hbm>>
              tpu.enqueue_dma source(%dma_start3A_153 : memref<16x128xi32, #tpu.memory_space<hbm>>) target(%arg9 : memref<16x128xi32, #tpu.memory_space<vmem>>) target_semaphore(%run_scoped3A : memref<!tpu.dma_semaphore, #tpu.memory_space<semaphore_mem>>)
              %dma_wait3A_154 = arith.constant 0 : i32
              %dma_wait3A_155 = tpu.memref_slice %arg4[%multiple_of3A_149, %dma_wait3A_154] : memref<2560x128xi32, #tpu.memory_space<hbm>> -> memref<16x128xi32, #tpu.memory_space<hbm>>
              %dma_wait3A_156 = arith.constant 0 : i32
              %dma_wait3A_157 = tpu.memref_slice %arg4[%multiple_of3A_149, %dma_wait3A_156] : memref<2560x128xi32, #tpu.memory_space<hbm>> -> memref<16x128xi32, #tpu.memory_space<hbm>>
              tpu.wait_dma2 semaphore(%run_scoped3A : memref<!tpu.dma_semaphore, #tpu.memory_space<semaphore_mem>>) src(%dma_wait3A_157 : memref<16x128xi32, #tpu.memory_space<hbm>>) dst(%arg9 : memref<16x128xi32, #tpu.memory_space<vmem>>)
              tpu.yield
            }) : () -> ()
            "tpu.region"() ({
              %run_scoped3A = tpu.sem_alloc : memref<!tpu.dma_semaphore, #tpu.memory_space<semaphore_mem>>
              %dma_start3A_150 = arith.constant 0 : i32
              %dma_start3A_151 = tpu.memref_slice %arg5[%multiple_of3A_149, %dma_start3A_150] : memref<2560x128xi32, #tpu.memory_space<hbm>> -> memref<16x128xi32, #tpu.memory_space<hbm>>
              %dma_start3A_152 = arith.constant 0 : i32
              %dma_start3A_153 = tpu.memref_slice %arg5[%multiple_of3A_149, %dma_start3A_152] : memref<2560x128xi32, #tpu.memory_space<hbm>> -> memref<16x128xi32, #tpu.memory_space<hbm>>
              tpu.enqueue_dma source(%dma_start3A_153 : memref<16x128xi32, #tpu.memory_space<hbm>>) target(%arg11 : memref<16x128xi32, #tpu.memory_space<vmem>>) target_semaphore(%run_scoped3A : memref<!tpu.dma_semaphore, #tpu.memory_space<semaphore_mem>>)
              %dma_wait3A_154 = arith.constant 0 : i32
              %dma_wait3A_155 = tpu.memref_slice %arg5[%multiple_of3A_149, %dma_wait3A_154] : memref<2560x128xi32, #tpu.memory_space<hbm>> -> memref<16x128xi32, #tpu.memory_space<hbm>>
              %dma_wait3A_156 = arith.constant 0 : i32
              %dma_wait3A_157 = tpu.memref_slice %arg5[%multiple_of3A_149, %dma_wait3A_156] : memref<2560x128xi32, #tpu.memory_space<hbm>> -> memref<16x128xi32, #tpu.memory_space<hbm>>
              tpu.wait_dma2 semaphore(%run_scoped3A : memref<!tpu.dma_semaphore, #tpu.memory_space<semaphore_mem>>) src(%dma_wait3A_157 : memref<16x128xi32, #tpu.memory_space<hbm>>) dst(%arg11 : memref<16x128xi32, #tpu.memory_space<vmem>>)
              tpu.yield
            }) : () -> ()
          } else {
          }
        } else {
        }
        %ge3A = arith.constant 1 : i32
        %ge3A_93 = arith.cmpi sge, %scan3A_35, %ge3A : i32
        %convert_element_type3A_94 = arith.extui %ge3A_93 : i1 to i32
        %cond3A_95 = arith.constant 0 : i32
        %cond3A_96 = arith.cmpi ne, %convert_element_type3A_94, %cond3A_95 : i32
        scf.if %cond3A_96 {
          %eq3A_112 = arith.constant 0 : i32
          %eq3A_113 = arith.cmpi eq, %rem3A_36, %eq3A_112 : i32
          %convert_element_type3A_114 = arith.extui %eq3A_113 : i1 to i32
          %cond3A_115 = arith.constant 0 : i32
          %cond3A_116 = arith.cmpi ne, %convert_element_type3A_114, %cond3A_115 : i32
          scf.if %cond3A_116 {
            %dma_wait3A_122 = arith.constant 0 : i32
            %dma_wait3A_123 = arith.constant 0 : i32
            %dma_wait3A_124 = tpu.memref_slice %arg10[%dma_wait3A_122, %dma_wait3A_123] : memref<16x128xi32, #tpu.memory_space<vmem>> -> memref<1x128xi32, #tpu.memory_space<vmem>>
            %dma_wait3A_125 = tpu.memref_squeeze %dma_wait3A_124 : memref<1x128xi32, #tpu.memory_space<vmem>> -> memref<128xi32, #tpu.memory_space<vmem>>
            %dma_wait3A_126 = arith.constant 0 : i32
            %dma_wait3A_127 = arith.constant 0 : i32
            %dma_wait3A_128 = tpu.memref_slice %arg18[%dma_wait3A_126, %dma_wait3A_127] : memref<10240x128xf32, #tpu.memory_space<vmem_shared>> -> memref<10240x128xf32, #tpu.memory_space<vmem_shared>>
            tpu.wait_indirect_dma semaphore(%arg17 : memref<!tpu.dma_semaphore, #tpu.memory_space<semaphore_mem>>) src(%arg13 : memref<128x128xf32, #tpu.memory_space<vmem>>) dst(%dma_wait3A_128 : memref<10240x128xf32, #tpu.memory_space<vmem_shared>>)
          } else {
          }
          %eq3A_117 = arith.constant 1 : i32
          %eq3A_118 = arith.cmpi eq, %rem3A_36, %eq3A_117 : i32
          %convert_element_type3A_119 = arith.extui %eq3A_118 : i1 to i32
          %cond3A_120 = arith.constant 0 : i32
          %cond3A_121 = arith.cmpi ne, %convert_element_type3A_119, %cond3A_120 : i32
          scf.if %cond3A_121 {
            %dma_wait3A_122 = arith.constant 0 : i32
            %dma_wait3A_123 = arith.constant 0 : i32
            %dma_wait3A_124 = tpu.memref_slice %arg10[%dma_wait3A_122, %dma_wait3A_123] : memref<16x128xi32, #tpu.memory_space<vmem>> -> memref<1x128xi32, #tpu.memory_space<vmem>>
            %dma_wait3A_125 = tpu.memref_squeeze %dma_wait3A_124 : memref<1x128xi32, #tpu.memory_space<vmem>> -> memref<128xi32, #tpu.memory_space<vmem>>
            %dma_wait3A_126 = arith.constant 0 : i32
            %dma_wait3A_127 = arith.constant 0 : i32
            %dma_wait3A_128 = tpu.memref_slice %arg18[%dma_wait3A_126, %dma_wait3A_127] : memref<10240x128xf32, #tpu.memory_space<vmem_shared>> -> memref<10240x128xf32, #tpu.memory_space<vmem_shared>>
            tpu.wait_indirect_dma semaphore(%arg16 : memref<!tpu.dma_semaphore, #tpu.memory_space<semaphore_mem>>) src(%arg12 : memref<128x128xf32, #tpu.memory_space<vmem>>) dst(%dma_wait3A_128 : memref<10240x128xf32, #tpu.memory_space<vmem_shared>>)
          } else {
          }
        } else {
        }
        %lt3A_97 = arith.constant 160 : i32
        %lt3A_98 = arith.cmpi slt, %add3A_38, %lt3A_97 : i32
        %convert_element_type3A_99 = arith.extui %lt3A_98 : i1 to i32
        %cond3A_100 = arith.constant 0 : i32
        %cond3A_101 = arith.cmpi ne, %convert_element_type3A_99, %cond3A_100 : i32
        scf.if %cond3A_101 {
          %eq3A_112 = arith.constant 0 : i32
          %eq3A_113 = arith.cmpi eq, %rem3A_83, %eq3A_112 : i32
          %convert_element_type3A_114 = arith.extui %eq3A_113 : i1 to i32
          %cond3A_115 = arith.constant 0 : i32
          %cond3A_116 = arith.cmpi ne, %convert_element_type3A_114, %cond3A_115 : i32
          scf.if %cond3A_116 {
            %eq3A_122 = arith.constant 0 : i32
            %eq3A_123 = arith.cmpi eq, %rem3A_36, %eq3A_122 : i32
            %convert_element_type3A_124 = arith.extui %eq3A_123 : i1 to i32
            %cond3A_125 = arith.constant 0 : i32
            %cond3A_126 = arith.cmpi ne, %convert_element_type3A_124, %cond3A_125 : i32
            scf.if %cond3A_126 {
              %dma_start3A_132 = arith.constant 0 : i32
              %dma_start3A_133 = tpu.memref_slice %arg8[%rem3A_85, %dma_start3A_132] : memref<16x128xi32, #tpu.memory_space<vmem>> -> memref<1x128xi32, #tpu.memory_space<vmem>>
              %dma_start3A_134 = tpu.memref_squeeze %dma_start3A_133 : memref<1x128xi32, #tpu.memory_space<vmem>> -> memref<128xi32, #tpu.memory_space<vmem>>
              %dma_start3A_135 = arith.constant 0 : i32
              %dma_start3A_136 = arith.constant 0 : i32
              %dma_start3A_137 = tpu.memref_slice %arg3[%dma_start3A_135, %dma_start3A_136] : memref<10240x128xf32, #tpu.memory_space<hbm>> -> memref<10240x128xf32, #tpu.memory_space<hbm>>
              tpu.enqueue_indirect_dma source(%dma_start3A_137 : memref<10240x128xf32, #tpu.memory_space<hbm>>) target(%arg13 : memref<128x128xf32, #tpu.memory_space<vmem>>) offsets(%dma_start3A_134 : memref<128xi32, #tpu.memory_space<vmem>>) semaphore(%arg15 : memref<!tpu.dma_semaphore, #tpu.memory_space<semaphore_mem>>)
            } else {
            }
            %eq3A_127 = arith.constant 1 : i32
            %eq3A_128 = arith.cmpi eq, %rem3A_36, %eq3A_127 : i32
            %convert_element_type3A_129 = arith.extui %eq3A_128 : i1 to i32
            %cond3A_130 = arith.constant 0 : i32
            %cond3A_131 = arith.cmpi ne, %convert_element_type3A_129, %cond3A_130 : i32
            scf.if %cond3A_131 {
              %dma_start3A_132 = arith.constant 0 : i32
              %dma_start3A_133 = tpu.memref_slice %arg8[%rem3A_85, %dma_start3A_132] : memref<16x128xi32, #tpu.memory_space<vmem>> -> memref<1x128xi32, #tpu.memory_space<vmem>>
              %dma_start3A_134 = tpu.memref_squeeze %dma_start3A_133 : memref<1x128xi32, #tpu.memory_space<vmem>> -> memref<128xi32, #tpu.memory_space<vmem>>
              %dma_start3A_135 = arith.constant 0 : i32
              %dma_start3A_136 = arith.constant 0 : i32
              %dma_start3A_137 = tpu.memref_slice %arg3[%dma_start3A_135, %dma_start3A_136] : memref<10240x128xf32, #tpu.memory_space<hbm>> -> memref<10240x128xf32, #tpu.memory_space<hbm>>
              tpu.enqueue_indirect_dma source(%dma_start3A_137 : memref<10240x128xf32, #tpu.memory_space<hbm>>) target(%arg12 : memref<128x128xf32, #tpu.memory_space<vmem>>) offsets(%dma_start3A_134 : memref<128xi32, #tpu.memory_space<vmem>>) semaphore(%arg14 : memref<!tpu.dma_semaphore, #tpu.memory_space<semaphore_mem>>)
            } else {
            }
          } else {
          }
          %eq3A_117 = arith.constant 1 : i32
          %eq3A_118 = arith.cmpi eq, %rem3A_83, %eq3A_117 : i32
          %convert_element_type3A_119 = arith.extui %eq3A_118 : i1 to i32
          %cond3A_120 = arith.constant 0 : i32
          %cond3A_121 = arith.cmpi ne, %convert_element_type3A_119, %cond3A_120 : i32
          scf.if %cond3A_121 {
            %eq3A_122 = arith.constant 0 : i32
            %eq3A_123 = arith.cmpi eq, %rem3A_36, %eq3A_122 : i32
            %convert_element_type3A_124 = arith.extui %eq3A_123 : i1 to i32
            %cond3A_125 = arith.constant 0 : i32
            %cond3A_126 = arith.cmpi ne, %convert_element_type3A_124, %cond3A_125 : i32
            scf.if %cond3A_126 {
              %dma_start3A_132 = arith.constant 0 : i32
              %dma_start3A_133 = tpu.memref_slice %arg9[%rem3A_85, %dma_start3A_132] : memref<16x128xi32, #tpu.memory_space<vmem>> -> memref<1x128xi32, #tpu.memory_space<vmem>>
              %dma_start3A_134 = tpu.memref_squeeze %dma_start3A_133 : memref<1x128xi32, #tpu.memory_space<vmem>> -> memref<128xi32, #tpu.memory_space<vmem>>
              %dma_start3A_135 = arith.constant 0 : i32
              %dma_start3A_136 = arith.constant 0 : i32
              %dma_start3A_137 = tpu.memref_slice %arg3[%dma_start3A_135, %dma_start3A_136] : memref<10240x128xf32, #tpu.memory_space<hbm>> -> memref<10240x128xf32, #tpu.memory_space<hbm>>
              tpu.enqueue_indirect_dma source(%dma_start3A_137 : memref<10240x128xf32, #tpu.memory_space<hbm>>) target(%arg13 : memref<128x128xf32, #tpu.memory_space<vmem>>) offsets(%dma_start3A_134 : memref<128xi32, #tpu.memory_space<vmem>>) semaphore(%arg15 : memref<!tpu.dma_semaphore, #tpu.memory_space<semaphore_mem>>)
            } else {
            }
            %eq3A_127 = arith.constant 1 : i32
            %eq3A_128 = arith.cmpi eq, %rem3A_36, %eq3A_127 : i32
            %convert_element_type3A_129 = arith.extui %eq3A_128 : i1 to i32
            %cond3A_130 = arith.constant 0 : i32
            %cond3A_131 = arith.cmpi ne, %convert_element_type3A_129, %cond3A_130 : i32
            scf.if %cond3A_131 {
              %dma_start3A_132 = arith.constant 0 : i32
              %dma_start3A_133 = tpu.memref_slice %arg9[%rem3A_85, %dma_start3A_132] : memref<16x128xi32, #tpu.memory_space<vmem>> -> memref<1x128xi32, #tpu.memory_space<vmem>>
              %dma_start3A_134 = tpu.memref_squeeze %dma_start3A_133 : memref<1x128xi32, #tpu.memory_space<vmem>> -> memref<128xi32, #tpu.memory_space<vmem>>
              %dma_start3A_135 = arith.constant 0 : i32
              %dma_start3A_136 = arith.constant 0 : i32
              %dma_start3A_137 = tpu.memref_slice %arg3[%dma_start3A_135, %dma_start3A_136] : memref<10240x128xf32, #tpu.memory_space<hbm>> -> memref<10240x128xf32, #tpu.memory_space<hbm>>
              tpu.enqueue_indirect_dma source(%dma_start3A_137 : memref<10240x128xf32, #tpu.memory_space<hbm>>) target(%arg12 : memref<128x128xf32, #tpu.memory_space<vmem>>) offsets(%dma_start3A_134 : memref<128xi32, #tpu.memory_space<vmem>>) semaphore(%arg14 : memref<!tpu.dma_semaphore, #tpu.memory_space<semaphore_mem>>)
            } else {
            }
          } else {
          }
        } else {
        }
        %eq3A_102 = arith.constant 0 : i32
        %eq3A_103 = arith.cmpi eq, %rem3A_57, %eq3A_102 : i32
        %convert_element_type3A_104 = arith.extui %eq3A_103 : i1 to i32
        %cond3A_105 = arith.constant 0 : i32
        %cond3A_106 = arith.cmpi ne, %convert_element_type3A_104, %cond3A_105 : i32
        scf.if %cond3A_106 {
          %eq3A_112 = arith.constant 0 : i32
          %eq3A_113 = arith.cmpi eq, %rem3A_36, %eq3A_112 : i32
          %convert_element_type3A_114 = arith.extui %eq3A_113 : i1 to i32
          %cond3A_115 = arith.constant 0 : i32
          %cond3A_116 = arith.cmpi ne, %convert_element_type3A_114, %cond3A_115 : i32
          scf.if %cond3A_116 {
            %dma_wait3A_122 = arith.constant 0 : i32
            %dma_wait3A_123 = arith.constant 0 : i32
            %dma_wait3A_124 = tpu.memref_slice %arg8[%dma_wait3A_122, %dma_wait3A_123] : memref<16x128xi32, #tpu.memory_space<vmem>> -> memref<1x128xi32, #tpu.memory_space<vmem>>
            %dma_wait3A_125 = tpu.memref_squeeze %dma_wait3A_124 : memref<1x128xi32, #tpu.memory_space<vmem>> -> memref<128xi32, #tpu.memory_space<vmem>>
            %dma_wait3A_126 = arith.constant 0 : i32
            %dma_wait3A_127 = arith.constant 0 : i32
            %dma_wait3A_128 = tpu.memref_slice %arg3[%dma_wait3A_126, %dma_wait3A_127] : memref<10240x128xf32, #tpu.memory_space<hbm>> -> memref<10240x128xf32, #tpu.memory_space<hbm>>
            tpu.wait_indirect_dma semaphore(%arg14 : memref<!tpu.dma_semaphore, #tpu.memory_space<semaphore_mem>>) src(%dma_wait3A_128 : memref<10240x128xf32, #tpu.memory_space<hbm>>) dst(%arg12 : memref<128x128xf32, #tpu.memory_space<vmem>>)
            %rem3A_129 = arith.constant 16 : i32
            %rem3A_130 = arith.remsi %scan3A_35, %rem3A_129 : i32
            %dma_start3A_131 = arith.constant 0 : i32
            %dma_start3A_132 = tpu.memref_slice %arg10[%rem3A_130, %dma_start3A_131] : memref<16x128xi32, #tpu.memory_space<vmem>> -> memref<1x128xi32, #tpu.memory_space<vmem>>
            %dma_start3A_133 = tpu.memref_squeeze %dma_start3A_132 : memref<1x128xi32, #tpu.memory_space<vmem>> -> memref<128xi32, #tpu.memory_space<vmem>>
            %dma_start3A_134 = arith.constant 0 : i32
            %dma_start3A_135 = arith.constant 0 : i32
            %dma_start3A_136 = tpu.memref_slice %arg18[%dma_start3A_134, %dma_start3A_135] : memref<10240x128xf32, #tpu.memory_space<vmem_shared>> -> memref<10240x128xf32, #tpu.memory_space<vmem_shared>>
            tpu.enqueue_indirect_dma source(%arg12 : memref<128x128xf32, #tpu.memory_space<vmem>>) target(%dma_start3A_136 : memref<10240x128xf32, #tpu.memory_space<vmem_shared>>) offsets(%dma_start3A_133 : memref<128xi32, #tpu.memory_space<vmem>>) semaphore(%arg16 : memref<!tpu.dma_semaphore, #tpu.memory_space<semaphore_mem>>) {add = true}
          } else {
          }
          %eq3A_117 = arith.constant 1 : i32
          %eq3A_118 = arith.cmpi eq, %rem3A_36, %eq3A_117 : i32
          %convert_element_type3A_119 = arith.extui %eq3A_118 : i1 to i32
          %cond3A_120 = arith.constant 0 : i32
          %cond3A_121 = arith.cmpi ne, %convert_element_type3A_119, %cond3A_120 : i32
          scf.if %cond3A_121 {
            %dma_wait3A_122 = arith.constant 0 : i32
            %dma_wait3A_123 = arith.constant 0 : i32
            %dma_wait3A_124 = tpu.memref_slice %arg8[%dma_wait3A_122, %dma_wait3A_123] : memref<16x128xi32, #tpu.memory_space<vmem>> -> memref<1x128xi32, #tpu.memory_space<vmem>>
            %dma_wait3A_125 = tpu.memref_squeeze %dma_wait3A_124 : memref<1x128xi32, #tpu.memory_space<vmem>> -> memref<128xi32, #tpu.memory_space<vmem>>
            %dma_wait3A_126 = arith.constant 0 : i32
            %dma_wait3A_127 = arith.constant 0 : i32
            %dma_wait3A_128 = tpu.memref_slice %arg3[%dma_wait3A_126, %dma_wait3A_127] : memref<10240x128xf32, #tpu.memory_space<hbm>> -> memref<10240x128xf32, #tpu.memory_space<hbm>>
            tpu.wait_indirect_dma semaphore(%arg15 : memref<!tpu.dma_semaphore, #tpu.memory_space<semaphore_mem>>) src(%dma_wait3A_128 : memref<10240x128xf32, #tpu.memory_space<hbm>>) dst(%arg13 : memref<128x128xf32, #tpu.memory_space<vmem>>)
            %rem3A_129 = arith.constant 16 : i32
            %rem3A_130 = arith.remsi %scan3A_35, %rem3A_129 : i32
            %dma_start3A_131 = arith.constant 0 : i32
            %dma_start3A_132 = tpu.memref_slice %arg10[%rem3A_130, %dma_start3A_131] : memref<16x128xi32, #tpu.memory_space<vmem>> -> memref<1x128xi32, #tpu.memory_space<vmem>>
            %dma_start3A_133 = tpu.memref_squeeze %dma_start3A_132 : memref<1x128xi32, #tpu.memory_space<vmem>> -> memref<128xi32, #tpu.memory_space<vmem>>
            %dma_start3A_134 = arith.constant 0 : i32
            %dma_start3A_135 = arith.constant 0 : i32
            %dma_start3A_136 = tpu.memref_slice %arg18[%dma_start3A_134, %dma_start3A_135] : memref<10240x128xf32, #tpu.memory_space<vmem_shared>> -> memref<10240x128xf32, #tpu.memory_space<vmem_shared>>
            tpu.enqueue_indirect_dma source(%arg13 : memref<128x128xf32, #tpu.memory_space<vmem>>) target(%dma_start3A_136 : memref<10240x128xf32, #tpu.memory_space<vmem_shared>>) offsets(%dma_start3A_133 : memref<128xi32, #tpu.memory_space<vmem>>) semaphore(%arg17 : memref<!tpu.dma_semaphore, #tpu.memory_space<semaphore_mem>>) {add = true}
          } else {
          }
        } else {
        }
        %eq3A_107 = arith.constant 1 : i32
        %eq3A_108 = arith.cmpi eq, %rem3A_57, %eq3A_107 : i32
        %convert_element_type3A_109 = arith.extui %eq3A_108 : i1 to i32
        %cond3A_110 = arith.constant 0 : i32
        %cond3A_111 = arith.cmpi ne, %convert_element_type3A_109, %cond3A_110 : i32
        scf.if %cond3A_111 {
          %eq3A_112 = arith.constant 0 : i32
          %eq3A_113 = arith.cmpi eq, %rem3A_36, %eq3A_112 : i32
          %convert_element_type3A_114 = arith.extui %eq3A_113 : i1 to i32
          %cond3A_115 = arith.constant 0 : i32
          %cond3A_116 = arith.cmpi ne, %convert_element_type3A_114, %cond3A_115 : i32
          scf.if %cond3A_116 {
            %dma_wait3A_122 = arith.constant 0 : i32
            %dma_wait3A_123 = arith.constant 0 : i32
            %dma_wait3A_124 = tpu.memref_slice %arg9[%dma_wait3A_122, %dma_wait3A_123] : memref<16x128xi32, #tpu.memory_space<vmem>> -> memref<1x128xi32, #tpu.memory_space<vmem>>
            %dma_wait3A_125 = tpu.memref_squeeze %dma_wait3A_124 : memref<1x128xi32, #tpu.memory_space<vmem>> -> memref<128xi32, #tpu.memory_space<vmem>>
            %dma_wait3A_126 = arith.constant 0 : i32
            %dma_wait3A_127 = arith.constant 0 : i32
            %dma_wait3A_128 = tpu.memref_slice %arg3[%dma_wait3A_126, %dma_wait3A_127] : memref<10240x128xf32, #tpu.memory_space<hbm>> -> memref<10240x128xf32, #tpu.memory_space<hbm>>
            tpu.wait_indirect_dma semaphore(%arg14 : memref<!tpu.dma_semaphore, #tpu.memory_space<semaphore_mem>>) src(%dma_wait3A_128 : memref<10240x128xf32, #tpu.memory_space<hbm>>) dst(%arg12 : memref<128x128xf32, #tpu.memory_space<vmem>>)
            %rem3A_129 = arith.constant 16 : i32
            %rem3A_130 = arith.remsi %scan3A_35, %rem3A_129 : i32
            %dma_start3A_131 = arith.constant 0 : i32
            %dma_start3A_132 = tpu.memref_slice %arg11[%rem3A_130, %dma_start3A_131] : memref<16x128xi32, #tpu.memory_space<vmem>> -> memref<1x128xi32, #tpu.memory_space<vmem>>
            %dma_start3A_133 = tpu.memref_squeeze %dma_start3A_132 : memref<1x128xi32, #tpu.memory_space<vmem>> -> memref<128xi32, #tpu.memory_space<vmem>>
            %dma_start3A_134 = arith.constant 0 : i32
            %dma_start3A_135 = arith.constant 0 : i32
            %dma_start3A_136 = tpu.memref_slice %arg18[%dma_start3A_134, %dma_start3A_135] : memref<10240x128xf32, #tpu.memory_space<vmem_shared>> -> memref<10240x128xf32, #tpu.memory_space<vmem_shared>>
            tpu.enqueue_indirect_dma source(%arg12 : memref<128x128xf32, #tpu.memory_space<vmem>>) target(%dma_start3A_136 : memref<10240x128xf32, #tpu.memory_space<vmem_shared>>) offsets(%dma_start3A_133 : memref<128xi32, #tpu.memory_space<vmem>>) semaphore(%arg16 : memref<!tpu.dma_semaphore, #tpu.memory_space<semaphore_mem>>) {add = true}
          } else {
          }
          %eq3A_117 = arith.constant 1 : i32
          %eq3A_118 = arith.cmpi eq, %rem3A_36, %eq3A_117 : i32
          %convert_element_type3A_119 = arith.extui %eq3A_118 : i1 to i32
          %cond3A_120 = arith.constant 0 : i32
          %cond3A_121 = arith.cmpi ne, %convert_element_type3A_119, %cond3A_120 : i32
          scf.if %cond3A_121 {
            %dma_wait3A_122 = arith.constant 0 : i32
            %dma_wait3A_123 = arith.constant 0 : i32
            %dma_wait3A_124 = tpu.memref_slice %arg9[%dma_wait3A_122, %dma_wait3A_123] : memref<16x128xi32, #tpu.memory_space<vmem>> -> memref<1x128xi32, #tpu.memory_space<vmem>>
            %dma_wait3A_125 = tpu.memref_squeeze %dma_wait3A_124 : memref<1x128xi32, #tpu.memory_space<vmem>> -> memref<128xi32, #tpu.memory_space<vmem>>
            %dma_wait3A_126 = arith.constant 0 : i32
            %dma_wait3A_127 = arith.constant 0 : i32
            %dma_wait3A_128 = tpu.memref_slice %arg3[%dma_wait3A_126, %dma_wait3A_127] : memref<10240x128xf32, #tpu.memory_space<hbm>> -> memref<10240x128xf32, #tpu.memory_space<hbm>>
            tpu.wait_indirect_dma semaphore(%arg15 : memref<!tpu.dma_semaphore, #tpu.memory_space<semaphore_mem>>) src(%dma_wait3A_128 : memref<10240x128xf32, #tpu.memory_space<hbm>>) dst(%arg13 : memref<128x128xf32, #tpu.memory_space<vmem>>)
            %rem3A_129 = arith.constant 16 : i32
            %rem3A_130 = arith.remsi %scan3A_35, %rem3A_129 : i32
            %dma_start3A_131 = arith.constant 0 : i32
            %dma_start3A_132 = tpu.memref_slice %arg11[%rem3A_130, %dma_start3A_131] : memref<16x128xi32, #tpu.memory_space<vmem>> -> memref<1x128xi32, #tpu.memory_space<vmem>>
            %dma_start3A_133 = tpu.memref_squeeze %dma_start3A_132 : memref<1x128xi32, #tpu.memory_space<vmem>> -> memref<128xi32, #tpu.memory_space<vmem>>
            %dma_start3A_134 = arith.constant 0 : i32
            %dma_start3A_135 = arith.constant 0 : i32
            %dma_start3A_136 = tpu.memref_slice %arg18[%dma_start3A_134, %dma_start3A_135] : memref<10240x128xf32, #tpu.memory_space<vmem_shared>> -> memref<10240x128xf32, #tpu.memory_space<vmem_shared>>
            tpu.enqueue_indirect_dma source(%arg13 : memref<128x128xf32, #tpu.memory_space<vmem>>) target(%dma_start3A_136 : memref<10240x128xf32, #tpu.memory_space<vmem_shared>>) offsets(%dma_start3A_133 : memref<128xi32, #tpu.memory_space<vmem>>) semaphore(%arg17 : memref<!tpu.dma_semaphore, #tpu.memory_space<semaphore_mem>>) {add = true}
          } else {
          }
        } else {
        }
      }
      %scan3A_23 = arith.constant 160 : i32
      %dma_wait3A = arith.constant 0 : i32
      %dma_wait3A_24 = arith.constant 0 : i32
      %dma_wait3A_25 = tpu.memref_slice %arg10[%dma_wait3A, %dma_wait3A_24] : memref<16x128xi32, #tpu.memory_space<vmem>> -> memref<1x128xi32, #tpu.memory_space<vmem>>
      %dma_wait3A_26 = tpu.memref_squeeze %dma_wait3A_25 : memref<1x128xi32, #tpu.memory_space<vmem>> -> memref<128xi32, #tpu.memory_space<vmem>>
      %dma_wait3A_27 = arith.constant 0 : i32
      %dma_wait3A_28 = arith.constant 0 : i32
      %dma_wait3A_29 = tpu.memref_slice %arg18[%dma_wait3A_27, %dma_wait3A_28] : memref<10240x128xf32, #tpu.memory_space<vmem_shared>> -> memref<10240x128xf32, #tpu.memory_space<vmem_shared>>
      tpu.wait_indirect_dma semaphore(%arg17 : memref<!tpu.dma_semaphore, #tpu.memory_space<semaphore_mem>>) src(%arg13 : memref<128x128xf32, #tpu.memory_space<vmem>>) dst(%dma_wait3A_29 : memref<10240x128xf32, #tpu.memory_space<vmem_shared>>)
      %barrier3A_30 = arith.constant 0 : index
      tpu.barrier barrier_id(%barrier3A_30)
      %mul3A_31 = arith.constant 640 : i32
      %mul3A_32 = arith.muli %arg1, %mul3A_31 : i32
      %mul3A_33 = arith.constant 640 : i32
      %mul3A_34 = arith.muli %arg1, %mul3A_33 : i32
      "tpu.region"() ({
        %run_scoped3A = tpu.sem_alloc : memref<!tpu.dma_semaphore, #tpu.memory_space<semaphore_mem>>
        %dma_start3A_35 = arith.constant 0 : i32
        %dma_start3A_36 = tpu.memref_slice %arg7[%mul3A_34, %dma_start3A_35] : memref<10240x128xf32, #tpu.memory_space<hbm>> -> memref<640x128xf32, #tpu.memory_space<hbm>>
        %dma_start3A_37 = arith.constant 0 : i32
        %dma_start3A_38 = tpu.memref_slice %arg18[%mul3A_32, %dma_start3A_37] : memref<10240x128xf32, #tpu.memory_space<vmem_shared>> -> memref<640x128xf32, #tpu.memory_space<vmem_shared>>
        tpu.enqueue_dma source(%dma_start3A_38 : memref<640x128xf32, #tpu.memory_space<vmem_shared>>) target(%dma_start3A_36 : memref<640x128xf32, #tpu.memory_space<hbm>>) target_semaphore(%run_scoped3A : memref<!tpu.dma_semaphore, #tpu.memory_space<semaphore_mem>>)
        %dma_wait3A_39 = arith.constant 0 : i32
        %dma_wait3A_40 = tpu.memref_slice %arg7[%mul3A_34, %dma_wait3A_39] : memref<10240x128xf32, #tpu.memory_space<hbm>> -> memref<640x128xf32, #tpu.memory_space<hbm>>
        %dma_wait3A_41 = arith.constant 0 : i32
        %dma_wait3A_42 = tpu.memref_slice %arg18[%mul3A_32, %dma_wait3A_41] : memref<10240x128xf32, #tpu.memory_space<vmem_shared>> -> memref<640x128xf32, #tpu.memory_space<vmem_shared>>
        tpu.wait_dma2 semaphore(%run_scoped3A : memref<!tpu.dma_semaphore, #tpu.memory_space<semaphore_mem>>) src(%dma_wait3A_42 : memref<640x128xf32, #tpu.memory_space<vmem_shared>>) dst(%dma_wait3A_40 : memref<640x128xf32, #tpu.memory_space<hbm>>)
        tpu.yield
      }) : () -> ()
    } else {
    }
    return
  }
}

#map = affine_map<(d0, d1) -> (0, 0)>
module attributes {stable_mosaic.version = 14 : i64} {
  func.func @body(%arg0: i32, %arg1: i32, %arg2: memref<10240x128xf32, #tpu.memory_space<hbm>>, %arg3: memref<10240x128xf32, #tpu.memory_space<hbm>>, %arg4: memref<2560x128xi32, #tpu.memory_space<hbm>>, %arg5: memref<2560x128xi32, #tpu.memory_space<hbm>>, %arg6: memref<10240x128xf32, #tpu.memory_space<hbm>>, %arg7: memref<10240x128xf32, #tpu.memory_space<hbm>>, %arg8: memref<16x128xi32, #tpu.memory_space<vmem>>, %arg9: memref<16x128xi32, #tpu.memory_space<vmem>>, %arg10: memref<16x128xi32, #tpu.memory_space<vmem>>, %arg11: memref<16x128xi32, #tpu.memory_space<vmem>>, %arg12: memref<128x128xf32, #tpu.memory_space<vmem>>, %arg13: memref<128x128xf32, #tpu.memory_space<vmem>>, %arg14: memref<!tpu.dma_semaphore, #tpu.memory_space<semaphore_mem>>, %arg15: memref<!tpu.dma_semaphore, #tpu.memory_space<semaphore_mem>>, %arg16: memref<!tpu.dma_semaphore, #tpu.memory_space<semaphore_mem>>, %arg17: memref<!tpu.dma_semaphore, #tpu.memory_space<semaphore_mem>>, %arg18: memref<10240x128xf32, #tpu.memory_space<vmem_shared>>) attributes {dimension_semantics = [#tpu.dimension_semantics<core_parallel>, #tpu.dimension_semantics<subcore_parallel>], iteration_bounds = array<i64: 2, 16>, scalar_prefetch = 0 : i64, scratch_operands = 11 : i64, tpu.core_type = #tpu.core_type<sc_vector_subcore>, window_params = [{transform_indices = #map}, {transform_indices = #map}, {transform_indices = #map}, {transform_indices = #map}, {transform_indices = #map}, {transform_indices = #map}]} {
    %mul3A = arith.constant 160 : i32
    %mul3A_0 = arith.muli %arg1, %mul3A : i32
    %eq3A = arith.constant 0 : i32
    %eq3A_1 = arith.cmpi eq, %arg0, %eq3A : i32
    %convert_element_type3A = arith.extui %eq3A_1 : i1 to i32
    %cond3A = arith.constant 0 : i32
    %cond3A_2 = arith.cmpi ne, %convert_element_type3A, %cond3A : i32
    scf.if %cond3A_2 {
      %mul3A_8 = arith.constant 640 : i32
      %mul3A_9 = arith.muli %arg1, %mul3A_8 : i32
      %mul3A_10 = arith.constant 640 : i32
      %mul3A_11 = arith.muli %arg1, %mul3A_10 : i32
      "tpu.region"() ({
        %run_scoped3A = tpu.sem_alloc : memref<!tpu.dma_semaphore, #tpu.memory_space<semaphore_mem>>
        %dma_start3A_35 = arith.constant 0 : i32
        %dma_start3A_36 = tpu.memref_slice %arg18[%mul3A_11, %dma_start3A_35] : memref<10240x128xf32, #tpu.memory_space<vmem_shared>> -> memref<640x128xf32, #tpu.memory_space<vmem_shared>>
        %dma_start3A_37 = arith.constant 0 : i32
        %dma_start3A_38 = tpu.memref_slice %arg2[%mul3A_9, %dma_start3A_37] : memref<10240x128xf32, #tpu.memory_space<hbm>> -> memref<640x128xf32, #tpu.memory_space<hbm>>
        tpu.enqueue_dma source(%dma_start3A_38 : memref<640x128xf32, #tpu.memory_space<hbm>>) target(%dma_start3A_36 : memref<640x128xf32, #tpu.memory_space<vmem_shared>>) target_semaphore(%run_scoped3A : memref<!tpu.dma_semaphore, #tpu.memory_space<semaphore_mem>>)
        %dma_wait3A_39 = arith.constant 0 : i32
        %dma_wait3A_40 = tpu.memref_slice %arg18[%mul3A_11, %dma_wait3A_39] : memref<10240x128xf32, #tpu.memory_space<vmem_shared>> -> memref<640x128xf32, #tpu.memory_space<vmem_shared>>
        %dma_wait3A_41 = arith.constant 0 : i32
        %dma_wait3A_42 = tpu.memref_slice %arg2[%mul3A_9, %dma_wait3A_41] : memref<10240x128xf32, #tpu.memory_space<hbm>> -> memref<640x128xf32, #tpu.memory_space<hbm>>
        tpu.wait_dma2 semaphore(%run_scoped3A : memref<!tpu.dma_semaphore, #tpu.memory_space<semaphore_mem>>) src(%dma_wait3A_42 : memref<640x128xf32, #tpu.memory_space<hbm>>) dst(%dma_wait3A_40 : memref<640x128xf32, #tpu.memory_space<vmem_shared>>)
        tpu.yield
      }) : () -> ()
      %barrier3A = arith.constant 0 : index
      tpu.barrier barrier_id(%barrier3A)
      %add3A = arith.constant 0 : i32
      %add3A_12 = arith.addi %mul3A_0, %add3A : i32
      %multiple_of3A = tpu.assume_multiple %add3A_12, 8 : i32
      "tpu.region"() ({
        %run_scoped3A = tpu.sem_alloc : memref<!tpu.dma_semaphore, #tpu.memory_space<semaphore_mem>>
        %dma_start3A_35 = arith.constant 0 : i32
        %dma_start3A_36 = tpu.memref_slice %arg4[%multiple_of3A, %dma_start3A_35] : memref<2560x128xi32, #tpu.memory_space<hbm>> -> memref<16x128xi32, #tpu.memory_space<hbm>>
        %dma_start3A_37 = arith.constant 0 : i32
        %dma_start3A_38 = tpu.memref_slice %arg4[%multiple_of3A, %dma_start3A_37] : memref<2560x128xi32, #tpu.memory_space<hbm>> -> memref<16x128xi32, #tpu.memory_space<hbm>>
        tpu.enqueue_dma source(%dma_start3A_38 : memref<16x128xi32, #tpu.memory_space<hbm>>) target(%arg8 : memref<16x128xi32, #tpu.memory_space<vmem>>) target_semaphore(%run_scoped3A : memref<!tpu.dma_semaphore, #tpu.memory_space<semaphore_mem>>)
        %dma_wait3A_39 = arith.constant 0 : i32
        %dma_wait3A_40 = tpu.memref_slice %arg4[%multiple_of3A, %dma_wait3A_39] : memref<2560x128xi32, #tpu.memory_space<hbm>> -> memref<16x128xi32, #tpu.memory_space<hbm>>
        %dma_wait3A_41 = arith.constant 0 : i32
        %dma_wait3A_42 = tpu.memref_slice %arg4[%multiple_of3A, %dma_wait3A_41] : memref<2560x128xi32, #tpu.memory_space<hbm>> -> memref<16x128xi32, #tpu.memory_space<hbm>>
        tpu.wait_dma2 semaphore(%run_scoped3A : memref<!tpu.dma_semaphore, #tpu.memory_space<semaphore_mem>>) src(%dma_wait3A_42 : memref<16x128xi32, #tpu.memory_space<hbm>>) dst(%arg8 : memref<16x128xi32, #tpu.memory_space<vmem>>)
        tpu.yield
      }) : () -> ()
      "tpu.region"() ({
        %run_scoped3A = tpu.sem_alloc : memref<!tpu.dma_semaphore, #tpu.memory_space<semaphore_mem>>
        %dma_start3A_35 = arith.constant 0 : i32
        %dma_start3A_36 = tpu.memref_slice %arg5[%multiple_of3A, %dma_start3A_35] : memref<2560x128xi32, #tpu.memory_space<hbm>> -> memref<16x128xi32, #tpu.memory_space<hbm>>
        %dma_start3A_37 = arith.constant 0 : i32
        %dma_start3A_38 = tpu.memref_slice %arg5[%multiple_of3A, %dma_start3A_37] : memref<2560x128xi32, #tpu.memory_space<hbm>> -> memref<16x128xi32, #tpu.memory_space<hbm>>
        tpu.enqueue_dma source(%dma_start3A_38 : memref<16x128xi32, #tpu.memory_space<hbm>>) target(%arg10 : memref<16x128xi32, #tpu.memory_space<vmem>>) target_semaphore(%run_scoped3A : memref<!tpu.dma_semaphore, #tpu.memory_space<semaphore_mem>>)
        %dma_wait3A_39 = arith.constant 0 : i32
        %dma_wait3A_40 = tpu.memref_slice %arg5[%multiple_of3A, %dma_wait3A_39] : memref<2560x128xi32, #tpu.memory_space<hbm>> -> memref<16x128xi32, #tpu.memory_space<hbm>>
        %dma_wait3A_41 = arith.constant 0 : i32
        %dma_wait3A_42 = tpu.memref_slice %arg5[%multiple_of3A, %dma_wait3A_41] : memref<2560x128xi32, #tpu.memory_space<hbm>> -> memref<16x128xi32, #tpu.memory_space<hbm>>
        tpu.wait_dma2 semaphore(%run_scoped3A : memref<!tpu.dma_semaphore, #tpu.memory_space<semaphore_mem>>) src(%dma_wait3A_42 : memref<16x128xi32, #tpu.memory_space<hbm>>) dst(%arg10 : memref<16x128xi32, #tpu.memory_space<vmem>>)
        tpu.yield
      }) : () -> ()
      %dma_start3A = arith.constant 0 : i32
      %dma_start3A_13 = arith.constant 0 : i32
      %dma_start3A_14 = tpu.memref_slice %arg8[%dma_start3A, %dma_start3A_13] : memref<16x128xi32, #tpu.memory_space<vmem>> -> memref<1x128xi32, #tpu.memory_space<vmem>>
      %dma_start3A_15 = tpu.memref_squeeze %dma_start3A_14 : memref<1x128xi32, #tpu.memory_space<vmem>> -> memref<128xi32, #tpu.memory_space<vmem>>
      %dma_start3A_16 = arith.constant 0 : i32
      %dma_start3A_17 = arith.constant 0 : i32
      %dma_start3A_18 = tpu.memref_slice %arg2[%dma_start3A_16, %dma_start3A_17] : memref<10240x128xf32, #tpu.memory_space<hbm>> -> memref<10240x128xf32, #tpu.memory_space<hbm>>
      tpu.enqueue_indirect_dma source(%dma_start3A_18 : memref<10240x128xf32, #tpu.memory_space<hbm>>) target(%arg12 : memref<128x128xf32, #tpu.memory_space<vmem>>) offsets(%dma_start3A_15 : memref<128xi32, #tpu.memory_space<vmem>>) semaphore(%arg14 : memref<!tpu.dma_semaphore, #tpu.memory_space<semaphore_mem>>)
      %scan3A = arith.constant 0 : i32
      %scan3A_19 = arith.constant 0 : i32
      %scan3A_20 = arith.constant 160 : i32
      %scan3A_21 = arith.addi %scan3A_19, %scan3A_20 : i32
      %scan3A_22 = arith.constant 1 : i32
      scf.for %scan3A_35 = %scan3A_19 to %scan3A_21 step %scan3A_22  : i32 {
        %rem3A = arith.constant 2 : i32
        %rem3A_36 = arith.remsi %scan3A_35, %rem3A : i32
        %add3A_37 = arith.constant 1 : i32
        %add3A_38 = arith.addi %scan3A_35, %add3A_37 : i32
        %jit3A = arith.constant 16 : i32
        %div3A = arith.divsi %scan3A_35, %jit3A : i32
        %sign3A = arith.constant 0 : i32
        %sign3A_39 = arith.cmpi sgt, %scan3A_35, %sign3A : i32
        %sign3A_40 = arith.extui %sign3A_39 : i1 to i32
        %sign3A_41 = arith.constant 0 : i32
        %sign3A_42 = arith.cmpi slt, %scan3A_35, %sign3A_41 : i32
        %sign3A_43 = arith.extui %sign3A_42 : i1 to i32
        %sign3A_44 = arith.subi %sign3A_40, %sign3A_43 : i32
        %sign3A_45 = arith.constant 0 : i32
        %sign3A_46 = arith.cmpi sgt, %jit3A, %sign3A_45 : i32
        %sign3A_47 = arith.extui %sign3A_46 : i1 to i32
        %sign3A_48 = arith.constant 0 : i32
        %sign3A_49 = arith.cmpi slt, %jit3A, %sign3A_48 : i32
        %sign3A_50 = arith.extui %sign3A_49 : i1 to i32
        %sign3A_51 = arith.subi %sign3A_47, %sign3A_50 : i32
        %ne3A = arith.cmpi ne, %sign3A_44, %sign3A_51 : i32
        %rem3A_52 = arith.remsi %scan3A_35, %jit3A : i32
        %ne3A_53 = arith.constant 0 : i32
        %ne3A_54 = arith.cmpi ne, %rem3A_52, %ne3A_53 : i32
        %and3A = arith.andi %ne3A, %ne3A_54 : i1
        %sub3A = arith.constant 1 : i32
        %sub3A_55 = arith.subi %div3A, %sub3A : i32
        %select_n3A = arith.select %and3A, %sub3A_55, %div3A : i32
        %rem3A_56 = arith.constant 2 : i32
        %rem3A_57 = arith.remsi %select_n3A, %rem3A_56 : i32
        %jit3A_58 = arith.constant 16 : i32
        %div3A_59 = arith.divsi %add3A_38, %jit3A_58 : i32
        %sign3A_60 = arith.constant 0 : i32
        %sign3A_61 = arith.cmpi sgt, %add3A_38, %sign3A_60 : i32
        %sign3A_62 = arith.extui %sign3A_61 : i1 to i32
        %sign3A_63 = arith.constant 0 : i32
        %sign3A_64 = arith.cmpi slt, %add3A_38, %sign3A_63 : i32
        %sign3A_65 = arith.extui %sign3A_64 : i1 to i32
        %sign3A_66 = arith.subi %sign3A_62, %sign3A_65 : i32
        %sign3A_67 = arith.constant 0 : i32
        %sign3A_68 = arith.cmpi sgt, %jit3A_58, %sign3A_67 : i32
        %sign3A_69 = arith.extui %sign3A_68 : i1 to i32
        %sign3A_70 = arith.constant 0 : i32
        %sign3A_71 = arith.cmpi slt, %jit3A_58, %sign3A_70 : i32
        %sign3A_72 = arith.extui %sign3A_71 : i1 to i32
        %sign3A_73 = arith.subi %sign3A_69, %sign3A_72 : i32
        %ne3A_74 = arith.cmpi ne, %sign3A_66, %sign3A_73 : i32
        %rem3A_75 = arith.remsi %add3A_38, %jit3A_58 : i32
        %ne3A_76 = arith.constant 0 : i32
        %ne3A_77 = arith.cmpi ne, %rem3A_75, %ne3A_76 : i32
        %and3A_78 = arith.andi %ne3A_74, %ne3A_77 : i1
        %sub3A_79 = arith.constant 1 : i32
        %sub3A_80 = arith.subi %div3A_59, %sub3A_79 : i32
        %select_n3A_81 = arith.select %and3A_78, %sub3A_80, %div3A_59 : i32
        %rem3A_82 = arith.constant 2 : i32
        %rem3A_83 = arith.remsi %select_n3A_81, %rem3A_82 : i32
        %rem3A_84 = arith.constant 16 : i32
        %rem3A_85 = arith.remsi %add3A_38, %rem3A_84 : i32
        %lt3A = arith.constant 160 : i32
        %lt3A_86 = arith.cmpi slt, %add3A_38, %lt3A : i32
        %eq3A_87 = arith.constant 0 : i32
        %eq3A_88 = arith.cmpi eq, %rem3A_85, %eq3A_87 : i32
        %and3A_89 = arith.andi %lt3A_86, %eq3A_88 : i1
        %convert_element_type3A_90 = arith.extui %and3A_89 : i1 to i32
        %cond3A_91 = arith.constant 0 : i32
        %cond3A_92 = arith.cmpi ne, %convert_element_type3A_90, %cond3A_91 : i32
        scf.if %cond3A_92 {
          %eq3A_112 = arith.constant 0 : i32
          %eq3A_113 = arith.cmpi eq, %rem3A_83, %eq3A_112 : i32
          %convert_element_type3A_114 = arith.extui %eq3A_113 : i1 to i32
          %cond3A_115 = arith.constant 0 : i32
          %cond3A_116 = arith.cmpi ne, %convert_element_type3A_114, %cond3A_115 : i32
          scf.if %cond3A_116 {
            %jit3A_122 = arith.constant 16 : i32
            %div3A_123 = arith.divsi %add3A_38, %jit3A_122 : i32
            %sign3A_124 = arith.constant 0 : i32
            %sign3A_125 = arith.cmpi sgt, %add3A_38, %sign3A_124 : i32
            %sign3A_126 = arith.extui %sign3A_125 : i1 to i32
            %sign3A_127 = arith.constant 0 : i32
            %sign3A_128 = arith.cmpi slt, %add3A_38, %sign3A_127 : i32
            %sign3A_129 = arith.extui %sign3A_128 : i1 to i32
            %sign3A_130 = arith.subi %sign3A_126, %sign3A_129 : i32
            %sign3A_131 = arith.constant 0 : i32
            %sign3A_132 = arith.cmpi sgt, %jit3A_122, %sign3A_131 : i32
            %sign3A_133 = arith.extui %sign3A_132 : i1 to i32
            %sign3A_134 = arith.constant 0 : i32
            %sign3A_135 = arith.cmpi slt, %jit3A_122, %sign3A_134 : i32
            %sign3A_136 = arith.extui %sign3A_135 : i1 to i32
            %sign3A_137 = arith.subi %sign3A_133, %sign3A_136 : i32
            %ne3A_138 = arith.cmpi ne, %sign3A_130, %sign3A_137 : i32
            %rem3A_139 = arith.remsi %add3A_38, %jit3A_122 : i32
            %ne3A_140 = arith.constant 0 : i32
            %ne3A_141 = arith.cmpi ne, %rem3A_139, %ne3A_140 : i32
            %and3A_142 = arith.andi %ne3A_138, %ne3A_141 : i1
            %sub3A_143 = arith.constant 1 : i32
            %sub3A_144 = arith.subi %div3A_123, %sub3A_143 : i32
            %select_n3A_145 = arith.select %and3A_142, %sub3A_144, %div3A_123 : i32
            %mul3A_146 = arith.constant 16 : i32
            %mul3A_147 = arith.muli %select_n3A_145, %mul3A_146 : i32
            %add3A_148 = arith.addi %mul3A_0, %mul3A_147 : i32
            %multiple_of3A_149 = tpu.assume_multiple %add3A_148, 8 : i32
            "tpu.region"() ({
              %run_scoped3A = tpu.sem_alloc : memref<!tpu.dma_semaphore, #tpu.memory_space<semaphore_mem>>
              %dma_start3A_150 = arith.constant 0 : i32
              %dma_start3A_151 = tpu.memref_slice %arg4[%multiple_of3A_149, %dma_start3A_150] : memref<2560x128xi32, #tpu.memory_space<hbm>> -> memref<16x128xi32, #tpu.memory_space<hbm>>
              %dma_start3A_152 = arith.constant 0 : i32
              %dma_start3A_153 = tpu.memref_slice %arg4[%multiple_of3A_149, %dma_start3A_152] : memref<2560x128xi32, #tpu.memory_space<hbm>> -> memref<16x128xi32, #tpu.memory_space<hbm>>
              tpu.enqueue_dma source(%dma_start3A_153 : memref<16x128xi32, #tpu.memory_space<hbm>>) target(%arg8 : memref<16x128xi32, #tpu.memory_space<vmem>>) target_semaphore(%run_scoped3A : memref<!tpu.dma_semaphore, #tpu.memory_space<semaphore_mem>>)
              %dma_wait3A_154 = arith.constant 0 : i32
              %dma_wait3A_155 = tpu.memref_slice %arg4[%multiple_of3A_149, %dma_wait3A_154] : memref<2560x128xi32, #tpu.memory_space<hbm>> -> memref<16x128xi32, #tpu.memory_space<hbm>>
              %dma_wait3A_156 = arith.constant 0 : i32
              %dma_wait3A_157 = tpu.memref_slice %arg4[%multiple_of3A_149, %dma_wait3A_156] : memref<2560x128xi32, #tpu.memory_space<hbm>> -> memref<16x128xi32, #tpu.memory_space<hbm>>
              tpu.wait_dma2 semaphore(%run_scoped3A : memref<!tpu.dma_semaphore, #tpu.memory_space<semaphore_mem>>) src(%dma_wait3A_157 : memref<16x128xi32, #tpu.memory_space<hbm>>) dst(%arg8 : memref<16x128xi32, #tpu.memory_space<vmem>>)
              tpu.yield
            }) : () -> ()
            "tpu.region"() ({
              %run_scoped3A = tpu.sem_alloc : memref<!tpu.dma_semaphore, #tpu.memory_space<semaphore_mem>>
              %dma_start3A_150 = arith.constant 0 : i32
              %dma_start3A_151 = tpu.memref_slice %arg5[%multiple_of3A_149, %dma_start3A_150] : memref<2560x128xi32, #tpu.memory_space<hbm>> -> memref<16x128xi32, #tpu.memory_space<hbm>>
              %dma_start3A_152 = arith.constant 0 : i32
              %dma_start3A_153 = tpu.memref_slice %arg5[%multiple_of3A_149, %dma_start3A_152] : memref<2560x128xi32, #tpu.memory_space<hbm>> -> memref<16x128xi32, #tpu.memory_space<hbm>>
              tpu.enqueue_dma source(%dma_start3A_153 : memref<16x128xi32, #tpu.memory_space<hbm>>) target(%arg10 : memref<16x128xi32, #tpu.memory_space<vmem>>) target_semaphore(%run_scoped3A : memref<!tpu.dma_semaphore, #tpu.memory_space<semaphore_mem>>)
              %dma_wait3A_154 = arith.constant 0 : i32
              %dma_wait3A_155 = tpu.memref_slice %arg5[%multiple_of3A_149, %dma_wait3A_154] : memref<2560x128xi32, #tpu.memory_space<hbm>> -> memref<16x128xi32, #tpu.memory_space<hbm>>
              %dma_wait3A_156 = arith.constant 0 : i32
              %dma_wait3A_157 = tpu.memref_slice %arg5[%multiple_of3A_149, %dma_wait3A_156] : memref<2560x128xi32, #tpu.memory_space<hbm>> -> memref<16x128xi32, #tpu.memory_space<hbm>>
              tpu.wait_dma2 semaphore(%run_scoped3A : memref<!tpu.dma_semaphore, #tpu.memory_space<semaphore_mem>>) src(%dma_wait3A_157 : memref<16x128xi32, #tpu.memory_space<hbm>>) dst(%arg10 : memref<16x128xi32, #tpu.memory_space<vmem>>)
              tpu.yield
            }) : () -> ()
          } else {
          }
          %eq3A_117 = arith.constant 1 : i32
          %eq3A_118 = arith.cmpi eq, %rem3A_83, %eq3A_117 : i32
          %convert_element_type3A_119 = arith.extui %eq3A_118 : i1 to i32
          %cond3A_120 = arith.constant 0 : i32
          %cond3A_121 = arith.cmpi ne, %convert_element_type3A_119, %cond3A_120 : i32
          scf.if %cond3A_121 {
            %jit3A_122 = arith.constant 16 : i32
            %div3A_123 = arith.divsi %add3A_38, %jit3A_122 : i32
            %sign3A_124 = arith.constant 0 : i32
            %sign3A_125 = arith.cmpi sgt, %add3A_38, %sign3A_124 : i32
            %sign3A_126 = arith.extui %sign3A_125 : i1 to i32
            %sign3A_127 = arith.constant 0 : i32
            %sign3A_128 = arith.cmpi slt, %add3A_38, %sign3A_127 : i32
            %sign3A_129 = arith.extui %sign3A_128 : i1 to i32
            %sign3A_130 = arith.subi %sign3A_126, %sign3A_129 : i32
            %sign3A_131 = arith.constant 0 : i32
            %sign3A_132 = arith.cmpi sgt, %jit3A_122, %sign3A_131 : i32
            %sign3A_133 = arith.extui %sign3A_132 : i1 to i32
            %sign3A_134 = arith.constant 0 : i32
            %sign3A_135 = arith.cmpi slt, %jit3A_122, %sign3A_134 : i32
            %sign3A_136 = arith.extui %sign3A_135 : i1 to i32
            %sign3A_137 = arith.subi %sign3A_133, %sign3A_136 : i32
            %ne3A_138 = arith.cmpi ne, %sign3A_130, %sign3A_137 : i32
            %rem3A_139 = arith.remsi %add3A_38, %jit3A_122 : i32
            %ne3A_140 = arith.constant 0 : i32
            %ne3A_141 = arith.cmpi ne, %rem3A_139, %ne3A_140 : i32
            %and3A_142 = arith.andi %ne3A_138, %ne3A_141 : i1
            %sub3A_143 = arith.constant 1 : i32
            %sub3A_144 = arith.subi %div3A_123, %sub3A_143 : i32
            %select_n3A_145 = arith.select %and3A_142, %sub3A_144, %div3A_123 : i32
            %mul3A_146 = arith.constant 16 : i32
            %mul3A_147 = arith.muli %select_n3A_145, %mul3A_146 : i32
            %add3A_148 = arith.addi %mul3A_0, %mul3A_147 : i32
            %multiple_of3A_149 = tpu.assume_multiple %add3A_148, 8 : i32
            "tpu.region"() ({
              %run_scoped3A = tpu.sem_alloc : memref<!tpu.dma_semaphore, #tpu.memory_space<semaphore_mem>>
              %dma_start3A_150 = arith.constant 0 : i32
              %dma_start3A_151 = tpu.memref_slice %arg4[%multiple_of3A_149, %dma_start3A_150] : memref<2560x128xi32, #tpu.memory_space<hbm>> -> memref<16x128xi32, #tpu.memory_space<hbm>>
              %dma_start3A_152 = arith.constant 0 : i32
              %dma_start3A_153 = tpu.memref_slice %arg4[%multiple_of3A_149, %dma_start3A_152] : memref<2560x128xi32, #tpu.memory_space<hbm>> -> memref<16x128xi32, #tpu.memory_space<hbm>>
              tpu.enqueue_dma source(%dma_start3A_153 : memref<16x128xi32, #tpu.memory_space<hbm>>) target(%arg9 : memref<16x128xi32, #tpu.memory_space<vmem>>) target_semaphore(%run_scoped3A : memref<!tpu.dma_semaphore, #tpu.memory_space<semaphore_mem>>)
              %dma_wait3A_154 = arith.constant 0 : i32
              %dma_wait3A_155 = tpu.memref_slice %arg4[%multiple_of3A_149, %dma_wait3A_154] : memref<2560x128xi32, #tpu.memory_space<hbm>> -> memref<16x128xi32, #tpu.memory_space<hbm>>
              %dma_wait3A_156 = arith.constant 0 : i32
              %dma_wait3A_157 = tpu.memref_slice %arg4[%multiple_of3A_149, %dma_wait3A_156] : memref<2560x128xi32, #tpu.memory_space<hbm>> -> memref<16x128xi32, #tpu.memory_space<hbm>>
              tpu.wait_dma2 semaphore(%run_scoped3A : memref<!tpu.dma_semaphore, #tpu.memory_space<semaphore_mem>>) src(%dma_wait3A_157 : memref<16x128xi32, #tpu.memory_space<hbm>>) dst(%arg9 : memref<16x128xi32, #tpu.memory_space<vmem>>)
              tpu.yield
            }) : () -> ()
            "tpu.region"() ({
              %run_scoped3A = tpu.sem_alloc : memref<!tpu.dma_semaphore, #tpu.memory_space<semaphore_mem>>
              %dma_start3A_150 = arith.constant 0 : i32
              %dma_start3A_151 = tpu.memref_slice %arg5[%multiple_of3A_149, %dma_start3A_150] : memref<2560x128xi32, #tpu.memory_space<hbm>> -> memref<16x128xi32, #tpu.memory_space<hbm>>
              %dma_start3A_152 = arith.constant 0 : i32
              %dma_start3A_153 = tpu.memref_slice %arg5[%multiple_of3A_149, %dma_start3A_152] : memref<2560x128xi32, #tpu.memory_space<hbm>> -> memref<16x128xi32, #tpu.memory_space<hbm>>
              tpu.enqueue_dma source(%dma_start3A_153 : memref<16x128xi32, #tpu.memory_space<hbm>>) target(%arg11 : memref<16x128xi32, #tpu.memory_space<vmem>>) target_semaphore(%run_scoped3A : memref<!tpu.dma_semaphore, #tpu.memory_space<semaphore_mem>>)
              %dma_wait3A_154 = arith.constant 0 : i32
              %dma_wait3A_155 = tpu.memref_slice %arg5[%multiple_of3A_149, %dma_wait3A_154] : memref<2560x128xi32, #tpu.memory_space<hbm>> -> memref<16x128xi32, #tpu.memory_space<hbm>>
              %dma_wait3A_156 = arith.constant 0 : i32
              %dma_wait3A_157 = tpu.memref_slice %arg5[%multiple_of3A_149, %dma_wait3A_156] : memref<2560x128xi32, #tpu.memory_space<hbm>> -> memref<16x128xi32, #tpu.memory_space<hbm>>
              tpu.wait_dma2 semaphore(%run_scoped3A : memref<!tpu.dma_semaphore, #tpu.memory_space<semaphore_mem>>) src(%dma_wait3A_157 : memref<16x128xi32, #tpu.memory_space<hbm>>) dst(%arg11 : memref<16x128xi32, #tpu.memory_space<vmem>>)
              tpu.yield
            }) : () -> ()
          } else {
          }
        } else {
        }
        %ge3A = arith.constant 1 : i32
        %ge3A_93 = arith.cmpi sge, %scan3A_35, %ge3A : i32
        %convert_element_type3A_94 = arith.extui %ge3A_93 : i1 to i32
        %cond3A_95 = arith.constant 0 : i32
        %cond3A_96 = arith.cmpi ne, %convert_element_type3A_94, %cond3A_95 : i32
        scf.if %cond3A_96 {
          %eq3A_112 = arith.constant 0 : i32
          %eq3A_113 = arith.cmpi eq, %rem3A_36, %eq3A_112 : i32
          %convert_element_type3A_114 = arith.extui %eq3A_113 : i1 to i32
          %cond3A_115 = arith.constant 0 : i32
          %cond3A_116 = arith.cmpi ne, %convert_element_type3A_114, %cond3A_115 : i32
          scf.if %cond3A_116 {
            %dma_wait3A_122 = arith.constant 0 : i32
            %dma_wait3A_123 = arith.constant 0 : i32
            %dma_wait3A_124 = tpu.memref_slice %arg10[%dma_wait3A_122, %dma_wait3A_123] : memref<16x128xi32, #tpu.memory_space<vmem>> -> memref<1x128xi32, #tpu.memory_space<vmem>>
            %dma_wait3A_125 = tpu.memref_squeeze %dma_wait3A_124 : memref<1x128xi32, #tpu.memory_space<vmem>> -> memref<128xi32, #tpu.memory_space<vmem>>
            %dma_wait3A_126 = arith.constant 0 : i32
            %dma_wait3A_127 = arith.constant 0 : i32
            %dma_wait3A_128 = tpu.memref_slice %arg18[%dma_wait3A_126, %dma_wait3A_127] : memref<10240x128xf32, #tpu.memory_space<vmem_shared>> -> memref<10240x128xf32, #tpu.memory_space<vmem_shared>>
            tpu.wait_indirect_dma semaphore(%arg17 : memref<!tpu.dma_semaphore, #tpu.memory_space<semaphore_mem>>) src(%arg13 : memref<128x128xf32, #tpu.memory_space<vmem>>) dst(%dma_wait3A_128 : memref<10240x128xf32, #tpu.memory_space<vmem_shared>>)
          } else {
          }
          %eq3A_117 = arith.constant 1 : i32
          %eq3A_118 = arith.cmpi eq, %rem3A_36, %eq3A_117 : i32
          %convert_element_type3A_119 = arith.extui %eq3A_118 : i1 to i32
          %cond3A_120 = arith.constant 0 : i32
          %cond3A_121 = arith.cmpi ne, %convert_element_type3A_119, %cond3A_120 : i32
          scf.if %cond3A_121 {
            %dma_wait3A_122 = arith.constant 0 : i32
            %dma_wait3A_123 = arith.constant 0 : i32
            %dma_wait3A_124 = tpu.memref_slice %arg10[%dma_wait3A_122, %dma_wait3A_123] : memref<16x128xi32, #tpu.memory_space<vmem>> -> memref<1x128xi32, #tpu.memory_space<vmem>>
            %dma_wait3A_125 = tpu.memref_squeeze %dma_wait3A_124 : memref<1x128xi32, #tpu.memory_space<vmem>> -> memref<128xi32, #tpu.memory_space<vmem>>
            %dma_wait3A_126 = arith.constant 0 : i32
            %dma_wait3A_127 = arith.constant 0 : i32
            %dma_wait3A_128 = tpu.memref_slice %arg18[%dma_wait3A_126, %dma_wait3A_127] : memref<10240x128xf32, #tpu.memory_space<vmem_shared>> -> memref<10240x128xf32, #tpu.memory_space<vmem_shared>>
            tpu.wait_indirect_dma semaphore(%arg16 : memref<!tpu.dma_semaphore, #tpu.memory_space<semaphore_mem>>) src(%arg12 : memref<128x128xf32, #tpu.memory_space<vmem>>) dst(%dma_wait3A_128 : memref<10240x128xf32, #tpu.memory_space<vmem_shared>>)
          } else {
          }
        } else {
        }
        %lt3A_97 = arith.constant 160 : i32
        %lt3A_98 = arith.cmpi slt, %add3A_38, %lt3A_97 : i32
        %convert_element_type3A_99 = arith.extui %lt3A_98 : i1 to i32
        %cond3A_100 = arith.constant 0 : i32
        %cond3A_101 = arith.cmpi ne, %convert_element_type3A_99, %cond3A_100 : i32
        scf.if %cond3A_101 {
          %eq3A_112 = arith.constant 0 : i32
          %eq3A_113 = arith.cmpi eq, %rem3A_83, %eq3A_112 : i32
          %convert_element_type3A_114 = arith.extui %eq3A_113 : i1 to i32
          %cond3A_115 = arith.constant 0 : i32
          %cond3A_116 = arith.cmpi ne, %convert_element_type3A_114, %cond3A_115 : i32
          scf.if %cond3A_116 {
            %eq3A_122 = arith.constant 0 : i32
            %eq3A_123 = arith.cmpi eq, %rem3A_36, %eq3A_122 : i32
            %convert_element_type3A_124 = arith.extui %eq3A_123 : i1 to i32
            %cond3A_125 = arith.constant 0 : i32
            %cond3A_126 = arith.cmpi ne, %convert_element_type3A_124, %cond3A_125 : i32
            scf.if %cond3A_126 {
              %dma_start3A_132 = arith.constant 0 : i32
              %dma_start3A_133 = tpu.memref_slice %arg8[%rem3A_85, %dma_start3A_132] : memref<16x128xi32, #tpu.memory_space<vmem>> -> memref<1x128xi32, #tpu.memory_space<vmem>>
              %dma_start3A_134 = tpu.memref_squeeze %dma_start3A_133 : memref<1x128xi32, #tpu.memory_space<vmem>> -> memref<128xi32, #tpu.memory_space<vmem>>
              %dma_start3A_135 = arith.constant 0 : i32
              %dma_start3A_136 = arith.constant 0 : i32
              %dma_start3A_137 = tpu.memref_slice %arg2[%dma_start3A_135, %dma_start3A_136] : memref<10240x128xf32, #tpu.memory_space<hbm>> -> memref<10240x128xf32, #tpu.memory_space<hbm>>
              tpu.enqueue_indirect_dma source(%dma_start3A_137 : memref<10240x128xf32, #tpu.memory_space<hbm>>) target(%arg13 : memref<128x128xf32, #tpu.memory_space<vmem>>) offsets(%dma_start3A_134 : memref<128xi32, #tpu.memory_space<vmem>>) semaphore(%arg15 : memref<!tpu.dma_semaphore, #tpu.memory_space<semaphore_mem>>)
            } else {
            }
            %eq3A_127 = arith.constant 1 : i32
            %eq3A_128 = arith.cmpi eq, %rem3A_36, %eq3A_127 : i32
            %convert_element_type3A_129 = arith.extui %eq3A_128 : i1 to i32
            %cond3A_130 = arith.constant 0 : i32
            %cond3A_131 = arith.cmpi ne, %convert_element_type3A_129, %cond3A_130 : i32
            scf.if %cond3A_131 {
              %dma_start3A_132 = arith.constant 0 : i32
              %dma_start3A_133 = tpu.memref_slice %arg8[%rem3A_85, %dma_start3A_132] : memref<16x128xi32, #tpu.memory_space<vmem>> -> memref<1x128xi32, #tpu.memory_space<vmem>>
              %dma_start3A_134 = tpu.memref_squeeze %dma_start3A_133 : memref<1x128xi32, #tpu.memory_space<vmem>> -> memref<128xi32, #tpu.memory_space<vmem>>
              %dma_start3A_135 = arith.constant 0 : i32
              %dma_start3A_136 = arith.constant 0 : i32
              %dma_start3A_137 = tpu.memref_slice %arg2[%dma_start3A_135, %dma_start3A_136] : memref<10240x128xf32, #tpu.memory_space<hbm>> -> memref<10240x128xf32, #tpu.memory_space<hbm>>
              tpu.enqueue_indirect_dma source(%dma_start3A_137 : memref<10240x128xf32, #tpu.memory_space<hbm>>) target(%arg12 : memref<128x128xf32, #tpu.memory_space<vmem>>) offsets(%dma_start3A_134 : memref<128xi32, #tpu.memory_space<vmem>>) semaphore(%arg14 : memref<!tpu.dma_semaphore, #tpu.memory_space<semaphore_mem>>)
            } else {
            }
          } else {
          }
          %eq3A_117 = arith.constant 1 : i32
          %eq3A_118 = arith.cmpi eq, %rem3A_83, %eq3A_117 : i32
          %convert_element_type3A_119 = arith.extui %eq3A_118 : i1 to i32
          %cond3A_120 = arith.constant 0 : i32
          %cond3A_121 = arith.cmpi ne, %convert_element_type3A_119, %cond3A_120 : i32
          scf.if %cond3A_121 {
            %eq3A_122 = arith.constant 0 : i32
            %eq3A_123 = arith.cmpi eq, %rem3A_36, %eq3A_122 : i32
            %convert_element_type3A_124 = arith.extui %eq3A_123 : i1 to i32
            %cond3A_125 = arith.constant 0 : i32
            %cond3A_126 = arith.cmpi ne, %convert_element_type3A_124, %cond3A_125 : i32
            scf.if %cond3A_126 {
              %dma_start3A_132 = arith.constant 0 : i32
              %dma_start3A_133 = tpu.memref_slice %arg9[%rem3A_85, %dma_start3A_132] : memref<16x128xi32, #tpu.memory_space<vmem>> -> memref<1x128xi32, #tpu.memory_space<vmem>>
              %dma_start3A_134 = tpu.memref_squeeze %dma_start3A_133 : memref<1x128xi32, #tpu.memory_space<vmem>> -> memref<128xi32, #tpu.memory_space<vmem>>
              %dma_start3A_135 = arith.constant 0 : i32
              %dma_start3A_136 = arith.constant 0 : i32
              %dma_start3A_137 = tpu.memref_slice %arg2[%dma_start3A_135, %dma_start3A_136] : memref<10240x128xf32, #tpu.memory_space<hbm>> -> memref<10240x128xf32, #tpu.memory_space<hbm>>
              tpu.enqueue_indirect_dma source(%dma_start3A_137 : memref<10240x128xf32, #tpu.memory_space<hbm>>) target(%arg13 : memref<128x128xf32, #tpu.memory_space<vmem>>) offsets(%dma_start3A_134 : memref<128xi32, #tpu.memory_space<vmem>>) semaphore(%arg15 : memref<!tpu.dma_semaphore, #tpu.memory_space<semaphore_mem>>)
            } else {
            }
            %eq3A_127 = arith.constant 1 : i32
            %eq3A_128 = arith.cmpi eq, %rem3A_36, %eq3A_127 : i32
            %convert_element_type3A_129 = arith.extui %eq3A_128 : i1 to i32
            %cond3A_130 = arith.constant 0 : i32
            %cond3A_131 = arith.cmpi ne, %convert_element_type3A_129, %cond3A_130 : i32
            scf.if %cond3A_131 {
              %dma_start3A_132 = arith.constant 0 : i32
              %dma_start3A_133 = tpu.memref_slice %arg9[%rem3A_85, %dma_start3A_132] : memref<16x128xi32, #tpu.memory_space<vmem>> -> memref<1x128xi32, #tpu.memory_space<vmem>>
              %dma_start3A_134 = tpu.memref_squeeze %dma_start3A_133 : memref<1x128xi32, #tpu.memory_space<vmem>> -> memref<128xi32, #tpu.memory_space<vmem>>
              %dma_start3A_135 = arith.constant 0 : i32
              %dma_start3A_136 = arith.constant 0 : i32
              %dma_start3A_137 = tpu.memref_slice %arg2[%dma_start3A_135, %dma_start3A_136] : memref<10240x128xf32, #tpu.memory_space<hbm>> -> memref<10240x128xf32, #tpu.memory_space<hbm>>
              tpu.enqueue_indirect_dma source(%dma_start3A_137 : memref<10240x128xf32, #tpu.memory_space<hbm>>) target(%arg12 : memref<128x128xf32, #tpu.memory_space<vmem>>) offsets(%dma_start3A_134 : memref<128xi32, #tpu.memory_space<vmem>>) semaphore(%arg14 : memref<!tpu.dma_semaphore, #tpu.memory_space<semaphore_mem>>)
            } else {
            }
          } else {
          }
        } else {
        }
        %eq3A_102 = arith.constant 0 : i32
        %eq3A_103 = arith.cmpi eq, %rem3A_57, %eq3A_102 : i32
        %convert_element_type3A_104 = arith.extui %eq3A_103 : i1 to i32
        %cond3A_105 = arith.constant 0 : i32
        %cond3A_106 = arith.cmpi ne, %convert_element_type3A_104, %cond3A_105 : i32
        scf.if %cond3A_106 {
          %eq3A_112 = arith.constant 0 : i32
          %eq3A_113 = arith.cmpi eq, %rem3A_36, %eq3A_112 : i32
          %convert_element_type3A_114 = arith.extui %eq3A_113 : i1 to i32
          %cond3A_115 = arith.constant 0 : i32
          %cond3A_116 = arith.cmpi ne, %convert_element_type3A_114, %cond3A_115 : i32
          scf.if %cond3A_116 {
            %dma_wait3A_122 = arith.constant 0 : i32
            %dma_wait3A_123 = arith.constant 0 : i32
            %dma_wait3A_124 = tpu.memref_slice %arg8[%dma_wait3A_122, %dma_wait3A_123] : memref<16x128xi32, #tpu.memory_space<vmem>> -> memref<1x128xi32, #tpu.memory_space<vmem>>
            %dma_wait3A_125 = tpu.memref_squeeze %dma_wait3A_124 : memref<1x128xi32, #tpu.memory_space<vmem>> -> memref<128xi32, #tpu.memory_space<vmem>>
            %dma_wait3A_126 = arith.constant 0 : i32
            %dma_wait3A_127 = arith.constant 0 : i32
            %dma_wait3A_128 = tpu.memref_slice %arg2[%dma_wait3A_126, %dma_wait3A_127] : memref<10240x128xf32, #tpu.memory_space<hbm>> -> memref<10240x128xf32, #tpu.memory_space<hbm>>
            tpu.wait_indirect_dma semaphore(%arg14 : memref<!tpu.dma_semaphore, #tpu.memory_space<semaphore_mem>>) src(%dma_wait3A_128 : memref<10240x128xf32, #tpu.memory_space<hbm>>) dst(%arg12 : memref<128x128xf32, #tpu.memory_space<vmem>>)
            %rem3A_129 = arith.constant 16 : i32
            %rem3A_130 = arith.remsi %scan3A_35, %rem3A_129 : i32
            %dma_start3A_131 = arith.constant 0 : i32
            %dma_start3A_132 = tpu.memref_slice %arg10[%rem3A_130, %dma_start3A_131] : memref<16x128xi32, #tpu.memory_space<vmem>> -> memref<1x128xi32, #tpu.memory_space<vmem>>
            %dma_start3A_133 = tpu.memref_squeeze %dma_start3A_132 : memref<1x128xi32, #tpu.memory_space<vmem>> -> memref<128xi32, #tpu.memory_space<vmem>>
            %dma_start3A_134 = arith.constant 0 : i32
            %dma_start3A_135 = arith.constant 0 : i32
            %dma_start3A_136 = tpu.memref_slice %arg18[%dma_start3A_134, %dma_start3A_135] : memref<10240x128xf32, #tpu.memory_space<vmem_shared>> -> memref<10240x128xf32, #tpu.memory_space<vmem_shared>>
            tpu.enqueue_indirect_dma source(%arg12 : memref<128x128xf32, #tpu.memory_space<vmem>>) target(%dma_start3A_136 : memref<10240x128xf32, #tpu.memory_space<vmem_shared>>) offsets(%dma_start3A_133 : memref<128xi32, #tpu.memory_space<vmem>>) semaphore(%arg16 : memref<!tpu.dma_semaphore, #tpu.memory_space<semaphore_mem>>) {add = true}
          } else {
          }
          %eq3A_117 = arith.constant 1 : i32
          %eq3A_118 = arith.cmpi eq, %rem3A_36, %eq3A_117 : i32
          %convert_element_type3A_119 = arith.extui %eq3A_118 : i1 to i32
          %cond3A_120 = arith.constant 0 : i32
          %cond3A_121 = arith.cmpi ne, %convert_element_type3A_119, %cond3A_120 : i32
          scf.if %cond3A_121 {
            %dma_wait3A_122 = arith.constant 0 : i32
            %dma_wait3A_123 = arith.constant 0 : i32
            %dma_wait3A_124 = tpu.memref_slice %arg8[%dma_wait3A_122, %dma_wait3A_123] : memref<16x128xi32, #tpu.memory_space<vmem>> -> memref<1x128xi32, #tpu.memory_space<vmem>>
            %dma_wait3A_125 = tpu.memref_squeeze %dma_wait3A_124 : memref<1x128xi32, #tpu.memory_space<vmem>> -> memref<128xi32, #tpu.memory_space<vmem>>
            %dma_wait3A_126 = arith.constant 0 : i32
            %dma_wait3A_127 = arith.constant 0 : i32
            %dma_wait3A_128 = tpu.memref_slice %arg2[%dma_wait3A_126, %dma_wait3A_127] : memref<10240x128xf32, #tpu.memory_space<hbm>> -> memref<10240x128xf32, #tpu.memory_space<hbm>>
            tpu.wait_indirect_dma semaphore(%arg15 : memref<!tpu.dma_semaphore, #tpu.memory_space<semaphore_mem>>) src(%dma_wait3A_128 : memref<10240x128xf32, #tpu.memory_space<hbm>>) dst(%arg13 : memref<128x128xf32, #tpu.memory_space<vmem>>)
            %rem3A_129 = arith.constant 16 : i32
            %rem3A_130 = arith.remsi %scan3A_35, %rem3A_129 : i32
            %dma_start3A_131 = arith.constant 0 : i32
            %dma_start3A_132 = tpu.memref_slice %arg10[%rem3A_130, %dma_start3A_131] : memref<16x128xi32, #tpu.memory_space<vmem>> -> memref<1x128xi32, #tpu.memory_space<vmem>>
            %dma_start3A_133 = tpu.memref_squeeze %dma_start3A_132 : memref<1x128xi32, #tpu.memory_space<vmem>> -> memref<128xi32, #tpu.memory_space<vmem>>
            %dma_start3A_134 = arith.constant 0 : i32
            %dma_start3A_135 = arith.constant 0 : i32
            %dma_start3A_136 = tpu.memref_slice %arg18[%dma_start3A_134, %dma_start3A_135] : memref<10240x128xf32, #tpu.memory_space<vmem_shared>> -> memref<10240x128xf32, #tpu.memory_space<vmem_shared>>
            tpu.enqueue_indirect_dma source(%arg13 : memref<128x128xf32, #tpu.memory_space<vmem>>) target(%dma_start3A_136 : memref<10240x128xf32, #tpu.memory_space<vmem_shared>>) offsets(%dma_start3A_133 : memref<128xi32, #tpu.memory_space<vmem>>) semaphore(%arg17 : memref<!tpu.dma_semaphore, #tpu.memory_space<semaphore_mem>>) {add = true}
          } else {
          }
        } else {
        }
        %eq3A_107 = arith.constant 1 : i32
        %eq3A_108 = arith.cmpi eq, %rem3A_57, %eq3A_107 : i32
        %convert_element_type3A_109 = arith.extui %eq3A_108 : i1 to i32
        %cond3A_110 = arith.constant 0 : i32
        %cond3A_111 = arith.cmpi ne, %convert_element_type3A_109, %cond3A_110 : i32
        scf.if %cond3A_111 {
          %eq3A_112 = arith.constant 0 : i32
          %eq3A_113 = arith.cmpi eq, %rem3A_36, %eq3A_112 : i32
          %convert_element_type3A_114 = arith.extui %eq3A_113 : i1 to i32
          %cond3A_115 = arith.constant 0 : i32
          %cond3A_116 = arith.cmpi ne, %convert_element_type3A_114, %cond3A_115 : i32
          scf.if %cond3A_116 {
            %dma_wait3A_122 = arith.constant 0 : i32
            %dma_wait3A_123 = arith.constant 0 : i32
            %dma_wait3A_124 = tpu.memref_slice %arg9[%dma_wait3A_122, %dma_wait3A_123] : memref<16x128xi32, #tpu.memory_space<vmem>> -> memref<1x128xi32, #tpu.memory_space<vmem>>
            %dma_wait3A_125 = tpu.memref_squeeze %dma_wait3A_124 : memref<1x128xi32, #tpu.memory_space<vmem>> -> memref<128xi32, #tpu.memory_space<vmem>>
            %dma_wait3A_126 = arith.constant 0 : i32
            %dma_wait3A_127 = arith.constant 0 : i32
            %dma_wait3A_128 = tpu.memref_slice %arg2[%dma_wait3A_126, %dma_wait3A_127] : memref<10240x128xf32, #tpu.memory_space<hbm>> -> memref<10240x128xf32, #tpu.memory_space<hbm>>
            tpu.wait_indirect_dma semaphore(%arg14 : memref<!tpu.dma_semaphore, #tpu.memory_space<semaphore_mem>>) src(%dma_wait3A_128 : memref<10240x128xf32, #tpu.memory_space<hbm>>) dst(%arg12 : memref<128x128xf32, #tpu.memory_space<vmem>>)
            %rem3A_129 = arith.constant 16 : i32
            %rem3A_130 = arith.remsi %scan3A_35, %rem3A_129 : i32
            %dma_start3A_131 = arith.constant 0 : i32
            %dma_start3A_132 = tpu.memref_slice %arg11[%rem3A_130, %dma_start3A_131] : memref<16x128xi32, #tpu.memory_space<vmem>> -> memref<1x128xi32, #tpu.memory_space<vmem>>
            %dma_start3A_133 = tpu.memref_squeeze %dma_start3A_132 : memref<1x128xi32, #tpu.memory_space<vmem>> -> memref<128xi32, #tpu.memory_space<vmem>>
            %dma_start3A_134 = arith.constant 0 : i32
            %dma_start3A_135 = arith.constant 0 : i32
            %dma_start3A_136 = tpu.memref_slice %arg18[%dma_start3A_134, %dma_start3A_135] : memref<10240x128xf32, #tpu.memory_space<vmem_shared>> -> memref<10240x128xf32, #tpu.memory_space<vmem_shared>>
            tpu.enqueue_indirect_dma source(%arg12 : memref<128x128xf32, #tpu.memory_space<vmem>>) target(%dma_start3A_136 : memref<10240x128xf32, #tpu.memory_space<vmem_shared>>) offsets(%dma_start3A_133 : memref<128xi32, #tpu.memory_space<vmem>>) semaphore(%arg16 : memref<!tpu.dma_semaphore, #tpu.memory_space<semaphore_mem>>) {add = true}
          } else {
          }
          %eq3A_117 = arith.constant 1 : i32
          %eq3A_118 = arith.cmpi eq, %rem3A_36, %eq3A_117 : i32
          %convert_element_type3A_119 = arith.extui %eq3A_118 : i1 to i32
          %cond3A_120 = arith.constant 0 : i32
          %cond3A_121 = arith.cmpi ne, %convert_element_type3A_119, %cond3A_120 : i32
          scf.if %cond3A_121 {
            %dma_wait3A_122 = arith.constant 0 : i32
            %dma_wait3A_123 = arith.constant 0 : i32
            %dma_wait3A_124 = tpu.memref_slice %arg9[%dma_wait3A_122, %dma_wait3A_123] : memref<16x128xi32, #tpu.memory_space<vmem>> -> memref<1x128xi32, #tpu.memory_space<vmem>>
            %dma_wait3A_125 = tpu.memref_squeeze %dma_wait3A_124 : memref<1x128xi32, #tpu.memory_space<vmem>> -> memref<128xi32, #tpu.memory_space<vmem>>
            %dma_wait3A_126 = arith.constant 0 : i32
            %dma_wait3A_127 = arith.constant 0 : i32
            %dma_wait3A_128 = tpu.memref_slice %arg2[%dma_wait3A_126, %dma_wait3A_127] : memref<10240x128xf32, #tpu.memory_space<hbm>> -> memref<10240x128xf32, #tpu.memory_space<hbm>>
            tpu.wait_indirect_dma semaphore(%arg15 : memref<!tpu.dma_semaphore, #tpu.memory_space<semaphore_mem>>) src(%dma_wait3A_128 : memref<10240x128xf32, #tpu.memory_space<hbm>>) dst(%arg13 : memref<128x128xf32, #tpu.memory_space<vmem>>)
            %rem3A_129 = arith.constant 16 : i32
            %rem3A_130 = arith.remsi %scan3A_35, %rem3A_129 : i32
            %dma_start3A_131 = arith.constant 0 : i32
            %dma_start3A_132 = tpu.memref_slice %arg11[%rem3A_130, %dma_start3A_131] : memref<16x128xi32, #tpu.memory_space<vmem>> -> memref<1x128xi32, #tpu.memory_space<vmem>>
            %dma_start3A_133 = tpu.memref_squeeze %dma_start3A_132 : memref<1x128xi32, #tpu.memory_space<vmem>> -> memref<128xi32, #tpu.memory_space<vmem>>
            %dma_start3A_134 = arith.constant 0 : i32
            %dma_start3A_135 = arith.constant 0 : i32
            %dma_start3A_136 = tpu.memref_slice %arg18[%dma_start3A_134, %dma_start3A_135] : memref<10240x128xf32, #tpu.memory_space<vmem_shared>> -> memref<10240x128xf32, #tpu.memory_space<vmem_shared>>
            tpu.enqueue_indirect_dma source(%arg13 : memref<128x128xf32, #tpu.memory_space<vmem>>) target(%dma_start3A_136 : memref<10240x128xf32, #tpu.memory_space<vmem_shared>>) offsets(%dma_start3A_133 : memref<128xi32, #tpu.memory_space<vmem>>) semaphore(%arg17 : memref<!tpu.dma_semaphore, #tpu.memory_space<semaphore_mem>>) {add = true}
          } else {
          }
        } else {
        }
      }
      %scan3A_23 = arith.constant 160 : i32
      %dma_wait3A = arith.constant 0 : i32
      %dma_wait3A_24 = arith.constant 0 : i32
      %dma_wait3A_25 = tpu.memref_slice %arg10[%dma_wait3A, %dma_wait3A_24] : memref<16x128xi32, #tpu.memory_space<vmem>> -> memref<1x128xi32, #tpu.memory_space<vmem>>
      %dma_wait3A_26 = tpu.memref_squeeze %dma_wait3A_25 : memref<1x128xi32, #tpu.memory_space<vmem>> -> memref<128xi32, #tpu.memory_space<vmem>>
      %dma_wait3A_27 = arith.constant 0 : i32
      %dma_wait3A_28 = arith.constant 0 : i32
      %dma_wait3A_29 = tpu.memref_slice %arg18[%dma_wait3A_27, %dma_wait3A_28] : memref<10240x128xf32, #tpu.memory_space<vmem_shared>> -> memref<10240x128xf32, #tpu.memory_space<vmem_shared>>
      tpu.wait_indirect_dma semaphore(%arg17 : memref<!tpu.dma_semaphore, #tpu.memory_space<semaphore_mem>>) src(%arg13 : memref<128x128xf32, #tpu.memory_space<vmem>>) dst(%dma_wait3A_29 : memref<10240x128xf32, #tpu.memory_space<vmem_shared>>)
      %barrier3A_30 = arith.constant 0 : index
      tpu.barrier barrier_id(%barrier3A_30)
      %mul3A_31 = arith.constant 640 : i32
      %mul3A_32 = arith.muli %arg1, %mul3A_31 : i32
      %mul3A_33 = arith.constant 640 : i32
      %mul3A_34 = arith.muli %arg1, %mul3A_33 : i32
      "tpu.region"() ({
        %run_scoped3A = tpu.sem_alloc : memref<!tpu.dma_semaphore, #tpu.memory_space<semaphore_mem>>
        %dma_start3A_35 = arith.constant 0 : i32
        %dma_start3A_36 = tpu.memref_slice %arg6[%mul3A_34, %dma_start3A_35] : memref<10240x128xf32, #tpu.memory_space<hbm>> -> memref<640x128xf32, #tpu.memory_space<hbm>>
        %dma_start3A_37 = arith.constant 0 : i32
        %dma_start3A_38 = tpu.memref_slice %arg18[%mul3A_32, %dma_start3A_37] : memref<10240x128xf32, #tpu.memory_space<vmem_shared>> -> memref<640x128xf32, #tpu.memory_space<vmem_shared>>
        tpu.enqueue_dma source(%dma_start3A_38 : memref<640x128xf32, #tpu.memory_space<vmem_shared>>) target(%dma_start3A_36 : memref<640x128xf32, #tpu.memory_space<hbm>>) target_semaphore(%run_scoped3A : memref<!tpu.dma_semaphore, #tpu.memory_space<semaphore_mem>>)
        %dma_wait3A_39 = arith.constant 0 : i32
        %dma_wait3A_40 = tpu.memref_slice %arg6[%mul3A_34, %dma_wait3A_39] : memref<10240x128xf32, #tpu.memory_space<hbm>> -> memref<640x128xf32, #tpu.memory_space<hbm>>
        %dma_wait3A_41 = arith.constant 0 : i32
        %dma_wait3A_42 = tpu.memref_slice %arg18[%mul3A_32, %dma_wait3A_41] : memref<10240x128xf32, #tpu.memory_space<vmem_shared>> -> memref<640x128xf32, #tpu.memory_space<vmem_shared>>
        tpu.wait_dma2 semaphore(%run_scoped3A : memref<!tpu.dma_semaphore, #tpu.memory_space<semaphore_mem>>) src(%dma_wait3A_42 : memref<640x128xf32, #tpu.memory_space<vmem_shared>>) dst(%dma_wait3A_40 : memref<640x128xf32, #tpu.memory_space<hbm>>)
        tpu.yield
      }) : () -> ()
    } else {
    }
    %eq3A_3 = arith.constant 1 : i32
    %eq3A_4 = arith.cmpi eq, %arg0, %eq3A_3 : i32
    %convert_element_type3A_5 = arith.extui %eq3A_4 : i1 to i32
    %cond3A_6 = arith.constant 0 : i32
    %cond3A_7 = arith.cmpi ne, %convert_element_type3A_5, %cond3A_6 : i32
    scf.if %cond3A_7 {
      %mul3A_8 = arith.constant 640 : i32
      %mul3A_9 = arith.muli %arg1, %mul3A_8 : i32
      %mul3A_10 = arith.constant 640 : i32
      %mul3A_11 = arith.muli %arg1, %mul3A_10 : i32
      "tpu.region"() ({
        %run_scoped3A = tpu.sem_alloc : memref<!tpu.dma_semaphore, #tpu.memory_space<semaphore_mem>>
        %dma_start3A_35 = arith.constant 0 : i32
        %dma_start3A_36 = tpu.memref_slice %arg18[%mul3A_11, %dma_start3A_35] : memref<10240x128xf32, #tpu.memory_space<vmem_shared>> -> memref<640x128xf32, #tpu.memory_space<vmem_shared>>
        %dma_start3A_37 = arith.constant 0 : i32
        %dma_start3A_38 = tpu.memref_slice %arg3[%mul3A_9, %dma_start3A_37] : memref<10240x128xf32, #tpu.memory_space<hbm>> -> memref<640x128xf32, #tpu.memory_space<hbm>>
        tpu.enqueue_dma source(%dma_start3A_38 : memref<640x128xf32, #tpu.memory_space<hbm>>) target(%dma_start3A_36 : memref<640x128xf32, #tpu.memory_space<vmem_shared>>) target_semaphore(%run_scoped3A : memref<!tpu.dma_semaphore, #tpu.memory_space<semaphore_mem>>)
        %dma_wait3A_39 = arith.constant 0 : i32
        %dma_wait3A_40 = tpu.memref_slice %arg18[%mul3A_11, %dma_wait3A_39] : memref<10240x128xf32, #tpu.memory_space<vmem_shared>> -> memref<640x128xf32, #tpu.memory_space<vmem_shared>>
        %dma_wait3A_41 = arith.constant 0 : i32
        %dma_wait3A_42 = tpu.memref_slice %arg3[%mul3A_9, %dma_wait3A_41] : memref<10240x128xf32, #tpu.memory_space<hbm>> -> memref<640x128xf32, #tpu.memory_space<hbm>>
        tpu.wait_dma2 semaphore(%run_scoped3A : memref<!tpu.dma_semaphore, #tpu.memory_space<semaphore_mem>>) src(%dma_wait3A_42 : memref<640x128xf32, #tpu.memory_space<hbm>>) dst(%dma_wait3A_40 : memref<640x128xf32, #tpu.memory_space<vmem_shared>>)
        tpu.yield
      }) : () -> ()
      %barrier3A = arith.constant 0 : index
      tpu.barrier barrier_id(%barrier3A)
      %add3A = arith.constant 0 : i32
      %add3A_12 = arith.addi %mul3A_0, %add3A : i32
      %multiple_of3A = tpu.assume_multiple %add3A_12, 8 : i32
      "tpu.region"() ({
        %run_scoped3A = tpu.sem_alloc : memref<!tpu.dma_semaphore, #tpu.memory_space<semaphore_mem>>
        %dma_start3A_35 = arith.constant 0 : i32
        %dma_start3A_36 = tpu.memref_slice %arg4[%multiple_of3A, %dma_start3A_35] : memref<2560x128xi32, #tpu.memory_space<hbm>> -> memref<16x128xi32, #tpu.memory_space<hbm>>
        %dma_start3A_37 = arith.constant 0 : i32
        %dma_start3A_38 = tpu.memref_slice %arg4[%multiple_of3A, %dma_start3A_37] : memref<2560x128xi32, #tpu.memory_space<hbm>> -> memref<16x128xi32, #tpu.memory_space<hbm>>
        tpu.enqueue_dma source(%dma_start3A_38 : memref<16x128xi32, #tpu.memory_space<hbm>>) target(%arg8 : memref<16x128xi32, #tpu.memory_space<vmem>>) target_semaphore(%run_scoped3A : memref<!tpu.dma_semaphore, #tpu.memory_space<semaphore_mem>>)
        %dma_wait3A_39 = arith.constant 0 : i32
        %dma_wait3A_40 = tpu.memref_slice %arg4[%multiple_of3A, %dma_wait3A_39] : memref<2560x128xi32, #tpu.memory_space<hbm>> -> memref<16x128xi32, #tpu.memory_space<hbm>>
        %dma_wait3A_41 = arith.constant 0 : i32
        %dma_wait3A_42 = tpu.memref_slice %arg4[%multiple_of3A, %dma_wait3A_41] : memref<2560x128xi32, #tpu.memory_space<hbm>> -> memref<16x128xi32, #tpu.memory_space<hbm>>
        tpu.wait_dma2 semaphore(%run_scoped3A : memref<!tpu.dma_semaphore, #tpu.memory_space<semaphore_mem>>) src(%dma_wait3A_42 : memref<16x128xi32, #tpu.memory_space<hbm>>) dst(%arg8 : memref<16x128xi32, #tpu.memory_space<vmem>>)
        tpu.yield
      }) : () -> ()
      "tpu.region"() ({
        %run_scoped3A = tpu.sem_alloc : memref<!tpu.dma_semaphore, #tpu.memory_space<semaphore_mem>>
        %dma_start3A_35 = arith.constant 0 : i32
        %dma_start3A_36 = tpu.memref_slice %arg5[%multiple_of3A, %dma_start3A_35] : memref<2560x128xi32, #tpu.memory_space<hbm>> -> memref<16x128xi32, #tpu.memory_space<hbm>>
        %dma_start3A_37 = arith.constant 0 : i32
        %dma_start3A_38 = tpu.memref_slice %arg5[%multiple_of3A, %dma_start3A_37] : memref<2560x128xi32, #tpu.memory_space<hbm>> -> memref<16x128xi32, #tpu.memory_space<hbm>>
        tpu.enqueue_dma source(%dma_start3A_38 : memref<16x128xi32, #tpu.memory_space<hbm>>) target(%arg10 : memref<16x128xi32, #tpu.memory_space<vmem>>) target_semaphore(%run_scoped3A : memref<!tpu.dma_semaphore, #tpu.memory_space<semaphore_mem>>)
        %dma_wait3A_39 = arith.constant 0 : i32
        %dma_wait3A_40 = tpu.memref_slice %arg5[%multiple_of3A, %dma_wait3A_39] : memref<2560x128xi32, #tpu.memory_space<hbm>> -> memref<16x128xi32, #tpu.memory_space<hbm>>
        %dma_wait3A_41 = arith.constant 0 : i32
        %dma_wait3A_42 = tpu.memref_slice %arg5[%multiple_of3A, %dma_wait3A_41] : memref<2560x128xi32, #tpu.memory_space<hbm>> -> memref<16x128xi32, #tpu.memory_space<hbm>>
        tpu.wait_dma2 semaphore(%run_scoped3A : memref<!tpu.dma_semaphore, #tpu.memory_space<semaphore_mem>>) src(%dma_wait3A_42 : memref<16x128xi32, #tpu.memory_space<hbm>>) dst(%arg10 : memref<16x128xi32, #tpu.memory_space<vmem>>)
        tpu.yield
      }) : () -> ()
      %dma_start3A = arith.constant 0 : i32
      %dma_start3A_13 = arith.constant 0 : i32
      %dma_start3A_14 = tpu.memref_slice %arg8[%dma_start3A, %dma_start3A_13] : memref<16x128xi32, #tpu.memory_space<vmem>> -> memref<1x128xi32, #tpu.memory_space<vmem>>
      %dma_start3A_15 = tpu.memref_squeeze %dma_start3A_14 : memref<1x128xi32, #tpu.memory_space<vmem>> -> memref<128xi32, #tpu.memory_space<vmem>>
      %dma_start3A_16 = arith.constant 0 : i32
      %dma_start3A_17 = arith.constant 0 : i32
      %dma_start3A_18 = tpu.memref_slice %arg3[%dma_start3A_16, %dma_start3A_17] : memref<10240x128xf32, #tpu.memory_space<hbm>> -> memref<10240x128xf32, #tpu.memory_space<hbm>>
      tpu.enqueue_indirect_dma source(%dma_start3A_18 : memref<10240x128xf32, #tpu.memory_space<hbm>>) target(%arg12 : memref<128x128xf32, #tpu.memory_space<vmem>>) offsets(%dma_start3A_15 : memref<128xi32, #tpu.memory_space<vmem>>) semaphore(%arg14 : memref<!tpu.dma_semaphore, #tpu.memory_space<semaphore_mem>>)
      %scan3A = arith.constant 0 : i32
      %scan3A_19 = arith.constant 0 : i32
      %scan3A_20 = arith.constant 160 : i32
      %scan3A_21 = arith.addi %scan3A_19, %scan3A_20 : i32
      %scan3A_22 = arith.constant 1 : i32
      scf.for %scan3A_35 = %scan3A_19 to %scan3A_21 step %scan3A_22  : i32 {
        %rem3A = arith.constant 2 : i32
        %rem3A_36 = arith.remsi %scan3A_35, %rem3A : i32
        %add3A_37 = arith.constant 1 : i32
        %add3A_38 = arith.addi %scan3A_35, %add3A_37 : i32
        %jit3A = arith.constant 16 : i32
        %div3A = arith.divsi %scan3A_35, %jit3A : i32
        %sign3A = arith.constant 0 : i32
        %sign3A_39 = arith.cmpi sgt, %scan3A_35, %sign3A : i32
        %sign3A_40 = arith.extui %sign3A_39 : i1 to i32
        %sign3A_41 = arith.constant 0 : i32
        %sign3A_42 = arith.cmpi slt, %scan3A_35, %sign3A_41 : i32
        %sign3A_43 = arith.extui %sign3A_42 : i1 to i32
        %sign3A_44 = arith.subi %sign3A_40, %sign3A_43 : i32
        %sign3A_45 = arith.constant 0 : i32
        %sign3A_46 = arith.cmpi sgt, %jit3A, %sign3A_45 : i32
        %sign3A_47 = arith.extui %sign3A_46 : i1 to i32
        %sign3A_48 = arith.constant 0 : i32
        %sign3A_49 = arith.cmpi slt, %jit3A, %sign3A_48 : i32
        %sign3A_50 = arith.extui %sign3A_49 : i1 to i32
        %sign3A_51 = arith.subi %sign3A_47, %sign3A_50 : i32
        %ne3A = arith.cmpi ne, %sign3A_44, %sign3A_51 : i32
        %rem3A_52 = arith.remsi %scan3A_35, %jit3A : i32
        %ne3A_53 = arith.constant 0 : i32
        %ne3A_54 = arith.cmpi ne, %rem3A_52, %ne3A_53 : i32
        %and3A = arith.andi %ne3A, %ne3A_54 : i1
        %sub3A = arith.constant 1 : i32
        %sub3A_55 = arith.subi %div3A, %sub3A : i32
        %select_n3A = arith.select %and3A, %sub3A_55, %div3A : i32
        %rem3A_56 = arith.constant 2 : i32
        %rem3A_57 = arith.remsi %select_n3A, %rem3A_56 : i32
        %jit3A_58 = arith.constant 16 : i32
        %div3A_59 = arith.divsi %add3A_38, %jit3A_58 : i32
        %sign3A_60 = arith.constant 0 : i32
        %sign3A_61 = arith.cmpi sgt, %add3A_38, %sign3A_60 : i32
        %sign3A_62 = arith.extui %sign3A_61 : i1 to i32
        %sign3A_63 = arith.constant 0 : i32
        %sign3A_64 = arith.cmpi slt, %add3A_38, %sign3A_63 : i32
        %sign3A_65 = arith.extui %sign3A_64 : i1 to i32
        %sign3A_66 = arith.subi %sign3A_62, %sign3A_65 : i32
        %sign3A_67 = arith.constant 0 : i32
        %sign3A_68 = arith.cmpi sgt, %jit3A_58, %sign3A_67 : i32
        %sign3A_69 = arith.extui %sign3A_68 : i1 to i32
        %sign3A_70 = arith.constant 0 : i32
        %sign3A_71 = arith.cmpi slt, %jit3A_58, %sign3A_70 : i32
        %sign3A_72 = arith.extui %sign3A_71 : i1 to i32
        %sign3A_73 = arith.subi %sign3A_69, %sign3A_72 : i32
        %ne3A_74 = arith.cmpi ne, %sign3A_66, %sign3A_73 : i32
        %rem3A_75 = arith.remsi %add3A_38, %jit3A_58 : i32
        %ne3A_76 = arith.constant 0 : i32
        %ne3A_77 = arith.cmpi ne, %rem3A_75, %ne3A_76 : i32
        %and3A_78 = arith.andi %ne3A_74, %ne3A_77 : i1
        %sub3A_79 = arith.constant 1 : i32
        %sub3A_80 = arith.subi %div3A_59, %sub3A_79 : i32
        %select_n3A_81 = arith.select %and3A_78, %sub3A_80, %div3A_59 : i32
        %rem3A_82 = arith.constant 2 : i32
        %rem3A_83 = arith.remsi %select_n3A_81, %rem3A_82 : i32
        %rem3A_84 = arith.constant 16 : i32
        %rem3A_85 = arith.remsi %add3A_38, %rem3A_84 : i32
        %lt3A = arith.constant 160 : i32
        %lt3A_86 = arith.cmpi slt, %add3A_38, %lt3A : i32
        %eq3A_87 = arith.constant 0 : i32
        %eq3A_88 = arith.cmpi eq, %rem3A_85, %eq3A_87 : i32
        %and3A_89 = arith.andi %lt3A_86, %eq3A_88 : i1
        %convert_element_type3A_90 = arith.extui %and3A_89 : i1 to i32
        %cond3A_91 = arith.constant 0 : i32
        %cond3A_92 = arith.cmpi ne, %convert_element_type3A_90, %cond3A_91 : i32
        scf.if %cond3A_92 {
          %eq3A_112 = arith.constant 0 : i32
          %eq3A_113 = arith.cmpi eq, %rem3A_83, %eq3A_112 : i32
          %convert_element_type3A_114 = arith.extui %eq3A_113 : i1 to i32
          %cond3A_115 = arith.constant 0 : i32
          %cond3A_116 = arith.cmpi ne, %convert_element_type3A_114, %cond3A_115 : i32
          scf.if %cond3A_116 {
            %jit3A_122 = arith.constant 16 : i32
            %div3A_123 = arith.divsi %add3A_38, %jit3A_122 : i32
            %sign3A_124 = arith.constant 0 : i32
            %sign3A_125 = arith.cmpi sgt, %add3A_38, %sign3A_124 : i32
            %sign3A_126 = arith.extui %sign3A_125 : i1 to i32
            %sign3A_127 = arith.constant 0 : i32
            %sign3A_128 = arith.cmpi slt, %add3A_38, %sign3A_127 : i32
            %sign3A_129 = arith.extui %sign3A_128 : i1 to i32
            %sign3A_130 = arith.subi %sign3A_126, %sign3A_129 : i32
            %sign3A_131 = arith.constant 0 : i32
            %sign3A_132 = arith.cmpi sgt, %jit3A_122, %sign3A_131 : i32
            %sign3A_133 = arith.extui %sign3A_132 : i1 to i32
            %sign3A_134 = arith.constant 0 : i32
            %sign3A_135 = arith.cmpi slt, %jit3A_122, %sign3A_134 : i32
            %sign3A_136 = arith.extui %sign3A_135 : i1 to i32
            %sign3A_137 = arith.subi %sign3A_133, %sign3A_136 : i32
            %ne3A_138 = arith.cmpi ne, %sign3A_130, %sign3A_137 : i32
            %rem3A_139 = arith.remsi %add3A_38, %jit3A_122 : i32
            %ne3A_140 = arith.constant 0 : i32
            %ne3A_141 = arith.cmpi ne, %rem3A_139, %ne3A_140 : i32
            %and3A_142 = arith.andi %ne3A_138, %ne3A_141 : i1
            %sub3A_143 = arith.constant 1 : i32
            %sub3A_144 = arith.subi %div3A_123, %sub3A_143 : i32
            %select_n3A_145 = arith.select %and3A_142, %sub3A_144, %div3A_123 : i32
            %mul3A_146 = arith.constant 16 : i32
            %mul3A_147 = arith.muli %select_n3A_145, %mul3A_146 : i32
            %add3A_148 = arith.addi %mul3A_0, %mul3A_147 : i32
            %multiple_of3A_149 = tpu.assume_multiple %add3A_148, 8 : i32
            "tpu.region"() ({
              %run_scoped3A = tpu.sem_alloc : memref<!tpu.dma_semaphore, #tpu.memory_space<semaphore_mem>>
              %dma_start3A_150 = arith.constant 0 : i32
              %dma_start3A_151 = tpu.memref_slice %arg4[%multiple_of3A_149, %dma_start3A_150] : memref<2560x128xi32, #tpu.memory_space<hbm>> -> memref<16x128xi32, #tpu.memory_space<hbm>>
              %dma_start3A_152 = arith.constant 0 : i32
              %dma_start3A_153 = tpu.memref_slice %arg4[%multiple_of3A_149, %dma_start3A_152] : memref<2560x128xi32, #tpu.memory_space<hbm>> -> memref<16x128xi32, #tpu.memory_space<hbm>>
              tpu.enqueue_dma source(%dma_start3A_153 : memref<16x128xi32, #tpu.memory_space<hbm>>) target(%arg8 : memref<16x128xi32, #tpu.memory_space<vmem>>) target_semaphore(%run_scoped3A : memref<!tpu.dma_semaphore, #tpu.memory_space<semaphore_mem>>)
              %dma_wait3A_154 = arith.constant 0 : i32
              %dma_wait3A_155 = tpu.memref_slice %arg4[%multiple_of3A_149, %dma_wait3A_154] : memref<2560x128xi32, #tpu.memory_space<hbm>> -> memref<16x128xi32, #tpu.memory_space<hbm>>
              %dma_wait3A_156 = arith.constant 0 : i32
              %dma_wait3A_157 = tpu.memref_slice %arg4[%multiple_of3A_149, %dma_wait3A_156] : memref<2560x128xi32, #tpu.memory_space<hbm>> -> memref<16x128xi32, #tpu.memory_space<hbm>>
              tpu.wait_dma2 semaphore(%run_scoped3A : memref<!tpu.dma_semaphore, #tpu.memory_space<semaphore_mem>>) src(%dma_wait3A_157 : memref<16x128xi32, #tpu.memory_space<hbm>>) dst(%arg8 : memref<16x128xi32, #tpu.memory_space<vmem>>)
              tpu.yield
            }) : () -> ()
            "tpu.region"() ({
              %run_scoped3A = tpu.sem_alloc : memref<!tpu.dma_semaphore, #tpu.memory_space<semaphore_mem>>
              %dma_start3A_150 = arith.constant 0 : i32
              %dma_start3A_151 = tpu.memref_slice %arg5[%multiple_of3A_149, %dma_start3A_150] : memref<2560x128xi32, #tpu.memory_space<hbm>> -> memref<16x128xi32, #tpu.memory_space<hbm>>
              %dma_start3A_152 = arith.constant 0 : i32
              %dma_start3A_153 = tpu.memref_slice %arg5[%multiple_of3A_149, %dma_start3A_152] : memref<2560x128xi32, #tpu.memory_space<hbm>> -> memref<16x128xi32, #tpu.memory_space<hbm>>
              tpu.enqueue_dma source(%dma_start3A_153 : memref<16x128xi32, #tpu.memory_space<hbm>>) target(%arg10 : memref<16x128xi32, #tpu.memory_space<vmem>>) target_semaphore(%run_scoped3A : memref<!tpu.dma_semaphore, #tpu.memory_space<semaphore_mem>>)
              %dma_wait3A_154 = arith.constant 0 : i32
              %dma_wait3A_155 = tpu.memref_slice %arg5[%multiple_of3A_149, %dma_wait3A_154] : memref<2560x128xi32, #tpu.memory_space<hbm>> -> memref<16x128xi32, #tpu.memory_space<hbm>>
              %dma_wait3A_156 = arith.constant 0 : i32
              %dma_wait3A_157 = tpu.memref_slice %arg5[%multiple_of3A_149, %dma_wait3A_156] : memref<2560x128xi32, #tpu.memory_space<hbm>> -> memref<16x128xi32, #tpu.memory_space<hbm>>
              tpu.wait_dma2 semaphore(%run_scoped3A : memref<!tpu.dma_semaphore, #tpu.memory_space<semaphore_mem>>) src(%dma_wait3A_157 : memref<16x128xi32, #tpu.memory_space<hbm>>) dst(%arg10 : memref<16x128xi32, #tpu.memory_space<vmem>>)
              tpu.yield
            }) : () -> ()
          } else {
          }
          %eq3A_117 = arith.constant 1 : i32
          %eq3A_118 = arith.cmpi eq, %rem3A_83, %eq3A_117 : i32
          %convert_element_type3A_119 = arith.extui %eq3A_118 : i1 to i32
          %cond3A_120 = arith.constant 0 : i32
          %cond3A_121 = arith.cmpi ne, %convert_element_type3A_119, %cond3A_120 : i32
          scf.if %cond3A_121 {
            %jit3A_122 = arith.constant 16 : i32
            %div3A_123 = arith.divsi %add3A_38, %jit3A_122 : i32
            %sign3A_124 = arith.constant 0 : i32
            %sign3A_125 = arith.cmpi sgt, %add3A_38, %sign3A_124 : i32
            %sign3A_126 = arith.extui %sign3A_125 : i1 to i32
            %sign3A_127 = arith.constant 0 : i32
            %sign3A_128 = arith.cmpi slt, %add3A_38, %sign3A_127 : i32
            %sign3A_129 = arith.extui %sign3A_128 : i1 to i32
            %sign3A_130 = arith.subi %sign3A_126, %sign3A_129 : i32
            %sign3A_131 = arith.constant 0 : i32
            %sign3A_132 = arith.cmpi sgt, %jit3A_122, %sign3A_131 : i32
            %sign3A_133 = arith.extui %sign3A_132 : i1 to i32
            %sign3A_134 = arith.constant 0 : i32
            %sign3A_135 = arith.cmpi slt, %jit3A_122, %sign3A_134 : i32
            %sign3A_136 = arith.extui %sign3A_135 : i1 to i32
            %sign3A_137 = arith.subi %sign3A_133, %sign3A_136 : i32
            %ne3A_138 = arith.cmpi ne, %sign3A_130, %sign3A_137 : i32
            %rem3A_139 = arith.remsi %add3A_38, %jit3A_122 : i32
            %ne3A_140 = arith.constant 0 : i32
            %ne3A_141 = arith.cmpi ne, %rem3A_139, %ne3A_140 : i32
            %and3A_142 = arith.andi %ne3A_138, %ne3A_141 : i1
            %sub3A_143 = arith.constant 1 : i32
            %sub3A_144 = arith.subi %div3A_123, %sub3A_143 : i32
            %select_n3A_145 = arith.select %and3A_142, %sub3A_144, %div3A_123 : i32
            %mul3A_146 = arith.constant 16 : i32
            %mul3A_147 = arith.muli %select_n3A_145, %mul3A_146 : i32
            %add3A_148 = arith.addi %mul3A_0, %mul3A_147 : i32
            %multiple_of3A_149 = tpu.assume_multiple %add3A_148, 8 : i32
            "tpu.region"() ({
              %run_scoped3A = tpu.sem_alloc : memref<!tpu.dma_semaphore, #tpu.memory_space<semaphore_mem>>
              %dma_start3A_150 = arith.constant 0 : i32
              %dma_start3A_151 = tpu.memref_slice %arg4[%multiple_of3A_149, %dma_start3A_150] : memref<2560x128xi32, #tpu.memory_space<hbm>> -> memref<16x128xi32, #tpu.memory_space<hbm>>
              %dma_start3A_152 = arith.constant 0 : i32
              %dma_start3A_153 = tpu.memref_slice %arg4[%multiple_of3A_149, %dma_start3A_152] : memref<2560x128xi32, #tpu.memory_space<hbm>> -> memref<16x128xi32, #tpu.memory_space<hbm>>
              tpu.enqueue_dma source(%dma_start3A_153 : memref<16x128xi32, #tpu.memory_space<hbm>>) target(%arg9 : memref<16x128xi32, #tpu.memory_space<vmem>>) target_semaphore(%run_scoped3A : memref<!tpu.dma_semaphore, #tpu.memory_space<semaphore_mem>>)
              %dma_wait3A_154 = arith.constant 0 : i32
              %dma_wait3A_155 = tpu.memref_slice %arg4[%multiple_of3A_149, %dma_wait3A_154] : memref<2560x128xi32, #tpu.memory_space<hbm>> -> memref<16x128xi32, #tpu.memory_space<hbm>>
              %dma_wait3A_156 = arith.constant 0 : i32
              %dma_wait3A_157 = tpu.memref_slice %arg4[%multiple_of3A_149, %dma_wait3A_156] : memref<2560x128xi32, #tpu.memory_space<hbm>> -> memref<16x128xi32, #tpu.memory_space<hbm>>
              tpu.wait_dma2 semaphore(%run_scoped3A : memref<!tpu.dma_semaphore, #tpu.memory_space<semaphore_mem>>) src(%dma_wait3A_157 : memref<16x128xi32, #tpu.memory_space<hbm>>) dst(%arg9 : memref<16x128xi32, #tpu.memory_space<vmem>>)
              tpu.yield
            }) : () -> ()
            "tpu.region"() ({
              %run_scoped3A = tpu.sem_alloc : memref<!tpu.dma_semaphore, #tpu.memory_space<semaphore_mem>>
              %dma_start3A_150 = arith.constant 0 : i32
              %dma_start3A_151 = tpu.memref_slice %arg5[%multiple_of3A_149, %dma_start3A_150] : memref<2560x128xi32, #tpu.memory_space<hbm>> -> memref<16x128xi32, #tpu.memory_space<hbm>>
              %dma_start3A_152 = arith.constant 0 : i32
              %dma_start3A_153 = tpu.memref_slice %arg5[%multiple_of3A_149, %dma_start3A_152] : memref<2560x128xi32, #tpu.memory_space<hbm>> -> memref<16x128xi32, #tpu.memory_space<hbm>>
              tpu.enqueue_dma source(%dma_start3A_153 : memref<16x128xi32, #tpu.memory_space<hbm>>) target(%arg11 : memref<16x128xi32, #tpu.memory_space<vmem>>) target_semaphore(%run_scoped3A : memref<!tpu.dma_semaphore, #tpu.memory_space<semaphore_mem>>)
              %dma_wait3A_154 = arith.constant 0 : i32
              %dma_wait3A_155 = tpu.memref_slice %arg5[%multiple_of3A_149, %dma_wait3A_154] : memref<2560x128xi32, #tpu.memory_space<hbm>> -> memref<16x128xi32, #tpu.memory_space<hbm>>
              %dma_wait3A_156 = arith.constant 0 : i32
              %dma_wait3A_157 = tpu.memref_slice %arg5[%multiple_of3A_149, %dma_wait3A_156] : memref<2560x128xi32, #tpu.memory_space<hbm>> -> memref<16x128xi32, #tpu.memory_space<hbm>>
              tpu.wait_dma2 semaphore(%run_scoped3A : memref<!tpu.dma_semaphore, #tpu.memory_space<semaphore_mem>>) src(%dma_wait3A_157 : memref<16x128xi32, #tpu.memory_space<hbm>>) dst(%arg11 : memref<16x128xi32, #tpu.memory_space<vmem>>)
              tpu.yield
            }) : () -> ()
          } else {
          }
        } else {
        }
        %ge3A = arith.constant 1 : i32
        %ge3A_93 = arith.cmpi sge, %scan3A_35, %ge3A : i32
        %convert_element_type3A_94 = arith.extui %ge3A_93 : i1 to i32
        %cond3A_95 = arith.constant 0 : i32
        %cond3A_96 = arith.cmpi ne, %convert_element_type3A_94, %cond3A_95 : i32
        scf.if %cond3A_96 {
          %eq3A_112 = arith.constant 0 : i32
          %eq3A_113 = arith.cmpi eq, %rem3A_36, %eq3A_112 : i32
          %convert_element_type3A_114 = arith.extui %eq3A_113 : i1 to i32
          %cond3A_115 = arith.constant 0 : i32
          %cond3A_116 = arith.cmpi ne, %convert_element_type3A_114, %cond3A_115 : i32
          scf.if %cond3A_116 {
            %dma_wait3A_122 = arith.constant 0 : i32
            %dma_wait3A_123 = arith.constant 0 : i32
            %dma_wait3A_124 = tpu.memref_slice %arg10[%dma_wait3A_122, %dma_wait3A_123] : memref<16x128xi32, #tpu.memory_space<vmem>> -> memref<1x128xi32, #tpu.memory_space<vmem>>
            %dma_wait3A_125 = tpu.memref_squeeze %dma_wait3A_124 : memref<1x128xi32, #tpu.memory_space<vmem>> -> memref<128xi32, #tpu.memory_space<vmem>>
            %dma_wait3A_126 = arith.constant 0 : i32
            %dma_wait3A_127 = arith.constant 0 : i32
            %dma_wait3A_128 = tpu.memref_slice %arg18[%dma_wait3A_126, %dma_wait3A_127] : memref<10240x128xf32, #tpu.memory_space<vmem_shared>> -> memref<10240x128xf32, #tpu.memory_space<vmem_shared>>
            tpu.wait_indirect_dma semaphore(%arg17 : memref<!tpu.dma_semaphore, #tpu.memory_space<semaphore_mem>>) src(%arg13 : memref<128x128xf32, #tpu.memory_space<vmem>>) dst(%dma_wait3A_128 : memref<10240x128xf32, #tpu.memory_space<vmem_shared>>)
          } else {
          }
          %eq3A_117 = arith.constant 1 : i32
          %eq3A_118 = arith.cmpi eq, %rem3A_36, %eq3A_117 : i32
          %convert_element_type3A_119 = arith.extui %eq3A_118 : i1 to i32
          %cond3A_120 = arith.constant 0 : i32
          %cond3A_121 = arith.cmpi ne, %convert_element_type3A_119, %cond3A_120 : i32
          scf.if %cond3A_121 {
            %dma_wait3A_122 = arith.constant 0 : i32
            %dma_wait3A_123 = arith.constant 0 : i32
            %dma_wait3A_124 = tpu.memref_slice %arg10[%dma_wait3A_122, %dma_wait3A_123] : memref<16x128xi32, #tpu.memory_space<vmem>> -> memref<1x128xi32, #tpu.memory_space<vmem>>
            %dma_wait3A_125 = tpu.memref_squeeze %dma_wait3A_124 : memref<1x128xi32, #tpu.memory_space<vmem>> -> memref<128xi32, #tpu.memory_space<vmem>>
            %dma_wait3A_126 = arith.constant 0 : i32
            %dma_wait3A_127 = arith.constant 0 : i32
            %dma_wait3A_128 = tpu.memref_slice %arg18[%dma_wait3A_126, %dma_wait3A_127] : memref<10240x128xf32, #tpu.memory_space<vmem_shared>> -> memref<10240x128xf32, #tpu.memory_space<vmem_shared>>
            tpu.wait_indirect_dma semaphore(%arg16 : memref<!tpu.dma_semaphore, #tpu.memory_space<semaphore_mem>>) src(%arg12 : memref<128x128xf32, #tpu.memory_space<vmem>>) dst(%dma_wait3A_128 : memref<10240x128xf32, #tpu.memory_space<vmem_shared>>)
          } else {
          }
        } else {
        }
        %lt3A_97 = arith.constant 160 : i32
        %lt3A_98 = arith.cmpi slt, %add3A_38, %lt3A_97 : i32
        %convert_element_type3A_99 = arith.extui %lt3A_98 : i1 to i32
        %cond3A_100 = arith.constant 0 : i32
        %cond3A_101 = arith.cmpi ne, %convert_element_type3A_99, %cond3A_100 : i32
        scf.if %cond3A_101 {
          %eq3A_112 = arith.constant 0 : i32
          %eq3A_113 = arith.cmpi eq, %rem3A_83, %eq3A_112 : i32
          %convert_element_type3A_114 = arith.extui %eq3A_113 : i1 to i32
          %cond3A_115 = arith.constant 0 : i32
          %cond3A_116 = arith.cmpi ne, %convert_element_type3A_114, %cond3A_115 : i32
          scf.if %cond3A_116 {
            %eq3A_122 = arith.constant 0 : i32
            %eq3A_123 = arith.cmpi eq, %rem3A_36, %eq3A_122 : i32
            %convert_element_type3A_124 = arith.extui %eq3A_123 : i1 to i32
            %cond3A_125 = arith.constant 0 : i32
            %cond3A_126 = arith.cmpi ne, %convert_element_type3A_124, %cond3A_125 : i32
            scf.if %cond3A_126 {
              %dma_start3A_132 = arith.constant 0 : i32
              %dma_start3A_133 = tpu.memref_slice %arg8[%rem3A_85, %dma_start3A_132] : memref<16x128xi32, #tpu.memory_space<vmem>> -> memref<1x128xi32, #tpu.memory_space<vmem>>
              %dma_start3A_134 = tpu.memref_squeeze %dma_start3A_133 : memref<1x128xi32, #tpu.memory_space<vmem>> -> memref<128xi32, #tpu.memory_space<vmem>>
              %dma_start3A_135 = arith.constant 0 : i32
              %dma_start3A_136 = arith.constant 0 : i32
              %dma_start3A_137 = tpu.memref_slice %arg3[%dma_start3A_135, %dma_start3A_136] : memref<10240x128xf32, #tpu.memory_space<hbm>> -> memref<10240x128xf32, #tpu.memory_space<hbm>>
              tpu.enqueue_indirect_dma source(%dma_start3A_137 : memref<10240x128xf32, #tpu.memory_space<hbm>>) target(%arg13 : memref<128x128xf32, #tpu.memory_space<vmem>>) offsets(%dma_start3A_134 : memref<128xi32, #tpu.memory_space<vmem>>) semaphore(%arg15 : memref<!tpu.dma_semaphore, #tpu.memory_space<semaphore_mem>>)
            } else {
            }
            %eq3A_127 = arith.constant 1 : i32
            %eq3A_128 = arith.cmpi eq, %rem3A_36, %eq3A_127 : i32
            %convert_element_type3A_129 = arith.extui %eq3A_128 : i1 to i32
            %cond3A_130 = arith.constant 0 : i32
            %cond3A_131 = arith.cmpi ne, %convert_element_type3A_129, %cond3A_130 : i32
            scf.if %cond3A_131 {
              %dma_start3A_132 = arith.constant 0 : i32
              %dma_start3A_133 = tpu.memref_slice %arg8[%rem3A_85, %dma_start3A_132] : memref<16x128xi32, #tpu.memory_space<vmem>> -> memref<1x128xi32, #tpu.memory_space<vmem>>
              %dma_start3A_134 = tpu.memref_squeeze %dma_start3A_133 : memref<1x128xi32, #tpu.memory_space<vmem>> -> memref<128xi32, #tpu.memory_space<vmem>>
              %dma_start3A_135 = arith.constant 0 : i32
              %dma_start3A_136 = arith.constant 0 : i32
              %dma_start3A_137 = tpu.memref_slice %arg3[%dma_start3A_135, %dma_start3A_136] : memref<10240x128xf32, #tpu.memory_space<hbm>> -> memref<10240x128xf32, #tpu.memory_space<hbm>>
              tpu.enqueue_indirect_dma source(%dma_start3A_137 : memref<10240x128xf32, #tpu.memory_space<hbm>>) target(%arg12 : memref<128x128xf32, #tpu.memory_space<vmem>>) offsets(%dma_start3A_134 : memref<128xi32, #tpu.memory_space<vmem>>) semaphore(%arg14 : memref<!tpu.dma_semaphore, #tpu.memory_space<semaphore_mem>>)
            } else {
            }
          } else {
          }
          %eq3A_117 = arith.constant 1 : i32
          %eq3A_118 = arith.cmpi eq, %rem3A_83, %eq3A_117 : i32
          %convert_element_type3A_119 = arith.extui %eq3A_118 : i1 to i32
          %cond3A_120 = arith.constant 0 : i32
          %cond3A_121 = arith.cmpi ne, %convert_element_type3A_119, %cond3A_120 : i32
          scf.if %cond3A_121 {
            %eq3A_122 = arith.constant 0 : i32
            %eq3A_123 = arith.cmpi eq, %rem3A_36, %eq3A_122 : i32
            %convert_element_type3A_124 = arith.extui %eq3A_123 : i1 to i32
            %cond3A_125 = arith.constant 0 : i32
            %cond3A_126 = arith.cmpi ne, %convert_element_type3A_124, %cond3A_125 : i32
            scf.if %cond3A_126 {
              %dma_start3A_132 = arith.constant 0 : i32
              %dma_start3A_133 = tpu.memref_slice %arg9[%rem3A_85, %dma_start3A_132] : memref<16x128xi32, #tpu.memory_space<vmem>> -> memref<1x128xi32, #tpu.memory_space<vmem>>
              %dma_start3A_134 = tpu.memref_squeeze %dma_start3A_133 : memref<1x128xi32, #tpu.memory_space<vmem>> -> memref<128xi32, #tpu.memory_space<vmem>>
              %dma_start3A_135 = arith.constant 0 : i32
              %dma_start3A_136 = arith.constant 0 : i32
              %dma_start3A_137 = tpu.memref_slice %arg3[%dma_start3A_135, %dma_start3A_136] : memref<10240x128xf32, #tpu.memory_space<hbm>> -> memref<10240x128xf32, #tpu.memory_space<hbm>>
              tpu.enqueue_indirect_dma source(%dma_start3A_137 : memref<10240x128xf32, #tpu.memory_space<hbm>>) target(%arg13 : memref<128x128xf32, #tpu.memory_space<vmem>>) offsets(%dma_start3A_134 : memref<128xi32, #tpu.memory_space<vmem>>) semaphore(%arg15 : memref<!tpu.dma_semaphore, #tpu.memory_space<semaphore_mem>>)
            } else {
            }
            %eq3A_127 = arith.constant 1 : i32
            %eq3A_128 = arith.cmpi eq, %rem3A_36, %eq3A_127 : i32
            %convert_element_type3A_129 = arith.extui %eq3A_128 : i1 to i32
            %cond3A_130 = arith.constant 0 : i32
            %cond3A_131 = arith.cmpi ne, %convert_element_type3A_129, %cond3A_130 : i32
            scf.if %cond3A_131 {
              %dma_start3A_132 = arith.constant 0 : i32
              %dma_start3A_133 = tpu.memref_slice %arg9[%rem3A_85, %dma_start3A_132] : memref<16x128xi32, #tpu.memory_space<vmem>> -> memref<1x128xi32, #tpu.memory_space<vmem>>
              %dma_start3A_134 = tpu.memref_squeeze %dma_start3A_133 : memref<1x128xi32, #tpu.memory_space<vmem>> -> memref<128xi32, #tpu.memory_space<vmem>>
              %dma_start3A_135 = arith.constant 0 : i32
              %dma_start3A_136 = arith.constant 0 : i32
              %dma_start3A_137 = tpu.memref_slice %arg3[%dma_start3A_135, %dma_start3A_136] : memref<10240x128xf32, #tpu.memory_space<hbm>> -> memref<10240x128xf32, #tpu.memory_space<hbm>>
              tpu.enqueue_indirect_dma source(%dma_start3A_137 : memref<10240x128xf32, #tpu.memory_space<hbm>>) target(%arg12 : memref<128x128xf32, #tpu.memory_space<vmem>>) offsets(%dma_start3A_134 : memref<128xi32, #tpu.memory_space<vmem>>) semaphore(%arg14 : memref<!tpu.dma_semaphore, #tpu.memory_space<semaphore_mem>>)
            } else {
            }
          } else {
          }
        } else {
        }
        %eq3A_102 = arith.constant 0 : i32
        %eq3A_103 = arith.cmpi eq, %rem3A_57, %eq3A_102 : i32
        %convert_element_type3A_104 = arith.extui %eq3A_103 : i1 to i32
        %cond3A_105 = arith.constant 0 : i32
        %cond3A_106 = arith.cmpi ne, %convert_element_type3A_104, %cond3A_105 : i32
        scf.if %cond3A_106 {
          %eq3A_112 = arith.constant 0 : i32
          %eq3A_113 = arith.cmpi eq, %rem3A_36, %eq3A_112 : i32
          %convert_element_type3A_114 = arith.extui %eq3A_113 : i1 to i32
          %cond3A_115 = arith.constant 0 : i32
          %cond3A_116 = arith.cmpi ne, %convert_element_type3A_114, %cond3A_115 : i32
          scf.if %cond3A_116 {
            %dma_wait3A_122 = arith.constant 0 : i32
            %dma_wait3A_123 = arith.constant 0 : i32
            %dma_wait3A_124 = tpu.memref_slice %arg8[%dma_wait3A_122, %dma_wait3A_123] : memref<16x128xi32, #tpu.memory_space<vmem>> -> memref<1x128xi32, #tpu.memory_space<vmem>>
            %dma_wait3A_125 = tpu.memref_squeeze %dma_wait3A_124 : memref<1x128xi32, #tpu.memory_space<vmem>> -> memref<128xi32, #tpu.memory_space<vmem>>
            %dma_wait3A_126 = arith.constant 0 : i32
            %dma_wait3A_127 = arith.constant 0 : i32
            %dma_wait3A_128 = tpu.memref_slice %arg3[%dma_wait3A_126, %dma_wait3A_127] : memref<10240x128xf32, #tpu.memory_space<hbm>> -> memref<10240x128xf32, #tpu.memory_space<hbm>>
            tpu.wait_indirect_dma semaphore(%arg14 : memref<!tpu.dma_semaphore, #tpu.memory_space<semaphore_mem>>) src(%dma_wait3A_128 : memref<10240x128xf32, #tpu.memory_space<hbm>>) dst(%arg12 : memref<128x128xf32, #tpu.memory_space<vmem>>)
            %rem3A_129 = arith.constant 16 : i32
            %rem3A_130 = arith.remsi %scan3A_35, %rem3A_129 : i32
            %dma_start3A_131 = arith.constant 0 : i32
            %dma_start3A_132 = tpu.memref_slice %arg10[%rem3A_130, %dma_start3A_131] : memref<16x128xi32, #tpu.memory_space<vmem>> -> memref<1x128xi32, #tpu.memory_space<vmem>>
            %dma_start3A_133 = tpu.memref_squeeze %dma_start3A_132 : memref<1x128xi32, #tpu.memory_space<vmem>> -> memref<128xi32, #tpu.memory_space<vmem>>
            %dma_start3A_134 = arith.constant 0 : i32
            %dma_start3A_135 = arith.constant 0 : i32
            %dma_start3A_136 = tpu.memref_slice %arg18[%dma_start3A_134, %dma_start3A_135] : memref<10240x128xf32, #tpu.memory_space<vmem_shared>> -> memref<10240x128xf32, #tpu.memory_space<vmem_shared>>
            tpu.enqueue_indirect_dma source(%arg12 : memref<128x128xf32, #tpu.memory_space<vmem>>) target(%dma_start3A_136 : memref<10240x128xf32, #tpu.memory_space<vmem_shared>>) offsets(%dma_start3A_133 : memref<128xi32, #tpu.memory_space<vmem>>) semaphore(%arg16 : memref<!tpu.dma_semaphore, #tpu.memory_space<semaphore_mem>>) {add = true}
          } else {
          }
          %eq3A_117 = arith.constant 1 : i32
          %eq3A_118 = arith.cmpi eq, %rem3A_36, %eq3A_117 : i32
          %convert_element_type3A_119 = arith.extui %eq3A_118 : i1 to i32
          %cond3A_120 = arith.constant 0 : i32
          %cond3A_121 = arith.cmpi ne, %convert_element_type3A_119, %cond3A_120 : i32
          scf.if %cond3A_121 {
            %dma_wait3A_122 = arith.constant 0 : i32
            %dma_wait3A_123 = arith.constant 0 : i32
            %dma_wait3A_124 = tpu.memref_slice %arg8[%dma_wait3A_122, %dma_wait3A_123] : memref<16x128xi32, #tpu.memory_space<vmem>> -> memref<1x128xi32, #tpu.memory_space<vmem>>
            %dma_wait3A_125 = tpu.memref_squeeze %dma_wait3A_124 : memref<1x128xi32, #tpu.memory_space<vmem>> -> memref<128xi32, #tpu.memory_space<vmem>>
            %dma_wait3A_126 = arith.constant 0 : i32
            %dma_wait3A_127 = arith.constant 0 : i32
            %dma_wait3A_128 = tpu.memref_slice %arg3[%dma_wait3A_126, %dma_wait3A_127] : memref<10240x128xf32, #tpu.memory_space<hbm>> -> memref<10240x128xf32, #tpu.memory_space<hbm>>
            tpu.wait_indirect_dma semaphore(%arg15 : memref<!tpu.dma_semaphore, #tpu.memory_space<semaphore_mem>>) src(%dma_wait3A_128 : memref<10240x128xf32, #tpu.memory_space<hbm>>) dst(%arg13 : memref<128x128xf32, #tpu.memory_space<vmem>>)
            %rem3A_129 = arith.constant 16 : i32
            %rem3A_130 = arith.remsi %scan3A_35, %rem3A_129 : i32
            %dma_start3A_131 = arith.constant 0 : i32
            %dma_start3A_132 = tpu.memref_slice %arg10[%rem3A_130, %dma_start3A_131] : memref<16x128xi32, #tpu.memory_space<vmem>> -> memref<1x128xi32, #tpu.memory_space<vmem>>
            %dma_start3A_133 = tpu.memref_squeeze %dma_start3A_132 : memref<1x128xi32, #tpu.memory_space<vmem>> -> memref<128xi32, #tpu.memory_space<vmem>>
            %dma_start3A_134 = arith.constant 0 : i32
            %dma_start3A_135 = arith.constant 0 : i32
            %dma_start3A_136 = tpu.memref_slice %arg18[%dma_start3A_134, %dma_start3A_135] : memref<10240x128xf32, #tpu.memory_space<vmem_shared>> -> memref<10240x128xf32, #tpu.memory_space<vmem_shared>>
            tpu.enqueue_indirect_dma source(%arg13 : memref<128x128xf32, #tpu.memory_space<vmem>>) target(%dma_start3A_136 : memref<10240x128xf32, #tpu.memory_space<vmem_shared>>) offsets(%dma_start3A_133 : memref<128xi32, #tpu.memory_space<vmem>>) semaphore(%arg17 : memref<!tpu.dma_semaphore, #tpu.memory_space<semaphore_mem>>) {add = true}
          } else {
          }
        } else {
        }
        %eq3A_107 = arith.constant 1 : i32
        %eq3A_108 = arith.cmpi eq, %rem3A_57, %eq3A_107 : i32
        %convert_element_type3A_109 = arith.extui %eq3A_108 : i1 to i32
        %cond3A_110 = arith.constant 0 : i32
        %cond3A_111 = arith.cmpi ne, %convert_element_type3A_109, %cond3A_110 : i32
        scf.if %cond3A_111 {
          %eq3A_112 = arith.constant 0 : i32
          %eq3A_113 = arith.cmpi eq, %rem3A_36, %eq3A_112 : i32
          %convert_element_type3A_114 = arith.extui %eq3A_113 : i1 to i32
          %cond3A_115 = arith.constant 0 : i32
          %cond3A_116 = arith.cmpi ne, %convert_element_type3A_114, %cond3A_115 : i32
          scf.if %cond3A_116 {
            %dma_wait3A_122 = arith.constant 0 : i32
            %dma_wait3A_123 = arith.constant 0 : i32
            %dma_wait3A_124 = tpu.memref_slice %arg9[%dma_wait3A_122, %dma_wait3A_123] : memref<16x128xi32, #tpu.memory_space<vmem>> -> memref<1x128xi32, #tpu.memory_space<vmem>>
            %dma_wait3A_125 = tpu.memref_squeeze %dma_wait3A_124 : memref<1x128xi32, #tpu.memory_space<vmem>> -> memref<128xi32, #tpu.memory_space<vmem>>
            %dma_wait3A_126 = arith.constant 0 : i32
            %dma_wait3A_127 = arith.constant 0 : i32
            %dma_wait3A_128 = tpu.memref_slice %arg3[%dma_wait3A_126, %dma_wait3A_127] : memref<10240x128xf32, #tpu.memory_space<hbm>> -> memref<10240x128xf32, #tpu.memory_space<hbm>>
            tpu.wait_indirect_dma semaphore(%arg14 : memref<!tpu.dma_semaphore, #tpu.memory_space<semaphore_mem>>) src(%dma_wait3A_128 : memref<10240x128xf32, #tpu.memory_space<hbm>>) dst(%arg12 : memref<128x128xf32, #tpu.memory_space<vmem>>)
            %rem3A_129 = arith.constant 16 : i32
            %rem3A_130 = arith.remsi %scan3A_35, %rem3A_129 : i32
            %dma_start3A_131 = arith.constant 0 : i32
            %dma_start3A_132 = tpu.memref_slice %arg11[%rem3A_130, %dma_start3A_131] : memref<16x128xi32, #tpu.memory_space<vmem>> -> memref<1x128xi32, #tpu.memory_space<vmem>>
            %dma_start3A_133 = tpu.memref_squeeze %dma_start3A_132 : memref<1x128xi32, #tpu.memory_space<vmem>> -> memref<128xi32, #tpu.memory_space<vmem>>
            %dma_start3A_134 = arith.constant 0 : i32
            %dma_start3A_135 = arith.constant 0 : i32
            %dma_start3A_136 = tpu.memref_slice %arg18[%dma_start3A_134, %dma_start3A_135] : memref<10240x128xf32, #tpu.memory_space<vmem_shared>> -> memref<10240x128xf32, #tpu.memory_space<vmem_shared>>
            tpu.enqueue_indirect_dma source(%arg12 : memref<128x128xf32, #tpu.memory_space<vmem>>) target(%dma_start3A_136 : memref<10240x128xf32, #tpu.memory_space<vmem_shared>>) offsets(%dma_start3A_133 : memref<128xi32, #tpu.memory_space<vmem>>) semaphore(%arg16 : memref<!tpu.dma_semaphore, #tpu.memory_space<semaphore_mem>>) {add = true}
          } else {
          }
          %eq3A_117 = arith.constant 1 : i32
          %eq3A_118 = arith.cmpi eq, %rem3A_36, %eq3A_117 : i32
          %convert_element_type3A_119 = arith.extui %eq3A_118 : i1 to i32
          %cond3A_120 = arith.constant 0 : i32
          %cond3A_121 = arith.cmpi ne, %convert_element_type3A_119, %cond3A_120 : i32
          scf.if %cond3A_121 {
            %dma_wait3A_122 = arith.constant 0 : i32
            %dma_wait3A_123 = arith.constant 0 : i32
            %dma_wait3A_124 = tpu.memref_slice %arg9[%dma_wait3A_122, %dma_wait3A_123] : memref<16x128xi32, #tpu.memory_space<vmem>> -> memref<1x128xi32, #tpu.memory_space<vmem>>
            %dma_wait3A_125 = tpu.memref_squeeze %dma_wait3A_124 : memref<1x128xi32, #tpu.memory_space<vmem>> -> memref<128xi32, #tpu.memory_space<vmem>>
            %dma_wait3A_126 = arith.constant 0 : i32
            %dma_wait3A_127 = arith.constant 0 : i32
            %dma_wait3A_128 = tpu.memref_slice %arg3[%dma_wait3A_126, %dma_wait3A_127] : memref<10240x128xf32, #tpu.memory_space<hbm>> -> memref<10240x128xf32, #tpu.memory_space<hbm>>
            tpu.wait_indirect_dma semaphore(%arg15 : memref<!tpu.dma_semaphore, #tpu.memory_space<semaphore_mem>>) src(%dma_wait3A_128 : memref<10240x128xf32, #tpu.memory_space<hbm>>) dst(%arg13 : memref<128x128xf32, #tpu.memory_space<vmem>>)
            %rem3A_129 = arith.constant 16 : i32
            %rem3A_130 = arith.remsi %scan3A_35, %rem3A_129 : i32
            %dma_start3A_131 = arith.constant 0 : i32
            %dma_start3A_132 = tpu.memref_slice %arg11[%rem3A_130, %dma_start3A_131] : memref<16x128xi32, #tpu.memory_space<vmem>> -> memref<1x128xi32, #tpu.memory_space<vmem>>
            %dma_start3A_133 = tpu.memref_squeeze %dma_start3A_132 : memref<1x128xi32, #tpu.memory_space<vmem>> -> memref<128xi32, #tpu.memory_space<vmem>>
            %dma_start3A_134 = arith.constant 0 : i32
            %dma_start3A_135 = arith.constant 0 : i32
            %dma_start3A_136 = tpu.memref_slice %arg18[%dma_start3A_134, %dma_start3A_135] : memref<10240x128xf32, #tpu.memory_space<vmem_shared>> -> memref<10240x128xf32, #tpu.memory_space<vmem_shared>>
            tpu.enqueue_indirect_dma source(%arg13 : memref<128x128xf32, #tpu.memory_space<vmem>>) target(%dma_start3A_136 : memref<10240x128xf32, #tpu.memory_space<vmem_shared>>) offsets(%dma_start3A_133 : memref<128xi32, #tpu.memory_space<vmem>>) semaphore(%arg17 : memref<!tpu.dma_semaphore, #tpu.memory_space<semaphore_mem>>) {add = true}
          } else {
          }
        } else {
        }
      }
      %scan3A_23 = arith.constant 160 : i32
      %dma_wait3A = arith.constant 0 : i32
      %dma_wait3A_24 = arith.constant 0 : i32
      %dma_wait3A_25 = tpu.memref_slice %arg10[%dma_wait3A, %dma_wait3A_24] : memref<16x128xi32, #tpu.memory_space<vmem>> -> memref<1x128xi32, #tpu.memory_space<vmem>>
      %dma_wait3A_26 = tpu.memref_squeeze %dma_wait3A_25 : memref<1x128xi32, #tpu.memory_space<vmem>> -> memref<128xi32, #tpu.memory_space<vmem>>
      %dma_wait3A_27 = arith.constant 0 : i32
      %dma_wait3A_28 = arith.constant 0 : i32
      %dma_wait3A_29 = tpu.memref_slice %arg18[%dma_wait3A_27, %dma_wait3A_28] : memref<10240x128xf32, #tpu.memory_space<vmem_shared>> -> memref<10240x128xf32, #tpu.memory_space<vmem_shared>>
      tpu.wait_indirect_dma semaphore(%arg17 : memref<!tpu.dma_semaphore, #tpu.memory_space<semaphore_mem>>) src(%arg13 : memref<128x128xf32, #tpu.memory_space<vmem>>) dst(%dma_wait3A_29 : memref<10240x128xf32, #tpu.memory_space<vmem_shared>>)
      %barrier3A_30 = arith.constant 0 : index
      tpu.barrier barrier_id(%barrier3A_30)
      %mul3A_31 = arith.constant 640 : i32
      %mul3A_32 = arith.muli %arg1, %mul3A_31 : i32
      %mul3A_33 = arith.constant 640 : i32
      %mul3A_34 = arith.muli %arg1, %mul3A_33 : i32
      "tpu.region"() ({
        %run_scoped3A = tpu.sem_alloc : memref<!tpu.dma_semaphore, #tpu.memory_space<semaphore_mem>>
        %dma_start3A_35 = arith.constant 0 : i32
        %dma_start3A_36 = tpu.memref_slice %arg7[%mul3A_34, %dma_start3A_35] : memref<10240x128xf32, #tpu.memory_space<hbm>> -> memref<640x128xf32, #tpu.memory_space<hbm>>
        %dma_start3A_37 = arith.constant 0 : i32
        %dma_start3A_38 = tpu.memref_slice %arg18[%mul3A_32, %dma_start3A_37] : memref<10240x128xf32, #tpu.memory_space<vmem_shared>> -> memref<640x128xf32, #tpu.memory_space<vmem_shared>>
        tpu.enqueue_dma source(%dma_start3A_38 : memref<640x128xf32, #tpu.memory_space<vmem_shared>>) target(%dma_start3A_36 : memref<640x128xf32, #tpu.memory_space<hbm>>) target_semaphore(%run_scoped3A : memref<!tpu.dma_semaphore, #tpu.memory_space<semaphore_mem>>)
        %dma_wait3A_39 = arith.constant 0 : i32
        %dma_wait3A_40 = tpu.memref_slice %arg7[%mul3A_34, %dma_wait3A_39] : memref<10240x128xf32, #tpu.memory_space<hbm>> -> memref<640x128xf32, #tpu.memory_space<hbm>>
        %dma_wait3A_41 = arith.constant 0 : i32
        %dma_wait3A_42 = tpu.memref_slice %arg18[%mul3A_32, %dma_wait3A_41] : memref<10240x128xf32, #tpu.memory_space<vmem_shared>> -> memref<640x128xf32, #tpu.memory_space<vmem_shared>>
        tpu.wait_dma2 semaphore(%run_scoped3A : memref<!tpu.dma_semaphore, #tpu.memory_space<semaphore_mem>>) src(%dma_wait3A_42 : memref<640x128xf32, #tpu.memory_space<vmem_shared>>) dst(%dma_wait3A_40 : memref<640x128xf32, #tpu.memory_space<hbm>>)
        tpu.yield
      }) : () -> ()
    } else {
    }
    return
  }
}

module attributes {stable_mosaic.version = 14 : i64} {
  func.func @_k1_body(%arg0: i32, %arg1: memref<512x128xf32, #tpu.memory_space<vmem>>, %arg2: memref<128x256xf32, #tpu.memory_space<vmem>>, %arg3: memref<512x128xf32, #tpu.memory_space<vmem>>, %arg4: memref<512x128xf32, #tpu.memory_space<vmem>>, %arg5: memref<512x128xf32, #tpu.memory_space<vmem>>, %arg6: memref<512x128xf32, #tpu.memory_space<vmem>>) attributes {dimension_semantics = [#tpu.dimension_semantics<arbitrary>], iteration_bounds = array<i64: 20>, scalar_prefetch = 0 : i64, scratch_operands = 0 : i64, tpu.core_type = #tpu.core_type<tc>, window_params = [{transform_indices = @transform_0, window_bounds = array<i64: 512, 128>}, {pipeline_mode = #tpu.pipeline_mode<synchronous>, transform_indices = @transform_1, window_bounds = array<i64: 128, 256>}, {transform_indices = @transform_2, window_bounds = array<i64: 512, 128>}, {transform_indices = @transform_3, window_bounds = array<i64: 512, 128>}, {transform_indices = @transform_4, window_bounds = array<i64: 512, 128>}, {transform_indices = @transform_5, window_bounds = array<i64: 512, 128>}]} {
    %get3A = arith.constant 0 : index
    %get3A_0 = arith.constant 0 : index
    %get3A_1 = vector.load %arg3[%get3A, %get3A_0] : memref<512x128xf32, #tpu.memory_space<vmem>>, vector<512x128xf32>
    %get3A_2 = arith.constant 0 : index
    %get3A_3 = arith.constant 0 : index
    %get3A_4 = vector.load %arg4[%get3A_2, %get3A_3] : memref<512x128xf32, #tpu.memory_space<vmem>>, vector<512x128xf32>
    %slice3A = vector.extract_strided_slice %get3A_1 {offsets = [0, 0], sizes = [512, 1], strides = [1, 1]} : vector<512x128xf32> to vector<512x1xf32>
    %slice3A_5 = vector.extract_strided_slice %get3A_4 {offsets = [0, 0], sizes = [512, 1], strides = [1, 1]} : vector<512x128xf32> to vector<512x1xf32>
    %add3A = arith.addf %slice3A, %slice3A_5 : vector<512x1xf32>
    %sub3A = arith.constant 1.000000e+00 : f32
    %sub3A_6 = vector.broadcast %sub3A : f32 to vector<512x1xf32>
    %sub3A_7 = arith.subf %add3A, %sub3A_6 : vector<512x1xf32>
    %rsqrt3A = math.rsqrt %sub3A_7 : vector<512x1xf32>
    %get3A_8 = arith.constant 0 : index
    %get3A_9 = arith.constant 0 : index
    %get3A_10 = vector.load %arg1[%get3A_8, %get3A_9] : memref<512x128xf32, #tpu.memory_space<vmem>>, vector<512x128xf32>
    %get3A_11 = arith.constant 0 : index
    %get3A_12 = arith.constant 0 : index
    %get3A_13 = vector.load %arg2[%get3A_11, %get3A_12] : memref<128x256xf32, #tpu.memory_space<vmem>>, vector<128x256xf32>
    %dot_general3A = arith.constant dense<0.000000e+00> : vector<512x256xf32>
    %dot_general3A_14 = tpu.matmul %get3A_10, %get3A_13, %dot_general3A {dimension_numbers = #tpu.dot_dimension_numbers<[1], [0], [0], [1], [0, 0, 1, 1], [], []>, precision = #tpu.contract_precision<fp32>, transpose_lhs_hint = false} : vector<512x128xf32>, vector<128x256xf32>, vector<512x256xf32> -> vector<512x256xf32>
    %mul3A = vector.broadcast %rsqrt3A : vector<512x1xf32> to vector<512x256xf32>
    %mul3A_15 = arith.mulf %dot_general3A_14, %mul3A : vector<512x256xf32>
    %slice3A_16 = vector.extract_strided_slice %mul3A_15 {offsets = [0, 0], sizes = [512, 128], strides = [1, 1]} : vector<512x256xf32> to vector<512x128xf32>
    %swap3A = arith.constant 0 : index
    %swap3A_17 = arith.constant 0 : index
    %swap3A_18 = vector.load %arg5[%swap3A, %swap3A_17] : memref<512x128xf32, #tpu.memory_space<vmem>>, vector<512x128xf32>
    tpu.vector_store %arg5[%swap3A, %swap3A_17], %slice3A_16 {strides = array<i32>} : memref<512x128xf32, #tpu.memory_space<vmem>>, vector<512x128xf32>,
    %slice3A_19 = vector.extract_strided_slice %mul3A_15 {offsets = [0, 128], sizes = [512, 128], strides = [1, 1]} : vector<512x256xf32> to vector<512x128xf32>
    %swap3A_20 = arith.constant 0 : index
    %swap3A_21 = arith.constant 0 : index
    %swap3A_22 = vector.load %arg6[%swap3A_20, %swap3A_21] : memref<512x128xf32, #tpu.memory_space<vmem>>, vector<512x128xf32>
    tpu.vector_store %arg6[%swap3A_20, %swap3A_21], %slice3A_19 {strides = array<i32>} : memref<512x128xf32, #tpu.memory_space<vmem>>, vector<512x128xf32>,
    return
  }
  func.func @transform_0(%arg0: i32) -> (i32, i32) {
    %c0_i32 = arith.constant 0 : i32
    %c0_i32_0 = arith.constant 0 : i32
    return %arg0, %c0_i32 : i32, i32
  }
  func.func @transform_1(%arg0: i32) -> (i32, i32) {
    %c0_i32 = arith.constant 0 : i32
    %c0_i32_0 = arith.constant 0 : i32
    %c0_i32_1 = arith.constant 0 : i32
    return %c0_i32, %c0_i32_0 : i32, i32
  }
  func.func @transform_2(%arg0: i32) -> (i32, i32) {
    %c0_i32 = arith.constant 0 : i32
    %c0_i32_0 = arith.constant 0 : i32
    return %arg0, %c0_i32 : i32, i32
  }
  func.func @transform_3(%arg0: i32) -> (i32, i32) {
    %c0_i32 = arith.constant 0 : i32
    %c0_i32_0 = arith.constant 0 : i32
    return %arg0, %c0_i32 : i32, i32
  }
  func.func @transform_4(%arg0: i32) -> (i32, i32) {
    %c0_i32 = arith.constant 0 : i32
    %c0_i32_0 = arith.constant 0 : i32
    return %arg0, %c0_i32 : i32, i32
  }
  func.func @transform_5(%arg0: i32) -> (i32, i32) {
    %c0_i32 = arith.constant 0 : i32
    %c0_i32_0 = arith.constant 0 : i32
    return %arg0, %c0_i32 : i32, i32
  }
}

module attributes {stable_mosaic.version = 14 : i64} {
  func.func @_ks_body(%arg0: i32, %arg1: memref<512x128xf32, #tpu.memory_space<vmem>>, %arg2: memref<512x128xf32, #tpu.memory_space<vmem>>, %arg3: memref<512x128xf32, #tpu.memory_space<vmem>>, %arg4: memref<512x128xf32, #tpu.memory_space<vmem>>, %arg5: memref<1x256xf32, #tpu.memory_space<vmem>>, %arg6: memref<1x256xf32, #tpu.memory_space<vmem>>, %arg7: memref<1x256xf32, #tpu.memory_space<vmem>>) attributes {dimension_semantics = [#tpu.dimension_semantics<arbitrary>], iteration_bounds = array<i64: 20>, scalar_prefetch = 0 : i64, scratch_operands = 0 : i64, tpu.core_type = #tpu.core_type<tc>, window_params = [{transform_indices = @transform_0, window_bounds = array<i64: 512, 128>}, {transform_indices = @transform_1, window_bounds = array<i64: 512, 128>}, {transform_indices = @transform_2, window_bounds = array<i64: 512, 128>}, {transform_indices = @transform_3, window_bounds = array<i64: 512, 128>}, {pipeline_mode = #tpu.pipeline_mode<synchronous>, transform_indices = @transform_4, window_bounds = array<i64: 1, 256>}, {pipeline_mode = #tpu.pipeline_mode<synchronous>, transform_indices = @transform_5, window_bounds = array<i64: 1, 256>}, {pipeline_mode = #tpu.pipeline_mode<synchronous>, transform_indices = @transform_6, window_bounds = array<i64: 1, 256>}]} {
    %get3A = arith.constant 0 : index
    %get3A_0 = arith.constant 0 : index
    %get3A_1 = vector.load %arg3[%get3A, %get3A_0] : memref<512x128xf32, #tpu.memory_space<vmem>>, vector<512x128xf32>
    %get3A_2 = arith.constant 0 : index
    %get3A_3 = arith.constant 0 : index
    %get3A_4 = vector.load %arg4[%get3A_2, %get3A_3] : memref<512x128xf32, #tpu.memory_space<vmem>>, vector<512x128xf32>
    %slice3A = vector.extract_strided_slice %get3A_1 {offsets = [0, 0], sizes = [512, 1], strides = [1, 1]} : vector<512x128xf32> to vector<512x1xf32>
    %slice3A_5 = vector.extract_strided_slice %get3A_4 {offsets = [0, 0], sizes = [512, 1], strides = [1, 1]} : vector<512x128xf32> to vector<512x1xf32>
    %add3A = arith.addf %slice3A, %slice3A_5 : vector<512x1xf32>
    %sub3A = arith.constant 1.000000e+00 : f32
    %sub3A_6 = vector.broadcast %sub3A : f32 to vector<512x1xf32>
    %sub3A_7 = arith.subf %add3A, %sub3A_6 : vector<512x1xf32>
    %rsqrt3A = math.rsqrt %sub3A_7 : vector<512x1xf32>
    %get3A_8 = arith.constant 0 : index
    %get3A_9 = arith.constant 0 : index
    %get3A_10 = vector.load %arg1[%get3A_8, %get3A_9] : memref<512x128xf32, #tpu.memory_space<vmem>>, vector<512x128xf32>
    %get3A_11 = arith.constant 0 : index
    %get3A_12 = arith.constant 0 : index
    %get3A_13 = vector.load %arg2[%get3A_11, %get3A_12] : memref<512x128xf32, #tpu.memory_space<vmem>>, vector<512x128xf32>
    %get3A_14 = arith.constant 0 : index
    %get3A_15 = arith.constant 0 : index
    %get3A_16 = vector.load %arg5[%get3A_14, %get3A_15] : memref<1x256xf32, #tpu.memory_space<vmem>>, vector<1x256xf32>
    %concatenate3A = tpu.concatenate %get3A_10, %get3A_13 in 1 : vector<512x128xf32>, vector<512x128xf32> -> vector<512x256xf32>
    %mul3A = vector.broadcast %rsqrt3A : vector<512x1xf32> to vector<512x256xf32>
    %mul3A_17 = arith.mulf %concatenate3A, %mul3A : vector<512x256xf32>
    %add3A_18 = vector.broadcast %get3A_16 : vector<1x256xf32> to vector<512x256xf32>
    %add3A_19 = arith.addf %mul3A_17, %add3A_18 : vector<512x256xf32>
    %iota3A = tpu.iota {dimensions = array<i32: 0>} : vector<512x1xi32>
    %mul3A_20 = arith.constant 512 : i32
    %mul3A_21 = arith.muli %arg0, %mul3A_20 : i32
    %add3A_22 = vector.broadcast %mul3A_21 : i32 to vector<512x1xi32>
    %add3A_23 = arith.addi %iota3A, %add3A_22 : vector<512x1xi32>
    %lt3A = arith.constant 10000 : i32
    %lt3A_24 = vector.broadcast %lt3A : i32 to vector<512x1xi32>
    %lt3A_25 = arith.cmpi slt, %add3A_23, %lt3A_24 : vector<512x1xi32>
    %jit3A = arith.constant 0.000000e+00 : f32
    %broadcast_in_dim3A = vector.shape_cast %lt3A_25 : vector<512x1xi1> to vector<512x1xi1>
    %broadcast_in_dim3A_26 = vector.broadcast %broadcast_in_dim3A : vector<512x1xi1> to vector<512x256xi1>
    %broadcast_in_dim3A_27 = vector.broadcast %jit3A : f32 to vector<512x256xf32>
    %select_n3A = arith.select %broadcast_in_dim3A_26, %add3A_19, %broadcast_in_dim3A_27 : vector<512x256xi1>, vector<512x256xf32>
    %reduce_sum3A = arith.constant dense<0.000000e+00> : vector<256xf32>
    %reduce_sum3A_28 = vector.multi_reduction <add>, %select_n3A, %reduce_sum3A [0] : vector<512x256xf32> to vector<256xf32>
    %broadcast_in_dim3A_29 = vector.shape_cast %reduce_sum3A_28 : vector<256xf32> to vector<1x256xf32>
    %mul3A_30 = arith.mulf %select_n3A, %select_n3A : vector<512x256xf32>
    %reduce_sum3A_31 = arith.constant dense<0.000000e+00> : vector<256xf32>
    %reduce_sum3A_32 = vector.multi_reduction <add>, %mul3A_30, %reduce_sum3A_31 [0] : vector<512x256xf32> to vector<256xf32>
    %broadcast_in_dim3A_33 = vector.shape_cast %reduce_sum3A_32 : vector<256xf32> to vector<1x256xf32>
    %eq3A = arith.constant 0 : i32
    %eq3A_34 = arith.cmpi eq, %arg0, %eq3A : i32
    %convert_element_type3A = arith.extui %eq3A_34 : i1 to i32
    %cond3A = arith.constant 0 : i32
    %cond3A_35 = arith.cmpi ne, %convert_element_type3A, %cond3A : i32
    scf.if %cond3A_35 {
      %swap3A = arith.constant 0 : index
      %swap3A_40 = arith.constant 0 : index
      %swap3A_41 = vector.load %arg6[%swap3A, %swap3A_40] : memref<1x256xf32, #tpu.memory_space<vmem>>, vector<1x256xf32>
      tpu.vector_store %arg6[%swap3A, %swap3A_40], %broadcast_in_dim3A_29 {strides = array<i32>} : memref<1x256xf32, #tpu.memory_space<vmem>>, vector<1x256xf32>,
      %swap3A_42 = arith.constant 0 : index
      %swap3A_43 = arith.constant 0 : index
      %swap3A_44 = vector.load %arg7[%swap3A_42, %swap3A_43] : memref<1x256xf32, #tpu.memory_space<vmem>>, vector<1x256xf32>
      tpu.vector_store %arg7[%swap3A_42, %swap3A_43], %broadcast_in_dim3A_33 {strides = array<i32>} : memref<1x256xf32, #tpu.memory_space<vmem>>, vector<1x256xf32>,
    } else {
    }
    %gt3A = arith.constant 0 : i32
    %gt3A_36 = arith.cmpi sgt, %arg0, %gt3A : i32
    %convert_element_type3A_37 = arith.extui %gt3A_36 : i1 to i32
    %cond3A_38 = arith.constant 0 : i32
    %cond3A_39 = arith.cmpi ne, %convert_element_type3A_37, %cond3A_38 : i32
    scf.if %cond3A_39 {
      %get3A_40 = arith.constant 0 : index
      %get3A_41 = arith.constant 0 : index
      %get3A_42 = vector.load %arg6[%get3A_40, %get3A_41] : memref<1x256xf32, #tpu.memory_space<vmem>>, vector<1x256xf32>
      %add3A_43 = arith.addf %get3A_42, %broadcast_in_dim3A_29 : vector<1x256xf32>
      %swap3A = arith.constant 0 : index
      %swap3A_44 = arith.constant 0 : index
      %swap3A_45 = vector.load %arg6[%swap3A, %swap3A_44] : memref<1x256xf32, #tpu.memory_space<vmem>>, vector<1x256xf32>
      tpu.vector_store %arg6[%swap3A, %swap3A_44], %add3A_43 {strides = array<i32>} : memref<1x256xf32, #tpu.memory_space<vmem>>, vector<1x256xf32>,
      %get3A_46 = arith.constant 0 : index
      %get3A_47 = arith.constant 0 : index
      %get3A_48 = vector.load %arg7[%get3A_46, %get3A_47] : memref<1x256xf32, #tpu.memory_space<vmem>>, vector<1x256xf32>
      %add3A_49 = arith.addf %get3A_48, %broadcast_in_dim3A_33 : vector<1x256xf32>
      %swap3A_50 = arith.constant 0 : index
      %swap3A_51 = arith.constant 0 : index
      %swap3A_52 = vector.load %arg7[%swap3A_50, %swap3A_51] : memref<1x256xf32, #tpu.memory_space<vmem>>, vector<1x256xf32>
      tpu.vector_store %arg7[%swap3A_50, %swap3A_51], %add3A_49 {strides = array<i32>} : memref<1x256xf32, #tpu.memory_space<vmem>>, vector<1x256xf32>,
    } else {
    }
    return
  }
  func.func @transform_0(%arg0: i32) -> (i32, i32) {
    %c0_i32 = arith.constant 0 : i32
    %c0_i32_0 = arith.constant 0 : i32
    return %arg0, %c0_i32 : i32, i32
  }
  func.func @transform_1(%arg0: i32) -> (i32, i32) {
    %c0_i32 = arith.constant 0 : i32
    %c0_i32_0 = arith.constant 0 : i32
    return %arg0, %c0_i32 : i32, i32
  }
  func.func @transform_2(%arg0: i32) -> (i32, i32) {
    %c0_i32 = arith.constant 0 : i32
    %c0_i32_0 = arith.constant 0 : i32
    return %arg0, %c0_i32 : i32, i32
  }
  func.func @transform_3(%arg0: i32) -> (i32, i32) {
    %c0_i32 = arith.constant 0 : i32
    %c0_i32_0 = arith.constant 0 : i32
    return %arg0, %c0_i32 : i32, i32
  }
  func.func @transform_4(%arg0: i32) -> (i32, i32) {
    %c0_i32 = arith.constant 0 : i32
    %c0_i32_0 = arith.constant 0 : i32
    %c0_i32_1 = arith.constant 0 : i32
    return %c0_i32, %c0_i32_0 : i32, i32
  }
  func.func @transform_5(%arg0: i32) -> (i32, i32) {
    %c0_i32 = arith.constant 0 : i32
    %c0_i32_0 = arith.constant 0 : i32
    %c0_i32_1 = arith.constant 0 : i32
    return %c0_i32, %c0_i32_0 : i32, i32
  }
  func.func @transform_6(%arg0: i32) -> (i32, i32) {
    %c0_i32 = arith.constant 0 : i32
    %c0_i32_0 = arith.constant 0 : i32
    %c0_i32_1 = arith.constant 0 : i32
    return %c0_i32, %c0_i32_0 : i32, i32
  }
}

module attributes {stable_mosaic.version = 14 : i64} {
  func.func @_k2_body(%arg0: i32, %arg1: memref<512x128xf32, #tpu.memory_space<vmem>>, %arg2: memref<512x128xf32, #tpu.memory_space<vmem>>, %arg3: memref<512x128xf32, #tpu.memory_space<vmem>>, %arg4: memref<512x128xf32, #tpu.memory_space<vmem>>, %arg5: memref<1x256xf32, #tpu.memory_space<vmem>>, %arg6: memref<1x256xf32, #tpu.memory_space<vmem>>, %arg7: memref<1x256xf32, #tpu.memory_space<vmem>>, %arg8: memref<1x256xf32, #tpu.memory_space<vmem>>, %arg9: memref<1x256xf32, #tpu.memory_space<vmem>>, %arg10: memref<256x256xf32, #tpu.memory_space<vmem>>, %arg11: memref<512x128xf32, #tpu.memory_space<vmem>>, %arg12: memref<512x128xf32, #tpu.memory_space<vmem>>) attributes {dimension_semantics = [#tpu.dimension_semantics<arbitrary>], iteration_bounds = array<i64: 20>, scalar_prefetch = 0 : i64, scratch_operands = 0 : i64, tpu.core_type = #tpu.core_type<tc>, window_params = [{transform_indices = @transform_0, window_bounds = array<i64: 512, 128>}, {transform_indices = @transform_1, window_bounds = array<i64: 512, 128>}, {transform_indices = @transform_2, window_bounds = array<i64: 512, 128>}, {transform_indices = @transform_3, window_bounds = array<i64: 512, 128>}, {pipeline_mode = #tpu.pipeline_mode<synchronous>, transform_indices = @transform_4, window_bounds = array<i64: 1, 256>}, {pipeline_mode = #tpu.pipeline_mode<synchronous>, transform_indices = @transform_5, window_bounds = array<i64: 1, 256>}, {pipeline_mode = #tpu.pipeline_mode<synchronous>, transform_indices = @transform_6, window_bounds = array<i64: 1, 256>}, {pipeline_mode = #tpu.pipeline_mode<synchronous>, transform_indices = @transform_7, window_bounds = array<i64: 1, 256>}, {pipeline_mode = #tpu.pipeline_mode<synchronous>, transform_indices = @transform_8, window_bounds = array<i64: 1, 256>}, {pipeline_mode = #tpu.pipeline_mode<synchronous>, transform_indices = @transform_9, window_bounds = array<i64: 256, 256>}, {transform_indices = @transform_10, window_bounds = array<i64: 512, 128>}, {transform_indices = @transform_11, window_bounds = array<i64: 512, 128>}]} {
    %get3A = arith.constant 0 : index
    %get3A_0 = arith.constant 0 : index
    %get3A_1 = vector.load %arg6[%get3A, %get3A_0] : memref<1x256xf32, #tpu.memory_space<vmem>>, vector<1x256xf32>
    %mul3A = arith.constant 9.99999974E-5 : f32
    %mul3A_2 = vector.broadcast %mul3A : f32 to vector<1x256xf32>
    %mul3A_3 = arith.mulf %get3A_1, %mul3A_2 : vector<1x256xf32>
    %get3A_4 = arith.constant 0 : index
    %get3A_5 = arith.constant 0 : index
    %get3A_6 = vector.load %arg7[%get3A_4, %get3A_5] : memref<1x256xf32, #tpu.memory_space<vmem>>, vector<1x256xf32>
    %mul3A_7 = arith.constant 9.99999974E-5 : f32
    %mul3A_8 = vector.broadcast %mul3A_7 : f32 to vector<1x256xf32>
    %mul3A_9 = arith.mulf %get3A_6, %mul3A_8 : vector<1x256xf32>
    %mul3A_10 = arith.mulf %mul3A_3, %mul3A_3 : vector<1x256xf32>
    %sub3A = arith.subf %mul3A_9, %mul3A_10 : vector<1x256xf32>
    %get3A_11 = arith.constant 0 : index
    %get3A_12 = arith.constant 0 : index
    %get3A_13 = vector.load %arg8[%get3A_11, %get3A_12] : memref<1x256xf32, #tpu.memory_space<vmem>>, vector<1x256xf32>
    %add3A = arith.constant 9.99999974E-6 : f32
    %add3A_14 = vector.broadcast %add3A : f32 to vector<1x256xf32>
    %add3A_15 = arith.addf %sub3A, %add3A_14 : vector<1x256xf32>
    %rsqrt3A = math.rsqrt %add3A_15 : vector<1x256xf32>
    %mul3A_16 = arith.mulf %get3A_13, %rsqrt3A : vector<1x256xf32>
    %get3A_17 = arith.constant 0 : index
    %get3A_18 = arith.constant 0 : index
    %get3A_19 = vector.load %arg9[%get3A_17, %get3A_18] : memref<1x256xf32, #tpu.memory_space<vmem>>, vector<1x256xf32>
    %mul3A_20 = arith.mulf %mul3A_3, %mul3A_16 : vector<1x256xf32>
    %sub3A_21 = arith.subf %get3A_19, %mul3A_20 : vector<1x256xf32>
    %get3A_22 = arith.constant 0 : index
    %get3A_23 = arith.constant 0 : index
    %get3A_24 = vector.load %arg3[%get3A_22, %get3A_23] : memref<512x128xf32, #tpu.memory_space<vmem>>, vector<512x128xf32>
    %get3A_25 = arith.constant 0 : index
    %get3A_26 = arith.constant 0 : index
    %get3A_27 = vector.load %arg4[%get3A_25, %get3A_26] : memref<512x128xf32, #tpu.memory_space<vmem>>, vector<512x128xf32>
    %slice3A = vector.extract_strided_slice %get3A_24 {offsets = [0, 0], sizes = [512, 1], strides = [1, 1]} : vector<512x128xf32> to vector<512x1xf32>
    %slice3A_28 = vector.extract_strided_slice %get3A_27 {offsets = [0, 0], sizes = [512, 1], strides = [1, 1]} : vector<512x128xf32> to vector<512x1xf32>
    %add3A_29 = arith.addf %slice3A, %slice3A_28 : vector<512x1xf32>
    %sub3A_30 = arith.constant 1.000000e+00 : f32
    %sub3A_31 = vector.broadcast %sub3A_30 : f32 to vector<512x1xf32>
    %sub3A_32 = arith.subf %add3A_29, %sub3A_31 : vector<512x1xf32>
    %rsqrt3A_33 = math.rsqrt %sub3A_32 : vector<512x1xf32>
    %get3A_34 = arith.constant 0 : index
    %get3A_35 = arith.constant 0 : index
    %get3A_36 = vector.load %arg1[%get3A_34, %get3A_35] : memref<512x128xf32, #tpu.memory_space<vmem>>, vector<512x128xf32>
    %get3A_37 = arith.constant 0 : index
    %get3A_38 = arith.constant 0 : index
    %get3A_39 = vector.load %arg2[%get3A_37, %get3A_38] : memref<512x128xf32, #tpu.memory_space<vmem>>, vector<512x128xf32>
    %get3A_40 = arith.constant 0 : index
    %get3A_41 = arith.constant 0 : index
    %get3A_42 = vector.load %arg5[%get3A_40, %get3A_41] : memref<1x256xf32, #tpu.memory_space<vmem>>, vector<1x256xf32>
    %concatenate3A = tpu.concatenate %get3A_36, %get3A_39 in 1 : vector<512x128xf32>, vector<512x128xf32> -> vector<512x256xf32>
    %mul3A_43 = vector.broadcast %rsqrt3A_33 : vector<512x1xf32> to vector<512x256xf32>
    %mul3A_44 = arith.mulf %concatenate3A, %mul3A_43 : vector<512x256xf32>
    %add3A_45 = vector.broadcast %get3A_42 : vector<1x256xf32> to vector<512x256xf32>
    %add3A_46 = arith.addf %mul3A_44, %add3A_45 : vector<512x256xf32>
    %mul3A_47 = vector.broadcast %mul3A_16 : vector<1x256xf32> to vector<512x256xf32>
    %mul3A_48 = arith.mulf %add3A_46, %mul3A_47 : vector<512x256xf32>
    %add3A_49 = vector.broadcast %sub3A_21 : vector<1x256xf32> to vector<512x256xf32>
    %add3A_50 = arith.addf %mul3A_48, %add3A_49 : vector<512x256xf32>
    %max3A = arith.constant 0.000000e+00 : f32
    %max3A_51 = vector.broadcast %max3A : f32 to vector<512x256xf32>
    %max3A_52 = arith.maximumf %add3A_50, %max3A_51 : vector<512x256xf32>
    %iota3A = tpu.iota {dimensions = array<i32: 0>} : vector<512x1xi32>
    %mul3A_53 = arith.constant 512 : i32
    %mul3A_54 = arith.muli %arg0, %mul3A_53 : i32
    %add3A_55 = vector.broadcast %mul3A_54 : i32 to vector<512x1xi32>
    %add3A_56 = arith.addi %iota3A, %add3A_55 : vector<512x1xi32>
    %lt3A = arith.constant 10000 : i32
    %lt3A_57 = vector.broadcast %lt3A : i32 to vector<512x1xi32>
    %lt3A_58 = arith.cmpi slt, %add3A_56, %lt3A_57 : vector<512x1xi32>
    %jit3A = arith.constant 0.000000e+00 : f32
    %broadcast_in_dim3A = vector.shape_cast %lt3A_58 : vector<512x1xi1> to vector<512x1xi1>
    %broadcast_in_dim3A_59 = vector.broadcast %broadcast_in_dim3A : vector<512x1xi1> to vector<512x256xi1>
    %broadcast_in_dim3A_60 = vector.broadcast %jit3A : f32 to vector<512x256xf32>
    %select_n3A = arith.select %broadcast_in_dim3A_59, %max3A_52, %broadcast_in_dim3A_60 : vector<512x256xi1>, vector<512x256xf32>
    %get3A_61 = arith.constant 0 : index
    %get3A_62 = arith.constant 0 : index
    %get3A_63 = vector.load %arg10[%get3A_61, %get3A_62] : memref<256x256xf32, #tpu.memory_space<vmem>>, vector<256x256xf32>
    %dot_general3A = arith.constant dense<0.000000e+00> : vector<512x256xf32>
    %dot_general3A_64 = tpu.matmul %select_n3A, %get3A_63, %dot_general3A {dimension_numbers = #tpu.dot_dimension_numbers<[1], [0], [0], [1], [0, 0, 1, 1], [], []>, precision = #tpu.contract_precision<fp32>, transpose_lhs_hint = false} : vector<512x256xf32>, vector<256x256xf32>, vector<512x256xf32> -> vector<512x256xf32>
    %mul3A_65 = vector.broadcast %rsqrt3A_33 : vector<512x1xf32> to vector<512x256xf32>
    %mul3A_66 = arith.mulf %dot_general3A_64, %mul3A_65 : vector<512x256xf32>
    %slice3A_67 = vector.extract_strided_slice %mul3A_66 {offsets = [0, 0], sizes = [512, 128], strides = [1, 1]} : vector<512x256xf32> to vector<512x128xf32>
    %swap3A = arith.constant 0 : index
    %swap3A_68 = arith.constant 0 : index
    %swap3A_69 = vector.load %arg11[%swap3A, %swap3A_68] : memref<512x128xf32, #tpu.memory_space<vmem>>, vector<512x128xf32>
    tpu.vector_store %arg11[%swap3A, %swap3A_68], %slice3A_67 {strides = array<i32>} : memref<512x128xf32, #tpu.memory_space<vmem>>, vector<512x128xf32>,
    %slice3A_70 = vector.extract_strided_slice %mul3A_66 {offsets = [0, 128], sizes = [512, 128], strides = [1, 1]} : vector<512x256xf32> to vector<512x128xf32>
    %swap3A_71 = arith.constant 0 : index
    %swap3A_72 = arith.constant 0 : index
    %swap3A_73 = vector.load %arg12[%swap3A_71, %swap3A_72] : memref<512x128xf32, #tpu.memory_space<vmem>>, vector<512x128xf32>
    tpu.vector_store %arg12[%swap3A_71, %swap3A_72], %slice3A_70 {strides = array<i32>} : memref<512x128xf32, #tpu.memory_space<vmem>>, vector<512x128xf32>,
    return
  }
  func.func @transform_0(%arg0: i32) -> (i32, i32) {
    %c0_i32 = arith.constant 0 : i32
    %c0_i32_0 = arith.constant 0 : i32
    return %arg0, %c0_i32 : i32, i32
  }
  func.func @transform_1(%arg0: i32) -> (i32, i32) {
    %c0_i32 = arith.constant 0 : i32
    %c0_i32_0 = arith.constant 0 : i32
    return %arg0, %c0_i32 : i32, i32
  }
  func.func @transform_2(%arg0: i32) -> (i32, i32) {
    %c0_i32 = arith.constant 0 : i32
    %c0_i32_0 = arith.constant 0 : i32
    return %arg0, %c0_i32 : i32, i32
  }
  func.func @transform_3(%arg0: i32) -> (i32, i32) {
    %c0_i32 = arith.constant 0 : i32
    %c0_i32_0 = arith.constant 0 : i32
    return %arg0, %c0_i32 : i32, i32
  }
  func.func @transform_4(%arg0: i32) -> (i32, i32) {
    %c0_i32 = arith.constant 0 : i32
    %c0_i32_0 = arith.constant 0 : i32
    %c0_i32_1 = arith.constant 0 : i32
    return %c0_i32, %c0_i32_0 : i32, i32
  }
  func.func @transform_5(%arg0: i32) -> (i32, i32) {
    %c0_i32 = arith.constant 0 : i32
    %c0_i32_0 = arith.constant 0 : i32
    %c0_i32_1 = arith.constant 0 : i32
    return %c0_i32, %c0_i32_0 : i32, i32
  }
  func.func @transform_6(%arg0: i32) -> (i32, i32) {
    %c0_i32 = arith.constant 0 : i32
    %c0_i32_0 = arith.constant 0 : i32
    %c0_i32_1 = arith.constant 0 : i32
    return %c0_i32, %c0_i32_0 : i32, i32
  }
  func.func @transform_7(%arg0: i32) -> (i32, i32) {
    %c0_i32 = arith.constant 0 : i32
    %c0_i32_0 = arith.constant 0 : i32
    %c0_i32_1 = arith.constant 0 : i32
    return %c0_i32, %c0_i32_0 : i32, i32
  }
  func.func @transform_8(%arg0: i32) -> (i32, i32) {
    %c0_i32 = arith.constant 0 : i32
    %c0_i32_0 = arith.constant 0 : i32
    %c0_i32_1 = arith.constant 0 : i32
    return %c0_i32, %c0_i32_0 : i32, i32
  }
  func.func @transform_9(%arg0: i32) -> (i32, i32) {
    %c0_i32 = arith.constant 0 : i32
    %c0_i32_0 = arith.constant 0 : i32
    %c0_i32_1 = arith.constant 0 : i32
    return %c0_i32, %c0_i32_0 : i32, i32
  }
  func.func @transform_10(%arg0: i32) -> (i32, i32) {
    %c0_i32 = arith.constant 0 : i32
    %c0_i32_0 = arith.constant 0 : i32
    return %arg0, %c0_i32 : i32, i32
  }
  func.func @transform_11(%arg0: i32) -> (i32, i32) {
    %c0_i32 = arith.constant 0 : i32
    %c0_i32_0 = arith.constant 0 : i32
    return %arg0, %c0_i32 : i32, i32
  }
}

module attributes {stable_mosaic.version = 14 : i64} {
  func.func @_k3_body(%arg0: i32, %arg1: memref<512x128xf32, #tpu.memory_space<vmem>>, %arg2: memref<512x128xf32, #tpu.memory_space<vmem>>, %arg3: memref<512x128xf32, #tpu.memory_space<vmem>>, %arg4: memref<512x128xf32, #tpu.memory_space<vmem>>, %arg5: memref<1x256xf32, #tpu.memory_space<vmem>>, %arg6: memref<1x256xf32, #tpu.memory_space<vmem>>, %arg7: memref<1x256xf32, #tpu.memory_space<vmem>>, %arg8: memref<1x256xf32, #tpu.memory_space<vmem>>, %arg9: memref<1x256xf32, #tpu.memory_space<vmem>>, %arg10: memref<512x1xi32, #tpu.memory_space<vmem>>, %arg11: memref<16x256xf32, #tpu.memory_space<vmem>>, %arg12: memref<16x128xf32, #tpu.memory_space<vmem>>) attributes {dimension_semantics = [#tpu.dimension_semantics<arbitrary>], iteration_bounds = array<i64: 20>, scalar_prefetch = 0 : i64, scratch_operands = 0 : i64, tpu.core_type = #tpu.core_type<tc>, window_params = [{transform_indices = @transform_0, window_bounds = array<i64: 512, 128>}, {transform_indices = @transform_1, window_bounds = array<i64: 512, 128>}, {transform_indices = @transform_2, window_bounds = array<i64: 512, 128>}, {transform_indices = @transform_3, window_bounds = array<i64: 512, 128>}, {pipeline_mode = #tpu.pipeline_mode<synchronous>, transform_indices = @transform_4, window_bounds = array<i64: 1, 256>}, {pipeline_mode = #tpu.pipeline_mode<synchronous>, transform_indices = @transform_5, window_bounds = array<i64: 1, 256>}, {pipeline_mode = #tpu.pipeline_mode<synchronous>, transform_indices = @transform_6, window_bounds = array<i64: 1, 256>}, {pipeline_mode = #tpu.pipeline_mode<synchronous>, transform_indices = @transform_7, window_bounds = array<i64: 1, 256>}, {pipeline_mode = #tpu.pipeline_mode<synchronous>, transform_indices = @transform_8, window_bounds = array<i64: 1, 256>}, {transform_indices = @transform_9, window_bounds = array<i64: 512, 1>}, {pipeline_mode = #tpu.pipeline_mode<synchronous>, transform_indices = @transform_10, window_bounds = array<i64: 16, 256>}, {pipeline_mode = #tpu.pipeline_mode<synchronous>, transform_indices = @transform_11, window_bounds = array<i64: 16, 128>}]} {
    %get3A = arith.constant 0 : index
    %get3A_0 = arith.constant 0 : index
    %get3A_1 = vector.load %arg6[%get3A, %get3A_0] : memref<1x256xf32, #tpu.memory_space<vmem>>, vector<1x256xf32>
    %mul3A = arith.constant 9.99999974E-5 : f32
    %mul3A_2 = vector.broadcast %mul3A : f32 to vector<1x256xf32>
    %mul3A_3 = arith.mulf %get3A_1, %mul3A_2 : vector<1x256xf32>
    %get3A_4 = arith.constant 0 : index
    %get3A_5 = arith.constant 0 : index
    %get3A_6 = vector.load %arg7[%get3A_4, %get3A_5] : memref<1x256xf32, #tpu.memory_space<vmem>>, vector<1x256xf32>
    %mul3A_7 = arith.constant 9.99999974E-5 : f32
    %mul3A_8 = vector.broadcast %mul3A_7 : f32 to vector<1x256xf32>
    %mul3A_9 = arith.mulf %get3A_6, %mul3A_8 : vector<1x256xf32>
    %mul3A_10 = arith.mulf %mul3A_3, %mul3A_3 : vector<1x256xf32>
    %sub3A = arith.subf %mul3A_9, %mul3A_10 : vector<1x256xf32>
    %get3A_11 = arith.constant 0 : index
    %get3A_12 = arith.constant 0 : index
    %get3A_13 = vector.load %arg8[%get3A_11, %get3A_12] : memref<1x256xf32, #tpu.memory_space<vmem>>, vector<1x256xf32>
    %add3A = arith.constant 9.99999974E-6 : f32
    %add3A_14 = vector.broadcast %add3A : f32 to vector<1x256xf32>
    %add3A_15 = arith.addf %sub3A, %add3A_14 : vector<1x256xf32>
    %rsqrt3A = math.rsqrt %add3A_15 : vector<1x256xf32>
    %mul3A_16 = arith.mulf %get3A_13, %rsqrt3A : vector<1x256xf32>
    %get3A_17 = arith.constant 0 : index
    %get3A_18 = arith.constant 0 : index
    %get3A_19 = vector.load %arg9[%get3A_17, %get3A_18] : memref<1x256xf32, #tpu.memory_space<vmem>>, vector<1x256xf32>
    %mul3A_20 = arith.mulf %mul3A_3, %mul3A_16 : vector<1x256xf32>
    %sub3A_21 = arith.subf %get3A_19, %mul3A_20 : vector<1x256xf32>
    %get3A_22 = arith.constant 0 : index
    %get3A_23 = arith.constant 0 : index
    %get3A_24 = vector.load %arg3[%get3A_22, %get3A_23] : memref<512x128xf32, #tpu.memory_space<vmem>>, vector<512x128xf32>
    %get3A_25 = arith.constant 0 : index
    %get3A_26 = arith.constant 0 : index
    %get3A_27 = vector.load %arg4[%get3A_25, %get3A_26] : memref<512x128xf32, #tpu.memory_space<vmem>>, vector<512x128xf32>
    %slice3A = vector.extract_strided_slice %get3A_24 {offsets = [0, 0], sizes = [512, 1], strides = [1, 1]} : vector<512x128xf32> to vector<512x1xf32>
    %slice3A_28 = vector.extract_strided_slice %get3A_27 {offsets = [0, 0], sizes = [512, 1], strides = [1, 1]} : vector<512x128xf32> to vector<512x1xf32>
    %add3A_29 = arith.addf %slice3A, %slice3A_28 : vector<512x1xf32>
    %sub3A_30 = arith.constant 1.000000e+00 : f32
    %sub3A_31 = vector.broadcast %sub3A_30 : f32 to vector<512x1xf32>
    %sub3A_32 = arith.subf %add3A_29, %sub3A_31 : vector<512x1xf32>
    %rsqrt3A_33 = math.rsqrt %sub3A_32 : vector<512x1xf32>
    %get3A_34 = arith.constant 0 : index
    %get3A_35 = arith.constant 0 : index
    %get3A_36 = vector.load %arg1[%get3A_34, %get3A_35] : memref<512x128xf32, #tpu.memory_space<vmem>>, vector<512x128xf32>
    %get3A_37 = arith.constant 0 : index
    %get3A_38 = arith.constant 0 : index
    %get3A_39 = vector.load %arg2[%get3A_37, %get3A_38] : memref<512x128xf32, #tpu.memory_space<vmem>>, vector<512x128xf32>
    %get3A_40 = arith.constant 0 : index
    %get3A_41 = arith.constant 0 : index
    %get3A_42 = vector.load %arg5[%get3A_40, %get3A_41] : memref<1x256xf32, #tpu.memory_space<vmem>>, vector<1x256xf32>
    %concatenate3A = tpu.concatenate %get3A_36, %get3A_39 in 1 : vector<512x128xf32>, vector<512x128xf32> -> vector<512x256xf32>
    %mul3A_43 = vector.broadcast %rsqrt3A_33 : vector<512x1xf32> to vector<512x256xf32>
    %mul3A_44 = arith.mulf %concatenate3A, %mul3A_43 : vector<512x256xf32>
    %add3A_45 = vector.broadcast %get3A_42 : vector<1x256xf32> to vector<512x256xf32>
    %add3A_46 = arith.addf %mul3A_44, %add3A_45 : vector<512x256xf32>
    %mul3A_47 = vector.broadcast %mul3A_16 : vector<1x256xf32> to vector<512x256xf32>
    %mul3A_48 = arith.mulf %add3A_46, %mul3A_47 : vector<512x256xf32>
    %add3A_49 = vector.broadcast %sub3A_21 : vector<1x256xf32> to vector<512x256xf32>
    %add3A_50 = arith.addf %mul3A_48, %add3A_49 : vector<512x256xf32>
    %max3A = arith.constant 0.000000e+00 : f32
    %max3A_51 = vector.broadcast %max3A : f32 to vector<512x256xf32>
    %max3A_52 = arith.maximumf %add3A_50, %max3A_51 : vector<512x256xf32>
    %iota3A = tpu.iota {dimensions = array<i32: 0>} : vector<512x1xi32>
    %mul3A_53 = arith.constant 512 : i32
    %mul3A_54 = arith.muli %arg0, %mul3A_53 : i32
    %add3A_55 = vector.broadcast %mul3A_54 : i32 to vector<512x1xi32>
    %add3A_56 = arith.addi %iota3A, %add3A_55 : vector<512x1xi32>
    %lt3A = arith.constant 10000 : i32
    %lt3A_57 = vector.broadcast %lt3A : i32 to vector<512x1xi32>
    %lt3A_58 = arith.cmpi slt, %add3A_56, %lt3A_57 : vector<512x1xi32>
    %jit3A = arith.constant 0.000000e+00 : f32
    %broadcast_in_dim3A = vector.shape_cast %lt3A_58 : vector<512x1xi1> to vector<512x1xi1>
    %broadcast_in_dim3A_59 = vector.broadcast %broadcast_in_dim3A : vector<512x1xi1> to vector<512x256xi1>
    %broadcast_in_dim3A_60 = vector.broadcast %jit3A : f32 to vector<512x256xf32>
    %select_n3A = arith.select %broadcast_in_dim3A_59, %max3A_52, %broadcast_in_dim3A_60 : vector<512x256xi1>, vector<512x256xf32>
    %iota3A_61 = tpu.iota {dimensions = array<i32: 1>} : vector<1x16xi32>
    %get3A_62 = arith.constant 0 : index
    %get3A_63 = arith.constant 0 : index
    %get3A_64 = vector.load %arg10[%get3A_62, %get3A_63] : memref<512x1xi32, #tpu.memory_space<vmem>>, vector<512x1xi32>
    %eq3A = vector.broadcast %get3A_64 : vector<512x1xi32> to vector<512x16xi32>
    %eq3A_65 = vector.broadcast %iota3A_61 : vector<1x16xi32> to vector<512x16xi32>
    %eq3A_66 = arith.cmpi eq, %eq3A, %eq3A_65 : vector<512x16xi32>
    %convert_element_type3A = arith.extui %eq3A_66 : vector<512x16xi1> to vector<512x16xi32>
    %convert_element_type3A_67 = arith.sitofp %convert_element_type3A : vector<512x16xi32> to vector<512x16xf32>
    %dot_general3A = arith.constant dense<0.000000e+00> : vector<16x256xf32>
    %dot_general3A_68 = tpu.matmul %convert_element_type3A_67, %select_n3A, %dot_general3A {dimension_numbers = #tpu.dot_dimension_numbers<[0], [0], [1], [1], [0, 1, 1, 1], [], []>, precision = #tpu.contract_precision<fp32>, transpose_lhs_hint = false} : vector<512x16xf32>, vector<512x256xf32>, vector<16x256xf32> -> vector<16x256xf32>
    %broadcast_in_dim3A_69 = arith.constant 1.000000e+00 : f32
    %broadcast_in_dim3A_70 = vector.broadcast %broadcast_in_dim3A_69 : f32 to vector<512x128xf32>
    %dot_general3A_71 = arith.constant dense<0.000000e+00> : vector<16x128xf32>
    %dot_general3A_72 = tpu.matmul %convert_element_type3A_67, %broadcast_in_dim3A_70, %dot_general3A_71 {dimension_numbers = #tpu.dot_dimension_numbers<[0], [0], [1], [1], [0, 1, 1, 1], [], []>, precision = #tpu.contract_precision<fp32>, transpose_lhs_hint = false} : vector<512x16xf32>, vector<512x128xf32>, vector<16x128xf32> -> vector<16x128xf32>
    %eq3A_73 = arith.constant 0 : i32
    %eq3A_74 = arith.cmpi eq, %arg0, %eq3A_73 : i32
    %convert_element_type3A_75 = arith.extui %eq3A_74 : i1 to i32
    %cond3A = arith.constant 0 : i32
    %cond3A_76 = arith.cmpi ne, %convert_element_type3A_75, %cond3A : i32
    scf.if %cond3A_76 {
      %swap3A = arith.constant 0 : index
      %swap3A_81 = arith.constant 0 : index
      %swap3A_82 = vector.load %arg11[%swap3A, %swap3A_81] : memref<16x256xf32, #tpu.memory_space<vmem>>, vector<16x256xf32>
      tpu.vector_store %arg11[%swap3A, %swap3A_81], %dot_general3A_68 {strides = array<i32>} : memref<16x256xf32, #tpu.memory_space<vmem>>, vector<16x256xf32>,
      %swap3A_83 = arith.constant 0 : index
      %swap3A_84 = arith.constant 0 : index
      %swap3A_85 = vector.load %arg12[%swap3A_83, %swap3A_84] : memref<16x128xf32, #tpu.memory_space<vmem>>, vector<16x128xf32>
      tpu.vector_store %arg12[%swap3A_83, %swap3A_84], %dot_general3A_72 {strides = array<i32>} : memref<16x128xf32, #tpu.memory_space<vmem>>, vector<16x128xf32>,
    } else {
    }
    %gt3A = arith.constant 0 : i32
    %gt3A_77 = arith.cmpi sgt, %arg0, %gt3A : i32
    %convert_element_type3A_78 = arith.extui %gt3A_77 : i1 to i32
    %cond3A_79 = arith.constant 0 : i32
    %cond3A_80 = arith.cmpi ne, %convert_element_type3A_78, %cond3A_79 : i32
    scf.if %cond3A_80 {
      %get3A_81 = arith.constant 0 : index
      %get3A_82 = arith.constant 0 : index
      %get3A_83 = vector.load %arg11[%get3A_81, %get3A_82] : memref<16x256xf32, #tpu.memory_space<vmem>>, vector<16x256xf32>
      %add3A_84 = arith.addf %get3A_83, %dot_general3A_68 : vector<16x256xf32>
      %swap3A = arith.constant 0 : index
      %swap3A_85 = arith.constant 0 : index
      %swap3A_86 = vector.load %arg11[%swap3A, %swap3A_85] : memref<16x256xf32, #tpu.memory_space<vmem>>, vector<16x256xf32>
      tpu.vector_store %arg11[%swap3A, %swap3A_85], %add3A_84 {strides = array<i32>} : memref<16x256xf32, #tpu.memory_space<vmem>>, vector<16x256xf32>,
      %get3A_87 = arith.constant 0 : index
      %get3A_88 = arith.constant 0 : index
      %get3A_89 = vector.load %arg12[%get3A_87, %get3A_88] : memref<16x128xf32, #tpu.memory_space<vmem>>, vector<16x128xf32>
      %add3A_90 = arith.addf %get3A_89, %dot_general3A_72 : vector<16x128xf32>
      %swap3A_91 = arith.constant 0 : index
      %swap3A_92 = arith.constant 0 : index
      %swap3A_93 = vector.load %arg12[%swap3A_91, %swap3A_92] : memref<16x128xf32, #tpu.memory_space<vmem>>, vector<16x128xf32>
      tpu.vector_store %arg12[%swap3A_91, %swap3A_92], %add3A_90 {strides = array<i32>} : memref<16x128xf32, #tpu.memory_space<vmem>>, vector<16x128xf32>,
    } else {
    }
    return
  }
  func.func @transform_0(%arg0: i32) -> (i32, i32) {
    %c0_i32 = arith.constant 0 : i32
    %c0_i32_0 = arith.constant 0 : i32
    return %arg0, %c0_i32 : i32, i32
  }
  func.func @transform_1(%arg0: i32) -> (i32, i32) {
    %c0_i32 = arith.constant 0 : i32
    %c0_i32_0 = arith.constant 0 : i32
    return %arg0, %c0_i32 : i32, i32
  }
  func.func @transform_2(%arg0: i32) -> (i32, i32) {
    %c0_i32 = arith.constant 0 : i32
    %c0_i32_0 = arith.constant 0 : i32
    return %arg0, %c0_i32 : i32, i32
  }
  func.func @transform_3(%arg0: i32) -> (i32, i32) {
    %c0_i32 = arith.constant 0 : i32
    %c0_i32_0 = arith.constant 0 : i32
    return %arg0, %c0_i32 : i32, i32
  }
  func.func @transform_4(%arg0: i32) -> (i32, i32) {
    %c0_i32 = arith.constant 0 : i32
    %c0_i32_0 = arith.constant 0 : i32
    %c0_i32_1 = arith.constant 0 : i32
    return %c0_i32, %c0_i32_0 : i32, i32
  }
  func.func @transform_5(%arg0: i32) -> (i32, i32) {
    %c0_i32 = arith.constant 0 : i32
    %c0_i32_0 = arith.constant 0 : i32
    %c0_i32_1 = arith.constant 0 : i32
    return %c0_i32, %c0_i32_0 : i32, i32
  }
  func.func @transform_6(%arg0: i32) -> (i32, i32) {
    %c0_i32 = arith.constant 0 : i32
    %c0_i32_0 = arith.constant 0 : i32
    %c0_i32_1 = arith.constant 0 : i32
    return %c0_i32, %c0_i32_0 : i32, i32
  }
  func.func @transform_7(%arg0: i32) -> (i32, i32) {
    %c0_i32 = arith.constant 0 : i32
    %c0_i32_0 = arith.constant 0 : i32
    %c0_i32_1 = arith.constant 0 : i32
    return %c0_i32, %c0_i32_0 : i32, i32
  }
  func.func @transform_8(%arg0: i32) -> (i32, i32) {
    %c0_i32 = arith.constant 0 : i32
    %c0_i32_0 = arith.constant 0 : i32
    %c0_i32_1 = arith.constant 0 : i32
    return %c0_i32, %c0_i32_0 : i32, i32
  }
  func.func @transform_9(%arg0: i32) -> (i32, i32) {
    %c0_i32 = arith.constant 0 : i32
    %c0_i32_0 = arith.constant 0 : i32
    return %arg0, %c0_i32 : i32, i32
  }
  func.func @transform_10(%arg0: i32) -> (i32, i32) {
    %c0_i32 = arith.constant 0 : i32
    %c0_i32_0 = arith.constant 0 : i32
    %c0_i32_1 = arith.constant 0 : i32
    return %c0_i32, %c0_i32_0 : i32, i32
  }
  func.func @transform_11(%arg0: i32) -> (i32, i32) {
    %c0_i32 = arith.constant 0 : i32
    %c0_i32_0 = arith.constant 0 : i32
    %c0_i32_1 = arith.constant 0 : i32
    return %c0_i32, %c0_i32_0 : i32, i32
  }
}

module attributes {stable_mosaic.version = 14 : i64} {
  func.func @_k4_body(%arg0: memref<16x256xf32, #tpu.memory_space<vmem>>, %arg1: memref<16x128xf32, #tpu.memory_space<vmem>>, %arg2: memref<256x256xf32, #tpu.memory_space<vmem>>, %arg3: memref<1x256xf32, #tpu.memory_space<vmem>>, %arg4: memref<256x256xf32, #tpu.memory_space<vmem>>, %arg5: memref<1x256xf32, #tpu.memory_space<vmem>>, %arg6: memref<256x64xf32, #tpu.memory_space<vmem>>, %arg7: memref<1x64xf32, #tpu.memory_space<vmem>>, %arg8: memref<16x64xf32, #tpu.memory_space<vmem>>) attributes {dimension_semantics = [], scalar_prefetch = 0 : i64, scratch_operands = 0 : i64, tpu.core_type = #tpu.core_type<tc>} {
    %get3A = arith.constant 0 : index
    %get3A_0 = arith.constant 0 : index
    %get3A_1 = vector.load %arg0[%get3A, %get3A_0] : memref<16x256xf32, #tpu.memory_space<vmem>>, vector<16x256xf32>
    %get3A_2 = arith.constant 0 : index
    %get3A_3 = arith.constant 0 : index
    %get3A_4 = vector.load %arg1[%get3A_2, %get3A_3] : memref<16x128xf32, #tpu.memory_space<vmem>>, vector<16x1xf32>
    %max3A = arith.constant 1.000000e+00 : f32
    %max3A_5 = vector.broadcast %max3A : f32 to vector<16x1xf32>
    %max3A_6 = arith.maximumf %get3A_4, %max3A_5 : vector<16x1xf32>
    %div3A = vector.broadcast %max3A_6 : vector<16x1xf32> to vector<16x256xf32>
    %div3A_7 = arith.divf %get3A_1, %div3A : vector<16x256xf32>
    %get3A_8 = arith.constant 0 : index
    %get3A_9 = arith.constant 0 : index
    %get3A_10 = vector.load %arg2[%get3A_8, %get3A_9] : memref<256x256xf32, #tpu.memory_space<vmem>>, vector<256x256xf32>
    %dot_general3A = arith.constant dense<0.000000e+00> : vector<16x256xf32>
    %dot_general3A_11 = tpu.matmul %div3A_7, %get3A_10, %dot_general3A {dimension_numbers = #tpu.dot_dimension_numbers<[1], [0], [0], [1], [0, 0, 1, 1], [], []>, precision = #tpu.contract_precision<fp32>, transpose_lhs_hint = false} : vector<16x256xf32>, vector<256x256xf32>, vector<16x256xf32> -> vector<16x256xf32>
    %get3A_12 = arith.constant 0 : index
    %get3A_13 = arith.constant 0 : index
    %get3A_14 = vector.load %arg3[%get3A_12, %get3A_13] : memref<1x256xf32, #tpu.memory_space<vmem>>, vector<1x256xf32>
    %add3A = vector.broadcast %get3A_14 : vector<1x256xf32> to vector<16x256xf32>
    %add3A_15 = arith.addf %dot_general3A_11, %add3A : vector<16x256xf32>
    %max3A_16 = arith.constant 0.000000e+00 : f32
    %max3A_17 = vector.broadcast %max3A_16 : f32 to vector<16x256xf32>
    %max3A_18 = arith.maximumf %add3A_15, %max3A_17 : vector<16x256xf32>
    %get3A_19 = arith.constant 0 : index
    %get3A_20 = arith.constant 0 : index
    %get3A_21 = vector.load %arg4[%get3A_19, %get3A_20] : memref<256x256xf32, #tpu.memory_space<vmem>>, vector<256x256xf32>
    %dot_general3A_22 = arith.constant dense<0.000000e+00> : vector<16x256xf32>
    %dot_general3A_23 = tpu.matmul %max3A_18, %get3A_21, %dot_general3A_22 {dimension_numbers = #tpu.dot_dimension_numbers<[1], [0], [0], [1], [0, 0, 1, 1], [], []>, precision = #tpu.contract_precision<fp32>, transpose_lhs_hint = false} : vector<16x256xf32>, vector<256x256xf32>, vector<16x256xf32> -> vector<16x256xf32>
    %get3A_24 = arith.constant 0 : index
    %get3A_25 = arith.constant 0 : index
    %get3A_26 = vector.load %arg5[%get3A_24, %get3A_25] : memref<1x256xf32, #tpu.memory_space<vmem>>, vector<1x256xf32>
    %add3A_27 = vector.broadcast %get3A_26 : vector<1x256xf32> to vector<16x256xf32>
    %add3A_28 = arith.addf %dot_general3A_23, %add3A_27 : vector<16x256xf32>
    %max3A_29 = arith.constant 0.000000e+00 : f32
    %max3A_30 = vector.broadcast %max3A_29 : f32 to vector<16x256xf32>
    %max3A_31 = arith.maximumf %add3A_28, %max3A_30 : vector<16x256xf32>
    %get3A_32 = arith.constant 0 : index
    %get3A_33 = arith.constant 0 : index
    %get3A_34 = vector.load %arg6[%get3A_32, %get3A_33] : memref<256x64xf32, #tpu.memory_space<vmem>>, vector<256x64xf32>
    %dot_general3A_35 = arith.constant dense<0.000000e+00> : vector<16x64xf32>
    %dot_general3A_36 = tpu.matmul %max3A_31, %get3A_34, %dot_general3A_35 {dimension_numbers = #tpu.dot_dimension_numbers<[1], [0], [0], [1], [0, 0, 1, 1], [], []>, precision = #tpu.contract_precision<fp32>, transpose_lhs_hint = false} : vector<16x256xf32>, vector<256x64xf32>, vector<16x64xf32> -> vector<16x64xf32>
    %get3A_37 = arith.constant 0 : index
    %get3A_38 = arith.constant 0 : index
    %get3A_39 = vector.load %arg7[%get3A_37, %get3A_38] : memref<1x64xf32, #tpu.memory_space<vmem>>, vector<1x64xf32>
    %add3A_40 = vector.broadcast %get3A_39 : vector<1x64xf32> to vector<16x64xf32>
    %add3A_41 = arith.addf %dot_general3A_36, %add3A_40 : vector<16x64xf32>
    %swap3A = arith.constant 0 : index
    %swap3A_42 = arith.constant 0 : index
    %swap3A_43 = vector.load %arg8[%swap3A, %swap3A_42] : memref<16x64xf32, #tpu.memory_space<vmem>>, vector<16x64xf32>
    tpu.vector_store %arg8[%swap3A, %swap3A_42], %add3A_41 {strides = array<i32>} : memref<16x64xf32, #tpu.memory_space<vmem>>, vector<16x64xf32>,
    return
  }
}

</mosaic_0001>

<sc_bundles>
// kernel: kernel.14.cloned.1.call-start
scs
__scs_entry_jumppad:
0x0: {  	(pc) =	sbr.rel $0x88, $3  }
0x1: {  	(tag) =	ssettag $0x0;
	lr =	simm.s32 $0x1  }
0x2: {  	[smem:$0x3F8C] =	sst lr;
	_ =	strace $0xD0000000  }
0x3: {  	_ = 	snop  }
0x4: {  	_ = 	snop  }
0x5: {  	_ = 	snop  }
0x6: {  	_ = 	snop  }
0x7: {  	_ = 	snop  }
__scs_overlays_trampoline_lowered:
0x8: {  	[smem:$0x3F9B] =	sst s0  }
0x9: {  	[smem:$0x3F9C] =	sst s1  }
0xa: {  	[smem:$0x3F9D] =	sst s2  }
0xb: {  	[smem:$0x3F9E] =	sst s3  }
0xc: {  	[smem:$0x3F9F] =	sst s4  }
0xd: {  	[smem:$0x3FA0] =	sst s5  }
0xe: {  	[smem:$0x3FA1] =	sst s6  }
0xf: {  	[smem:$0x3FA2] =	sst s7  }
0x10: {  	[smem:$0x3FA3] =	sst s8  }
0x11: {  	[smem:$0x3FA4] =	sst s9;
	s0 =	simm.s32 @!p0 $0x0  }
0x12: {  	s1 =	sld [smem:$0x3F8A];
	s0 =	simm.s32 @p0 $0x1  }
0x13: {  	[smem:$0x3FA5] =	sst s0;
	s0 =	simm.s32 @!p1 $0x0  }
0x14: {  	s2 =	sld [smem:$0x3F89];
	s0 =	simm.s32 @p1 $0x1  }
0x15: {  	[smem:$0x3FA6] =	sst s0;
	s0 =	simm.s32 @!p2 $0x0  }
0x16: {  	s3 =	sld [smem:$0x3FDB];
	s0 =	simm.s32 @p2 $0x1  }
0x17: {  	s4 =	simm.s32 $0x1BF5;
	[smem:$0x3FA8] =	sst s0  }
0x18: {  	s0 =	sld [smem:$0x3F8B];
	_ =	swait.ge [sflag:s4], $0x0  }
0x19: {  	s7 =	sld [smem:$0x3F8C]  }
0x1a: {  	s8 =	sadd.s32 $0xFFFFE003, lr  }
0x1b: {  	s9 =	sadd.s32 $0xFFFFFEF7, lr;
	s5 =	simm.s32 $0xFFFFFFFF;
	p2 =	slt.u32 s8, $0xFFFFF086  }
0x1c: {  	p1 =	slt.u32 s9, $0xF7A;
	s5 =	simm.s32 @!p2 $0x0  }
0x1d: {  	s5 =	simm.s32 @p1 $0x1;
	p0 =	seq.s32 s7, s2  }
0x1e: {  	s7 =	smul.u32 @!p0 $0xF7A, s2;
	p2 =	seq.s32 @!p0 s5, $0x0  }
0x1f: {  	s9 =	smul.u32 $0xF7A, s1;
	s8 =	simm.s32 @!p0 $0x1BF5;
	p2 =	por !p2, p0  }
0x20: {  	[sflag:s8] =	ssyncset.s32 @!p0 $0xFFFFF086;
	s6 =	sadd.s32 @!p0 s3, s7;
	s7 =	simm.s32 @!p0 $0x108  }
0x21: {  	s3 =	sadd.s32 s3, s9;
	s6 =	sadd.s32 @!p0 $0x88, s6;
	s7 =	simm.s32 @p2 $0x1082  }
0x22: {  	[simem:s7], [sflag:s8] =	dma.local @!p0 [hbm:s6], $0xF7A  }
0x23: {  	s9 =	sor.u32 $0xD0000000, s2;
	s6 =	simm.s32 $0x108;
	_ =	swait.ge @!p0 [sflag:s8], $0x0  }
0x24: {  	s3 =	sadd.s32 $0x88, s3;
	s6 =	simm.s32 @!p1 $0x1082;
	[sflag:s4] =	ssyncset.s32 $0xFFFFF086  }
0x25: {  	[simem:s6], [sflag:s4] =	dma.local [hbm:s3], $0xF7A  }
0x26: {  	[smem:$0x3F8C] =	sst s1;
	(tag) =	ssettag s2;
	_ =	strace s9  }
0x27: {  	s1 =	sld [smem:$0x3F9C]  }
0x28: {  	s2 =	sld [smem:$0x3F9D]  }
0x29: {  	s4 =	sld [smem:$0x3F9F]  }
0x2a: {  	p0 =	seq.s32 s5, $0x0;
	s5 =	sld [smem:$0x3FA0]  }
0x2b: {  	s6 =	sld [smem:$0x3FA1]  }
0x2c: {  	s7 =	sld [smem:$0x3FA2]  }
0x2d: {  	s3 =	simm.s32 $0x108;
	s8 =	sld [smem:$0x3FA3]  }
0x2e: {  	s3 =	simm.s32 @!p0 $0x1082;
	s9 =	sld [smem:$0x3FA4]  }
0x2f: {  	lr =	sadd.s32 s0, s3;
	s0 =	sld [smem:$0x3F9B]  }
0x30: {  	s3 =	sld [smem:$0x3F9E]  }
0x31: {  	[smem:$0x3FA7] =	sst s10  }
0x32: {  	s10 =	sld [smem:$0x3FA5];
	_ =	sdelay $0x3  }
0x33: {  	p0 =	seq.s32 s10, $0x1;
	s10 =	sld [smem:$0x3FA7];
	_ =	sdelay $0x3  }
0x34: {  	[smem:$0x3FA7] =	sst s10  }
0x35: {  	s10 =	sld [smem:$0x3FA6];
	_ =	sdelay $0x3  }
0x36: {  	p1 =	seq.s32 s10, $0x1;
	s10 =	sld [smem:$0x3FA7];
	_ =	sdelay $0x3  }
0x37: {  	[smem:$0x3FA7] =	sst s10  }
0x38: {  	s10 =	sld [smem:$0x3FA8]  }
0x39: {  	_ = 	snop;
	(pc) =	sbr.ind lr, $3  }
0x3a: {  	_ = 	snop  }
0x3b: {  	_ = 	snop  }
0x3c: {  	p2 =	seq.s32 s10, $0x1;
	s10 =	sld [smem:$0x3FA7]  }
0x3d: {  	_ =	shalt  }
0x3e: {  	_ =	shalt  }
0x3f: {  	_ =	shalt  }
0x40: {  	_ =	shalt  }
0x41: {  	_ =	shalt  }
0x42: {  	_ =	shalt  }
0x43: {  	_ =	shalt  }
0x44: {  	_ =	shalt  }
0x45: {  	_ =	shalt  }
0x46: {  	_ =	shalt  }
0x47: {  	_ =	shalt  }
0x48: {  	_ =	shalt  }
0x49: {  	_ =	shalt  }
0x4a: {  	_ =	shalt  }
0x4b: {  	_ =	shalt  }
0x4c: {  	_ =	shalt  }
0x4d: {  	_ =	shalt  }
0x4e: {  	_ =	shalt  }
0x4f: {  	_ =	shalt  }
0x50: {  	_ =	shalt  }
0x51: {  	_ =	shalt  }
0x52: {  	_ =	shalt  }
0x53: {  	_ =	shalt  }
0x54: {  	_ =	shalt  }
0x55: {  	_ =	shalt  }
0x56: {  	_ =	shalt  }
0x57: {  	_ =	shalt  }
0x58: {  	_ =	shalt  }
0x59: {  	_ =	shalt  }
0x5a: {  	_ =	shalt  }
0x5b: {  	_ =	shalt  }
0x5c: {  	_ =	shalt  }
0x5d: {  	_ =	shalt  }
0x5e: {  	_ =	shalt  }
0x5f: {  	_ =	shalt  }
0x60: {  	_ =	shalt  }
0x61: {  	_ =	shalt  }
0x62: {  	_ =	shalt  }
0x63: {  	_ =	shalt  }
0x64: {  	_ =	shalt  }
0x65: {  	_ =	shalt  }
0x66: {  	_ =	shalt  }
0x67: {  	_ =	shalt  }
0x68: {  	_ =	shalt  }
0x69: {  	_ =	shalt  }
0x6a: {  	_ =	shalt  }
0x6b: {  	_ =	shalt  }
0x6c: {  	_ =	shalt  }
0x6d: {  	_ =	shalt  }
0x6e: {  	_ =	shalt  }
0x6f: {  	_ =	shalt  }
0x70: {  	_ =	shalt  }
0x71: {  	_ =	shalt  }
0x72: {  	_ =	shalt  }
0x73: {  	_ =	shalt  }
0x74: {  	_ =	shalt  }
0x75: {  	_ =	shalt  }
0x76: {  	_ =	shalt  }
0x77: {  	_ =	shalt  }
0x78: {  	_ =	shalt  }
0x79: {  	_ =	shalt  }
0x7a: {  	_ =	shalt  }
0x7b: {  	_ =	shalt  }
0x7c: {  	_ =	shalt  }
0x7d: {  	_ =	shalt  }
0x7e: {  	_ =	shalt  }
0x7f: {  	_ =	shalt  }
0x80: {  	_ =	shalt  }
0x81: {  	_ =	shalt  }
0x82: {  	_ =	shalt  }
0x83: {  	_ =	shalt  }
0x84: {  	_ =	shalt  }
0x85: {  	_ =	shalt  }
0x86: {  	_ =	shalt  }
0x87: {  	_ =	shalt  }
.Lfunc_end0:
.L_simem_size_0:
called_computation_lowered:
.L_overlay_start_0:
0x88: {  	s2 =	sld [smem:$0x3FD9]  }
0x89: {  	s3 =	sld [smem:$0x3FFE];
	_ =	sdelay $0x1  }
0x8a: {  	s1 =	srdreg.scid  }
0x8b: {  	s0 =	sand.u32 $0x1, s1  }
0x8c: {  	s16 =	sshll.u32 s0, $0xA;
	s2 =	sadd.s32 s3, s2  }
0x8d: {  	s2 =	sadd.s32 s2, s16  }
0x8e: {  	[smem:$0x3FB3] =	sst s2  }
0x8f: {  	_ = 	snop  }
0x90: {  	(tm) =	ssettm $0x1  }
0x91: {  	s17 =	sld [smem:$0x3FFB];
	_ =	sdelay $0x3  }
0x92: {  	_ =	strace s17  }
0x93: {  	s2 =	sld [smem:$0x3FFC];
	_ =	sdelay $0x3  }
0x94: {  	_ =	strace s2  }
0x95: {  	s2 =	sld [smem:$0x3FFD];
	_ =	sdelay $0x3  }
0x96: {  	_ =	strace s2  }
0x97: {  	_ =	strace $0x8FFFFFFF  }
0x98: {  	s18 =	sld [smem:$0x3FDB];
	_ =	sdelay $0x1  }
0x99: {  	s19 =	simm.s32 $_scs_section_size  }
0x9a: {  	s4 =	simm.s32 $_size__tile_overlayer_lowered;
	s5 =	simm.s32 $_tile_overlayer_lowered  }
0x9b: {  	s22 =	simm.s32 $0x1BFF;
	s21 =	sshll.u32 s5, $0x1;
	s2 =	sadd.s32 s19, s18  }
0x9c: {  	s6 =	simm.s32 $0x0;
	s20 =	sshll.u32 s4, $0x1;
	s4 =	sadd.s32 s21, s2  }
0x9d: {  	[timem:s6], [sflag:s22] =	dma.local [hbm:s4], s20  }
0x9e: {  	_ =	swait.ge [sflag:s22], s20  }
0x9f: {  	s3 =	ssub.s32 $0x0, s20;
	[sflag:s22] =	ssyncset.done $0x0  }
0xa0: {  	[sflag:s22] =	ssyncadd.s32 s3;
	_ =	sdelay $0x1  }
0xa1: {  	s23 =	simm.s32 $0x1B8B  }
0xa2: {  	_ =	swait.ge [sflag:s23], $0x1  }
0xa3: {  	[sflag:s23] =	ssyncset.done $0x0  }
0xa4: {  	s25 =	simm.s32 $0x1B8E;
	s24 =	sld [smem:$0x3FFE];
	[sflag:s23] =	ssyncadd.s32 $0xFFFFFFFF  }
0xa5: {  	s26 =	simm.s32 $execute0_lowered;
	[smem:$0x3FD2] =	sst s25  }
0xa6: {  	s4 =	sshll.u32 s26, $0x1;
	_ =	strace $0x80000046;
	[dreg:$0x1] =	wrdreg $0xFFFFFFFF  }
0xa7: {  	s28 =	simm.s32 $_size_execute0_lowered;
	s2 =	sadd.s32 s2, s4;
	[dreg:$0x0] =	wrdreg $0x0  }
0xa8: {  	s4 =	sshll.u32 s28, $0x1;
	[dreg:$0x2] =	wrdreg s2  }
0xa9: {  	[dreg:$0x3] =	wrdreg s4  }
0xaa: {  	[dreg:$0x4] =	wrdreg $0xC0  }
0xab: {  	_ =	task [dreg:s6], $0x5FFFF  }
0xac: {  	[dreg:$0x1] =	wrdreg $0xFFFFFFFF  }
0xad: {  	[dreg:$0x0] =	wrdreg $0x60  }
0xae: {  	[dreg:$0x2] =	wrdreg s24  }
0xaf: {  	[dreg:$0x3] =	wrdreg $0xA0000  }
0xb0: {  	[dreg:$0x4] =	wrdreg $0x9  }
0xb1: {  	_ =	task.clear_ibuf [dreg:s6], $0x5FFFF;
	_ =	strace $0x90000046  }
0xb2: {  	s29 =	simm.s32 $0x9;
	_ =	strace $0x80000048  }
0xb3: {  	_ =	swait.ge [sflag:s29], $0x1  }
0xb4: {  	[sflag:s29] =	ssyncadd.s32 $0xFFFFFFFF  }
0xb5: {  	_ =	strace $0x90000048  }
0xb6: {  	_ =	sfence  }
0xb7: {  	s30 =	sld [smem:$0x0];
	_ =	sdelay $0x2  }
0xb8: {  	s31 =	sshll.u32 s1, $0xD;
	s1 =	sshrl.u32 s1, $0x2  }
0xb9: {  	s3 =	sand.u32 $0x4000, s31;
	s1 =	sadd.s32 s1, s30  }
0xba: {  	s0 =	sor.u32 s3, s0;
	s1 =	sshll.u32 s1, $0x11  }
0xbb: {  	s0 =	sor.u32 s1, s0  }
0xbc: {  	s0 =	sadd.s32 $0x8F2B, s0  }
0xbd: {  	[sflag:s0] =	ssyncadd.remote.s32 $0x1  }
0xbe: {  	_ =	sfence.sel $0xFFFF  }
0xbf: {  	[dreg:$0x0] =	wrdreg $0xFFFFFFFF;
	(pc) =	sbr.abs _section_cstart, $3  }
0xc0: {  	[dreg:$0x1] =	wrdreg $0xFFFFFFFF  }
0xc1: {  	_ =	task.clear_ibuf [dreg:s6], $0x2FFFF;
	_ =	strace $0x9FFFFFFF  }
0xc2: {  	(tm) =	ssettm $0x7FFFFFFF  }
0xc3: {  	_ =	shalt  }
tec
execute0_lowered:
.L_overlay_start_1:
0x0: {  	(tag) =	ssettag $0x1  }
0x1: {  	s9 =	rddreg [dreg:$0x0]  }
0x2: {  	s1 =	rddreg [dreg:$0x1];
	s2 =	simm.s32 $0x0;
	s7 =	srdreg.scid  }
0x3: {  	s0 =	stileid.u32;
	s17 =	simm.s32 $0x5;
	s18 =	simm.s32 $0x1000  }
0x4: {  	s19 =	simm.s32 $0x80;
	s20 =	simm.s32 $0x2000;
	s21 =	simm.s32 $0x6000  }
0x5: {  	s22 =	simm.s32 $0x1;
	s23 =	simm.s32 $0x2;
	s24 =	simm.s32 $0x4  }
0x6: {  	s25 =	simm.s32 $0x0;
	[smem:$0x7FF] =	sst s2;
	s4 =	sadd.s32 $0x1DC00, s9  }
0x7: {  	s5 =	sadd.s32 $0x13C00, s9;
	s6 =	sadd.s32 $0x9C00, s9;
	s10 =	sand.u32 $0x1, s7  }
0x8: {  	s3 =	sadd.s32 $0x6DC00, s9;
	s11 =	smul.u32 $0x50000, s0;
	s9 =	sadd.s32 $0x45C00, s9  }
0x9: {  	s31 =	sshll.u32 s0, $0x6;
	_ =	strace $0x80000047;
	s8 =	sshll.u32 s10, $0x4  }
0xa: {  	[dreg:$0x3] =	wrdreg s3;
	s13 =	sor.u32 s0, s8;
	s8 =	smul.u32 $0x2800, s0  }
.Ltmp0:
0xb: {  	s12 =	ssub.s32 $0x2, s10;
	p0 =	seq.s32 s10, $0x1;
	(pc) =	sbr.rel .LBB2_1-.Ltmp0, $4  }
0xc: {  	s14 =	sshrl.u32 s12, $0x1;
	s30 =	sshrl.u32 s11, $0x2;
	s15 =	smul.u32 $0x500, s13  }
0xd: {  	s14 =	ssub.s32 s12, s14;
	s16 =	sadd.s32 s30, s1;
	s13 =	smul.u32 $0x2800, s13  }
0xe: {  	s10 =	sadd.s32 s4, s8;
	s14 =	smax.u32 s14, $0x1;
	s16 =	sshrl.u32 s16, $0x3  }
0xf: {  	s11 =	sadd.s32 s5, s15;
	s12 =	sadd.s32 s6, s15;
	s15 =	sor.u32 $0x1C05, s31  }
.LBB2_29:
0x10: {  	s26 =	smov.u32 s9  }
.LBB2_30:
0x11: {  	_ =	swait.ge [sflag:s24], $0x4000  }
0x12: {  	s25 =	sadd.s32 $0x1, s25;
	[sflag:s24] =	ssyncset.done $0x0  }
0x13: {  	p1 =	sne.s32 s25, s14;
	[sflag:s24] =	ssyncadd.s32 $0xFFFFC000  }
.Ltmp1:
0x14: {  	s0 =	sadd.s32 s26, s8;
	[bflag:$0x0] =	sbarrier.arrive $0xFFFF;
	(pc) =	sbr.rel @!p1 .LBB2_31-.Ltmp1, $4  }
0x15: {  	[hbm:s0], [sflag:s15] =	dma.local [spmem:s16], $0x2800  }
0x16: {  	_ =	swait.ge [sflag:s17], $0x2800  }
0x17: {  	[sflag:s17] =	ssyncset.done $0x0  }
0x18: {  	[sflag:s17] =	ssyncadd.s32 $0xFFFFD800  }
.LBB2_1:
0x19: {  	[spmem:s16], [sflag:s15] =	dma.local [hbm:s10], $0x2800  }
0x1a: {  	_ =	swait.ge [sflag:s17], $0x2800  }
0x1b: {  	[sflag:s17] =	ssyncset.done $0x0  }
0x1c: {  	[sflag:s17] =	ssyncadd.s32 $0xFFFFD800  }
0x1d: {  	[bflag:$0x0] =	sbarrier.arrive $0xFFFF  }
0x1e: {  	[tilespmem:s2], [sflag:$0x5] =	stream.linear.gather [hbm4b:s11+s2], $0x800, $0x38;
	[tilespmem:$0x1E000] =	vst v63  }
0x1f: {  	_ =	swait.ge [sflag:s17], $0x800  }
0x20: {  	[sflag:s17] =	ssyncset.done $0x0  }
0x21: {  	[sflag:s17] =	ssyncadd.s32 $0xFFFFF800  }
0x22: {  	[tilespmem:s18], [sflag:$0x5] =	stream.linear.gather [hbm4b:s12+s2], $0x800, $0x38;
	[tilespmem:$0x1E000] =	vst v63  }
.Ltmp2:
0x23: {  	_ = 	snop;
	(pc) =	sbr.rel @p0 .LBB2_16-.Ltmp2, $4  }
.Ltmp3:
0x24: {  	_ =	swait.ge [sflag:s17], $0x800;
	(pc) =	sbr.rel @!p0 .LBB2_2-.Ltmp3, $4  }
0x25: {  	[sflag:s17] =	ssyncset.done $0x0  }
0x26: {  	s26 =	simm.s32 $0x0;
	s28 =	simm.s32 $0x0;
	[sflag:s17] =	ssyncadd.s32 $0xFFFFF800  }
0x27: {  	[tilespmem:s20], [sflag:$0x1] =	stream.indirect.gather [hbm4b:s4+s19], $0x80, s2, s19, $0xb8;
	[tilespmem:$0x1E000] =	vst v63  }
0x28: {  	_ = 	snop  }
.LBB2_26:
0x29: {  	_ =	swait.ge [sflag:s23], $0x4000  }
0x2a: {  	s0 =	sshll.u32 s29, $0x7;
	[sflag:s23] =	ssyncset.done $0x0  }
0x2b: {  	s0 =	sor.u32 $0x1000, s0;
	[sflag:s23] =	ssyncadd.s32 $0xFFFFC000  }
0x2c: {  	[spmem:s1] =	stream.indirect.scatter.add.f32 [tilespmem:s21], [sflag:$0x4], $0x80, s0, s19, $0xb8;
	[tilespmem:$0x1E000] =	vst v63  }
.LBB2_28:
0x2d: {  	p1 =	sne.s32 s28, $0x50  }
.Ltmp4:
0x2e: {  	_ = 	snop;
	(pc) =	sbr.rel @!p1 .LBB2_29-.Ltmp4, $1  }
0x2f: {  	_ =	sdelay $0x3  }
.LBB2_16:
0x30: {  	s26 =	smov.u32 s28;
	s28 =	sadd.s32 $0x1, s28  }
0x31: {  	s30 =	sand.u32 $0xF, s28;
	p1 =	seq.s32 s26, $0x4F  }
0x32: {  	p3 =	sne.s32 @!p1 s30, $0x0  }
0x33: {  	s31 =	sshrl.u32 s28, $0x4;
	p2 =	por p3, p1  }
0x34: {  	s0 =	sand.u32 @!p2 $0x1, s31  }
0x35: {  	p4 =	seq.s32 @!p2 s0, $0x1;
	s0 =	sshll.u32 @!p2 s31, $0xB  }
0x36: {  	s0 =	sadd.s32 @!p2 s13, s0;
	p3 =	por @!p1 !p4, p3  }
0x37: {  	s3 =	simm.s32 @!p2 $0x800;
	s0 =	sshrl.u32 @!p2 s0, $0x3;
	p3 =	por !p3, p1  }
0x38: {  	s29 =	simm.s32 @!p2 $0x0;
	s7 =	sadd.s32 @!p2 s5, s0;
	s3 =	simm.s32 @!p3 $0x0  }
0x39: {  	[tilespmem:s3], [sflag:$0x5] =	stream.linear.gather @!p2 [hbm4b:s7+s29], $0x800, $0x38;
	[tilespmem:$0x1E000] =	vst v63  }
0x3a: {  	s3 =	simm.s32 @!p2 $0x5  }
0x3b: {  	s7 =	simm.s32 @!p2 $0x1800;
	_ =	swait.ge @!p2 [sflag:s3], $0x800  }
0x3c: {  	s7 =	simm.s32 @!p3 $0x1000;
	p3 =	seq.s32 s26, $0x0;
	[sflag:s3] =	ssyncset.done @!p2 $0x0  }
.Ltmp5:
0x3d: {  	s0 =	sadd.s32 @!p2 s6, s0;
	[sflag:s3] =	ssyncadd.s32 @!p2 $0xFFFFF800;
	(pc) =	sbr.rel @p3 .LBB2_20-.Ltmp5, $4  }
0x3e: {  	[tilespmem:s7], [sflag:$0x5] =	stream.linear.gather @!p2 [hbm4b:s0+s29], $0x800, $0x38;
	[tilespmem:$0x1E000] =	vst v63  }
0x3f: {  	_ =	swait.ge @!p2 [sflag:s3], $0x800  }
0x40: {  	[sflag:s3] =	ssyncset.done @!p2 $0x0  }
0x41: {  	s29 =	sand.u32 $0xF, s26;
	[sflag:s3] =	ssyncadd.s32 @!p2 $0xFFFFF800  }
0x42: {  	s0 =	sand.u32 $0x1, s26  }
.Ltmp6:
0x43: {  	p2 =	seq.s32 s0, $0x1;
	s0 =	simm.s32 $0x3;
	(pc) =	sbr.rel @p1 .LBB2_26-.Ltmp6, $4  }
0x44: {  	s0 =	simm.s32 @!p2 $0x4  }
0x45: {  	_ =	swait.ge [sflag:s0], $0x4000  }
0x46: {  	[sflag:s0] =	ssyncset.done $0x0  }
0x47: {  	[sflag:s0] =	ssyncadd.s32 $0xFFFFC000  }
0x48: {  	s0 =	sand.u32 $0x1, s31  }
0x49: {  	p1 =	seq.s32 s0, $0x1  }
.Ltmp7:
0x4a: {  	_ = 	snop;
	(pc) =	sbr.rel @!p1 .LBB2_19-.Ltmp7, $1  }
0x4b: {  	_ =	sdelay $0x3  }
.Ltmp8:
0x4c: {  	s0 =	sshll.u32 s30, $0x7;
	(pc) =	sbr.rel .LBB2_23-.Ltmp8, $4  }
0x4d: {  	s3 =	simm.s32 @p2 $0x80;
	s7 =	simm.s32 @p2 $0x2000;
	s0 =	sor.u32 $0x800, s0  }
0x4e: {  	[tilespmem:s7], [sflag:$0x1] =	stream.indirect.gather @p2 [hbm4b:s4+s3], $0x80, s0, s3, $0xb8;
	[tilespmem:$0x1E000] =	vst v63  }
0x4f: {  	s3 =	simm.s32 @!p2 $0x80;
	s7 =	simm.s32 @!p2 $0x6000  }
0x50: {  	[tilespmem:s7], [sflag:$0x2] =	stream.indirect.gather @!p2 [hbm4b:s4+s3], $0x80, s0, s3, $0xb8;
	[tilespmem:$0x1E000] =	vst v63  }
.LBB2_19:
.Ltmp9:
0x51: {  	(pc) =	sbr.rel @!p2 .LBB2_20-.Ltmp9, $1  }
0x52: {  	_ =	sdelay $0x3  }
.Ltmp10:
0x53: {  	(pc) =	sbr.rel .LBB2_23-.Ltmp10, $3  }
0x54: {  	_ =	sdelay $0x1  }
0x55: {  	s0 =	sshll.u32 s30, $0x7  }
0x56: {  	[tilespmem:s20], [sflag:$0x1] =	stream.indirect.gather [hbm4b:s4+s19], $0x80, s0, s19, $0xb8;
	[tilespmem:$0x1E000] =	vst v63  }
.LBB2_20:
0x57: {  	s0 =	sshll.u32 s30, $0x7  }
0x58: {  	[tilespmem:s21], [sflag:$0x2] =	stream.indirect.gather [hbm4b:s4+s19], $0x80, s0, s19, $0xb8;
	[tilespmem:$0x1E000] =	vst v63  }
.LBB2_23:
0x59: {  	s0 =	sand.u32 $0x10, s26  }
0x5a: {  	p2 =	sne.s32 s0, $0x0  }
.Ltmp11:
0x5b: {  	_ = 	snop;
	(pc) =	sbr.rel @p2 .LBB2_27-.Ltmp11, $3  }
0x5c: {  	_ =	sdelay $0x1  }
0x5d: {  	s31 =	sand.u32 $0x1, s26  }
0x5e: {  	p1 =	seq.s32 s31, $0x1  }
.Ltmp12:
0x5f: {  	(pc) =	sbr.rel @p1 .LBB2_26-.Ltmp12, $1  }
0x60: {  	_ =	sdelay $0x3  }
.Ltmp13:
0x61: {  	(pc) =	sbr.rel .LBB2_28-.Ltmp13, $4  }
0x62: {  	_ =	swait.ge [sflag:s22], $0x4000  }
0x63: {  	s0 =	sshll.u32 s29, $0x7;
	[sflag:s22] =	ssyncset.done $0x0  }
0x64: {  	s0 =	sor.u32 $0x1000, s0;
	[sflag:s22] =	ssyncadd.s32 $0xFFFFC000  }
0x65: {  	[spmem:s1] =	stream.indirect.scatter.add.f32 [tilespmem:s20], [sflag:$0x3], $0x80, s0, s19, $0xb8;
	[tilespmem:$0x1E000] =	vst v63  }
.LBB2_27:
0x66: {  	s0 =	simm.s32 @p1 $0x2  }
0x67: {  	_ =	swait.ge @p1 [sflag:s0], $0x4000  }
0x68: {  	s3 =	sshll.u32 s29, $0x7;
	s7 =	simm.s32 @p1 $0x6000;
	[sflag:s0] =	ssyncset.done @p1 $0x0  }
0x69: {  	s3 =	sor.u32 $0x1800, s3;
	[sflag:s0] =	ssyncadd.s32 @p1 $0xFFFFC000;
	s0 =	simm.s32 @p1 $0x80  }
0x6a: {  	[spmem:s1] =	stream.indirect.scatter.add.f32 @p1 [tilespmem:s7], [sflag:$0x4], $0x80, s3, s0, $0xb8;
	[tilespmem:$0x1E000] =	vst v63  }
.Ltmp14:
0x6b: {  	s0 =	simm.s32 @!p1 $0x1;
	(pc) =	sbr.rel .LBB2_28-.Ltmp14, $4  }
0x6c: {  	_ =	swait.ge @!p1 [sflag:s0], $0x4000  }
0x6d: {  	[sflag:s0] =	ssyncset.done @!p1 $0x0  }
0x6e: {  	s7 =	simm.s32 @!p1 $0x2000;
	[sflag:s0] =	ssyncadd.s32 @!p1 $0xFFFFC000;
	s0 =	simm.s32 @!p1 $0x80  }
0x6f: {  	[spmem:s1] =	stream.indirect.scatter.add.f32 @!p1 [tilespmem:s7], [sflag:$0x3], $0x80, s3, s0, $0xb8;
	[tilespmem:$0x1E000] =	vst v63  }
.LBB2_12:
0x70: {  	_ =	swait.ge [sflag:s23], $0x4000  }
0x71: {  	s0 =	sshll.u32 s29, $0x7;
	[sflag:s23] =	ssyncset.done $0x0  }
0x72: {  	s0 =	sor.u32 $0x1000, s0;
	[sflag:s23] =	ssyncadd.s32 $0xFFFFC000  }
0x73: {  	[spmem:s1] =	stream.indirect.scatter.add.f32 [tilespmem:s21], [sflag:$0x4], $0x80, s0, s19, $0xb8;
	[tilespmem:$0x1E000] =	vst v63  }
.LBB2_14:
0x74: {  	p1 =	seq.s32 s26, $0x50  }
.Ltmp15:
0x75: {  	_ = 	snop;
	(pc) =	sbr.rel @p1 .LBB2_15-.Ltmp15, $1  }
0x76: {  	_ =	sdelay $0x3  }
.LBB2_2:
0x77: {  	s28 =	smov.u32 s26;
	s26 =	sadd.s32 $0x1, s26  }
0x78: {  	s30 =	sand.u32 $0xF, s26;
	p1 =	seq.s32 s28, $0x4F  }
0x79: {  	p3 =	sne.s32 @!p1 s30, $0x0  }
0x7a: {  	s31 =	sshrl.u32 s26, $0x4;
	p2 =	por p3, p1  }
0x7b: {  	s29 =	sand.u32 @!p2 $0x1, s31  }
0x7c: {  	p4 =	seq.s32 @!p2 s29, $0x1;
	s29 =	sshll.u32 @!p2 s31, $0xB  }
0x7d: {  	s29 =	sadd.s32 @!p2 s13, s29;
	p3 =	por @!p1 !p4, p3  }
0x7e: {  	s0 =	simm.s32 @!p2 $0x800;
	s29 =	sshrl.u32 @!p2 s29, $0x3;
	p3 =	por !p3, p1  }
0x7f: {  	s7 =	simm.s32 @!p2 $0x0;
	s3 =	sadd.s32 @!p2 s5, s29;
	s0 =	simm.s32 @!p3 $0x0  }
0x80: {  	[tilespmem:s0], [sflag:$0x5] =	stream.linear.gather @!p2 [hbm4b:s3+s7], $0x800, $0x38;
	[tilespmem:$0x1E000] =	vst v63  }
0x81: {  	s0 =	simm.s32 @!p2 $0x5  }
0x82: {  	s3 =	simm.s32 @!p2 $0x1800;
	_ =	swait.ge @!p2 [sflag:s0], $0x800  }
0x83: {  	s3 =	simm.s32 @!p3 $0x1000;
	p3 =	seq.s32 s28, $0x0;
	[sflag:s0] =	ssyncset.done @!p2 $0x0  }
.Ltmp16:
0x84: {  	s29 =	sadd.s32 @!p2 s6, s29;
	[sflag:s0] =	ssyncadd.s32 @!p2 $0xFFFFF800;
	(pc) =	sbr.rel @p3 .LBB2_6-.Ltmp16, $4  }
0x85: {  	[tilespmem:s3], [sflag:$0x5] =	stream.linear.gather @!p2 [hbm4b:s29+s7], $0x800, $0x38;
	[tilespmem:$0x1E000] =	vst v63  }
0x86: {  	_ =	swait.ge @!p2 [sflag:s0], $0x800  }
0x87: {  	[sflag:s0] =	ssyncset.done @!p2 $0x0  }
0x88: {  	s29 =	sand.u32 $0xF, s28;
	[sflag:s0] =	ssyncadd.s32 @!p2 $0xFFFFF800  }
0x89: {  	s0 =	sand.u32 $0x1, s28  }
.Ltmp17:
0x8a: {  	p2 =	seq.s32 s0, $0x1;
	s0 =	simm.s32 $0x3;
	(pc) =	sbr.rel @p1 .LBB2_12-.Ltmp17, $4  }
0x8b: {  	s0 =	simm.s32 @!p2 $0x4  }
0x8c: {  	_ =	swait.ge [sflag:s0], $0x4000  }
0x8d: {  	[sflag:s0] =	ssyncset.done $0x0  }
0x8e: {  	[sflag:s0] =	ssyncadd.s32 $0xFFFFC000  }
0x8f: {  	s0 =	sand.u32 $0x1, s31  }
0x90: {  	p1 =	seq.s32 s0, $0x1  }
.Ltmp18:
0x91: {  	_ = 	snop;
	(pc) =	sbr.rel @!p1 .LBB2_5-.Ltmp18, $1  }
0x92: {  	_ =	sdelay $0x3  }
.Ltmp19:
0x93: {  	s0 =	sshll.u32 s30, $0x7;
	(pc) =	sbr.rel .LBB2_9-.Ltmp19, $4  }
0x94: {  	s3 =	simm.s32 @p2 $0x80;
	s7 =	simm.s32 @p2 $0x2000;
	s0 =	sor.u32 $0x800, s0  }
0x95: {  	[tilespmem:s7], [sflag:$0x1] =	stream.indirect.gather @p2 [hbm4b:s4+s3], $0x80, s0, s3, $0xb8;
	[tilespmem:$0x1E000] =	vst v63  }
0x96: {  	s3 =	simm.s32 @!p2 $0x80;
	s7 =	simm.s32 @!p2 $0x6000  }
0x97: {  	[tilespmem:s7], [sflag:$0x2] =	stream.indirect.gather @!p2 [hbm4b:s4+s3], $0x80, s0, s3, $0xb8;
	[tilespmem:$0x1E000] =	vst v63  }
.LBB2_5:
.Ltmp20:
0x98: {  	(pc) =	sbr.rel @!p2 .LBB2_6-.Ltmp20, $1  }
0x99: {  	_ =	sdelay $0x3  }
.Ltmp21:
0x9a: {  	(pc) =	sbr.rel .LBB2_9-.Ltmp21, $3  }
0x9b: {  	_ =	sdelay $0x1  }
0x9c: {  	s0 =	sshll.u32 s30, $0x7  }
0x9d: {  	[tilespmem:s20], [sflag:$0x1] =	stream.indirect.gather [hbm4b:s4+s19], $0x80, s0, s19, $0xb8;
	[tilespmem:$0x1E000] =	vst v63  }
.LBB2_6:
0x9e: {  	s0 =	sshll.u32 s30, $0x7  }
0x9f: {  	[tilespmem:s21], [sflag:$0x2] =	stream.indirect.gather [hbm4b:s4+s19], $0x80, s0, s19, $0xb8;
	[tilespmem:$0x1E000] =	vst v63  }
.LBB2_9:
0xa0: {  	s0 =	sand.u32 $0x10, s28  }
0xa1: {  	p2 =	sne.s32 s0, $0x0  }
.Ltmp22:
0xa2: {  	_ = 	snop;
	(pc) =	sbr.rel @p2 .LBB2_13-.Ltmp22, $3  }
0xa3: {  	_ =	sdelay $0x1  }
0xa4: {  	s31 =	sand.u32 $0x1, s28  }
0xa5: {  	p1 =	seq.s32 s31, $0x1  }
.Ltmp23:
0xa6: {  	(pc) =	sbr.rel @p1 .LBB2_12-.Ltmp23, $1  }
0xa7: {  	_ =	sdelay $0x3  }
.Ltmp24:
0xa8: {  	(pc) =	sbr.rel .LBB2_14-.Ltmp24, $4  }
0xa9: {  	_ =	swait.ge [sflag:s22], $0x4000  }
0xaa: {  	s0 =	sshll.u32 s29, $0x7;
	[sflag:s22] =	ssyncset.done $0x0  }
0xab: {  	s0 =	sor.u32 $0x1000, s0;
	[sflag:s22] =	ssyncadd.s32 $0xFFFFC000  }
0xac: {  	[spmem:s1] =	stream.indirect.scatter.add.f32 [tilespmem:s20], [sflag:$0x3], $0x80, s0, s19, $0xb8;
	[tilespmem:$0x1E000] =	vst v63  }
.LBB2_13:
0xad: {  	s0 =	simm.s32 @p1 $0x2  }
0xae: {  	_ =	swait.ge @p1 [sflag:s0], $0x4000  }
0xaf: {  	s3 =	sshll.u32 s29, $0x7;
	s7 =	simm.s32 @p1 $0x6000;
	[sflag:s0] =	ssyncset.done @p1 $0x0  }
0xb0: {  	s3 =	sor.u32 $0x1800, s3;
	[sflag:s0] =	ssyncadd.s32 @p1 $0xFFFFC000;
	s0 =	simm.s32 @p1 $0x80  }
0xb1: {  	[spmem:s1] =	stream.indirect.scatter.add.f32 @p1 [tilespmem:s7], [sflag:$0x4], $0x80, s3, s0, $0xb8;
	[tilespmem:$0x1E000] =	vst v63  }
.Ltmp25:
0xb2: {  	s0 =	simm.s32 @!p1 $0x1;
	(pc) =	sbr.rel .LBB2_14-.Ltmp25, $4  }
0xb3: {  	_ =	swait.ge @!p1 [sflag:s0], $0x4000  }
0xb4: {  	[sflag:s0] =	ssyncset.done @!p1 $0x0  }
0xb5: {  	s7 =	simm.s32 @!p1 $0x2000;
	[sflag:s0] =	ssyncadd.s32 @!p1 $0xFFFFC000;
	s0 =	simm.s32 @!p1 $0x80  }
0xb6: {  	[spmem:s1] =	stream.indirect.scatter.add.f32 @!p1 [tilespmem:s7], [sflag:$0x3], $0x80, s3, s0, $0xb8;
	[tilespmem:$0x1E000] =	vst v63  }
.LBB2_15:
.Ltmp26:
0xb7: {  	(pc) =	sbr.rel .LBB2_30-.Ltmp26, $2  }
0xb8: {  	_ =	sdelay $0x2  }
0xb9: {  	s26 =	rddreg [dreg:$0x3]  }
.LBB2_31:
0xba: {  	_ =	sfence.sel $0x180000  }
0xbb: {  	[bflag:$0x0] =	sbarrier.arrive $0xFFFF  }
0xbc: {  	_ =	strace $0x90000047  }
0xbd: {  	s0 =	stileid.u32;
	[bflag:$0x2] =	sbarrier.arrive $0xFFFF  }
0xbe: {  	p0 =	sne.s32 s0, $0x0;
	s0 =	rddreg [dreg:$0x2]  }
0xbf: {  	s0 =	sadd.s32 @!p0 $0x100000, s0  }
0xc0: {  	[sflag:s0] =	ssyncadd.tile.s32 @!p0 $0x1;
	_ =	shalt  }
.Lfunc_end2:
_tile_overlayer_lowered:
.L_overlay_start_2:
0xc1: {  	(tag) =	ssettag $0x2  }
0xc2: {  	s0 =	rddreg [dreg:$0x0];
	s2 =	stileid.u32  }
0xc3: {  	s1 =	rddreg [dreg:$0x1];
	p0 =	sne.s32 s2, $0x0  }
0xc4: {  	s3 =	rddreg [dreg:$0x2];
	[bflag:$0x3] =	sbarrier.arrive $0xFFFF;
	s2 =	simm.s32 @!p0 $0x1C05  }
0xc5: {  	[timem:s3], [sflag:s2] =	dma.local @!p0 [hbm:s0], s1  }
0xc6: {  	s0 =	simm.s32 @!p0 $0x5  }
0xc7: {  	_ =	swait.ge @!p0 [sflag:s0], s1  }
0xc8: {  	s1 =	ssub.s32 @!p0 $0x0, s1;
	[sflag:s0] =	ssyncset.done @!p0 $0x0  }
0xc9: {  	[sflag:s0] =	ssyncadd.s32 @!p0 s1  }
0xca: {  	[bflag:$0x3] =	sbarrier.arrive $0xFFFF  }
0xcb: {  	_ =	shalt  }

// kernel: kernel.17.cloned.1.call-start
scs
__scs_entry_jumppad:
0x0: {  	(pc) =	sbr.rel $0x88, $3  }
0x1: {  	(tag) =	ssettag $0x0;
	lr =	simm.s32 $0x1  }
0x2: {  	[smem:$0x3F8C] =	sst lr;
	_ =	strace $0xD0000000  }
0x3: {  	_ = 	snop  }
0x4: {  	_ = 	snop  }
0x5: {  	_ = 	snop  }
0x6: {  	_ = 	snop  }
0x7: {  	_ = 	snop  }
__scs_overlays_trampoline_lowered:
0x8: {  	[smem:$0x3F9B] =	sst s0  }
0x9: {  	[smem:$0x3F9C] =	sst s1  }
0xa: {  	[smem:$0x3F9D] =	sst s2  }
0xb: {  	[smem:$0x3F9E] =	sst s3  }
0xc: {  	[smem:$0x3F9F] =	sst s4  }
0xd: {  	[smem:$0x3FA0] =	sst s5  }
0xe: {  	[smem:$0x3FA1] =	sst s6  }
0xf: {  	[smem:$0x3FA2] =	sst s7  }
0x10: {  	[smem:$0x3FA3] =	sst s8  }
0x11: {  	[smem:$0x3FA4] =	sst s9;
	s0 =	simm.s32 @!p0 $0x0  }
0x12: {  	s1 =	sld [smem:$0x3F8A];
	s0 =	simm.s32 @p0 $0x1  }
0x13: {  	[smem:$0x3FA5] =	sst s0;
	s0 =	simm.s32 @!p1 $0x0  }
0x14: {  	s2 =	sld [smem:$0x3F89];
	s0 =	simm.s32 @p1 $0x1  }
0x15: {  	[smem:$0x3FA6] =	sst s0;
	s0 =	simm.s32 @!p2 $0x0  }
0x16: {  	s3 =	sld [smem:$0x3FDB];
	s0 =	simm.s32 @p2 $0x1  }
0x17: {  	s4 =	simm.s32 $0x1BF5;
	[smem:$0x3FA8] =	sst s0  }
0x18: {  	s0 =	sld [smem:$0x3F8B];
	_ =	swait.ge [sflag:s4], $0x0  }
0x19: {  	s7 =	sld [smem:$0x3F8C]  }
0x1a: {  	s8 =	sadd.s32 $0xFFFFE003, lr  }
0x1b: {  	s9 =	sadd.s32 $0xFFFFFEF7, lr;
	s5 =	simm.s32 $0xFFFFFFFF;
	p2 =	slt.u32 s8, $0xFFFFF086  }
0x1c: {  	p1 =	slt.u32 s9, $0xF7A;
	s5 =	simm.s32 @!p2 $0x0  }
0x1d: {  	s5 =	simm.s32 @p1 $0x1;
	p0 =	seq.s32 s7, s2  }
0x1e: {  	s7 =	smul.u32 @!p0 $0xF7A, s2;
	p2 =	seq.s32 @!p0 s5, $0x0  }
0x1f: {  	s9 =	smul.u32 $0xF7A, s1;
	s8 =	simm.s32 @!p0 $0x1BF5;
	p2 =	por !p2, p0  }
0x20: {  	[sflag:s8] =	ssyncset.s32 @!p0 $0xFFFFF086;
	s6 =	sadd.s32 @!p0 s3, s7;
	s7 =	simm.s32 @!p0 $0x108  }
0x21: {  	s3 =	sadd.s32 s3, s9;
	s6 =	sadd.s32 @!p0 $0x88, s6;
	s7 =	simm.s32 @p2 $0x1082  }
0x22: {  	[simem:s7], [sflag:s8] =	dma.local @!p0 [hbm:s6], $0xF7A  }
0x23: {  	s9 =	sor.u32 $0xD0000000, s2;
	s6 =	simm.s32 $0x108;
	_ =	swait.ge @!p0 [sflag:s8], $0x0  }
0x24: {  	s3 =	sadd.s32 $0x88, s3;
	s6 =	simm.s32 @!p1 $0x1082;
	[sflag:s4] =	ssyncset.s32 $0xFFFFF086  }
0x25: {  	[simem:s6], [sflag:s4] =	dma.local [hbm:s3], $0xF7A  }
0x26: {  	[smem:$0x3F8C] =	sst s1;
	(tag) =	ssettag s2;
	_ =	strace s9  }
0x27: {  	s1 =	sld [smem:$0x3F9C]  }
0x28: {  	s2 =	sld [smem:$0x3F9D]  }
0x29: {  	s4 =	sld [smem:$0x3F9F]  }
0x2a: {  	p0 =	seq.s32 s5, $0x0;
	s5 =	sld [smem:$0x3FA0]  }
0x2b: {  	s6 =	sld [smem:$0x3FA1]  }
0x2c: {  	s7 =	sld [smem:$0x3FA2]  }
0x2d: {  	s3 =	simm.s32 $0x108;
	s8 =	sld [smem:$0x3FA3]  }
0x2e: {  	s3 =	simm.s32 @!p0 $0x1082;
	s9 =	sld [smem:$0x3FA4]  }
0x2f: {  	lr =	sadd.s32 s0, s3;
	s0 =	sld [smem:$0x3F9B]  }
0x30: {  	s3 =	sld [smem:$0x3F9E]  }
0x31: {  	[smem:$0x3FA7] =	sst s10  }
0x32: {  	s10 =	sld [smem:$0x3FA5];
	_ =	sdelay $0x3  }
0x33: {  	p0 =	seq.s32 s10, $0x1;
	s10 =	sld [smem:$0x3FA7];
	_ =	sdelay $0x3  }
0x34: {  	[smem:$0x3FA7] =	sst s10  }
0x35: {  	s10 =	sld [smem:$0x3FA6];
	_ =	sdelay $0x3  }
0x36: {  	p1 =	seq.s32 s10, $0x1;
	s10 =	sld [smem:$0x3FA7];
	_ =	sdelay $0x3  }
0x37: {  	[smem:$0x3FA7] =	sst s10  }
0x38: {  	s10 =	sld [smem:$0x3FA8]  }
0x39: {  	_ = 	snop;
	(pc) =	sbr.ind lr, $3  }
0x3a: {  	_ = 	snop  }
0x3b: {  	_ = 	snop  }
0x3c: {  	p2 =	seq.s32 s10, $0x1;
	s10 =	sld [smem:$0x3FA7]  }
0x3d: {  	_ =	shalt  }
0x3e: {  	_ =	shalt  }
0x3f: {  	_ =	shalt  }
0x40: {  	_ =	shalt  }
0x41: {  	_ =	shalt  }
0x42: {  	_ =	shalt  }
0x43: {  	_ =	shalt  }
0x44: {  	_ =	shalt  }
0x45: {  	_ =	shalt  }
0x46: {  	_ =	shalt  }
0x47: {  	_ =	shalt  }
0x48: {  	_ =	shalt  }
0x49: {  	_ =	shalt  }
0x4a: {  	_ =	shalt  }
0x4b: {  	_ =	shalt  }
0x4c: {  	_ =	shalt  }
0x4d: {  	_ =	shalt  }
0x4e: {  	_ =	shalt  }
0x4f: {  	_ =	shalt  }
0x50: {  	_ =	shalt  }
0x51: {  	_ =	shalt  }
0x52: {  	_ =	shalt  }
0x53: {  	_ =	shalt  }
0x54: {  	_ =	shalt  }
0x55: {  	_ =	shalt  }
0x56: {  	_ =	shalt  }
0x57: {  	_ =	shalt  }
0x58: {  	_ =	shalt  }
0x59: {  	_ =	shalt  }
0x5a: {  	_ =	shalt  }
0x5b: {  	_ =	shalt  }
0x5c: {  	_ =	shalt  }
0x5d: {  	_ =	shalt  }
0x5e: {  	_ =	shalt  }
0x5f: {  	_ =	shalt  }
0x60: {  	_ =	shalt  }
0x61: {  	_ =	shalt  }
0x62: {  	_ =	shalt  }
0x63: {  	_ =	shalt  }
0x64: {  	_ =	shalt  }
0x65: {  	_ =	shalt  }
0x66: {  	_ =	shalt  }
0x67: {  	_ =	shalt  }
0x68: {  	_ =	shalt  }
0x69: {  	_ =	shalt  }
0x6a: {  	_ =	shalt  }
0x6b: {  	_ =	shalt  }
0x6c: {  	_ =	shalt  }
0x6d: {  	_ =	shalt  }
0x6e: {  	_ =	shalt  }
0x6f: {  	_ =	shalt  }
0x70: {  	_ =	shalt  }
0x71: {  	_ =	shalt  }
0x72: {  	_ =	shalt  }
0x73: {  	_ =	shalt  }
0x74: {  	_ =	shalt  }
0x75: {  	_ =	shalt  }
0x76: {  	_ =	shalt  }
0x77: {  	_ =	shalt  }
0x78: {  	_ =	shalt  }
0x79: {  	_ =	shalt  }
0x7a: {  	_ =	shalt  }
0x7b: {  	_ =	shalt  }
0x7c: {  	_ =	shalt  }
0x7d: {  	_ =	shalt  }
0x7e: {  	_ =	shalt  }
0x7f: {  	_ =	shalt  }
0x80: {  	_ =	shalt  }
0x81: {  	_ =	shalt  }
0x82: {  	_ =	shalt  }
0x83: {  	_ =	shalt  }
0x84: {  	_ =	shalt  }
0x85: {  	_ =	shalt  }
0x86: {  	_ =	shalt  }
0x87: {  	_ =	shalt  }
.Lfunc_end0:
.L_simem_size_0:
called_computation.1_lowered:
.L_overlay_start_0:
0x88: {  	s2 =	sld [smem:$0x3FD9]  }
0x89: {  	s3 =	sld [smem:$0x3FFE];
	_ =	sdelay $0x1  }
0x8a: {  	s1 =	srdreg.scid  }
0x8b: {  	s0 =	sand.u32 $0x1, s1  }
0x8c: {  	s16 =	sshll.u32 s0, $0xA;
	s2 =	sadd.s32 s3, s2  }
0x8d: {  	s2 =	sadd.s32 s2, s16  }
0x8e: {  	[smem:$0x3FB3] =	sst s2  }
0x8f: {  	_ = 	snop  }
0x90: {  	(tm) =	ssettm $0x1  }
0x91: {  	s17 =	sld [smem:$0x3FFB];
	_ =	sdelay $0x3  }
0x92: {  	_ =	strace s17  }
0x93: {  	s2 =	sld [smem:$0x3FFC];
	_ =	sdelay $0x3  }
0x94: {  	_ =	strace s2  }
0x95: {  	s2 =	sld [smem:$0x3FFD];
	_ =	sdelay $0x3  }
0x96: {  	_ =	strace s2  }
0x97: {  	_ =	strace $0x8FFFFFFF  }
0x98: {  	s18 =	sld [smem:$0x3FDB];
	_ =	sdelay $0x1  }
0x99: {  	s19 =	simm.s32 $_scs_section_size  }
0x9a: {  	s4 =	simm.s32 $_size__tile_overlayer_lowered;
	s5 =	simm.s32 $_tile_overlayer_lowered  }
0x9b: {  	s22 =	simm.s32 $0x1BFF;
	s21 =	sshll.u32 s5, $0x1;
	s2 =	sadd.s32 s19, s18  }
0x9c: {  	s6 =	simm.s32 $0x0;
	s20 =	sshll.u32 s4, $0x1;
	s4 =	sadd.s32 s21, s2  }
0x9d: {  	[timem:s6], [sflag:s22] =	dma.local [hbm:s4], s20  }
0x9e: {  	_ =	swait.ge [sflag:s22], s20  }
0x9f: {  	s3 =	ssub.s32 $0x0, s20;
	[sflag:s22] =	ssyncset.done $0x0  }
0xa0: {  	[sflag:s22] =	ssyncadd.s32 s3;
	_ =	sdelay $0x1  }
0xa1: {  	s23 =	simm.s32 $0x1B8B  }
0xa2: {  	_ =	swait.ge [sflag:s23], $0x1  }
0xa3: {  	[sflag:s23] =	ssyncset.done $0x0  }
0xa4: {  	s25 =	simm.s32 $0x1B8E;
	s24 =	sld [smem:$0x3FFE];
	[sflag:s23] =	ssyncadd.s32 $0xFFFFFFFF  }
0xa5: {  	s26 =	simm.s32 $execute0_lowered;
	[smem:$0x3FD2] =	sst s25  }
0xa6: {  	s4 =	sshll.u32 s26, $0x1;
	_ =	strace $0x80000049;
	[dreg:$0x1] =	wrdreg $0xFFFFFFFF  }
0xa7: {  	s28 =	simm.s32 $_size_execute0_lowered;
	s2 =	sadd.s32 s2, s4;
	[dreg:$0x0] =	wrdreg $0x0  }
0xa8: {  	s4 =	sshll.u32 s28, $0x1;
	[dreg:$0x2] =	wrdreg s2  }
0xa9: {  	[dreg:$0x3] =	wrdreg s4  }
0xaa: {  	[dreg:$0x4] =	wrdreg $0xC0  }
0xab: {  	_ =	task [dreg:s6], $0x5FFFF  }
0xac: {  	[dreg:$0x1] =	wrdreg $0xFFFFFFFF  }
0xad: {  	[dreg:$0x0] =	wrdreg $0x60  }
0xae: {  	[dreg:$0x2] =	wrdreg s24  }
0xaf: {  	[dreg:$0x3] =	wrdreg $0xA0000  }
0xb0: {  	[dreg:$0x4] =	wrdreg $0x9  }
0xb1: {  	_ =	task.clear_ibuf [dreg:s6], $0x5FFFF;
	_ =	strace $0x90000049  }
0xb2: {  	s29 =	simm.s32 $0x9;
	_ =	strace $0x8000004B  }
0xb3: {  	_ =	swait.ge [sflag:s29], $0x1  }
0xb4: {  	[sflag:s29] =	ssyncadd.s32 $0xFFFFFFFF  }
0xb5: {  	_ =	strace $0x9000004B  }
0xb6: {  	_ =	sfence  }
0xb7: {  	s30 =	sld [smem:$0x0];
	_ =	sdelay $0x2  }
0xb8: {  	s31 =	sshll.u32 s1, $0xD;
	s1 =	sshrl.u32 s1, $0x2  }
0xb9: {  	s3 =	sand.u32 $0x4000, s31;
	s1 =	sadd.s32 s1, s30  }
0xba: {  	s0 =	sor.u32 s3, s0;
	s1 =	sshll.u32 s1, $0x11  }
0xbb: {  	s0 =	sor.u32 s1, s0  }
0xbc: {  	s0 =	sadd.s32 $0x8F2B, s0  }
0xbd: {  	[sflag:s0] =	ssyncadd.remote.s32 $0x1  }
0xbe: {  	_ =	sfence.sel $0xFFFF  }
0xbf: {  	[dreg:$0x0] =	wrdreg $0xFFFFFFFF;
	(pc) =	sbr.abs _section_cstart, $3  }
0xc0: {  	[dreg:$0x1] =	wrdreg $0xFFFFFFFF  }
0xc1: {  	_ =	task.clear_ibuf [dreg:s6], $0x2FFFF;
	_ =	strace $0x9FFFFFFF  }
0xc2: {  	(tm) =	ssettm $0x7FFFFFFF  }
0xc3: {  	_ =	shalt  }
tec
execute0_lowered:
.L_overlay_start_1:
0x0: {  	(tag) =	ssettag $0x1  }
0x1: {  	s0 =	rddreg [dreg:$0x0]  }
0x2: {  	s1 =	rddreg [dreg:$0x1]  }
0x3: {  	s2 =	simm.s32 $0x0;
	s3 =	srdreg.scid;
	s10 =	stileid.u32  }
0x4: {  	s20 =	simm.s32 $0x5;
	s31 =	simm.s32 $0x1000;
	s22 =	simm.s32 $0x80  }
0x5: {  	s23 =	simm.s32 $0x2000;
	s24 =	simm.s32 $0x6000;
	s25 =	simm.s32 $0x1  }
0x6: {  	s28 =	simm.s32 $0x4;
	[smem:$0x7FF] =	sst s2;
	s4 =	sadd.s32 $0x1DC00, s0  }
0x7: {  	s5 =	sadd.s32 $0x95C00, s0;
	s6 =	sadd.s32 $0x13C00, s0;
	s8 =	smul.u32 $0x50000, s10  }
0x8: {  	s7 =	sadd.s32 $0x9C00, s0;
	s3 =	sand.u32 $0x1, s3;
	s13 =	smul.u32 $0xA00, s10  }
0x9: {  	s9 =	sadd.s32 $0xE5C00, s0;
	s0 =	sadd.s32 $0xBDC00, s0;
	s14 =	smul.u32 $0x5000, s10  }
0xa: {  	s15 =	sshll.u32 s10, $0x6;
	_ =	strace $0x8000004A;
	[dreg:$0x3] =	wrdreg s9  }
0xb: {  	s11 =	ssub.s32 $0x2, s3;
	s9 =	smul.u32 $0x2800, s10;
	[dreg:$0x4] =	wrdreg s0  }
.Ltmp0:
0xc: {  	p0 =	seq.s32 s3, $0x1;
	s18 =	sor.u32 $0x1C05, s15;
	(pc) =	sbr.rel .LBB2_1-.Ltmp0, $4  }
0xd: {  	s26 =	sshrl.u32 s11, $0x1;
	s29 =	sshrl.u32 s8, $0x2;
	s12 =	sadd.s32 s6, s13  }
0xe: {  	s13 =	sadd.s32 s7, s13;
	s0 =	ssub.s32 s11, s26;
	s3 =	sadd.s32 s29, s1  }
0xf: {  	s30 =	sadd.s32 s4, s9;
	s16 =	sadd.s32 s5, s9;
	s26 =	simm.s32 $0x2  }
0x10: {  	[dreg:$0x5] =	wrdreg s30;
	s17 =	smax.u32 s0, $0x1;
	s19 =	sshrl.u32 s3, $0x3  }
.LBB2_31:
0x11: {  	s0 =	rddreg [dreg:$0x4];
	s29 =	smov.u32 s18  }
.LBB2_32:
0x12: {  	_ =	swait.ge [sflag:s28], $0x4000  }
0x13: {  	s2 =	sadd.s32 $0x1, s2;
	[sflag:s28] =	ssyncset.done $0x0  }
0x14: {  	p1 =	sne.s32 s2, s17;
	[sflag:s28] =	ssyncadd.s32 $0xFFFFC000  }
.Ltmp1:
0x15: {  	s0 =	sadd.s32 s0, s9;
	[bflag:$0x0] =	sbarrier.arrive $0xFFFF;
	(pc) =	sbr.rel @!p1 .LBB2_33-.Ltmp1, $4  }
0x16: {  	[hbm:s0], [sflag:s29] =	dma.local [spmem:s19], $0x2800  }
0x17: {  	_ =	swait.ge [sflag:s20], $0x2800  }
0x18: {  	[sflag:s20] =	ssyncset.done $0x0  }
0x19: {  	[sflag:s20] =	ssyncadd.s32 $0xFFFFD800  }
.LBB2_1:
.Ltmp2:
0x1a: {  	(pc) =	sbr.rel @!p0 .LBB2_2-.Ltmp2, $1  }
0x1b: {  	_ =	sdelay $0x3  }
0x1c: {  	[spmem:s19], [sflag:s18] =	dma.local [hbm:s16], $0x2800  }
0x1d: {  	_ =	swait.ge [sflag:s20], $0x2800  }
0x1e: {  	[sflag:s20] =	ssyncset.done $0x0  }
0x1f: {  	[sflag:s20] =	ssyncadd.s32 $0xFFFFD800  }
0x20: {  	s29 =	simm.s32 $0x0;
	[bflag:$0x0] =	sbarrier.arrive $0xFFFF  }
0x21: {  	[tilespmem:s29], [sflag:$0x5] =	stream.linear.gather [hbm4b:s12+s29], $0x800, $0x38;
	[tilespmem:$0x1E000] =	vst v63  }
0x22: {  	_ =	swait.ge [sflag:s20], $0x800  }
0x23: {  	[sflag:s20] =	ssyncset.done $0x0  }
0x24: {  	[sflag:s20] =	ssyncadd.s32 $0xFFFFF800  }
0x25: {  	[tilespmem:s31], [sflag:$0x5] =	stream.linear.gather [hbm4b:s13+s29], $0x800, $0x38;
	[tilespmem:$0x1E000] =	vst v63  }
.Ltmp3:
0x26: {  	_ = 	snop;
	(pc) =	sbr.rel .LBB2_18-.Ltmp3, $4  }
0x27: {  	_ =	swait.ge [sflag:s20], $0x800  }
0x28: {  	[sflag:s20] =	ssyncset.done $0x0  }
0x29: {  	[sflag:s20] =	ssyncadd.s32 $0xFFFFF800  }
0x2a: {  	[tilespmem:s23], [sflag:$0x1] =	stream.indirect.gather [hbm4b:s5+s22], $0x80, s29, s22, $0xb8;
	[tilespmem:$0x1E000] =	vst v63  }
.LBB2_29:
0x2b: {  	_ =	swait.ge [sflag:s26], $0x4000  }
0x2c: {  	s0 =	sshll.u32 s0, $0x7;
	[sflag:s26] =	ssyncset.done $0x0  }
0x2d: {  	s0 =	sor.u32 $0x1800, s0;
	[sflag:s26] =	ssyncadd.s32 $0xFFFFC000  }
0x2e: {  	[spmem:s1] =	stream.indirect.scatter.add.f32 [tilespmem:s24], [sflag:$0x4], $0x80, s0, s22, $0xb8;
	[tilespmem:$0x1E000] =	vst v63  }
.LBB2_30:
0x2f: {  	p1 =	sne.s32 s29, $0xA0  }
.Ltmp4:
0x30: {  	_ = 	snop;
	(pc) =	sbr.rel @!p1 .LBB2_31-.Ltmp4, $1  }
0x31: {  	_ =	sdelay $0x3  }
.LBB2_18:
0x32: {  	s30 =	smov.u32 s29;
	s29 =	sadd.s32 $0x1, s29  }
0x33: {  	s3 =	sand.u32 $0xF, s29;
	p1 =	seq.s32 s30, $0x9F  }
0x34: {  	p3 =	sne.s32 @!p1 s3, $0x0  }
0x35: {  	s8 =	sshrl.u32 s29, $0x4;
	p2 =	por p3, p1  }
0x36: {  	s0 =	sand.u32 @!p2 $0x1, s8  }
0x37: {  	p4 =	seq.s32 @!p2 s0, $0x1;
	s0 =	sshll.u32 @!p2 s8, $0xB  }
0x38: {  	s0 =	sadd.s32 @!p2 s14, s0;
	p3 =	por @!p1 !p4, p3  }
0x39: {  	s10 =	simm.s32 @!p2 $0x800;
	s0 =	sshrl.u32 @!p2 s0, $0x3;
	p3 =	por !p3, p1  }
0x3a: {  	s21 =	simm.s32 @!p2 $0x0;
	s11 =	sadd.s32 @!p2 s6, s0;
	s10 =	simm.s32 @!p3 $0x0  }
0x3b: {  	[tilespmem:s10], [sflag:$0x5] =	stream.linear.gather @!p2 [hbm4b:s11+s21], $0x800, $0x38;
	[tilespmem:$0x1E000] =	vst v63  }
0x3c: {  	s10 =	simm.s32 @!p2 $0x5  }
0x3d: {  	s11 =	simm.s32 @!p2 $0x1800;
	_ =	swait.ge @!p2 [sflag:s10], $0x800  }
0x3e: {  	s11 =	simm.s32 @!p3 $0x1000;
	p3 =	seq.s32 s30, $0x0;
	[sflag:s10] =	ssyncset.done @!p2 $0x0  }
.Ltmp5:
0x3f: {  	s0 =	sadd.s32 @!p2 s7, s0;
	[sflag:s10] =	ssyncadd.s32 @!p2 $0xFFFFF800;
	(pc) =	sbr.rel @p3 .LBB2_22-.Ltmp5, $4  }
0x40: {  	[tilespmem:s11], [sflag:$0x5] =	stream.linear.gather @!p2 [hbm4b:s0+s21], $0x800, $0x38;
	[tilespmem:$0x1E000] =	vst v63  }
0x41: {  	_ =	swait.ge @!p2 [sflag:s10], $0x800  }
0x42: {  	[sflag:s10] =	ssyncset.done @!p2 $0x0  }
0x43: {  	s0 =	sand.u32 $0xF, s30;
	[sflag:s10] =	ssyncadd.s32 @!p2 $0xFFFFF800  }
0x44: {  	s10 =	sand.u32 $0x1, s30  }
.Ltmp6:
0x45: {  	p2 =	seq.s32 s10, $0x1;
	s10 =	simm.s32 $0x3;
	(pc) =	sbr.rel @p1 .LBB2_29-.Ltmp6, $4  }
0x46: {  	s10 =	simm.s32 @!p2 $0x4  }
0x47: {  	_ =	swait.ge [sflag:s10], $0x4000  }
0x48: {  	[sflag:s10] =	ssyncset.done $0x0  }
0x49: {  	[sflag:s10] =	ssyncadd.s32 $0xFFFFC000  }
0x4a: {  	s8 =	sand.u32 $0x1, s8  }
0x4b: {  	p1 =	seq.s32 s8, $0x1  }
.Ltmp7:
0x4c: {  	_ = 	snop;
	(pc) =	sbr.rel @!p1 .LBB2_21-.Ltmp7, $1  }
0x4d: {  	_ =	sdelay $0x3  }
.Ltmp8:
0x4e: {  	s3 =	sshll.u32 s3, $0x7;
	(pc) =	sbr.rel .LBB2_25-.Ltmp8, $4  }
0x4f: {  	s8 =	simm.s32 @p2 $0x80;
	s10 =	simm.s32 @p2 $0x2000;
	s3 =	sor.u32 $0x800, s3  }
0x50: {  	[tilespmem:s10], [sflag:$0x1] =	stream.indirect.gather @p2 [hbm4b:s5+s8], $0x80, s3, s8, $0xb8;
	[tilespmem:$0x1E000] =	vst v63  }
0x51: {  	s8 =	simm.s32 @!p2 $0x80;
	s10 =	simm.s32 @!p2 $0x6000  }
0x52: {  	[tilespmem:s10], [sflag:$0x2] =	stream.indirect.gather @!p2 [hbm4b:s5+s8], $0x80, s3, s8, $0xb8;
	[tilespmem:$0x1E000] =	vst v63  }
.LBB2_21:
.Ltmp9:
0x53: {  	(pc) =	sbr.rel @!p2 .LBB2_22-.Ltmp9, $1  }
0x54: {  	_ =	sdelay $0x3  }
.Ltmp10:
0x55: {  	(pc) =	sbr.rel .LBB2_25-.Ltmp10, $3  }
0x56: {  	_ =	sdelay $0x1  }
0x57: {  	s3 =	sshll.u32 s3, $0x7  }
0x58: {  	[tilespmem:s23], [sflag:$0x1] =	stream.indirect.gather [hbm4b:s5+s22], $0x80, s3, s22, $0xb8;
	[tilespmem:$0x1E000] =	vst v63  }
.LBB2_22:
0x59: {  	s3 =	sshll.u32 s3, $0x7  }
0x5a: {  	[tilespmem:s24], [sflag:$0x2] =	stream.indirect.gather [hbm4b:s5+s22], $0x80, s3, s22, $0xb8;
	[tilespmem:$0x1E000] =	vst v63  }
.LBB2_25:
0x5b: {  	s3 =	sand.u32 $0x10, s30  }
0x5c: {  	p2 =	sne.s32 s3, $0x0  }
.Ltmp11:
0x5d: {  	_ = 	snop;
	(pc) =	sbr.rel @p2 .LBB2_27-.Ltmp11, $3  }
0x5e: {  	_ =	sdelay $0x1  }
0x5f: {  	s30 =	sand.u32 $0x1, s30  }
0x60: {  	p1 =	seq.s32 s30, $0x1  }
0x61: {  	s3 =	simm.s32 @p1 $0x2  }
0x62: {  	_ =	swait.ge @p1 [sflag:s3], $0x4000  }
0x63: {  	s0 =	sshll.u32 s0, $0x7;
	s8 =	simm.s32 @p1 $0x6000;
	[sflag:s3] =	ssyncset.done @p1 $0x0  }
0x64: {  	s0 =	sor.u32 $0x1000, s0;
	[sflag:s3] =	ssyncadd.s32 @p1 $0xFFFFC000;
	s3 =	simm.s32 @p1 $0x80  }
0x65: {  	[spmem:s1] =	stream.indirect.scatter.add.f32 @p1 [tilespmem:s8], [sflag:$0x4], $0x80, s0, s3, $0xb8;
	[tilespmem:$0x1E000] =	vst v63  }
.Ltmp12:
0x66: {  	s3 =	simm.s32 @!p1 $0x1;
	(pc) =	sbr.rel .LBB2_30-.Ltmp12, $4  }
0x67: {  	_ =	swait.ge @!p1 [sflag:s3], $0x4000  }
0x68: {  	[sflag:s3] =	ssyncset.done @!p1 $0x0  }
0x69: {  	s8 =	simm.s32 @!p1 $0x2000;
	[sflag:s3] =	ssyncadd.s32 @!p1 $0xFFFFC000;
	s3 =	simm.s32 @!p1 $0x80  }
0x6a: {  	[spmem:s1] =	stream.indirect.scatter.add.f32 @!p1 [tilespmem:s8], [sflag:$0x3], $0x80, s0, s3, $0xb8;
	[tilespmem:$0x1E000] =	vst v63  }
.LBB2_27:
.Ltmp13:
0x6b: {  	(pc) =	sbr.rel @p1 .LBB2_29-.Ltmp13, $1  }
0x6c: {  	_ =	sdelay $0x3  }
.Ltmp14:
0x6d: {  	(pc) =	sbr.rel .LBB2_30-.Ltmp14, $4  }
0x6e: {  	_ =	swait.ge [sflag:s25], $0x4000  }
0x6f: {  	s0 =	sshll.u32 s0, $0x7;
	[sflag:s25] =	ssyncset.done $0x0  }
0x70: {  	s0 =	sor.u32 $0x1800, s0;
	[sflag:s25] =	ssyncadd.s32 $0xFFFFC000  }
0x71: {  	[spmem:s1] =	stream.indirect.scatter.add.f32 [tilespmem:s23], [sflag:$0x3], $0x80, s0, s22, $0xb8;
	[tilespmem:$0x1E000] =	vst v63  }
.LBB2_2:
0x72: {  	s29 =	sor.u32 $0x1C05, s15;
	s0 =	rddreg [dreg:$0x5]  }
0x73: {  	[spmem:s19], [sflag:s29] =	dma.local [hbm:s0], $0x2800  }
0x74: {  	_ =	swait.ge [sflag:s20], $0x2800  }
0x75: {  	[sflag:s20] =	ssyncset.done $0x0  }
0x76: {  	[sflag:s20] =	ssyncadd.s32 $0xFFFFD800  }
0x77: {  	s30 =	simm.s32 $0x0;
	[bflag:$0x0] =	sbarrier.arrive $0xFFFF  }
0x78: {  	[tilespmem:s30], [sflag:$0x5] =	stream.linear.gather [hbm4b:s12+s30], $0x800, $0x38;
	[tilespmem:$0x1E000] =	vst v63  }
0x79: {  	_ =	swait.ge [sflag:s20], $0x800  }
0x7a: {  	[sflag:s20] =	ssyncset.done $0x0  }
0x7b: {  	[sflag:s20] =	ssyncadd.s32 $0xFFFFF800  }
0x7c: {  	[tilespmem:s31], [sflag:$0x5] =	stream.linear.gather [hbm4b:s13+s30], $0x800, $0x38;
	[tilespmem:$0x1E000] =	vst v63  }
.Ltmp15:
0x7d: {  	_ = 	snop;
	(pc) =	sbr.rel .LBB2_3-.Ltmp15, $4  }
0x7e: {  	_ =	swait.ge [sflag:s20], $0x800  }
0x7f: {  	[sflag:s20] =	ssyncset.done $0x0  }
0x80: {  	[sflag:s20] =	ssyncadd.s32 $0xFFFFF800  }
0x81: {  	[tilespmem:s23], [sflag:$0x1] =	stream.indirect.gather [hbm4b:s4+s22], $0x80, s30, s22, $0xb8;
	[tilespmem:$0x1E000] =	vst v63  }
.LBB2_14:
0x82: {  	_ =	swait.ge [sflag:s26], $0x4000  }
0x83: {  	s0 =	sshll.u32 s0, $0x7;
	[sflag:s26] =	ssyncset.done $0x0  }
0x84: {  	s0 =	sor.u32 $0x1800, s0;
	[sflag:s26] =	ssyncadd.s32 $0xFFFFC000  }
0x85: {  	[spmem:s1] =	stream.indirect.scatter.add.f32 [tilespmem:s24], [sflag:$0x4], $0x80, s0, s22, $0xb8;
	[tilespmem:$0x1E000] =	vst v63  }
.LBB2_15:
0x86: {  	p1 =	seq.s32 s30, $0xA0  }
.Ltmp16:
0x87: {  	_ = 	snop;
	(pc) =	sbr.rel @p1 .LBB2_16-.Ltmp16, $1  }
0x88: {  	_ =	sdelay $0x3  }
.LBB2_3:
0x89: {  	s31 =	smov.u32 s30;
	s30 =	sadd.s32 $0x1, s30  }
0x8a: {  	s3 =	sand.u32 $0xF, s30;
	p1 =	seq.s32 s31, $0x9F  }
0x8b: {  	p3 =	sne.s32 @!p1 s3, $0x0  }
0x8c: {  	s8 =	sshrl.u32 s30, $0x4;
	p2 =	por p3, p1  }
0x8d: {  	s0 =	sand.u32 @!p2 $0x1, s8  }
0x8e: {  	p4 =	seq.s32 @!p2 s0, $0x1;
	s0 =	sshll.u32 @!p2 s8, $0xB  }
0x8f: {  	s0 =	sadd.s32 @!p2 s14, s0;
	p3 =	por @!p1 !p4, p3  }
0x90: {  	s10 =	simm.s32 @!p2 $0x800;
	s0 =	sshrl.u32 @!p2 s0, $0x3;
	p3 =	por !p3, p1  }
0x91: {  	s21 =	simm.s32 @!p2 $0x0;
	s11 =	sadd.s32 @!p2 s6, s0;
	s10 =	simm.s32 @!p3 $0x0  }
0x92: {  	[tilespmem:s10], [sflag:$0x5] =	stream.linear.gather @!p2 [hbm4b:s11+s21], $0x800, $0x38;
	[tilespmem:$0x1E000] =	vst v63  }
0x93: {  	s10 =	simm.s32 @!p2 $0x5  }
0x94: {  	s11 =	simm.s32 @!p2 $0x1800;
	_ =	swait.ge @!p2 [sflag:s10], $0x800  }
0x95: {  	s11 =	simm.s32 @!p3 $0x1000;
	p3 =	seq.s32 s31, $0x0;
	[sflag:s10] =	ssyncset.done @!p2 $0x0  }
.Ltmp17:
0x96: {  	s0 =	sadd.s32 @!p2 s7, s0;
	[sflag:s10] =	ssyncadd.s32 @!p2 $0xFFFFF800;
	(pc) =	sbr.rel @p3 .LBB2_7-.Ltmp17, $4  }
0x97: {  	[tilespmem:s11], [sflag:$0x5] =	stream.linear.gather @!p2 [hbm4b:s0+s21], $0x800, $0x38;
	[tilespmem:$0x1E000] =	vst v63  }
0x98: {  	_ =	swait.ge @!p2 [sflag:s10], $0x800  }
0x99: {  	[sflag:s10] =	ssyncset.done @!p2 $0x0  }
0x9a: {  	s0 =	sand.u32 $0xF, s31;
	[sflag:s10] =	ssyncadd.s32 @!p2 $0xFFFFF800  }
0x9b: {  	s10 =	sand.u32 $0x1, s31  }
.Ltmp18:
0x9c: {  	p2 =	seq.s32 s10, $0x1;
	s10 =	simm.s32 $0x3;
	(pc) =	sbr.rel @p1 .LBB2_14-.Ltmp18, $4  }
0x9d: {  	s10 =	simm.s32 @!p2 $0x4  }
0x9e: {  	_ =	swait.ge [sflag:s10], $0x4000  }
0x9f: {  	[sflag:s10] =	ssyncset.done $0x0  }
0xa0: {  	[sflag:s10] =	ssyncadd.s32 $0xFFFFC000  }
0xa1: {  	s8 =	sand.u32 $0x1, s8  }
0xa2: {  	p1 =	seq.s32 s8, $0x1  }
.Ltmp19:
0xa3: {  	_ = 	snop;
	(pc) =	sbr.rel @!p1 .LBB2_6-.Ltmp19, $1  }
0xa4: {  	_ =	sdelay $0x3  }
.Ltmp20:
0xa5: {  	s3 =	sshll.u32 s3, $0x7;
	(pc) =	sbr.rel .LBB2_10-.Ltmp20, $4  }
0xa6: {  	s8 =	simm.s32 @p2 $0x80;
	s10 =	simm.s32 @p2 $0x2000;
	s3 =	sor.u32 $0x800, s3  }
0xa7: {  	[tilespmem:s10], [sflag:$0x1] =	stream.indirect.gather @p2 [hbm4b:s4+s8], $0x80, s3, s8, $0xb8;
	[tilespmem:$0x1E000] =	vst v63  }
0xa8: {  	s8 =	simm.s32 @!p2 $0x80;
	s10 =	simm.s32 @!p2 $0x6000  }
0xa9: {  	[tilespmem:s10], [sflag:$0x2] =	stream.indirect.gather @!p2 [hbm4b:s4+s8], $0x80, s3, s8, $0xb8;
	[tilespmem:$0x1E000] =	vst v63  }
.LBB2_6:
.Ltmp21:
0xaa: {  	(pc) =	sbr.rel @!p2 .LBB2_7-.Ltmp21, $1  }
0xab: {  	_ =	sdelay $0x3  }
.Ltmp22:
0xac: {  	(pc) =	sbr.rel .LBB2_10-.Ltmp22, $3  }
0xad: {  	_ =	sdelay $0x1  }
0xae: {  	s3 =	sshll.u32 s3, $0x7  }
0xaf: {  	[tilespmem:s23], [sflag:$0x1] =	stream.indirect.gather [hbm4b:s4+s22], $0x80, s3, s22, $0xb8;
	[tilespmem:$0x1E000] =	vst v63  }
.LBB2_7:
0xb0: {  	s3 =	sshll.u32 s3, $0x7  }
0xb1: {  	[tilespmem:s24], [sflag:$0x2] =	stream.indirect.gather [hbm4b:s4+s22], $0x80, s3, s22, $0xb8;
	[tilespmem:$0x1E000] =	vst v63  }
.LBB2_10:
0xb2: {  	s3 =	sand.u32 $0x10, s31  }
0xb3: {  	p2 =	sne.s32 s3, $0x0  }
.Ltmp23:
0xb4: {  	_ = 	snop;
	(pc) =	sbr.rel @p2 .LBB2_12-.Ltmp23, $3  }
0xb5: {  	_ =	sdelay $0x1  }
0xb6: {  	s31 =	sand.u32 $0x1, s31  }
0xb7: {  	p1 =	seq.s32 s31, $0x1  }
0xb8: {  	s3 =	simm.s32 @p1 $0x2  }
0xb9: {  	_ =	swait.ge @p1 [sflag:s3], $0x4000  }
0xba: {  	s0 =	sshll.u32 s0, $0x7;
	s8 =	simm.s32 @p1 $0x6000;
	[sflag:s3] =	ssyncset.done @p1 $0x0  }
0xbb: {  	s0 =	sor.u32 $0x1000, s0;
	[sflag:s3] =	ssyncadd.s32 @p1 $0xFFFFC000;
	s3 =	simm.s32 @p1 $0x80  }
0xbc: {  	[spmem:s1] =	stream.indirect.scatter.add.f32 @p1 [tilespmem:s8], [sflag:$0x4], $0x80, s0, s3, $0xb8;
	[tilespmem:$0x1E000] =	vst v63  }
.Ltmp24:
0xbd: {  	s3 =	simm.s32 @!p1 $0x1;
	(pc) =	sbr.rel .LBB2_15-.Ltmp24, $4  }
0xbe: {  	_ =	swait.ge @!p1 [sflag:s3], $0x4000  }
0xbf: {  	[sflag:s3] =	ssyncset.done @!p1 $0x0  }
0xc0: {  	s8 =	simm.s32 @!p1 $0x2000;
	[sflag:s3] =	ssyncadd.s32 @!p1 $0xFFFFC000;
	s3 =	simm.s32 @!p1 $0x80  }
0xc1: {  	[spmem:s1] =	stream.indirect.scatter.add.f32 @!p1 [tilespmem:s8], [sflag:$0x3], $0x80, s0, s3, $0xb8;
	[tilespmem:$0x1E000] =	vst v63  }
.LBB2_12:
.Ltmp25:
0xc2: {  	(pc) =	sbr.rel @p1 .LBB2_14-.Ltmp25, $1  }
0xc3: {  	_ =	sdelay $0x3  }
.Ltmp26:
0xc4: {  	(pc) =	sbr.rel .LBB2_15-.Ltmp26, $4  }
0xc5: {  	_ =	swait.ge [sflag:s25], $0x4000  }
0xc6: {  	s0 =	sshll.u32 s0, $0x7;
	[sflag:s25] =	ssyncset.done $0x0  }
0xc7: {  	s0 =	sor.u32 $0x1800, s0;
	[sflag:s25] =	ssyncadd.s32 $0xFFFFC000  }
0xc8: {  	[spmem:s1] =	stream.indirect.scatter.add.f32 [tilespmem:s23], [sflag:$0x3], $0x80, s0, s22, $0xb8;
	[tilespmem:$0x1E000] =	vst v63  }
.LBB2_16:
.Ltmp27:
0xc9: {  	(pc) =	sbr.rel .LBB2_32-.Ltmp27, $2  }
0xca: {  	_ =	sdelay $0x2  }
0xcb: {  	s0 =	rddreg [dreg:$0x3];
	s31 =	simm.s32 $0x1000  }
.LBB2_33:
0xcc: {  	_ =	sfence.sel $0x180000  }
0xcd: {  	[bflag:$0x0] =	sbarrier.arrive $0xFFFF  }
0xce: {  	_ =	strace $0x9000004A  }
0xcf: {  	s0 =	stileid.u32;
	[bflag:$0x2] =	sbarrier.arrive $0xFFFF  }
0xd0: {  	p0 =	sne.s32 s0, $0x0;
	s0 =	rddreg [dreg:$0x2]  }
0xd1: {  	s0 =	sadd.s32 @!p0 $0x100000, s0  }
0xd2: {  	[sflag:s0] =	ssyncadd.tile.s32 @!p0 $0x1;
	_ =	shalt  }
.Lfunc_end2:
_tile_overlayer_lowered:
.L_overlay_start_2:
0xd3: {  	(tag) =	ssettag $0x2  }
0xd4: {  	s0 =	rddreg [dreg:$0x0];
	s2 =	stileid.u32  }
0xd5: {  	s1 =	rddreg [dreg:$0x1];
	p0 =	sne.s32 s2, $0x0  }
0xd6: {  	s3 =	rddreg [dreg:$0x2];
	[bflag:$0x3] =	sbarrier.arrive $0xFFFF;
	s2 =	simm.s32 @!p0 $0x1C05  }
0xd7: {  	[timem:s3], [sflag:s2] =	dma.local @!p0 [hbm:s0], s1  }
0xd8: {  	s0 =	simm.s32 @!p0 $0x5  }
0xd9: {  	_ =	swait.ge @!p0 [sflag:s0], s1  }
0xda: {  	s1 =	ssub.s32 @!p0 $0x0, s1;
	[sflag:s0] =	ssyncset.done @!p0 $0x0  }
0xdb: {  	[sflag:s0] =	ssyncadd.s32 @!p0 s1  }
0xdc: {  	[bflag:$0x3] =	sbarrier.arrive $0xFFFF  }
0xdd: {  	_ =	shalt  }

// kernel: kernel.20.cloned.1.call-start
scs
__scs_entry_jumppad:
0x0: {  	(pc) =	sbr.rel $0x88, $3  }
0x1: {  	(tag) =	ssettag $0x0;
	lr =	simm.s32 $0x1  }
0x2: {  	[smem:$0x3F8C] =	sst lr;
	_ =	strace $0xD0000000  }
0x3: {  	_ = 	snop  }
0x4: {  	_ = 	snop  }
0x5: {  	_ = 	snop  }
0x6: {  	_ = 	snop  }
0x7: {  	_ = 	snop  }
__scs_overlays_trampoline_lowered:
0x8: {  	[smem:$0x3F9B] =	sst s0  }
0x9: {  	[smem:$0x3F9C] =	sst s1  }
0xa: {  	[smem:$0x3F9D] =	sst s2  }
0xb: {  	[smem:$0x3F9E] =	sst s3  }
0xc: {  	[smem:$0x3F9F] =	sst s4  }
0xd: {  	[smem:$0x3FA0] =	sst s5  }
0xe: {  	[smem:$0x3FA1] =	sst s6  }
0xf: {  	[smem:$0x3FA2] =	sst s7  }
0x10: {  	[smem:$0x3FA3] =	sst s8  }
0x11: {  	[smem:$0x3FA4] =	sst s9;
	s0 =	simm.s32 @!p0 $0x0  }
0x12: {  	s1 =	sld [smem:$0x3F8A];
	s0 =	simm.s32 @p0 $0x1  }
0x13: {  	[smem:$0x3FA5] =	sst s0;
	s0 =	simm.s32 @!p1 $0x0  }
0x14: {  	s2 =	sld [smem:$0x3F89];
	s0 =	simm.s32 @p1 $0x1  }
0x15: {  	[smem:$0x3FA6] =	sst s0;
	s0 =	simm.s32 @!p2 $0x0  }
0x16: {  	s3 =	sld [smem:$0x3FDB];
	s0 =	simm.s32 @p2 $0x1  }
0x17: {  	s4 =	simm.s32 $0x1BF5;
	[smem:$0x3FA8] =	sst s0  }
0x18: {  	s0 =	sld [smem:$0x3F8B];
	_ =	swait.ge [sflag:s4], $0x0  }
0x19: {  	s7 =	sld [smem:$0x3F8C]  }
0x1a: {  	s8 =	sadd.s32 $0xFFFFE003, lr  }
0x1b: {  	s9 =	sadd.s32 $0xFFFFFEF7, lr;
	s5 =	simm.s32 $0xFFFFFFFF;
	p2 =	slt.u32 s8, $0xFFFFF086  }
0x1c: {  	p1 =	slt.u32 s9, $0xF7A;
	s5 =	simm.s32 @!p2 $0x0  }
0x1d: {  	s5 =	simm.s32 @p1 $0x1;
	p0 =	seq.s32 s7, s2  }
0x1e: {  	s7 =	smul.u32 @!p0 $0xF7A, s2;
	p2 =	seq.s32 @!p0 s5, $0x0  }
0x1f: {  	s9 =	smul.u32 $0xF7A, s1;
	s8 =	simm.s32 @!p0 $0x1BF5;
	p2 =	por !p2, p0  }
0x20: {  	[sflag:s8] =	ssyncset.s32 @!p0 $0xFFFFF086;
	s6 =	sadd.s32 @!p0 s3, s7;
	s7 =	simm.s32 @!p0 $0x108  }
0x21: {  	s3 =	sadd.s32 s3, s9;
	s6 =	sadd.s32 @!p0 $0x88, s6;
	s7 =	simm.s32 @p2 $0x1082  }
0x22: {  	[simem:s7], [sflag:s8] =	dma.local @!p0 [hbm:s6], $0xF7A  }
0x23: {  	s9 =	sor.u32 $0xD0000000, s2;
	s6 =	simm.s32 $0x108;
	_ =	swait.ge @!p0 [sflag:s8], $0x0  }
0x24: {  	s3 =	sadd.s32 $0x88, s3;
	s6 =	simm.s32 @!p1 $0x1082;
	[sflag:s4] =	ssyncset.s32 $0xFFFFF086  }
0x25: {  	[simem:s6], [sflag:s4] =	dma.local [hbm:s3], $0xF7A  }
0x26: {  	[smem:$0x3F8C] =	sst s1;
	(tag) =	ssettag s2;
	_ =	strace s9  }
0x27: {  	s1 =	sld [smem:$0x3F9C]  }
0x28: {  	s2 =	sld [smem:$0x3F9D]  }
0x29: {  	s4 =	sld [smem:$0x3F9F]  }
0x2a: {  	p0 =	seq.s32 s5, $0x0;
	s5 =	sld [smem:$0x3FA0]  }
0x2b: {  	s6 =	sld [smem:$0x3FA1]  }
0x2c: {  	s7 =	sld [smem:$0x3FA2]  }
0x2d: {  	s3 =	simm.s32 $0x108;
	s8 =	sld [smem:$0x3FA3]  }
0x2e: {  	s3 =	simm.s32 @!p0 $0x1082;
	s9 =	sld [smem:$0x3FA4]  }
0x2f: {  	lr =	sadd.s32 s0, s3;
	s0 =	sld [smem:$0x3F9B]  }
0x30: {  	s3 =	sld [smem:$0x3F9E]  }
0x31: {  	[smem:$0x3FA7] =	sst s10  }
0x32: {  	s10 =	sld [smem:$0x3FA5];
	_ =	sdelay $0x3  }
0x33: {  	p0 =	seq.s32 s10, $0x1;
	s10 =	sld [smem:$0x3FA7];
	_ =	sdelay $0x3  }
0x34: {  	[smem:$0x3FA7] =	sst s10  }
0x35: {  	s10 =	sld [smem:$0x3FA6];
	_ =	sdelay $0x3  }
0x36: {  	p1 =	seq.s32 s10, $0x1;
	s10 =	sld [smem:$0x3FA7];
	_ =	sdelay $0x3  }
0x37: {  	[smem:$0x3FA7] =	sst s10  }
0x38: {  	s10 =	sld [smem:$0x3FA8]  }
0x39: {  	_ = 	snop;
	(pc) =	sbr.ind lr, $3  }
0x3a: {  	_ = 	snop  }
0x3b: {  	_ = 	snop  }
0x3c: {  	p2 =	seq.s32 s10, $0x1;
	s10 =	sld [smem:$0x3FA7]  }
0x3d: {  	_ =	shalt  }
0x3e: {  	_ =	shalt  }
0x3f: {  	_ =	shalt  }
0x40: {  	_ =	shalt  }
0x41: {  	_ =	shalt  }
0x42: {  	_ =	shalt  }
0x43: {  	_ =	shalt  }
0x44: {  	_ =	shalt  }
0x45: {  	_ =	shalt  }
0x46: {  	_ =	shalt  }
0x47: {  	_ =	shalt  }
0x48: {  	_ =	shalt  }
0x49: {  	_ =	shalt  }
0x4a: {  	_ =	shalt  }
0x4b: {  	_ =	shalt  }
0x4c: {  	_ =	shalt  }
0x4d: {  	_ =	shalt  }
0x4e: {  	_ =	shalt  }
0x4f: {  	_ =	shalt  }
0x50: {  	_ =	shalt  }
0x51: {  	_ =	shalt  }
0x52: {  	_ =	shalt  }
0x53: {  	_ =	shalt  }
0x54: {  	_ =	shalt  }
0x55: {  	_ =	shalt  }
0x56: {  	_ =	shalt  }
0x57: {  	_ =	shalt  }
0x58: {  	_ =	shalt  }
0x59: {  	_ =	shalt  }
0x5a: {  	_ =	shalt  }
0x5b: {  	_ =	shalt  }
0x5c: {  	_ =	shalt  }
0x5d: {  	_ =	shalt  }
0x5e: {  	_ =	shalt  }
0x5f: {  	_ =	shalt  }
0x60: {  	_ =	shalt  }
0x61: {  	_ =	shalt  }
0x62: {  	_ =	shalt  }
0x63: {  	_ =	shalt  }
0x64: {  	_ =	shalt  }
0x65: {  	_ =	shalt  }
0x66: {  	_ =	shalt  }
0x67: {  	_ =	shalt  }
0x68: {  	_ =	shalt  }
0x69: {  	_ =	shalt  }
0x6a: {  	_ =	shalt  }
0x6b: {  	_ =	shalt  }
0x6c: {  	_ =	shalt  }
0x6d: {  	_ =	shalt  }
0x6e: {  	_ =	shalt  }
0x6f: {  	_ =	shalt  }
0x70: {  	_ =	shalt  }
0x71: {  	_ =	shalt  }
0x72: {  	_ =	shalt  }
0x73: {  	_ =	shalt  }
0x74: {  	_ =	shalt  }
0x75: {  	_ =	shalt  }
0x76: {  	_ =	shalt  }
0x77: {  	_ =	shalt  }
0x78: {  	_ =	shalt  }
0x79: {  	_ =	shalt  }
0x7a: {  	_ =	shalt  }
0x7b: {  	_ =	shalt  }
0x7c: {  	_ =	shalt  }
0x7d: {  	_ =	shalt  }
0x7e: {  	_ =	shalt  }
0x7f: {  	_ =	shalt  }
0x80: {  	_ =	shalt  }
0x81: {  	_ =	shalt  }
0x82: {  	_ =	shalt  }
0x83: {  	_ =	shalt  }
0x84: {  	_ =	shalt  }
0x85: {  	_ =	shalt  }
0x86: {  	_ =	shalt  }
0x87: {  	_ =	shalt  }
.Lfunc_end0:
.L_simem_size_0:
called_computation.2_lowered:
.L_overlay_start_0:
0x88: {  	s2 =	sld [smem:$0x3FD9]  }
0x89: {  	s3 =	sld [smem:$0x3FFE];
	_ =	sdelay $0x1  }
0x8a: {  	s1 =	srdreg.scid  }
0x8b: {  	s0 =	sand.u32 $0x1, s1  }
0x8c: {  	s16 =	sshll.u32 s0, $0xA;
	s2 =	sadd.s32 s3, s2  }
0x8d: {  	s2 =	sadd.s32 s2, s16  }
0x8e: {  	[smem:$0x3FB3] =	sst s2  }
0x8f: {  	_ = 	snop  }
0x90: {  	(tm) =	ssettm $0x1  }
0x91: {  	s17 =	sld [smem:$0x3FFB];
	_ =	sdelay $0x3  }
0x92: {  	_ =	strace s17  }
0x93: {  	s2 =	sld [smem:$0x3FFC];
	_ =	sdelay $0x3  }
0x94: {  	_ =	strace s2  }
0x95: {  	s2 =	sld [smem:$0x3FFD];
	_ =	sdelay $0x3  }
0x96: {  	_ =	strace s2  }
0x97: {  	_ =	strace $0x8FFFFFFF  }
0x98: {  	s18 =	sld [smem:$0x3FDB];
	_ =	sdelay $0x1  }
0x99: {  	s19 =	simm.s32 $_scs_section_size  }
0x9a: {  	s4 =	simm.s32 $_size__tile_overlayer_lowered;
	s5 =	simm.s32 $_tile_overlayer_lowered  }
0x9b: {  	s22 =	simm.s32 $0x1BFF;
	s21 =	sshll.u32 s5, $0x1;
	s2 =	sadd.s32 s19, s18  }
0x9c: {  	s6 =	simm.s32 $0x0;
	s20 =	sshll.u32 s4, $0x1;
	s4 =	sadd.s32 s21, s2  }
0x9d: {  	[timem:s6], [sflag:s22] =	dma.local [hbm:s4], s20  }
0x9e: {  	_ =	swait.ge [sflag:s22], s20  }
0x9f: {  	s3 =	ssub.s32 $0x0, s20;
	[sflag:s22] =	ssyncset.done $0x0  }
0xa0: {  	[sflag:s22] =	ssyncadd.s32 s3;
	_ =	sdelay $0x1  }
0xa1: {  	s23 =	simm.s32 $0x1B8B  }
0xa2: {  	_ =	swait.ge [sflag:s23], $0x1  }
0xa3: {  	[sflag:s23] =	ssyncset.done $0x0  }
0xa4: {  	s25 =	simm.s32 $0x1B8E;
	s24 =	sld [smem:$0x3FFE];
	[sflag:s23] =	ssyncadd.s32 $0xFFFFFFFF  }
0xa5: {  	s26 =	simm.s32 $execute0_lowered;
	[smem:$0x3FD2] =	sst s25  }
0xa6: {  	s4 =	sshll.u32 s26, $0x1;
	_ =	strace $0x8000004C;
	[dreg:$0x1] =	wrdreg $0xFFFFFFFF  }
0xa7: {  	s28 =	simm.s32 $_size_execute0_lowered;
	s2 =	sadd.s32 s2, s4;
	[dreg:$0x0] =	wrdreg $0x0  }
0xa8: {  	s4 =	sshll.u32 s28, $0x1;
	[dreg:$0x2] =	wrdreg s2  }
0xa9: {  	[dreg:$0x3] =	wrdreg s4  }
0xaa: {  	[dreg:$0x4] =	wrdreg $0xC0  }
0xab: {  	_ =	task [dreg:s6], $0x5FFFF  }
0xac: {  	[dreg:$0x1] =	wrdreg $0xFFFFFFFF  }
0xad: {  	[dreg:$0x0] =	wrdreg $0x60  }
0xae: {  	[dreg:$0x2] =	wrdreg s24  }
0xaf: {  	[dreg:$0x3] =	wrdreg $0xA0000  }
0xb0: {  	[dreg:$0x4] =	wrdreg $0x9  }
0xb1: {  	_ =	task.clear_ibuf [dreg:s6], $0x5FFFF;
	_ =	strace $0x9000004C  }
0xb2: {  	s29 =	simm.s32 $0x9;
	_ =	strace $0x8000004E  }
0xb3: {  	_ =	swait.ge [sflag:s29], $0x1  }
0xb4: {  	[sflag:s29] =	ssyncadd.s32 $0xFFFFFFFF  }
0xb5: {  	_ =	strace $0x9000004E  }
0xb6: {  	_ =	sfence  }
0xb7: {  	s30 =	sld [smem:$0x0];
	_ =	sdelay $0x2  }
0xb8: {  	s31 =	sshll.u32 s1, $0xD;
	s1 =	sshrl.u32 s1, $0x2  }
0xb9: {  	s3 =	sand.u32 $0x4000, s31;
	s1 =	sadd.s32 s1, s30  }
0xba: {  	s0 =	sor.u32 s3, s0;
	s1 =	sshll.u32 s1, $0x11  }
0xbb: {  	s0 =	sor.u32 s1, s0  }
0xbc: {  	s0 =	sadd.s32 $0x8F2B, s0  }
0xbd: {  	[sflag:s0] =	ssyncadd.remote.s32 $0x1  }
0xbe: {  	_ =	sfence.sel $0xFFFF  }
0xbf: {  	[dreg:$0x0] =	wrdreg $0xFFFFFFFF;
	(pc) =	sbr.abs _section_cstart, $3  }
0xc0: {  	[dreg:$0x1] =	wrdreg $0xFFFFFFFF  }
0xc1: {  	_ =	task.clear_ibuf [dreg:s6], $0x2FFFF;
	_ =	strace $0x9FFFFFFF  }
0xc2: {  	(tm) =	ssettm $0x7FFFFFFF  }
0xc3: {  	_ =	shalt  }
tec
execute0_lowered:
.L_overlay_start_1:
0x0: {  	(tag) =	ssettag $0x1  }
0x1: {  	s0 =	rddreg [dreg:$0x0]  }
0x2: {  	s1 =	rddreg [dreg:$0x1]  }
0x3: {  	s2 =	simm.s32 $0x0;
	s3 =	srdreg.scid;
	s10 =	stileid.u32  }
0x4: {  	s20 =	simm.s32 $0x5;
	s31 =	simm.s32 $0x1000;
	s22 =	simm.s32 $0x80  }
0x5: {  	s23 =	simm.s32 $0x2000;
	s24 =	simm.s32 $0x6000;
	s25 =	simm.s32 $0x1  }
0x6: {  	s28 =	simm.s32 $0x4;
	[smem:$0x7FF] =	sst s2;
	s4 =	sadd.s32 $0x1DC00, s0  }
0x7: {  	s5 =	sadd.s32 $0x95C00, s0;
	s6 =	sadd.s32 $0x13C00, s0;
	s8 =	smul.u32 $0x50000, s10  }
0x8: {  	s7 =	sadd.s32 $0x9C00, s0;
	s3 =	sand.u32 $0x1, s3;
	s13 =	smul.u32 $0xA00, s10  }
0x9: {  	s9 =	sadd.s32 $0xBDC00, s0;
	s0 =	sadd.s32 $0xE5C00, s0;
	s14 =	smul.u32 $0x5000, s10  }
0xa: {  	s15 =	sshll.u32 s10, $0x6;
	_ =	strace $0x8000004D;
	[dreg:$0x3] =	wrdreg s9  }
0xb: {  	s11 =	ssub.s32 $0x2, s3;
	s9 =	smul.u32 $0x2800, s10;
	[dreg:$0x4] =	wrdreg s0  }
.Ltmp0:
0xc: {  	p0 =	seq.s32 s3, $0x1;
	s18 =	sor.u32 $0x1C05, s15;
	(pc) =	sbr.rel .LBB2_1-.Ltmp0, $4  }
0xd: {  	s26 =	sshrl.u32 s11, $0x1;
	s29 =	sshrl.u32 s8, $0x2;
	s12 =	sadd.s32 s6, s13  }
0xe: {  	s13 =	sadd.s32 s7, s13;
	s0 =	ssub.s32 s11, s26;
	s3 =	sadd.s32 s29, s1  }
0xf: {  	s30 =	sadd.s32 s4, s9;
	s16 =	sadd.s32 s5, s9;
	s26 =	simm.s32 $0x2  }
0x10: {  	[dreg:$0x5] =	wrdreg s30;
	s17 =	smax.u32 s0, $0x1;
	s19 =	sshrl.u32 s3, $0x3  }
.LBB2_31:
0x11: {  	s0 =	rddreg [dreg:$0x4];
	s29 =	smov.u32 s18  }
.LBB2_32:
0x12: {  	_ =	swait.ge [sflag:s28], $0x4000  }
0x13: {  	s2 =	sadd.s32 $0x1, s2;
	[sflag:s28] =	ssyncset.done $0x0  }
0x14: {  	p1 =	sne.s32 s2, s17;
	[sflag:s28] =	ssyncadd.s32 $0xFFFFC000  }
.Ltmp1:
0x15: {  	s0 =	sadd.s32 s0, s9;
	[bflag:$0x0] =	sbarrier.arrive $0xFFFF;
	(pc) =	sbr.rel @!p1 .LBB2_33-.Ltmp1, $4  }
0x16: {  	[hbm:s0], [sflag:s29] =	dma.local [spmem:s19], $0x2800  }
0x17: {  	_ =	swait.ge [sflag:s20], $0x2800  }
0x18: {  	[sflag:s20] =	ssyncset.done $0x0  }
0x19: {  	[sflag:s20] =	ssyncadd.s32 $0xFFFFD800  }
.LBB2_1:
.Ltmp2:
0x1a: {  	(pc) =	sbr.rel @!p0 .LBB2_2-.Ltmp2, $1  }
0x1b: {  	_ =	sdelay $0x3  }
0x1c: {  	[spmem:s19], [sflag:s18] =	dma.local [hbm:s16], $0x2800  }
0x1d: {  	_ =	swait.ge [sflag:s20], $0x2800  }
0x1e: {  	[sflag:s20] =	ssyncset.done $0x0  }
0x1f: {  	[sflag:s20] =	ssyncadd.s32 $0xFFFFD800  }
0x20: {  	s29 =	simm.s32 $0x0;
	[bflag:$0x0] =	sbarrier.arrive $0xFFFF  }
0x21: {  	[tilespmem:s29], [sflag:$0x5] =	stream.linear.gather [hbm4b:s12+s29], $0x800, $0x38;
	[tilespmem:$0x1E000] =	vst v63  }
0x22: {  	_ =	swait.ge [sflag:s20], $0x800  }
0x23: {  	[sflag:s20] =	ssyncset.done $0x0  }
0x24: {  	[sflag:s20] =	ssyncadd.s32 $0xFFFFF800  }
0x25: {  	[tilespmem:s31], [sflag:$0x5] =	stream.linear.gather [hbm4b:s13+s29], $0x800, $0x38;
	[tilespmem:$0x1E000] =	vst v63  }
.Ltmp3:
0x26: {  	_ = 	snop;
	(pc) =	sbr.rel .LBB2_18-.Ltmp3, $4  }
0x27: {  	_ =	swait.ge [sflag:s20], $0x800  }
0x28: {  	[sflag:s20] =	ssyncset.done $0x0  }
0x29: {  	[sflag:s20] =	ssyncadd.s32 $0xFFFFF800  }
0x2a: {  	[tilespmem:s23], [sflag:$0x1] =	stream.indirect.gather [hbm4b:s5+s22], $0x80, s29, s22, $0xb8;
	[tilespmem:$0x1E000] =	vst v63  }
.LBB2_29:
0x2b: {  	_ =	swait.ge [sflag:s26], $0x4000  }
0x2c: {  	s0 =	sshll.u32 s0, $0x7;
	[sflag:s26] =	ssyncset.done $0x0  }
0x2d: {  	s0 =	sor.u32 $0x1800, s0;
	[sflag:s26] =	ssyncadd.s32 $0xFFFFC000  }
0x2e: {  	[spmem:s1] =	stream.indirect.scatter.add.f32 [tilespmem:s24], [sflag:$0x4], $0x80, s0, s22, $0xb8;
	[tilespmem:$0x1E000] =	vst v63  }
.LBB2_30:
0x2f: {  	p1 =	sne.s32 s29, $0xA0  }
.Ltmp4:
0x30: {  	_ = 	snop;
	(pc) =	sbr.rel @!p1 .LBB2_31-.Ltmp4, $1  }
0x31: {  	_ =	sdelay $0x3  }
.LBB2_18:
0x32: {  	s30 =	smov.u32 s29;
	s29 =	sadd.s32 $0x1, s29  }
0x33: {  	s3 =	sand.u32 $0xF, s29;
	p1 =	seq.s32 s30, $0x9F  }
0x34: {  	p3 =	sne.s32 @!p1 s3, $0x0  }
0x35: {  	s8 =	sshrl.u32 s29, $0x4;
	p2 =	por p3, p1  }
0x36: {  	s0 =	sand.u32 @!p2 $0x1, s8  }
0x37: {  	p4 =	seq.s32 @!p2 s0, $0x1;
	s0 =	sshll.u32 @!p2 s8, $0xB  }
0x38: {  	s0 =	sadd.s32 @!p2 s14, s0;
	p3 =	por @!p1 !p4, p3  }
0x39: {  	s10 =	simm.s32 @!p2 $0x800;
	s0 =	sshrl.u32 @!p2 s0, $0x3;
	p3 =	por !p3, p1  }
0x3a: {  	s21 =	simm.s32 @!p2 $0x0;
	s11 =	sadd.s32 @!p2 s6, s0;
	s10 =	simm.s32 @!p3 $0x0  }
0x3b: {  	[tilespmem:s10], [sflag:$0x5] =	stream.linear.gather @!p2 [hbm4b:s11+s21], $0x800, $0x38;
	[tilespmem:$0x1E000] =	vst v63  }
0x3c: {  	s10 =	simm.s32 @!p2 $0x5  }
0x3d: {  	s11 =	simm.s32 @!p2 $0x1800;
	_ =	swait.ge @!p2 [sflag:s10], $0x800  }
0x3e: {  	s11 =	simm.s32 @!p3 $0x1000;
	p3 =	seq.s32 s30, $0x0;
	[sflag:s10] =	ssyncset.done @!p2 $0x0  }
.Ltmp5:
0x3f: {  	s0 =	sadd.s32 @!p2 s7, s0;
	[sflag:s10] =	ssyncadd.s32 @!p2 $0xFFFFF800;
	(pc) =	sbr.rel @p3 .LBB2_22-.Ltmp5, $4  }
0x40: {  	[tilespmem:s11], [sflag:$0x5] =	stream.linear.gather @!p2 [hbm4b:s0+s21], $0x800, $0x38;
	[tilespmem:$0x1E000] =	vst v63  }
0x41: {  	_ =	swait.ge @!p2 [sflag:s10], $0x800  }
0x42: {  	[sflag:s10] =	ssyncset.done @!p2 $0x0  }
0x43: {  	s0 =	sand.u32 $0xF, s30;
	[sflag:s10] =	ssyncadd.s32 @!p2 $0xFFFFF800  }
0x44: {  	s10 =	sand.u32 $0x1, s30  }
.Ltmp6:
0x45: {  	p2 =	seq.s32 s10, $0x1;
	s10 =	simm.s32 $0x3;
	(pc) =	sbr.rel @p1 .LBB2_29-.Ltmp6, $4  }
0x46: {  	s10 =	simm.s32 @!p2 $0x4  }
0x47: {  	_ =	swait.ge [sflag:s10], $0x4000  }
0x48: {  	[sflag:s10] =	ssyncset.done $0x0  }
0x49: {  	[sflag:s10] =	ssyncadd.s32 $0xFFFFC000  }
0x4a: {  	s8 =	sand.u32 $0x1, s8  }
0x4b: {  	p1 =	seq.s32 s8, $0x1  }
.Ltmp7:
0x4c: {  	_ = 	snop;
	(pc) =	sbr.rel @!p1 .LBB2_21-.Ltmp7, $1  }
0x4d: {  	_ =	sdelay $0x3  }
.Ltmp8:
0x4e: {  	s3 =	sshll.u32 s3, $0x7;
	(pc) =	sbr.rel .LBB2_25-.Ltmp8, $4  }
0x4f: {  	s8 =	simm.s32 @p2 $0x80;
	s10 =	simm.s32 @p2 $0x2000;
	s3 =	sor.u32 $0x800, s3  }
0x50: {  	[tilespmem:s10], [sflag:$0x1] =	stream.indirect.gather @p2 [hbm4b:s5+s8], $0x80, s3, s8, $0xb8;
	[tilespmem:$0x1E000] =	vst v63  }
0x51: {  	s8 =	simm.s32 @!p2 $0x80;
	s10 =	simm.s32 @!p2 $0x6000  }
0x52: {  	[tilespmem:s10], [sflag:$0x2] =	stream.indirect.gather @!p2 [hbm4b:s5+s8], $0x80, s3, s8, $0xb8;
	[tilespmem:$0x1E000] =	vst v63  }
.LBB2_21:
.Ltmp9:
0x53: {  	(pc) =	sbr.rel @!p2 .LBB2_22-.Ltmp9, $1  }
0x54: {  	_ =	sdelay $0x3  }
.Ltmp10:
0x55: {  	(pc) =	sbr.rel .LBB2_25-.Ltmp10, $3  }
0x56: {  	_ =	sdelay $0x1  }
0x57: {  	s3 =	sshll.u32 s3, $0x7  }
0x58: {  	[tilespmem:s23], [sflag:$0x1] =	stream.indirect.gather [hbm4b:s5+s22], $0x80, s3, s22, $0xb8;
	[tilespmem:$0x1E000] =	vst v63  }
.LBB2_22:
0x59: {  	s3 =	sshll.u32 s3, $0x7  }
0x5a: {  	[tilespmem:s24], [sflag:$0x2] =	stream.indirect.gather [hbm4b:s5+s22], $0x80, s3, s22, $0xb8;
	[tilespmem:$0x1E000] =	vst v63  }
.LBB2_25:
0x5b: {  	s3 =	sand.u32 $0x10, s30  }
0x5c: {  	p2 =	sne.s32 s3, $0x0  }
.Ltmp11:
0x5d: {  	_ = 	snop;
	(pc) =	sbr.rel @p2 .LBB2_27-.Ltmp11, $3  }
0x5e: {  	_ =	sdelay $0x1  }
0x5f: {  	s30 =	sand.u32 $0x1, s30  }
0x60: {  	p1 =	seq.s32 s30, $0x1  }
0x61: {  	s3 =	simm.s32 @p1 $0x2  }
0x62: {  	_ =	swait.ge @p1 [sflag:s3], $0x4000  }
0x63: {  	s0 =	sshll.u32 s0, $0x7;
	s8 =	simm.s32 @p1 $0x6000;
	[sflag:s3] =	ssyncset.done @p1 $0x0  }
0x64: {  	s0 =	sor.u32 $0x1000, s0;
	[sflag:s3] =	ssyncadd.s32 @p1 $0xFFFFC000;
	s3 =	simm.s32 @p1 $0x80  }
0x65: {  	[spmem:s1] =	stream.indirect.scatter.add.f32 @p1 [tilespmem:s8], [sflag:$0x4], $0x80, s0, s3, $0xb8;
	[tilespmem:$0x1E000] =	vst v63  }
.Ltmp12:
0x66: {  	s3 =	simm.s32 @!p1 $0x1;
	(pc) =	sbr.rel .LBB2_30-.Ltmp12, $4  }
0x67: {  	_ =	swait.ge @!p1 [sflag:s3], $0x4000  }
0x68: {  	[sflag:s3] =	ssyncset.done @!p1 $0x0  }
0x69: {  	s8 =	simm.s32 @!p1 $0x2000;
	[sflag:s3] =	ssyncadd.s32 @!p1 $0xFFFFC000;
	s3 =	simm.s32 @!p1 $0x80  }
0x6a: {  	[spmem:s1] =	stream.indirect.scatter.add.f32 @!p1 [tilespmem:s8], [sflag:$0x3], $0x80, s0, s3, $0xb8;
	[tilespmem:$0x1E000] =	vst v63  }
.LBB2_27:
.Ltmp13:
0x6b: {  	(pc) =	sbr.rel @p1 .LBB2_29-.Ltmp13, $1  }
0x6c: {  	_ =	sdelay $0x3  }
.Ltmp14:
0x6d: {  	(pc) =	sbr.rel .LBB2_30-.Ltmp14, $4  }
0x6e: {  	_ =	swait.ge [sflag:s25], $0x4000  }
0x6f: {  	s0 =	sshll.u32 s0, $0x7;
	[sflag:s25] =	ssyncset.done $0x0  }
0x70: {  	s0 =	sor.u32 $0x1800, s0;
	[sflag:s25] =	ssyncadd.s32 $0xFFFFC000  }
0x71: {  	[spmem:s1] =	stream.indirect.scatter.add.f32 [tilespmem:s23], [sflag:$0x3], $0x80, s0, s22, $0xb8;
	[tilespmem:$0x1E000] =	vst v63  }
.LBB2_2:
0x72: {  	s29 =	sor.u32 $0x1C05, s15;
	s0 =	rddreg [dreg:$0x5]  }
0x73: {  	[spmem:s19], [sflag:s29] =	dma.local [hbm:s0], $0x2800  }
0x74: {  	_ =	swait.ge [sflag:s20], $0x2800  }
0x75: {  	[sflag:s20] =	ssyncset.done $0x0  }
0x76: {  	[sflag:s20] =	ssyncadd.s32 $0xFFFFD800  }
0x77: {  	s30 =	simm.s32 $0x0;
	[bflag:$0x0] =	sbarrier.arrive $0xFFFF  }
0x78: {  	[tilespmem:s30], [sflag:$0x5] =	stream.linear.gather [hbm4b:s12+s30], $0x800, $0x38;
	[tilespmem:$0x1E000] =	vst v63  }
0x79: {  	_ =	swait.ge [sflag:s20], $0x800  }
0x7a: {  	[sflag:s20] =	ssyncset.done $0x0  }
0x7b: {  	[sflag:s20] =	ssyncadd.s32 $0xFFFFF800  }
0x7c: {  	[tilespmem:s31], [sflag:$0x5] =	stream.linear.gather [hbm4b:s13+s30], $0x800, $0x38;
	[tilespmem:$0x1E000] =	vst v63  }
.Ltmp15:
0x7d: {  	_ = 	snop;
	(pc) =	sbr.rel .LBB2_3-.Ltmp15, $4  }
0x7e: {  	_ =	swait.ge [sflag:s20], $0x800  }
0x7f: {  	[sflag:s20] =	ssyncset.done $0x0  }
0x80: {  	[sflag:s20] =	ssyncadd.s32 $0xFFFFF800  }
0x81: {  	[tilespmem:s23], [sflag:$0x1] =	stream.indirect.gather [hbm4b:s4+s22], $0x80, s30, s22, $0xb8;
	[tilespmem:$0x1E000] =	vst v63  }
.LBB2_14:
0x82: {  	_ =	swait.ge [sflag:s26], $0x4000  }
0x83: {  	s0 =	sshll.u32 s0, $0x7;
	[sflag:s26] =	ssyncset.done $0x0  }
0x84: {  	s0 =	sor.u32 $0x1800, s0;
	[sflag:s26] =	ssyncadd.s32 $0xFFFFC000  }
0x85: {  	[spmem:s1] =	stream.indirect.scatter.add.f32 [tilespmem:s24], [sflag:$0x4], $0x80, s0, s22, $0xb8;
	[tilespmem:$0x1E000] =	vst v63  }
.LBB2_15:
0x86: {  	p1 =	seq.s32 s30, $0xA0  }
.Ltmp16:
0x87: {  	_ = 	snop;
	(pc) =	sbr.rel @p1 .LBB2_16-.Ltmp16, $1  }
0x88: {  	_ =	sdelay $0x3  }
.LBB2_3:
0x89: {  	s31 =	smov.u32 s30;
	s30 =	sadd.s32 $0x1, s30  }
0x8a: {  	s3 =	sand.u32 $0xF, s30;
	p1 =	seq.s32 s31, $0x9F  }
0x8b: {  	p3 =	sne.s32 @!p1 s3, $0x0  }
0x8c: {  	s8 =	sshrl.u32 s30, $0x4;
	p2 =	por p3, p1  }
0x8d: {  	s0 =	sand.u32 @!p2 $0x1, s8  }
0x8e: {  	p4 =	seq.s32 @!p2 s0, $0x1;
	s0 =	sshll.u32 @!p2 s8, $0xB  }
0x8f: {  	s0 =	sadd.s32 @!p2 s14, s0;
	p3 =	por @!p1 !p4, p3  }
0x90: {  	s10 =	simm.s32 @!p2 $0x800;
	s0 =	sshrl.u32 @!p2 s0, $0x3;
	p3 =	por !p3, p1  }
0x91: {  	s21 =	simm.s32 @!p2 $0x0;
	s11 =	sadd.s32 @!p2 s6, s0;
	s10 =	simm.s32 @!p3 $0x0  }
0x92: {  	[tilespmem:s10], [sflag:$0x5] =	stream.linear.gather @!p2 [hbm4b:s11+s21], $0x800, $0x38;
	[tilespmem:$0x1E000] =	vst v63  }
0x93: {  	s10 =	simm.s32 @!p2 $0x5  }
0x94: {  	s11 =	simm.s32 @!p2 $0x1800;
	_ =	swait.ge @!p2 [sflag:s10], $0x800  }
0x95: {  	s11 =	simm.s32 @!p3 $0x1000;
	p3 =	seq.s32 s31, $0x0;
	[sflag:s10] =	ssyncset.done @!p2 $0x0  }
.Ltmp17:
0x96: {  	s0 =	sadd.s32 @!p2 s7, s0;
	[sflag:s10] =	ssyncadd.s32 @!p2 $0xFFFFF800;
	(pc) =	sbr.rel @p3 .LBB2_7-.Ltmp17, $4  }
0x97: {  	[tilespmem:s11], [sflag:$0x5] =	stream.linear.gather @!p2 [hbm4b:s0+s21], $0x800, $0x38;
	[tilespmem:$0x1E000] =	vst v63  }
0x98: {  	_ =	swait.ge @!p2 [sflag:s10], $0x800  }
0x99: {  	[sflag:s10] =	ssyncset.done @!p2 $0x0  }
0x9a: {  	s0 =	sand.u32 $0xF, s31;
	[sflag:s10] =	ssyncadd.s32 @!p2 $0xFFFFF800  }
0x9b: {  	s10 =	sand.u32 $0x1, s31  }
.Ltmp18:
0x9c: {  	p2 =	seq.s32 s10, $0x1;
	s10 =	simm.s32 $0x3;
	(pc) =	sbr.rel @p1 .LBB2_14-.Ltmp18, $4  }
0x9d: {  	s10 =	simm.s32 @!p2 $0x4  }
0x9e: {  	_ =	swait.ge [sflag:s10], $0x4000  }
0x9f: {  	[sflag:s10] =	ssyncset.done $0x0  }
0xa0: {  	[sflag:s10] =	ssyncadd.s32 $0xFFFFC000  }
0xa1: {  	s8 =	sand.u32 $0x1, s8  }
0xa2: {  	p1 =	seq.s32 s8, $0x1  }
.Ltmp19:
0xa3: {  	_ = 	snop;
	(pc) =	sbr.rel @!p1 .LBB2_6-.Ltmp19, $1  }
0xa4: {  	_ =	sdelay $0x3  }
.Ltmp20:
0xa5: {  	s3 =	sshll.u32 s3, $0x7;
	(pc) =	sbr.rel .LBB2_10-.Ltmp20, $4  }
0xa6: {  	s8 =	simm.s32 @p2 $0x80;
	s10 =	simm.s32 @p2 $0x2000;
	s3 =	sor.u32 $0x800, s3  }
0xa7: {  	[tilespmem:s10], [sflag:$0x1] =	stream.indirect.gather @p2 [hbm4b:s4+s8], $0x80, s3, s8, $0xb8;
	[tilespmem:$0x1E000] =	vst v63  }
0xa8: {  	s8 =	simm.s32 @!p2 $0x80;
	s10 =	simm.s32 @!p2 $0x6000  }
0xa9: {  	[tilespmem:s10], [sflag:$0x2] =	stream.indirect.gather @!p2 [hbm4b:s4+s8], $0x80, s3, s8, $0xb8;
	[tilespmem:$0x1E000] =	vst v63  }
.LBB2_6:
.Ltmp21:
0xaa: {  	(pc) =	sbr.rel @!p2 .LBB2_7-.Ltmp21, $1  }
0xab: {  	_ =	sdelay $0x3  }
.Ltmp22:
0xac: {  	(pc) =	sbr.rel .LBB2_10-.Ltmp22, $3  }
0xad: {  	_ =	sdelay $0x1  }
0xae: {  	s3 =	sshll.u32 s3, $0x7  }
0xaf: {  	[tilespmem:s23], [sflag:$0x1] =	stream.indirect.gather [hbm4b:s4+s22], $0x80, s3, s22, $0xb8;
	[tilespmem:$0x1E000] =	vst v63  }
.LBB2_7:
0xb0: {  	s3 =	sshll.u32 s3, $0x7  }
0xb1: {  	[tilespmem:s24], [sflag:$0x2] =	stream.indirect.gather [hbm4b:s4+s22], $0x80, s3, s22, $0xb8;
	[tilespmem:$0x1E000] =	vst v63  }
.LBB2_10:
0xb2: {  	s3 =	sand.u32 $0x10, s31  }
0xb3: {  	p2 =	sne.s32 s3, $0x0  }
.Ltmp23:
0xb4: {  	_ = 	snop;
	(pc) =	sbr.rel @p2 .LBB2_12-.Ltmp23, $3  }
0xb5: {  	_ =	sdelay $0x1  }
0xb6: {  	s31 =	sand.u32 $0x1, s31  }
0xb7: {  	p1 =	seq.s32 s31, $0x1  }
0xb8: {  	s3 =	simm.s32 @p1 $0x2  }
0xb9: {  	_ =	swait.ge @p1 [sflag:s3], $0x4000  }
0xba: {  	s0 =	sshll.u32 s0, $0x7;
	s8 =	simm.s32 @p1 $0x6000;
	[sflag:s3] =	ssyncset.done @p1 $0x0  }
0xbb: {  	s0 =	sor.u32 $0x1000, s0;
	[sflag:s3] =	ssyncadd.s32 @p1 $0xFFFFC000;
	s3 =	simm.s32 @p1 $0x80  }
0xbc: {  	[spmem:s1] =	stream.indirect.scatter.add.f32 @p1 [tilespmem:s8], [sflag:$0x4], $0x80, s0, s3, $0xb8;
	[tilespmem:$0x1E000] =	vst v63  }
.Ltmp24:
0xbd: {  	s3 =	simm.s32 @!p1 $0x1;
	(pc) =	sbr.rel .LBB2_15-.Ltmp24, $4  }
0xbe: {  	_ =	swait.ge @!p1 [sflag:s3], $0x4000  }
0xbf: {  	[sflag:s3] =	ssyncset.done @!p1 $0x0  }
0xc0: {  	s8 =	simm.s32 @!p1 $0x2000;
	[sflag:s3] =	ssyncadd.s32 @!p1 $0xFFFFC000;
	s3 =	simm.s32 @!p1 $0x80  }
0xc1: {  	[spmem:s1] =	stream.indirect.scatter.add.f32 @!p1 [tilespmem:s8], [sflag:$0x3], $0x80, s0, s3, $0xb8;
	[tilespmem:$0x1E000] =	vst v63  }
.LBB2_12:
.Ltmp25:
0xc2: {  	(pc) =	sbr.rel @p1 .LBB2_14-.Ltmp25, $1  }
0xc3: {  	_ =	sdelay $0x3  }
.Ltmp26:
0xc4: {  	(pc) =	sbr.rel .LBB2_15-.Ltmp26, $4  }
0xc5: {  	_ =	swait.ge [sflag:s25], $0x4000  }
0xc6: {  	s0 =	sshll.u32 s0, $0x7;
	[sflag:s25] =	ssyncset.done $0x0  }
0xc7: {  	s0 =	sor.u32 $0x1800, s0;
	[sflag:s25] =	ssyncadd.s32 $0xFFFFC000  }
0xc8: {  	[spmem:s1] =	stream.indirect.scatter.add.f32 [tilespmem:s23], [sflag:$0x3], $0x80, s0, s22, $0xb8;
	[tilespmem:$0x1E000] =	vst v63  }
.LBB2_16:
.Ltmp27:
0xc9: {  	(pc) =	sbr.rel .LBB2_32-.Ltmp27, $2  }
0xca: {  	_ =	sdelay $0x2  }
0xcb: {  	s0 =	rddreg [dreg:$0x3];
	s31 =	simm.s32 $0x1000  }
.LBB2_33:
0xcc: {  	_ =	sfence.sel $0x180000  }
0xcd: {  	[bflag:$0x0] =	sbarrier.arrive $0xFFFF  }
0xce: {  	_ =	strace $0x9000004D  }
0xcf: {  	s0 =	stileid.u32;
	[bflag:$0x2] =	sbarrier.arrive $0xFFFF  }
0xd0: {  	p0 =	sne.s32 s0, $0x0;
	s0 =	rddreg [dreg:$0x2]  }
0xd1: {  	s0 =	sadd.s32 @!p0 $0x100000, s0  }
0xd2: {  	[sflag:s0] =	ssyncadd.tile.s32 @!p0 $0x1;
	_ =	shalt  }
.Lfunc_end2:
_tile_overlayer_lowered:
.L_overlay_start_2:
0xd3: {  	(tag) =	ssettag $0x2  }
0xd4: {  	s0 =	rddreg [dreg:$0x0];
	s2 =	stileid.u32  }
0xd5: {  	s1 =	rddreg [dreg:$0x1];
	p0 =	sne.s32 s2, $0x0  }
0xd6: {  	s3 =	rddreg [dreg:$0x2];
	[bflag:$0x3] =	sbarrier.arrive $0xFFFF;
	s2 =	simm.s32 @!p0 $0x1C05  }
0xd7: {  	[timem:s3], [sflag:s2] =	dma.local @!p0 [hbm:s0], s1  }
0xd8: {  	s0 =	simm.s32 @!p0 $0x5  }
0xd9: {  	_ =	swait.ge @!p0 [sflag:s0], s1  }
0xda: {  	s1 =	ssub.s32 @!p0 $0x0, s1;
	[sflag:s0] =	ssyncset.done @!p0 $0x0  }
0xdb: {  	[sflag:s0] =	ssyncadd.s32 @!p0 s1  }
0xdc: {  	[bflag:$0x3] =	sbarrier.arrive $0xFFFF  }
0xdd: {  	_ =	shalt  }

// kernel: kernel.23.cloned.1.call-start
scs
__scs_entry_jumppad:
0x0: {  	(pc) =	sbr.rel $0x88, $3  }
0x1: {  	(tag) =	ssettag $0x0;
	lr =	simm.s32 $0x1  }
0x2: {  	[smem:$0x3F8C] =	sst lr;
	_ =	strace $0xD0000000  }
0x3: {  	_ = 	snop  }
0x4: {  	_ = 	snop  }
0x5: {  	_ = 	snop  }
0x6: {  	_ = 	snop  }
0x7: {  	_ = 	snop  }
__scs_overlays_trampoline_lowered:
0x8: {  	[smem:$0x3F9B] =	sst s0  }
0x9: {  	[smem:$0x3F9C] =	sst s1  }
0xa: {  	[smem:$0x3F9D] =	sst s2  }
0xb: {  	[smem:$0x3F9E] =	sst s3  }
0xc: {  	[smem:$0x3F9F] =	sst s4  }
0xd: {  	[smem:$0x3FA0] =	sst s5  }
0xe: {  	[smem:$0x3FA1] =	sst s6  }
0xf: {  	[smem:$0x3FA2] =	sst s7  }
0x10: {  	[smem:$0x3FA3] =	sst s8  }
0x11: {  	[smem:$0x3FA4] =	sst s9;
	s0 =	simm.s32 @!p0 $0x0  }
0x12: {  	s1 =	sld [smem:$0x3F8A];
	s0 =	simm.s32 @p0 $0x1  }
0x13: {  	[smem:$0x3FA5] =	sst s0;
	s0 =	simm.s32 @!p1 $0x0  }
0x14: {  	s2 =	sld [smem:$0x3F89];
	s0 =	simm.s32 @p1 $0x1  }
0x15: {  	[smem:$0x3FA6] =	sst s0;
	s0 =	simm.s32 @!p2 $0x0  }
0x16: {  	s3 =	sld [smem:$0x3FDB];
	s0 =	simm.s32 @p2 $0x1  }
0x17: {  	s4 =	simm.s32 $0x1BF5;
	[smem:$0x3FA8] =	sst s0  }
0x18: {  	s0 =	sld [smem:$0x3F8B];
	_ =	swait.ge [sflag:s4], $0x0  }
0x19: {  	s7 =	sld [smem:$0x3F8C]  }
0x1a: {  	s8 =	sadd.s32 $0xFFFFE003, lr  }
0x1b: {  	s9 =	sadd.s32 $0xFFFFFEF7, lr;
	s5 =	simm.s32 $0xFFFFFFFF;
	p2 =	slt.u32 s8, $0xFFFFF086  }
0x1c: {  	p1 =	slt.u32 s9, $0xF7A;
	s5 =	simm.s32 @!p2 $0x0  }
0x1d: {  	s5 =	simm.s32 @p1 $0x1;
	p0 =	seq.s32 s7, s2  }
0x1e: {  	s7 =	smul.u32 @!p0 $0xF7A, s2;
	p2 =	seq.s32 @!p0 s5, $0x0  }
0x1f: {  	s9 =	smul.u32 $0xF7A, s1;
	s8 =	simm.s32 @!p0 $0x1BF5;
	p2 =	por !p2, p0  }
0x20: {  	[sflag:s8] =	ssyncset.s32 @!p0 $0xFFFFF086;
	s6 =	sadd.s32 @!p0 s3, s7;
	s7 =	simm.s32 @!p0 $0x108  }
0x21: {  	s3 =	sadd.s32 s3, s9;
	s6 =	sadd.s32 @!p0 $0x88, s6;
	s7 =	simm.s32 @p2 $0x1082  }
0x22: {  	[simem:s7], [sflag:s8] =	dma.local @!p0 [hbm:s6], $0xF7A  }
0x23: {  	s9 =	sor.u32 $0xD0000000, s2;
	s6 =	simm.s32 $0x108;
	_ =	swait.ge @!p0 [sflag:s8], $0x0  }
0x24: {  	s3 =	sadd.s32 $0x88, s3;
	s6 =	simm.s32 @!p1 $0x1082;
	[sflag:s4] =	ssyncset.s32 $0xFFFFF086  }
0x25: {  	[simem:s6], [sflag:s4] =	dma.local [hbm:s3], $0xF7A  }
0x26: {  	[smem:$0x3F8C] =	sst s1;
	(tag) =	ssettag s2;
	_ =	strace s9  }
0x27: {  	s1 =	sld [smem:$0x3F9C]  }
0x28: {  	s2 =	sld [smem:$0x3F9D]  }
0x29: {  	s4 =	sld [smem:$0x3F9F]  }
0x2a: {  	p0 =	seq.s32 s5, $0x0;
	s5 =	sld [smem:$0x3FA0]  }
0x2b: {  	s6 =	sld [smem:$0x3FA1]  }
0x2c: {  	s7 =	sld [smem:$0x3FA2]  }
0x2d: {  	s3 =	simm.s32 $0x108;
	s8 =	sld [smem:$0x3FA3]  }
0x2e: {  	s3 =	simm.s32 @!p0 $0x1082;
	s9 =	sld [smem:$0x3FA4]  }
0x2f: {  	lr =	sadd.s32 s0, s3;
	s0 =	sld [smem:$0x3F9B]  }
0x30: {  	s3 =	sld [smem:$0x3F9E]  }
0x31: {  	[smem:$0x3FA7] =	sst s10  }
0x32: {  	s10 =	sld [smem:$0x3FA5];
	_ =	sdelay $0x3  }
0x33: {  	p0 =	seq.s32 s10, $0x1;
	s10 =	sld [smem:$0x3FA7];
	_ =	sdelay $0x3  }
0x34: {  	[smem:$0x3FA7] =	sst s10  }
0x35: {  	s10 =	sld [smem:$0x3FA6];
	_ =	sdelay $0x3  }
0x36: {  	p1 =	seq.s32 s10, $0x1;
	s10 =	sld [smem:$0x3FA7];
	_ =	sdelay $0x3  }
0x37: {  	[smem:$0x3FA7] =	sst s10  }
0x38: {  	s10 =	sld [smem:$0x3FA8]  }
0x39: {  	_ = 	snop;
	(pc) =	sbr.ind lr, $3  }
0x3a: {  	_ = 	snop  }
0x3b: {  	_ = 	snop  }
0x3c: {  	p2 =	seq.s32 s10, $0x1;
	s10 =	sld [smem:$0x3FA7]  }
0x3d: {  	_ =	shalt  }
0x3e: {  	_ =	shalt  }
0x3f: {  	_ =	shalt  }
0x40: {  	_ =	shalt  }
0x41: {  	_ =	shalt  }
0x42: {  	_ =	shalt  }
0x43: {  	_ =	shalt  }
0x44: {  	_ =	shalt  }
0x45: {  	_ =	shalt  }
0x46: {  	_ =	shalt  }
0x47: {  	_ =	shalt  }
0x48: {  	_ =	shalt  }
0x49: {  	_ =	shalt  }
0x4a: {  	_ =	shalt  }
0x4b: {  	_ =	shalt  }
0x4c: {  	_ =	shalt  }
0x4d: {  	_ =	shalt  }
0x4e: {  	_ =	shalt  }
0x4f: {  	_ =	shalt  }
0x50: {  	_ =	shalt  }
0x51: {  	_ =	shalt  }
0x52: {  	_ =	shalt  }
0x53: {  	_ =	shalt  }
0x54: {  	_ =	shalt  }
0x55: {  	_ =	shalt  }
0x56: {  	_ =	shalt  }
0x57: {  	_ =	shalt  }
0x58: {  	_ =	shalt  }
0x59: {  	_ =	shalt  }
0x5a: {  	_ =	shalt  }
0x5b: {  	_ =	shalt  }
0x5c: {  	_ =	shalt  }
0x5d: {  	_ =	shalt  }
0x5e: {  	_ =	shalt  }
0x5f: {  	_ =	shalt  }
0x60: {  	_ =	shalt  }
0x61: {  	_ =	shalt  }
0x62: {  	_ =	shalt  }
0x63: {  	_ =	shalt  }
0x64: {  	_ =	shalt  }
0x65: {  	_ =	shalt  }
0x66: {  	_ =	shalt  }
0x67: {  	_ =	shalt  }
0x68: {  	_ =	shalt  }
0x69: {  	_ =	shalt  }
0x6a: {  	_ =	shalt  }
0x6b: {  	_ =	shalt  }
0x6c: {  	_ =	shalt  }
0x6d: {  	_ =	shalt  }
0x6e: {  	_ =	shalt  }
0x6f: {  	_ =	shalt  }
0x70: {  	_ =	shalt  }
0x71: {  	_ =	shalt  }
0x72: {  	_ =	shalt  }
0x73: {  	_ =	shalt  }
0x74: {  	_ =	shalt  }
0x75: {  	_ =	shalt  }
0x76: {  	_ =	shalt  }
0x77: {  	_ =	shalt  }
0x78: {  	_ =	shalt  }
0x79: {  	_ =	shalt  }
0x7a: {  	_ =	shalt  }
0x7b: {  	_ =	shalt  }
0x7c: {  	_ =	shalt  }
0x7d: {  	_ =	shalt  }
0x7e: {  	_ =	shalt  }
0x7f: {  	_ =	shalt  }
0x80: {  	_ =	shalt  }
0x81: {  	_ =	shalt  }
0x82: {  	_ =	shalt  }
0x83: {  	_ =	shalt  }
0x84: {  	_ =	shalt  }
0x85: {  	_ =	shalt  }
0x86: {  	_ =	shalt  }
0x87: {  	_ =	shalt  }
.Lfunc_end0:
.L_simem_size_0:
called_computation.3_lowered:
.L_overlay_start_0:
0x88: {  	s2 =	sld [smem:$0x3FD9]  }
0x89: {  	s3 =	sld [smem:$0x3FFE];
	_ =	sdelay $0x1  }
0x8a: {  	s1 =	srdreg.scid  }
0x8b: {  	s0 =	sand.u32 $0x1, s1  }
0x8c: {  	s16 =	sshll.u32 s0, $0xA;
	s2 =	sadd.s32 s3, s2  }
0x8d: {  	s2 =	sadd.s32 s2, s16  }
0x8e: {  	[smem:$0x3FB3] =	sst s2  }
0x8f: {  	_ = 	snop  }
0x90: {  	(tm) =	ssettm $0x1  }
0x91: {  	s17 =	sld [smem:$0x3FFB];
	_ =	sdelay $0x3  }
0x92: {  	_ =	strace s17  }
0x93: {  	s2 =	sld [smem:$0x3FFC];
	_ =	sdelay $0x3  }
0x94: {  	_ =	strace s2  }
0x95: {  	s2 =	sld [smem:$0x3FFD];
	_ =	sdelay $0x3  }
0x96: {  	_ =	strace s2  }
0x97: {  	_ =	strace $0x8FFFFFFF  }
0x98: {  	s18 =	sld [smem:$0x3FDB];
	_ =	sdelay $0x1  }
0x99: {  	s19 =	simm.s32 $_scs_section_size  }
0x9a: {  	s4 =	simm.s32 $_size__tile_overlayer_lowered;
	s5 =	simm.s32 $_tile_overlayer_lowered  }
0x9b: {  	s22 =	simm.s32 $0x1BFF;
	s21 =	sshll.u32 s5, $0x1;
	s2 =	sadd.s32 s19, s18  }
0x9c: {  	s6 =	simm.s32 $0x0;
	s20 =	sshll.u32 s4, $0x1;
	s4 =	sadd.s32 s21, s2  }
0x9d: {  	[timem:s6], [sflag:s22] =	dma.local [hbm:s4], s20  }
0x9e: {  	_ =	swait.ge [sflag:s22], s20  }
0x9f: {  	s3 =	ssub.s32 $0x0, s20;
	[sflag:s22] =	ssyncset.done $0x0  }
0xa0: {  	[sflag:s22] =	ssyncadd.s32 s3;
	_ =	sdelay $0x1  }
0xa1: {  	s23 =	simm.s32 $0x1B8B  }
0xa2: {  	_ =	swait.ge [sflag:s23], $0x1  }
0xa3: {  	[sflag:s23] =	ssyncset.done $0x0  }
0xa4: {  	s25 =	simm.s32 $0x1B8E;
	s24 =	sld [smem:$0x3FFE];
	[sflag:s23] =	ssyncadd.s32 $0xFFFFFFFF  }
0xa5: {  	s26 =	simm.s32 $execute0_lowered;
	[smem:$0x3FD2] =	sst s25  }
0xa6: {  	s4 =	sshll.u32 s26, $0x1;
	_ =	strace $0x8000004F;
	[dreg:$0x1] =	wrdreg $0xFFFFFFFF  }
0xa7: {  	s28 =	simm.s32 $_size_execute0_lowered;
	s2 =	sadd.s32 s2, s4;
	[dreg:$0x0] =	wrdreg $0x0  }
0xa8: {  	s4 =	sshll.u32 s28, $0x1;
	[dreg:$0x2] =	wrdreg s2  }
0xa9: {  	[dreg:$0x3] =	wrdreg s4  }
0xaa: {  	[dreg:$0x4] =	wrdreg $0xC0  }
0xab: {  	_ =	task [dreg:s6], $0x5FFFF  }
0xac: {  	[dreg:$0x1] =	wrdreg $0xFFFFFFFF  }
0xad: {  	[dreg:$0x0] =	wrdreg $0x60  }
0xae: {  	[dreg:$0x2] =	wrdreg s24  }
0xaf: {  	[dreg:$0x3] =	wrdreg $0xA0000  }
0xb0: {  	[dreg:$0x4] =	wrdreg $0x9  }
0xb1: {  	_ =	task.clear_ibuf [dreg:s6], $0x5FFFF;
	_ =	strace $0x9000004F  }
0xb2: {  	s29 =	simm.s32 $0x9;
	_ =	strace $0x80000051  }
0xb3: {  	_ =	swait.ge [sflag:s29], $0x1  }
0xb4: {  	[sflag:s29] =	ssyncadd.s32 $0xFFFFFFFF  }
0xb5: {  	_ =	strace $0x90000051  }
0xb6: {  	_ =	sfence  }
0xb7: {  	s30 =	sld [smem:$0x0];
	_ =	sdelay $0x2  }
0xb8: {  	s31 =	sshll.u32 s1, $0xD;
	s1 =	sshrl.u32 s1, $0x2  }
0xb9: {  	s3 =	sand.u32 $0x4000, s31;
	s1 =	sadd.s32 s1, s30  }
0xba: {  	s0 =	sor.u32 s3, s0;
	s1 =	sshll.u32 s1, $0x11  }
0xbb: {  	s0 =	sor.u32 s1, s0  }
0xbc: {  	s0 =	sadd.s32 $0x8F2B, s0  }
0xbd: {  	[sflag:s0] =	ssyncadd.remote.s32 $0x1  }
0xbe: {  	_ =	sfence.sel $0xFFFF  }
0xbf: {  	[dreg:$0x0] =	wrdreg $0xFFFFFFFF;
	(pc) =	sbr.abs _section_cstart, $3  }
0xc0: {  	[dreg:$0x1] =	wrdreg $0xFFFFFFFF  }
0xc1: {  	_ =	task.clear_ibuf [dreg:s6], $0x2FFFF;
	_ =	strace $0x9FFFFFFF  }
0xc2: {  	(tm) =	ssettm $0x7FFFFFFF  }
0xc3: {  	_ =	shalt  }
tec
execute0_lowered:
.L_overlay_start_1:
0x0: {  	(tag) =	ssettag $0x1  }
0x1: {  	s0 =	rddreg [dreg:$0x0]  }
0x2: {  	s1 =	rddreg [dreg:$0x1]  }
0x3: {  	s2 =	simm.s32 $0x0;
	s3 =	srdreg.scid;
	s10 =	stileid.u32  }
0x4: {  	s20 =	simm.s32 $0x5;
	s31 =	simm.s32 $0x1000;
	s22 =	simm.s32 $0x80  }
0x5: {  	s23 =	simm.s32 $0x2000;
	s24 =	simm.s32 $0x6000;
	s25 =	simm.s32 $0x1  }
0x6: {  	s28 =	simm.s32 $0x4;
	[smem:$0x7FF] =	sst s2;
	s4 =	sadd.s32 $0x1DC00, s0  }
0x7: {  	s5 =	sadd.s32 $0x95C00, s0;
	s6 =	sadd.s32 $0x13C00, s0;
	s8 =	smul.u32 $0x50000, s10  }
0x8: {  	s7 =	sadd.s32 $0x9C00, s0;
	s3 =	sand.u32 $0x1, s3;
	s13 =	smul.u32 $0xA00, s10  }
0x9: {  	s9 =	sadd.s32 $0xBDC00, s0;
	s0 =	sadd.s32 $0xE5C00, s0;
	s14 =	smul.u32 $0x5000, s10  }
0xa: {  	s15 =	sshll.u32 s10, $0x6;
	_ =	strace $0x80000050;
	[dreg:$0x3] =	wrdreg s9  }
0xb: {  	s11 =	ssub.s32 $0x2, s3;
	s9 =	smul.u32 $0x2800, s10;
	[dreg:$0x4] =	wrdreg s0  }
.Ltmp0:
0xc: {  	p0 =	seq.s32 s3, $0x1;
	s18 =	sor.u32 $0x1C05, s15;
	(pc) =	sbr.rel .LBB2_1-.Ltmp0, $4  }
0xd: {  	s26 =	sshrl.u32 s11, $0x1;
	s29 =	sshrl.u32 s8, $0x2;
	s12 =	sadd.s32 s6, s13  }
0xe: {  	s13 =	sadd.s32 s7, s13;
	s0 =	ssub.s32 s11, s26;
	s3 =	sadd.s32 s29, s1  }
0xf: {  	s30 =	sadd.s32 s4, s9;
	s16 =	sadd.s32 s5, s9;
	s26 =	simm.s32 $0x2  }
0x10: {  	[dreg:$0x5] =	wrdreg s30;
	s17 =	smax.u32 s0, $0x1;
	s19 =	sshrl.u32 s3, $0x3  }
.LBB2_31:
0x11: {  	s0 =	rddreg [dreg:$0x4];
	s29 =	smov.u32 s18  }
.LBB2_32:
0x12: {  	_ =	swait.ge [sflag:s28], $0x4000  }
0x13: {  	s2 =	sadd.s32 $0x1, s2;
	[sflag:s28] =	ssyncset.done $0x0  }
0x14: {  	p1 =	sne.s32 s2, s17;
	[sflag:s28] =	ssyncadd.s32 $0xFFFFC000  }
.Ltmp1:
0x15: {  	s0 =	sadd.s32 s0, s9;
	[bflag:$0x0] =	sbarrier.arrive $0xFFFF;
	(pc) =	sbr.rel @!p1 .LBB2_33-.Ltmp1, $4  }
0x16: {  	[hbm:s0], [sflag:s29] =	dma.local [spmem:s19], $0x2800  }
0x17: {  	_ =	swait.ge [sflag:s20], $0x2800  }
0x18: {  	[sflag:s20] =	ssyncset.done $0x0  }
0x19: {  	[sflag:s20] =	ssyncadd.s32 $0xFFFFD800  }
.LBB2_1:
.Ltmp2:
0x1a: {  	(pc) =	sbr.rel @!p0 .LBB2_2-.Ltmp2, $1  }
0x1b: {  	_ =	sdelay $0x3  }
0x1c: {  	[spmem:s19], [sflag:s18] =	dma.local [hbm:s16], $0x2800  }
0x1d: {  	_ =	swait.ge [sflag:s20], $0x2800  }
0x1e: {  	[sflag:s20] =	ssyncset.done $0x0  }
0x1f: {  	[sflag:s20] =	ssyncadd.s32 $0xFFFFD800  }
0x20: {  	s29 =	simm.s32 $0x0;
	[bflag:$0x0] =	sbarrier.arrive $0xFFFF  }
0x21: {  	[tilespmem:s29], [sflag:$0x5] =	stream.linear.gather [hbm4b:s12+s29], $0x800, $0x38;
	[tilespmem:$0x1E000] =	vst v63  }
0x22: {  	_ =	swait.ge [sflag:s20], $0x800  }
0x23: {  	[sflag:s20] =	ssyncset.done $0x0  }
0x24: {  	[sflag:s20] =	ssyncadd.s32 $0xFFFFF800  }
0x25: {  	[tilespmem:s31], [sflag:$0x5] =	stream.linear.gather [hbm4b:s13+s29], $0x800, $0x38;
	[tilespmem:$0x1E000] =	vst v63  }
.Ltmp3:
0x26: {  	_ = 	snop;
	(pc) =	sbr.rel .LBB2_18-.Ltmp3, $4  }
0x27: {  	_ =	swait.ge [sflag:s20], $0x800  }
0x28: {  	[sflag:s20] =	ssyncset.done $0x0  }
0x29: {  	[sflag:s20] =	ssyncadd.s32 $0xFFFFF800  }
0x2a: {  	[tilespmem:s23], [sflag:$0x1] =	stream.indirect.gather [hbm4b:s5+s22], $0x80, s29, s22, $0xb8;
	[tilespmem:$0x1E000] =	vst v63  }
.LBB2_29:
0x2b: {  	_ =	swait.ge [sflag:s26], $0x4000  }
0x2c: {  	s0 =	sshll.u32 s0, $0x7;
	[sflag:s26] =	ssyncset.done $0x0  }
0x2d: {  	s0 =	sor.u32 $0x1800, s0;
	[sflag:s26] =	ssyncadd.s32 $0xFFFFC000  }
0x2e: {  	[spmem:s1] =	stream.indirect.scatter.add.f32 [tilespmem:s24], [sflag:$0x4], $0x80, s0, s22, $0xb8;
	[tilespmem:$0x1E000] =	vst v63  }
.LBB2_30:
0x2f: {  	p1 =	sne.s32 s29, $0xA0  }
.Ltmp4:
0x30: {  	_ = 	snop;
	(pc) =	sbr.rel @!p1 .LBB2_31-.Ltmp4, $1  }
0x31: {  	_ =	sdelay $0x3  }
.LBB2_18:
0x32: {  	s30 =	smov.u32 s29;
	s29 =	sadd.s32 $0x1, s29  }
0x33: {  	s3 =	sand.u32 $0xF, s29;
	p1 =	seq.s32 s30, $0x9F  }
0x34: {  	p3 =	sne.s32 @!p1 s3, $0x0  }
0x35: {  	s8 =	sshrl.u32 s29, $0x4;
	p2 =	por p3, p1  }
0x36: {  	s0 =	sand.u32 @!p2 $0x1, s8  }
0x37: {  	p4 =	seq.s32 @!p2 s0, $0x1;
	s0 =	sshll.u32 @!p2 s8, $0xB  }
0x38: {  	s0 =	sadd.s32 @!p2 s14, s0;
	p3 =	por @!p1 !p4, p3  }
0x39: {  	s10 =	simm.s32 @!p2 $0x800;
	s0 =	sshrl.u32 @!p2 s0, $0x3;
	p3 =	por !p3, p1  }
0x3a: {  	s21 =	simm.s32 @!p2 $0x0;
	s11 =	sadd.s32 @!p2 s6, s0;
	s10 =	simm.s32 @!p3 $0x0  }
0x3b: {  	[tilespmem:s10], [sflag:$0x5] =	stream.linear.gather @!p2 [hbm4b:s11+s21], $0x800, $0x38;
	[tilespmem:$0x1E000] =	vst v63  }
0x3c: {  	s10 =	simm.s32 @!p2 $0x5  }
0x3d: {  	s11 =	simm.s32 @!p2 $0x1800;
	_ =	swait.ge @!p2 [sflag:s10], $0x800  }
0x3e: {  	s11 =	simm.s32 @!p3 $0x1000;
	p3 =	seq.s32 s30, $0x0;
	[sflag:s10] =	ssyncset.done @!p2 $0x0  }
.Ltmp5:
0x3f: {  	s0 =	sadd.s32 @!p2 s7, s0;
	[sflag:s10] =	ssyncadd.s32 @!p2 $0xFFFFF800;
	(pc) =	sbr.rel @p3 .LBB2_22-.Ltmp5, $4  }
0x40: {  	[tilespmem:s11], [sflag:$0x5] =	stream.linear.gather @!p2 [hbm4b:s0+s21], $0x800, $0x38;
	[tilespmem:$0x1E000] =	vst v63  }
0x41: {  	_ =	swait.ge @!p2 [sflag:s10], $0x800  }
0x42: {  	[sflag:s10] =	ssyncset.done @!p2 $0x0  }
0x43: {  	s0 =	sand.u32 $0xF, s30;
	[sflag:s10] =	ssyncadd.s32 @!p2 $0xFFFFF800  }
0x44: {  	s10 =	sand.u32 $0x1, s30  }
.Ltmp6:
0x45: {  	p2 =	seq.s32 s10, $0x1;
	s10 =	simm.s32 $0x3;
	(pc) =	sbr.rel @p1 .LBB2_29-.Ltmp6, $4  }
0x46: {  	s10 =	simm.s32 @!p2 $0x4  }
0x47: {  	_ =	swait.ge [sflag:s10], $0x4000  }
0x48: {  	[sflag:s10] =	ssyncset.done $0x0  }
0x49: {  	[sflag:s10] =	ssyncadd.s32 $0xFFFFC000  }
0x4a: {  	s8 =	sand.u32 $0x1, s8  }
0x4b: {  	p1 =	seq.s32 s8, $0x1  }
.Ltmp7:
0x4c: {  	_ = 	snop;
	(pc) =	sbr.rel @!p1 .LBB2_21-.Ltmp7, $1  }
0x4d: {  	_ =	sdelay $0x3  }
.Ltmp8:
0x4e: {  	s3 =	sshll.u32 s3, $0x7;
	(pc) =	sbr.rel .LBB2_25-.Ltmp8, $4  }
0x4f: {  	s8 =	simm.s32 @p2 $0x80;
	s10 =	simm.s32 @p2 $0x2000;
	s3 =	sor.u32 $0x800, s3  }
0x50: {  	[tilespmem:s10], [sflag:$0x1] =	stream.indirect.gather @p2 [hbm4b:s5+s8], $0x80, s3, s8, $0xb8;
	[tilespmem:$0x1E000] =	vst v63  }
0x51: {  	s8 =	simm.s32 @!p2 $0x80;
	s10 =	simm.s32 @!p2 $0x6000  }
0x52: {  	[tilespmem:s10], [sflag:$0x2] =	stream.indirect.gather @!p2 [hbm4b:s5+s8], $0x80, s3, s8, $0xb8;
	[tilespmem:$0x1E000] =	vst v63  }
.LBB2_21:
.Ltmp9:
0x53: {  	(pc) =	sbr.rel @!p2 .LBB2_22-.Ltmp9, $1  }
0x54: {  	_ =	sdelay $0x3  }
.Ltmp10:
0x55: {  	(pc) =	sbr.rel .LBB2_25-.Ltmp10, $3  }
0x56: {  	_ =	sdelay $0x1  }
0x57: {  	s3 =	sshll.u32 s3, $0x7  }
0x58: {  	[tilespmem:s23], [sflag:$0x1] =	stream.indirect.gather [hbm4b:s5+s22], $0x80, s3, s22, $0xb8;
	[tilespmem:$0x1E000] =	vst v63  }
.LBB2_22:
0x59: {  	s3 =	sshll.u32 s3, $0x7  }
0x5a: {  	[tilespmem:s24], [sflag:$0x2] =	stream.indirect.gather [hbm4b:s5+s22], $0x80, s3, s22, $0xb8;
	[tilespmem:$0x1E000] =	vst v63  }
.LBB2_25:
0x5b: {  	s3 =	sand.u32 $0x10, s30  }
0x5c: {  	p2 =	sne.s32 s3, $0x0  }
.Ltmp11:
0x5d: {  	_ = 	snop;
	(pc) =	sbr.rel @p2 .LBB2_27-.Ltmp11, $3  }
0x5e: {  	_ =	sdelay $0x1  }
0x5f: {  	s30 =	sand.u32 $0x1, s30  }
0x60: {  	p1 =	seq.s32 s30, $0x1  }
0x61: {  	s3 =	simm.s32 @p1 $0x2  }
0x62: {  	_ =	swait.ge @p1 [sflag:s3], $0x4000  }
0x63: {  	s0 =	sshll.u32 s0, $0x7;
	s8 =	simm.s32 @p1 $0x6000;
	[sflag:s3] =	ssyncset.done @p1 $0x0  }
0x64: {  	s0 =	sor.u32 $0x1000, s0;
	[sflag:s3] =	ssyncadd.s32 @p1 $0xFFFFC000;
	s3 =	simm.s32 @p1 $0x80  }
0x65: {  	[spmem:s1] =	stream.indirect.scatter.add.f32 @p1 [tilespmem:s8], [sflag:$0x4], $0x80, s0, s3, $0xb8;
	[tilespmem:$0x1E000] =	vst v63  }
.Ltmp12:
0x66: {  	s3 =	simm.s32 @!p1 $0x1;
	(pc) =	sbr.rel .LBB2_30-.Ltmp12, $4  }
0x67: {  	_ =	swait.ge @!p1 [sflag:s3], $0x4000  }
0x68: {  	[sflag:s3] =	ssyncset.done @!p1 $0x0  }
0x69: {  	s8 =	simm.s32 @!p1 $0x2000;
	[sflag:s3] =	ssyncadd.s32 @!p1 $0xFFFFC000;
	s3 =	simm.s32 @!p1 $0x80  }
0x6a: {  	[spmem:s1] =	stream.indirect.scatter.add.f32 @!p1 [tilespmem:s8], [sflag:$0x3], $0x80, s0, s3, $0xb8;
	[tilespmem:$0x1E000] =	vst v63  }
.LBB2_27:
.Ltmp13:
0x6b: {  	(pc) =	sbr.rel @p1 .LBB2_29-.Ltmp13, $1  }
0x6c: {  	_ =	sdelay $0x3  }
.Ltmp14:
0x6d: {  	(pc) =	sbr.rel .LBB2_30-.Ltmp14, $4  }
0x6e: {  	_ =	swait.ge [sflag:s25], $0x4000  }
0x6f: {  	s0 =	sshll.u32 s0, $0x7;
	[sflag:s25] =	ssyncset.done $0x0  }
0x70: {  	s0 =	sor.u32 $0x1800, s0;
	[sflag:s25] =	ssyncadd.s32 $0xFFFFC000  }
0x71: {  	[spmem:s1] =	stream.indirect.scatter.add.f32 [tilespmem:s23], [sflag:$0x3], $0x80, s0, s22, $0xb8;
	[tilespmem:$0x1E000] =	vst v63  }
.LBB2_2:
0x72: {  	s29 =	sor.u32 $0x1C05, s15;
	s0 =	rddreg [dreg:$0x5]  }
0x73: {  	[spmem:s19], [sflag:s29] =	dma.local [hbm:s0], $0x2800  }
0x74: {  	_ =	swait.ge [sflag:s20], $0x2800  }
0x75: {  	[sflag:s20] =	ssyncset.done $0x0  }
0x76: {  	[sflag:s20] =	ssyncadd.s32 $0xFFFFD800  }
0x77: {  	s30 =	simm.s32 $0x0;
	[bflag:$0x0] =	sbarrier.arrive $0xFFFF  }
0x78: {  	[tilespmem:s30], [sflag:$0x5] =	stream.linear.gather [hbm4b:s12+s30], $0x800, $0x38;
	[tilespmem:$0x1E000] =	vst v63  }
0x79: {  	_ =	swait.ge [sflag:s20], $0x800  }
0x7a: {  	[sflag:s20] =	ssyncset.done $0x0  }
0x7b: {  	[sflag:s20] =	ssyncadd.s32 $0xFFFFF800  }
0x7c: {  	[tilespmem:s31], [sflag:$0x5] =	stream.linear.gather [hbm4b:s13+s30], $0x800, $0x38;
	[tilespmem:$0x1E000] =	vst v63  }
.Ltmp15:
0x7d: {  	_ = 	snop;
	(pc) =	sbr.rel .LBB2_3-.Ltmp15, $4  }
0x7e: {  	_ =	swait.ge [sflag:s20], $0x800  }
0x7f: {  	[sflag:s20] =	ssyncset.done $0x0  }
0x80: {  	[sflag:s20] =	ssyncadd.s32 $0xFFFFF800  }
0x81: {  	[tilespmem:s23], [sflag:$0x1] =	stream.indirect.gather [hbm4b:s4+s22], $0x80, s30, s22, $0xb8;
	[tilespmem:$0x1E000] =	vst v63  }
.LBB2_14:
0x82: {  	_ =	swait.ge [sflag:s26], $0x4000  }
0x83: {  	s0 =	sshll.u32 s0, $0x7;
	[sflag:s26] =	ssyncset.done $0x0  }
0x84: {  	s0 =	sor.u32 $0x1800, s0;
	[sflag:s26] =	ssyncadd.s32 $0xFFFFC000  }
0x85: {  	[spmem:s1] =	stream.indirect.scatter.add.f32 [tilespmem:s24], [sflag:$0x4], $0x80, s0, s22, $0xb8;
	[tilespmem:$0x1E000] =	vst v63  }
.LBB2_15:
0x86: {  	p1 =	seq.s32 s30, $0xA0  }
.Ltmp16:
0x87: {  	_ = 	snop;
	(pc) =	sbr.rel @p1 .LBB2_16-.Ltmp16, $1  }
0x88: {  	_ =	sdelay $0x3  }
.LBB2_3:
0x89: {  	s31 =	smov.u32 s30;
	s30 =	sadd.s32 $0x1, s30  }
0x8a: {  	s3 =	sand.u32 $0xF, s30;
	p1 =	seq.s32 s31, $0x9F  }
0x8b: {  	p3 =	sne.s32 @!p1 s3, $0x0  }
0x8c: {  	s8 =	sshrl.u32 s30, $0x4;
	p2 =	por p3, p1  }
0x8d: {  	s0 =	sand.u32 @!p2 $0x1, s8  }
0x8e: {  	p4 =	seq.s32 @!p2 s0, $0x1;
	s0 =	sshll.u32 @!p2 s8, $0xB  }
0x8f: {  	s0 =	sadd.s32 @!p2 s14, s0;
	p3 =	por @!p1 !p4, p3  }
0x90: {  	s10 =	simm.s32 @!p2 $0x800;
	s0 =	sshrl.u32 @!p2 s0, $0x3;
	p3 =	por !p3, p1  }
0x91: {  	s21 =	simm.s32 @!p2 $0x0;
	s11 =	sadd.s32 @!p2 s6, s0;
	s10 =	simm.s32 @!p3 $0x0  }
0x92: {  	[tilespmem:s10], [sflag:$0x5] =	stream.linear.gather @!p2 [hbm4b:s11+s21], $0x800, $0x38;
	[tilespmem:$0x1E000] =	vst v63  }
0x93: {  	s10 =	simm.s32 @!p2 $0x5  }
0x94: {  	s11 =	simm.s32 @!p2 $0x1800;
	_ =	swait.ge @!p2 [sflag:s10], $0x800  }
0x95: {  	s11 =	simm.s32 @!p3 $0x1000;
	p3 =	seq.s32 s31, $0x0;
	[sflag:s10] =	ssyncset.done @!p2 $0x0  }
.Ltmp17:
0x96: {  	s0 =	sadd.s32 @!p2 s7, s0;
	[sflag:s10] =	ssyncadd.s32 @!p2 $0xFFFFF800;
	(pc) =	sbr.rel @p3 .LBB2_7-.Ltmp17, $4  }
0x97: {  	[tilespmem:s11], [sflag:$0x5] =	stream.linear.gather @!p2 [hbm4b:s0+s21], $0x800, $0x38;
	[tilespmem:$0x1E000] =	vst v63  }
0x98: {  	_ =	swait.ge @!p2 [sflag:s10], $0x800  }
0x99: {  	[sflag:s10] =	ssyncset.done @!p2 $0x0  }
0x9a: {  	s0 =	sand.u32 $0xF, s31;
	[sflag:s10] =	ssyncadd.s32 @!p2 $0xFFFFF800  }
0x9b: {  	s10 =	sand.u32 $0x1, s31  }
.Ltmp18:
0x9c: {  	p2 =	seq.s32 s10, $0x1;
	s10 =	simm.s32 $0x3;
	(pc) =	sbr.rel @p1 .LBB2_14-.Ltmp18, $4  }
0x9d: {  	s10 =	simm.s32 @!p2 $0x4  }
0x9e: {  	_ =	swait.ge [sflag:s10], $0x4000  }
0x9f: {  	[sflag:s10] =	ssyncset.done $0x0  }
0xa0: {  	[sflag:s10] =	ssyncadd.s32 $0xFFFFC000  }
0xa1: {  	s8 =	sand.u32 $0x1, s8  }
0xa2: {  	p1 =	seq.s32 s8, $0x1  }
.Ltmp19:
0xa3: {  	_ = 	snop;
	(pc) =	sbr.rel @!p1 .LBB2_6-.Ltmp19, $1  }
0xa4: {  	_ =	sdelay $0x3  }
.Ltmp20:
0xa5: {  	s3 =	sshll.u32 s3, $0x7;
	(pc) =	sbr.rel .LBB2_10-.Ltmp20, $4  }
0xa6: {  	s8 =	simm.s32 @p2 $0x80;
	s10 =	simm.s32 @p2 $0x2000;
	s3 =	sor.u32 $0x800, s3  }
0xa7: {  	[tilespmem:s10], [sflag:$0x1] =	stream.indirect.gather @p2 [hbm4b:s4+s8], $0x80, s3, s8, $0xb8;
	[tilespmem:$0x1E000] =	vst v63  }
0xa8: {  	s8 =	simm.s32 @!p2 $0x80;
	s10 =	simm.s32 @!p2 $0x6000  }
0xa9: {  	[tilespmem:s10], [sflag:$0x2] =	stream.indirect.gather @!p2 [hbm4b:s4+s8], $0x80, s3, s8, $0xb8;
	[tilespmem:$0x1E000] =	vst v63  }
.LBB2_6:
.Ltmp21:
0xaa: {  	(pc) =	sbr.rel @!p2 .LBB2_7-.Ltmp21, $1  }
0xab: {  	_ =	sdelay $0x3  }
.Ltmp22:
0xac: {  	(pc) =	sbr.rel .LBB2_10-.Ltmp22, $3  }
0xad: {  	_ =	sdelay $0x1  }
0xae: {  	s3 =	sshll.u32 s3, $0x7  }
0xaf: {  	[tilespmem:s23], [sflag:$0x1] =	stream.indirect.gather [hbm4b:s4+s22], $0x80, s3, s22, $0xb8;
	[tilespmem:$0x1E000] =	vst v63  }
.LBB2_7:
0xb0: {  	s3 =	sshll.u32 s3, $0x7  }
0xb1: {  	[tilespmem:s24], [sflag:$0x2] =	stream.indirect.gather [hbm4b:s4+s22], $0x80, s3, s22, $0xb8;
	[tilespmem:$0x1E000] =	vst v63  }
.LBB2_10:
0xb2: {  	s3 =	sand.u32 $0x10, s31  }
0xb3: {  	p2 =	sne.s32 s3, $0x0  }
.Ltmp23:
0xb4: {  	_ = 	snop;
	(pc) =	sbr.rel @p2 .LBB2_12-.Ltmp23, $3  }
0xb5: {  	_ =	sdelay $0x1  }
0xb6: {  	s31 =	sand.u32 $0x1, s31  }
0xb7: {  	p1 =	seq.s32 s31, $0x1  }
0xb8: {  	s3 =	simm.s32 @p1 $0x2  }
0xb9: {  	_ =	swait.ge @p1 [sflag:s3], $0x4000  }
0xba: {  	s0 =	sshll.u32 s0, $0x7;
	s8 =	simm.s32 @p1 $0x6000;
	[sflag:s3] =	ssyncset.done @p1 $0x0  }
0xbb: {  	s0 =	sor.u32 $0x1000, s0;
	[sflag:s3] =	ssyncadd.s32 @p1 $0xFFFFC000;
	s3 =	simm.s32 @p1 $0x80  }
0xbc: {  	[spmem:s1] =	stream.indirect.scatter.add.f32 @p1 [tilespmem:s8], [sflag:$0x4], $0x80, s0, s3, $0xb8;
	[tilespmem:$0x1E000] =	vst v63  }
.Ltmp24:
0xbd: {  	s3 =	simm.s32 @!p1 $0x1;
	(pc) =	sbr.rel .LBB2_15-.Ltmp24, $4  }
0xbe: {  	_ =	swait.ge @!p1 [sflag:s3], $0x4000  }
0xbf: {  	[sflag:s3] =	ssyncset.done @!p1 $0x0  }
0xc0: {  	s8 =	simm.s32 @!p1 $0x2000;
	[sflag:s3] =	ssyncadd.s32 @!p1 $0xFFFFC000;
	s3 =	simm.s32 @!p1 $0x80  }
0xc1: {  	[spmem:s1] =	stream.indirect.scatter.add.f32 @!p1 [tilespmem:s8], [sflag:$0x3], $0x80, s0, s3, $0xb8;
	[tilespmem:$0x1E000] =	vst v63  }
.LBB2_12:
.Ltmp25:
0xc2: {  	(pc) =	sbr.rel @p1 .LBB2_14-.Ltmp25, $1  }
0xc3: {  	_ =	sdelay $0x3  }
.Ltmp26:
0xc4: {  	(pc) =	sbr.rel .LBB2_15-.Ltmp26, $4  }
0xc5: {  	_ =	swait.ge [sflag:s25], $0x4000  }
0xc6: {  	s0 =	sshll.u32 s0, $0x7;
	[sflag:s25] =	ssyncset.done $0x0  }
0xc7: {  	s0 =	sor.u32 $0x1800, s0;
	[sflag:s25] =	ssyncadd.s32 $0xFFFFC000  }
0xc8: {  	[spmem:s1] =	stream.indirect.scatter.add.f32 [tilespmem:s23], [sflag:$0x3], $0x80, s0, s22, $0xb8;
	[tilespmem:$0x1E000] =	vst v63  }
.LBB2_16:
.Ltmp27:
0xc9: {  	(pc) =	sbr.rel .LBB2_32-.Ltmp27, $2  }
0xca: {  	_ =	sdelay $0x2  }
0xcb: {  	s0 =	rddreg [dreg:$0x3];
	s31 =	simm.s32 $0x1000  }
.LBB2_33:
0xcc: {  	_ =	sfence.sel $0x180000  }
0xcd: {  	[bflag:$0x0] =	sbarrier.arrive $0xFFFF  }
0xce: {  	_ =	strace $0x90000050  }
0xcf: {  	s0 =	stileid.u32;
	[bflag:$0x2] =	sbarrier.arrive $0xFFFF  }
0xd0: {  	p0 =	sne.s32 s0, $0x0;
	s0 =	rddreg [dreg:$0x2]  }
0xd1: {  	s0 =	sadd.s32 @!p0 $0x100000, s0  }
0xd2: {  	[sflag:s0] =	ssyncadd.tile.s32 @!p0 $0x1;
	_ =	shalt  }
.Lfunc_end2:
_tile_overlayer_lowered:
.L_overlay_start_2:
0xd3: {  	(tag) =	ssettag $0x2  }
0xd4: {  	s0 =	rddreg [dreg:$0x0];
	s2 =	stileid.u32  }
0xd5: {  	s1 =	rddreg [dreg:$0x1];
	p0 =	sne.s32 s2, $0x0  }
0xd6: {  	s3 =	rddreg [dreg:$0x2];
	[bflag:$0x3] =	sbarrier.arrive $0xFFFF;
	s2 =	simm.s32 @!p0 $0x1C05  }
0xd7: {  	[timem:s3], [sflag:s2] =	dma.local @!p0 [hbm:s0], s1  }
0xd8: {  	s0 =	simm.s32 @!p0 $0x5  }
0xd9: {  	_ =	swait.ge @!p0 [sflag:s0], s1  }
0xda: {  	s1 =	ssub.s32 @!p0 $0x0, s1;
	[sflag:s0] =	ssyncset.done @!p0 $0x0  }
0xdb: {  	[sflag:s0] =	ssyncadd.s32 @!p0 s1  }
0xdc: {  	[bflag:$0x3] =	sbarrier.arrive $0xFFFF  }
0xdd: {  	_ =	shalt  }

</sc_bundles>
